<compile_context>
chip_gen: v7x
topology: tpu7x:2x2x1
jax: 0.10.2.dev20260603
libtpu: 0.0.44.dev20260713+nightly
codegen_flags: <defaults>
</compile_context>

<pallas_src>
import functools

import jax
import jax.numpy as jnp
from jax import lax
from jax.experimental import pallas as pl
from jax.experimental.pallas import tpu as pltpu
from jax.experimental.pallas import tpu_sc as plsc

N = 10000
E = 320000
NC = 2
NS = 16
NW = NC * NS
L = 16
CH = 9984
NTAIL = E - NW * CH
TAIL = NW * CH
CHB = CH + NTAIL
NEG = 0.2
TBL_CH = 1000
TBL_CHUNKS = 4 * N // TBL_CH
D_CH = 400
D_CHUNKS = N // D_CH


def _k1_body(x_ref, ws_ref, wd_ref, atts_ref, attd_ref, we_ref, atte_ref,
             tbl_ref, c_ref):
    xsT = lax.dot_general(ws_ref[...], x_ref[...],
                          (((1,), (1,)), ((), ())),
                          preferred_element_type=jnp.float32)
    vd = lax.dot_general(attd_ref[...], wd_ref[...],
                         (((1,), (0,)), ((), ())),
                         preferred_element_type=jnp.float32)
    adst = lax.dot_general(vd, x_ref[...],
                           (((1,), (1,)), ((), ())),
                           preferred_element_type=jnp.float32)
    tbl_ref[pl.ds(0, N)] = jnp.sum(xsT * atts_ref[...].T, axis=0)
    tbl_ref[pl.ds(N, N)] = adst[0]
    tbl_ref[pl.ds(2 * N, N)] = xsT[0]
    tbl_ref[pl.ds(3 * N, N)] = xsT[1]
    c = jnp.sum(we_ref[...] * atte_ref[...])
    c_ref[...] = jnp.broadcast_to(c, (L,))


_k1 = pl.pallas_call(
    _k1_body,
    out_shape=[
        jax.ShapeDtypeStruct((4 * N,), jnp.float32),
        jax.ShapeDtypeStruct((L,), jnp.float32),
    ],
)


_sc_mesh = plsc.VectorSubcoreMesh(core_axis_name="c", subcore_axis_name="s",
                                  num_cores=NC, num_subcores=NS)


@functools.partial(
    pl.kernel,
    mesh=_sc_mesh,
    compiler_params=pltpu.CompilerParams(needs_layout_passes=False),
    out_type=[
        jax.ShapeDtypeStruct((E,), jnp.float32),
        jax.ShapeDtypeStruct((NW, L), jnp.float32),
        jax.ShapeDtypeStruct((NW, N), jnp.float32),
        jax.ShapeDtypeStruct((NW, N), jnp.float32),
        jax.ShapeDtypeStruct((NW, N), jnp.float32),
    ],
    scratch_types=[
        pltpu.VMEM((4 * N,), jnp.float32),
        pltpu.VMEM((N,), jnp.float32),
        pltpu.VMEM((N,), jnp.float32),
        pltpu.VMEM((N,), jnp.float32),
        pltpu.VMEM((CHB,), jnp.int32),
        pltpu.VMEM((CHB,), jnp.int32),
        pltpu.VMEM((CHB,), jnp.float32),
        pltpu.VMEM((L,), jnp.float32),
        pltpu.VMEM((L,), jnp.float32),
        pltpu.SemaphoreType.DMA,
    ],
)
def _kab(tbl_h, ei_h, ea_h, c_h,
         p_h, gw_h, dw_h, o0_h, o1_h,
         t_all, acc_d, acc_0, acc_1,
         e_src, e_dst, e_val, cbuf, gbuf, sem):
    wid = lax.axis_index("c") * NS + lax.axis_index("s")
    base = wid * CH
    handles = [
        pltpu.async_copy(ei_h.at[pl.ds(base, CH)], e_src.at[pl.ds(0, CH)], sem),
        pltpu.async_copy(ei_h.at[pl.ds(E + base, CH)], e_dst.at[pl.ds(0, CH)], sem),
        pltpu.async_copy(ea_h.at[0, pl.ds(base, CH)], e_val.at[pl.ds(0, CH)], sem),
        pltpu.async_copy(c_h, cbuf, sem),
        pltpu.async_copy(ei_h.at[pl.ds(TAIL, NTAIL)],
                         e_src.at[pl.ds(CH, NTAIL)], sem),
        pltpu.async_copy(ei_h.at[pl.ds(E + TAIL, NTAIL)],
                         e_dst.at[pl.ds(CH, NTAIL)], sem),
        pltpu.async_copy(ea_h.at[0, pl.ds(TAIL, NTAIL)],
                         e_val.at[pl.ds(CH, NTAIL)], sem),
    ]
    start = (wid * TBL_CHUNKS) // NW
    for k in range(TBL_CHUNKS):
        j = start + k
        j = jnp.where(j >= TBL_CHUNKS, j - TBL_CHUNKS, j)
        off = j * TBL_CH
        handles.append(pltpu.async_copy(
            tbl_h.at[pl.ds(off, TBL_CH)], t_all.at[pl.ds(off, TBL_CH)], sem))

    zero = jnp.zeros((L,), jnp.float32)

    def zbody(i, carry):
        dsl = pl.ds(i * L, L)
        acc_d[dsl] = zero
        acc_0[dsl] = zero
        acc_1[dsl] = zero
        return carry

    lax.fori_loop(0, N // L, zbody, 0)
    for h in handles:
        h.wait()

    c = cbuf[...][0]

    def body_a(i, gmax):
        dsl = pl.ds(i * L, L)
        s = e_src[dsl]
        d = e_dst[dsl]
        ev = e_val[dsl]
        av = plsc.load_gather(t_all, [s])
        bv = plsc.load_gather(t_all, [d + N])
        lgt = av + bv + c * ev
        lgt = jnp.where(lgt >= 0.0, lgt, lgt * NEG)
        e_val[dsl] = lgt
        return jnp.maximum(gmax, lgt)

    gmax = lax.fori_loop(0, CH // L, body_a,
                         jnp.full((L,), -3.4e38, jnp.float32), unroll=2)
    gbuf[...] = gmax

    @pl.when(wid == 0)
    def _tail_a():
        def tbody(i, carry):
            dsl = pl.ds(i * L, L)
            s = e_src[dsl]
            d = e_dst[dsl]
            ev = e_val[dsl]
            av = plsc.load_gather(t_all, [s])
            bv = plsc.load_gather(t_all, [d + N])
            lgt = av + bv + c * ev
            lgt = jnp.where(lgt >= 0.0, lgt, lgt * NEG)
            e_val[dsl] = lgt
            gbuf[...] = jnp.maximum(gbuf[...], lgt)
            return carry

        lax.fori_loop(CH // L, CHB // L, tbody, 0)

    g_w = jnp.max(gbuf[...])

    def body_b(i, carry):
        dsl = pl.ds(i * L, L)
        lgt = e_val[dsl]
        p = jnp.exp(lgt - g_w)
        e_val[dsl] = p
        s = e_src[dsl]
        d = e_dst[dsl]
        plsc.addupdate_scatter(acc_d, [d], p)
        x0 = plsc.load_gather(t_all, [s + 2 * N])
        x1 = plsc.load_gather(t_all, [s + 3 * N])
        plsc.addupdate_scatter(acc_0, [d], p * x0)
        plsc.addupdate_scatter(acc_1, [d], p * x1)
        return carry

    lax.fori_loop(0, CH // L, body_b, 0, unroll=2)

    @pl.when(wid == 0)
    def _tail_b():
        lax.fori_loop(CH // L, CHB // L, body_b, 0)

    gbuf[...] = jnp.broadcast_to(g_w, (L,))
    pltpu.sync_copy(gbuf, gw_h.at[wid])

    pltpu.sync_copy(e_val.at[pl.ds(0, CH)], p_h.at[pl.ds(base, CH)])

    @pl.when(wid == 0)
    def _tail_p():
        pltpu.sync_copy(e_val.at[pl.ds(CH, NTAIL)], p_h.at[pl.ds(TAIL, NTAIL)])

    pltpu.sync_copy(acc_d, dw_h.at[wid])
    pltpu.sync_copy(acc_0, o0_h.at[wid])
    pltpu.sync_copy(acc_1, o1_h.at[wid])


def _k2_body(gw_ref, dw_ref, o0_ref, o1_ref, b_ref,
             out_ref, d_ref, s_ref):
    gwc = gw_ref[:, 0:1]
    g = jnp.max(gwc)
    s = jnp.exp(gwc - g)
    D = jnp.sum(dw_ref[...] * s, axis=0, keepdims=True)
    O0 = jnp.sum(o0_ref[...] * s, axis=0, keepdims=True)
    O1 = jnp.sum(o1_ref[...] * s, axis=0, keepdims=True)
    valid = D > 0.0
    Dinv = jnp.where(valid, 1.0 / jnp.where(valid, D, 1.0), 0.0)
    out0 = O0 * Dinv + b_ref[0:1, :]
    out1 = O1 * Dinv + b_ref[1:2, :]
    out_ref[...] = jnp.concatenate([out0, out1], axis=0).T
    d_ref[...] = Dinv[0]
    s_ref[...] = jnp.broadcast_to(s, (NW, L))


_k2 = pl.pallas_call(
    _k2_body,
    out_shape=[
        jax.ShapeDtypeStruct((N, 2), jnp.float32),
        jax.ShapeDtypeStruct((N,), jnp.float32),
        jax.ShapeDtypeStruct((NW, L), jnp.float32),
    ],
)


@functools.partial(
    pl.kernel,
    mesh=_sc_mesh,
    compiler_params=pltpu.CompilerParams(needs_layout_passes=False),
    out_type=[jax.ShapeDtypeStruct((1, E), jnp.float32)],
    scratch_types=[
        pltpu.VMEM((N,), jnp.float32),
        pltpu.VMEM((CHB,), jnp.float32),
        pltpu.VMEM((CHB,), jnp.int32),
        pltpu.VMEM((L,), jnp.float32),
        pltpu.SemaphoreType.DMA,
    ],
)
def _kc(p_h, ei_h, d_h, s_h, alpha_h, t_d, e_p, e_d, sbuf, sem):
    wid = lax.axis_index("c") * NS + lax.axis_index("s")
    base = wid * CH
    handles = [
        pltpu.async_copy(p_h.at[pl.ds(base, CH)], e_p.at[pl.ds(0, CH)], sem),
        pltpu.async_copy(ei_h.at[pl.ds(E + base, CH)], e_d.at[pl.ds(0, CH)], sem),
        pltpu.async_copy(s_h.at[wid], sbuf, sem),
        pltpu.async_copy(p_h.at[pl.ds(TAIL, NTAIL)],
                         e_p.at[pl.ds(CH, NTAIL)], sem),
        pltpu.async_copy(ei_h.at[pl.ds(E + TAIL, NTAIL)],
                         e_d.at[pl.ds(CH, NTAIL)], sem),
    ]
    start = (wid * D_CHUNKS) // NW
    for k in range(D_CHUNKS):
        j = start + k
        j = jnp.where(j >= D_CHUNKS, j - D_CHUNKS, j)
        off = j * D_CH
        handles.append(pltpu.async_copy(
            d_h.at[pl.ds(off, D_CH)], t_d.at[pl.ds(off, D_CH)], sem))
    for h in handles:
        h.wait()
    sw = sbuf[...][0]

    def body(i, carry):
        dsl = pl.ds(i * L, L)
        pv = e_p[dsl]
        dv = e_d[dsl]
        Dv = plsc.load_gather(t_d, [dv])
        e_p[dsl] = pv * sw * Dv
        return carry

    lax.fori_loop(0, CH // L, body, 0, unroll=2)

    @pl.when(wid == 0)
    def _tail():
        lax.fori_loop(CH // L, CHB // L, body, 0)

    pltpu.sync_copy(e_p.at[pl.ds(0, CH)], alpha_h.at[0, pl.ds(base, CH)])

    @pl.when(wid == 0)
    def _tail_w():
        pltpu.sync_copy(e_p.at[pl.ds(CH, NTAIL)],
                        alpha_h.at[0, pl.ds(TAIL, NTAIL)])


def kernel(x, edge_index, edge_attr, W_src, W_dst, W_edge,
           att_src, att_dst, att_edge, bias):
    ei_flat = edge_index.reshape(2 * E)
    ea_row = edge_attr.T
    atts = att_src.reshape(1, 2)
    attd = att_dst.reshape(1, 2)
    atte = att_edge.reshape(1, 2)

    tbl, cvec = _k1(x, W_src, W_dst, atts, attd, W_edge.reshape(1, 2), atte)
    p, gw, dw, o0w, o1w = _kab(tbl, ei_flat, ea_row, cvec)
    out, Dinv, sout = _k2(gw, dw, o0w, o1w, bias.reshape(2, 1))
    (alpha,) = _kc(p, ei_flat, Dinv, sout)
    return out, alpha.T

# --- scband reference (transcript-rebuilt; emitter-appended) ---
"""Pipeline reference for scband-gat-66511863546091 (READ-ONLY COPY).

The authoritative reference and input builder live on the scoring server;
editing this copy changes nothing except your own understanding.
"""

import jax, jax.numpy as jnp
import numpy as np

N = 10000
E = 320000
D = 128
H = 1
C = 2
NEG_SLOPE = 0.2


def setup_inputs(seed: int = 0) -> dict:
    key = jax.random.key(seed)
    ks = jax.random.split(key, 10)
    x = jax.random.normal(ks[0], (N, D), dtype=jnp.float32)
    edge_index = jax.random.randint(ks[1], (2, E), 0, N, dtype=jnp.int32)
    edge_attr = jax.random.normal(ks[2], (E, 1), dtype=jnp.float32)
    # GATConv parameters (lin_src, lin_dst, lin_edge have bias=False in PyG)
    W_src = jax.random.normal(ks[3], (H * C, D), dtype=jnp.float32) * (1.0 / np.sqrt(D))
    W_dst = jax.random.normal(ks[4], (H * C, D), dtype=jnp.float32) * (1.0 / np.sqrt(D))
    W_edge = jax.random.normal(ks[5], (H * C, 1), dtype=jnp.float32)
    att_src = jax.random.normal(ks[6], (1, H, C), dtype=jnp.float32)
    att_dst = jax.random.normal(ks[7], (1, H, C), dtype=jnp.float32)
    att_edge = jax.random.normal(ks[8], (1, H, C), dtype=jnp.float32)
    bias = jnp.zeros((H * C,), dtype=jnp.float32)
    return {"x": x, "edge_index": edge_index, "edge_attr": edge_attr,
            "W_src": W_src, "W_dst": W_dst, "W_edge": W_edge,
            "att_src": att_src, "att_dst": att_dst, "att_edge": att_edge,
            "bias": bias}


def reference(x, edge_index, edge_attr, W_src, W_dst, W_edge, att_src, att_dst, att_edge, bias):
    src = edge_index[0]
    dst = edge_index[1]
    # linear projections (bipartite lin_src / lin_dst on the same x)
    x_src = (x @ W_src.T).reshape(N, H, C)
    x_dst = (x @ W_dst.T).reshape(N, H, C)
    a_src = jnp.sum(x_src * att_src, axis=-1)  # [N, H]
    a_dst = jnp.sum(x_dst * att_dst, axis=-1)  # [N, H]
    # edge features
    e = (edge_attr @ W_edge.T).reshape(E, H, C)
    a_edge = jnp.sum(e * att_edge, axis=-1)  # [E, H]
    # per-edge attention logit: alpha_j + alpha_i + alpha_e
    alpha = a_src[src] + a_dst[dst] + a_edge  # [E, H]
    alpha = jax.nn.leaky_relu(alpha, NEG_SLOPE)
    # softmax over incoming edges of each dst node
    m = jax.ops.segment_max(alpha, dst, num_segments=N)
    m = jnp.where(jnp.isfinite(m), m, 0.0)
    alpha = jnp.exp(alpha - m[dst])
    denom = jax.ops.segment_sum(alpha, dst, num_segments=N)
    alpha = alpha / (denom[dst] + 1e-16)  # [E, H]
    # weighted message aggregation (gather from src, scatter-add to dst)
    msgs = alpha[:, :, None] * x_src[src]  # [E, H, C]
    out = jax.ops.segment_sum(msgs, dst, num_segments=N)  # [N, H, C]
    out = out.reshape(N, H * C) + bias
    # matches torch forward: (x, alpha) with return_attention_weights=True
    return (out, alpha)

if __name__ == "__main__":
    import jax
    _d = setup_inputs()
    print(jax.jit(kernel)(*tuple(_d.values())))

</pallas_src>

<mosaic_0001>
#map = affine_map<(d0, d1) -> (0)>
#map1 = affine_map<(d0, d1) -> (0, 0)>
module attributes {stable_mosaic.version = 14 : i64} {
  func.func @_kab(%arg0: i32, %arg1: i32, %arg2: memref<40000xf32, #tpu.memory_space<hbm>>, %arg3: memref<640000xi32, #tpu.memory_space<hbm>>, %arg4: memref<1x320000xf32, #tpu.memory_space<hbm>>, %arg5: memref<16xf32, #tpu.memory_space<hbm>>, %arg6: memref<320000xf32, #tpu.memory_space<hbm>>, %arg7: memref<32x16xf32, #tpu.memory_space<hbm>>, %arg8: memref<32x10000xf32, #tpu.memory_space<hbm>>, %arg9: memref<32x10000xf32, #tpu.memory_space<hbm>>, %arg10: memref<32x10000xf32, #tpu.memory_space<hbm>>, %arg11: memref<40000xf32, #tpu.memory_space<vmem>>, %arg12: memref<10000xf32, #tpu.memory_space<vmem>>, %arg13: memref<10000xf32, #tpu.memory_space<vmem>>, %arg14: memref<10000xf32, #tpu.memory_space<vmem>>, %arg15: memref<10496xi32, #tpu.memory_space<vmem>>, %arg16: memref<10496xi32, #tpu.memory_space<vmem>>, %arg17: memref<10496xf32, #tpu.memory_space<vmem>>, %arg18: memref<16xf32, #tpu.memory_space<vmem>>, %arg19: memref<16xf32, #tpu.memory_space<vmem>>, %arg20: memref<!tpu.dma_semaphore, #tpu.memory_space<semaphore_mem>>) attributes {dimension_semantics = [#tpu.dimension_semantics<core_parallel>, #tpu.dimension_semantics<subcore_parallel>], iteration_bounds = array<i64: 2, 16>, scalar_prefetch = 0 : i64, scratch_operands = 10 : i64, tpu.core_type = #tpu.core_type<sc_vector_subcore>, window_params = [{transform_indices = #map}, {transform_indices = #map}, {transform_indices = #map1}, {transform_indices = #map}, {transform_indices = #map}, {transform_indices = #map1}, {transform_indices = #map1}, {transform_indices = #map1}, {transform_indices = #map1}]} {
    %mul3A = arith.constant 16 : i32
    %mul3A_0 = arith.muli %arg0, %mul3A : i32
    %add3A = arith.addi %mul3A_0, %arg1 : i32
    %mul3A_1 = arith.constant 9984 : i32
    %mul3A_2 = arith.muli %add3A, %mul3A_1 : i32
    %dma_start3A = arith.constant 0 : i32
    %dma_start3A_3 = tpu.memref_slice %arg15[%dma_start3A] : memref<10496xi32, #tpu.memory_space<vmem>> -> memref<9984xi32, #tpu.memory_space<vmem>>
    %dma_start3A_4 = tpu.memref_slice %arg3[%mul3A_2] : memref<640000xi32, #tpu.memory_space<hbm>> -> memref<9984xi32, #tpu.memory_space<hbm>>
    %dma_start3A_5 = arith.constant 0 : i32
    %dma_start3A_6 = tpu.memref_slice %arg15[%dma_start3A_5] : memref<10496xi32, #tpu.memory_space<vmem>> -> memref<9984xi32, #tpu.memory_space<vmem>>
    %dma_start3A_7 = tpu.memref_slice %arg3[%mul3A_2] : memref<640000xi32, #tpu.memory_space<hbm>> -> memref<9984xi32, #tpu.memory_space<hbm>>
    tpu.enqueue_dma source(%dma_start3A_7 : memref<9984xi32, #tpu.memory_space<hbm>>) target(%dma_start3A_6 : memref<9984xi32, #tpu.memory_space<vmem>>) target_semaphore(%arg20 : memref<!tpu.dma_semaphore, #tpu.memory_space<semaphore_mem>>)
    %add3A_8 = arith.constant 320000 : i32
    %add3A_9 = arith.addi %add3A_8, %mul3A_2 : i32
    %dma_start3A_10 = arith.constant 0 : i32
    %dma_start3A_11 = tpu.memref_slice %arg16[%dma_start3A_10] : memref<10496xi32, #tpu.memory_space<vmem>> -> memref<9984xi32, #tpu.memory_space<vmem>>
    %dma_start3A_12 = tpu.memref_slice %arg3[%add3A_9] : memref<640000xi32, #tpu.memory_space<hbm>> -> memref<9984xi32, #tpu.memory_space<hbm>>
    %dma_start3A_13 = arith.constant 0 : i32
    %dma_start3A_14 = tpu.memref_slice %arg16[%dma_start3A_13] : memref<10496xi32, #tpu.memory_space<vmem>> -> memref<9984xi32, #tpu.memory_space<vmem>>
    %dma_start3A_15 = tpu.memref_slice %arg3[%add3A_9] : memref<640000xi32, #tpu.memory_space<hbm>> -> memref<9984xi32, #tpu.memory_space<hbm>>
    tpu.enqueue_dma source(%dma_start3A_15 : memref<9984xi32, #tpu.memory_space<hbm>>) target(%dma_start3A_14 : memref<9984xi32, #tpu.memory_space<vmem>>) target_semaphore(%arg20 : memref<!tpu.dma_semaphore, #tpu.memory_space<semaphore_mem>>)
    %dma_start3A_16 = arith.constant 0 : i32
    %dma_start3A_17 = arith.constant 0 : i32
    %dma_start3A_18 = tpu.memref_slice %arg17[%dma_start3A_17] : memref<10496xf32, #tpu.memory_space<vmem>> -> memref<9984xf32, #tpu.memory_space<vmem>>
    %dma_start3A_19 = tpu.memref_slice %arg4[%dma_start3A_16, %mul3A_2] : memref<1x320000xf32, #tpu.memory_space<hbm>> -> memref<1x9984xf32, #tpu.memory_space<hbm>>
    %dma_start3A_20 = tpu.memref_squeeze %dma_start3A_19 : memref<1x9984xf32, #tpu.memory_space<hbm>> -> memref<9984xf32, #tpu.memory_space<hbm>>
    %dma_start3A_21 = arith.constant 0 : i32
    %dma_start3A_22 = tpu.memref_slice %arg17[%dma_start3A_21] : memref<10496xf32, #tpu.memory_space<vmem>> -> memref<9984xf32, #tpu.memory_space<vmem>>
    %dma_start3A_23 = tpu.memref_slice %arg4[%dma_start3A_16, %mul3A_2] : memref<1x320000xf32, #tpu.memory_space<hbm>> -> memref<1x9984xf32, #tpu.memory_space<hbm>>
    %dma_start3A_24 = tpu.memref_squeeze %dma_start3A_23 : memref<1x9984xf32, #tpu.memory_space<hbm>> -> memref<9984xf32, #tpu.memory_space<hbm>>
    tpu.enqueue_dma source(%dma_start3A_24 : memref<9984xf32, #tpu.memory_space<hbm>>) target(%dma_start3A_22 : memref<9984xf32, #tpu.memory_space<vmem>>) target_semaphore(%arg20 : memref<!tpu.dma_semaphore, #tpu.memory_space<semaphore_mem>>)
    tpu.enqueue_dma source(%arg5 : memref<16xf32, #tpu.memory_space<hbm>>) target(%arg18 : memref<16xf32, #tpu.memory_space<vmem>>) target_semaphore(%arg20 : memref<!tpu.dma_semaphore, #tpu.memory_space<semaphore_mem>>)
    %dma_start3A_25 = arith.constant 9984 : i32
    %dma_start3A_26 = tpu.memref_slice %arg15[%dma_start3A_25] : memref<10496xi32, #tpu.memory_space<vmem>> -> memref<512xi32, #tpu.memory_space<vmem>>
    %dma_start3A_27 = arith.constant 319488 : i32
    %dma_start3A_28 = tpu.memref_slice %arg3[%dma_start3A_27] : memref<640000xi32, #tpu.memory_space<hbm>> -> memref<512xi32, #tpu.memory_space<hbm>>
    %dma_start3A_29 = arith.constant 9984 : i32
    %dma_start3A_30 = tpu.memref_slice %arg15[%dma_start3A_29] : memref<10496xi32, #tpu.memory_space<vmem>> -> memref<512xi32, #tpu.memory_space<vmem>>
    %dma_start3A_31 = arith.constant 319488 : i32
    %dma_start3A_32 = tpu.memref_slice %arg3[%dma_start3A_31] : memref<640000xi32, #tpu.memory_space<hbm>> -> memref<512xi32, #tpu.memory_space<hbm>>
    tpu.enqueue_dma source(%dma_start3A_32 : memref<512xi32, #tpu.memory_space<hbm>>) target(%dma_start3A_30 : memref<512xi32, #tpu.memory_space<vmem>>) target_semaphore(%arg20 : memref<!tpu.dma_semaphore, #tpu.memory_space<semaphore_mem>>)
    %dma_start3A_33 = arith.constant 9984 : i32
    %dma_start3A_34 = tpu.memref_slice %arg16[%dma_start3A_33] : memref<10496xi32, #tpu.memory_space<vmem>> -> memref<512xi32, #tpu.memory_space<vmem>>
    %dma_start3A_35 = arith.constant 639488 : i32
    %dma_start3A_36 = tpu.memref_slice %arg3[%dma_start3A_35] : memref<640000xi32, #tpu.memory_space<hbm>> -> memref<512xi32, #tpu.memory_space<hbm>>
    %dma_start3A_37 = arith.constant 9984 : i32
    %dma_start3A_38 = tpu.memref_slice %arg16[%dma_start3A_37] : memref<10496xi32, #tpu.memory_space<vmem>> -> memref<512xi32, #tpu.memory_space<vmem>>
    %dma_start3A_39 = arith.constant 639488 : i32
    %dma_start3A_40 = tpu.memref_slice %arg3[%dma_start3A_39] : memref<640000xi32, #tpu.memory_space<hbm>> -> memref<512xi32, #tpu.memory_space<hbm>>
    tpu.enqueue_dma source(%dma_start3A_40 : memref<512xi32, #tpu.memory_space<hbm>>) target(%dma_start3A_38 : memref<512xi32, #tpu.memory_space<vmem>>) target_semaphore(%arg20 : memref<!tpu.dma_semaphore, #tpu.memory_space<semaphore_mem>>)
    %dma_start3A_41 = arith.constant 0 : i32
    %dma_start3A_42 = arith.constant 9984 : i32
    %dma_start3A_43 = tpu.memref_slice %arg17[%dma_start3A_42] : memref<10496xf32, #tpu.memory_space<vmem>> -> memref<512xf32, #tpu.memory_space<vmem>>
    %dma_start3A_44 = arith.constant 319488 : i32
    %dma_start3A_45 = tpu.memref_slice %arg4[%dma_start3A_41, %dma_start3A_44] : memref<1x320000xf32, #tpu.memory_space<hbm>> -> memref<1x512xf32, #tpu.memory_space<hbm>>
    %dma_start3A_46 = tpu.memref_squeeze %dma_start3A_45 : memref<1x512xf32, #tpu.memory_space<hbm>> -> memref<512xf32, #tpu.memory_space<hbm>>
    %dma_start3A_47 = arith.constant 9984 : i32
    %dma_start3A_48 = tpu.memref_slice %arg17[%dma_start3A_47] : memref<10496xf32, #tpu.memory_space<vmem>> -> memref<512xf32, #tpu.memory_space<vmem>>
    %dma_start3A_49 = arith.constant 319488 : i32
    %dma_start3A_50 = tpu.memref_slice %arg4[%dma_start3A_41, %dma_start3A_49] : memref<1x320000xf32, #tpu.memory_space<hbm>> -> memref<1x512xf32, #tpu.memory_space<hbm>>
    %dma_start3A_51 = tpu.memref_squeeze %dma_start3A_50 : memref<1x512xf32, #tpu.memory_space<hbm>> -> memref<512xf32, #tpu.memory_space<hbm>>
    tpu.enqueue_dma source(%dma_start3A_51 : memref<512xf32, #tpu.memory_space<hbm>>) target(%dma_start3A_48 : memref<512xf32, #tpu.memory_space<vmem>>) target_semaphore(%arg20 : memref<!tpu.dma_semaphore, #tpu.memory_space<semaphore_mem>>)
    %mul3A_52 = arith.constant 40 : i32
    %mul3A_53 = arith.muli %add3A, %mul3A_52 : i32
    %jit3A = arith.constant 32 : i32
    %div3A = arith.divsi %mul3A_53, %jit3A : i32
    %sign3A = arith.constant 0 : i32
    %sign3A_54 = arith.cmpi sgt, %mul3A_53, %sign3A : i32
    %sign3A_55 = arith.extui %sign3A_54 : i1 to i32
    %sign3A_56 = arith.constant 0 : i32
    %sign3A_57 = arith.cmpi slt, %mul3A_53, %sign3A_56 : i32
    %sign3A_58 = arith.extui %sign3A_57 : i1 to i32
    %sign3A_59 = arith.subi %sign3A_55, %sign3A_58 : i32
    %sign3A_60 = arith.constant 0 : i32
    %sign3A_61 = arith.cmpi sgt, %jit3A, %sign3A_60 : i32
    %sign3A_62 = arith.extui %sign3A_61 : i1 to i32
    %sign3A_63 = arith.constant 0 : i32
    %sign3A_64 = arith.cmpi slt, %jit3A, %sign3A_63 : i32
    %sign3A_65 = arith.extui %sign3A_64 : i1 to i32
    %sign3A_66 = arith.subi %sign3A_62, %sign3A_65 : i32
    %ne3A = arith.cmpi ne, %sign3A_59, %sign3A_66 : i32
    %rem3A = arith.remsi %mul3A_53, %jit3A : i32
    %ne3A_67 = arith.constant 0 : i32
    %ne3A_68 = arith.cmpi ne, %rem3A, %ne3A_67 : i32
    %and3A = arith.andi %ne3A, %ne3A_68 : i1
    %sub3A = arith.constant 1 : i32
    %sub3A_69 = arith.subi %div3A, %sub3A : i32
    %select_n3A = arith.select %and3A, %sub3A_69, %div3A : i32
    %add3A_70 = arith.constant 0 : i32
    %add3A_71 = arith.addi %select_n3A, %add3A_70 : i32
    %ge3A = arith.constant 40 : i32
    %ge3A_72 = arith.cmpi sge, %add3A_71, %ge3A : i32
    %sub3A_73 = arith.constant 40 : i32
    %sub3A_74 = arith.subi %add3A_71, %sub3A_73 : i32
    %select_n3A_75 = arith.select %ge3A_72, %sub3A_74, %add3A_71 : i32
    %mul3A_76 = arith.constant 1000 : i32
    %mul3A_77 = arith.muli %select_n3A_75, %mul3A_76 : i32
    %dma_start3A_78 = tpu.memref_slice %arg11[%mul3A_77] : memref<40000xf32, #tpu.memory_space<vmem>> -> memref<1000xf32, #tpu.memory_space<vmem>>
    %dma_start3A_79 = tpu.memref_slice %arg2[%mul3A_77] : memref<40000xf32, #tpu.memory_space<hbm>> -> memref<1000xf32, #tpu.memory_space<hbm>>
    %dma_start3A_80 = tpu.memref_slice %arg11[%mul3A_77] : memref<40000xf32, #tpu.memory_space<vmem>> -> memref<1000xf32, #tpu.memory_space<vmem>>
    %dma_start3A_81 = tpu.memref_slice %arg2[%mul3A_77] : memref<40000xf32, #tpu.memory_space<hbm>> -> memref<1000xf32, #tpu.memory_space<hbm>>
    tpu.enqueue_dma source(%dma_start3A_81 : memref<1000xf32, #tpu.memory_space<hbm>>) target(%dma_start3A_80 : memref<1000xf32, #tpu.memory_space<vmem>>) target_semaphore(%arg20 : memref<!tpu.dma_semaphore, #tpu.memory_space<semaphore_mem>>)
    %add3A_82 = arith.constant 1 : i32
    %add3A_83 = arith.addi %select_n3A, %add3A_82 : i32
    %ge3A_84 = arith.constant 40 : i32
    %ge3A_85 = arith.cmpi sge, %add3A_83, %ge3A_84 : i32
    %sub3A_86 = arith.constant 40 : i32
    %sub3A_87 = arith.subi %add3A_83, %sub3A_86 : i32
    %select_n3A_88 = arith.select %ge3A_85, %sub3A_87, %add3A_83 : i32
    %mul3A_89 = arith.constant 1000 : i32
    %mul3A_90 = arith.muli %select_n3A_88, %mul3A_89 : i32
    %dma_start3A_91 = tpu.memref_slice %arg11[%mul3A_90] : memref<40000xf32, #tpu.memory_space<vmem>> -> memref<1000xf32, #tpu.memory_space<vmem>>
    %dma_start3A_92 = tpu.memref_slice %arg2[%mul3A_90] : memref<40000xf32, #tpu.memory_space<hbm>> -> memref<1000xf32, #tpu.memory_space<hbm>>
    %dma_start3A_93 = tpu.memref_slice %arg11[%mul3A_90] : memref<40000xf32, #tpu.memory_space<vmem>> -> memref<1000xf32, #tpu.memory_space<vmem>>
    %dma_start3A_94 = tpu.memref_slice %arg2[%mul3A_90] : memref<40000xf32, #tpu.memory_space<hbm>> -> memref<1000xf32, #tpu.memory_space<hbm>>
    tpu.enqueue_dma source(%dma_start3A_94 : memref<1000xf32, #tpu.memory_space<hbm>>) target(%dma_start3A_93 : memref<1000xf32, #tpu.memory_space<vmem>>) target_semaphore(%arg20 : memref<!tpu.dma_semaphore, #tpu.memory_space<semaphore_mem>>)
    %add3A_95 = arith.constant 2 : i32
    %add3A_96 = arith.addi %select_n3A, %add3A_95 : i32
    %ge3A_97 = arith.constant 40 : i32
    %ge3A_98 = arith.cmpi sge, %add3A_96, %ge3A_97 : i32
    %sub3A_99 = arith.constant 40 : i32
    %sub3A_100 = arith.subi %add3A_96, %sub3A_99 : i32
    %select_n3A_101 = arith.select %ge3A_98, %sub3A_100, %add3A_96 : i32
    %mul3A_102 = arith.constant 1000 : i32
    %mul3A_103 = arith.muli %select_n3A_101, %mul3A_102 : i32
    %dma_start3A_104 = tpu.memref_slice %arg11[%mul3A_103] : memref<40000xf32, #tpu.memory_space<vmem>> -> memref<1000xf32, #tpu.memory_space<vmem>>
    %dma_start3A_105 = tpu.memref_slice %arg2[%mul3A_103] : memref<40000xf32, #tpu.memory_space<hbm>> -> memref<1000xf32, #tpu.memory_space<hbm>>
    %dma_start3A_106 = tpu.memref_slice %arg11[%mul3A_103] : memref<40000xf32, #tpu.memory_space<vmem>> -> memref<1000xf32, #tpu.memory_space<vmem>>
    %dma_start3A_107 = tpu.memref_slice %arg2[%mul3A_103] : memref<40000xf32, #tpu.memory_space<hbm>> -> memref<1000xf32, #tpu.memory_space<hbm>>
    tpu.enqueue_dma source(%dma_start3A_107 : memref<1000xf32, #tpu.memory_space<hbm>>) target(%dma_start3A_106 : memref<1000xf32, #tpu.memory_space<vmem>>) target_semaphore(%arg20 : memref<!tpu.dma_semaphore, #tpu.memory_space<semaphore_mem>>)
    %add3A_108 = arith.constant 3 : i32
    %add3A_109 = arith.addi %select_n3A, %add3A_108 : i32
    %ge3A_110 = arith.constant 40 : i32
    %ge3A_111 = arith.cmpi sge, %add3A_109, %ge3A_110 : i32
    %sub3A_112 = arith.constant 40 : i32
    %sub3A_113 = arith.subi %add3A_109, %sub3A_112 : i32
    %select_n3A_114 = arith.select %ge3A_111, %sub3A_113, %add3A_109 : i32
    %mul3A_115 = arith.constant 1000 : i32
    %mul3A_116 = arith.muli %select_n3A_114, %mul3A_115 : i32
    %dma_start3A_117 = tpu.memref_slice %arg11[%mul3A_116] : memref<40000xf32, #tpu.memory_space<vmem>> -> memref<1000xf32, #tpu.memory_space<vmem>>
    %dma_start3A_118 = tpu.memref_slice %arg2[%mul3A_116] : memref<40000xf32, #tpu.memory_space<hbm>> -> memref<1000xf32, #tpu.memory_space<hbm>>
    %dma_start3A_119 = tpu.memref_slice %arg11[%mul3A_116] : memref<40000xf32, #tpu.memory_space<vmem>> -> memref<1000xf32, #tpu.memory_space<vmem>>
    %dma_start3A_120 = tpu.memref_slice %arg2[%mul3A_116] : memref<40000xf32, #tpu.memory_space<hbm>> -> memref<1000xf32, #tpu.memory_space<hbm>>
    tpu.enqueue_dma source(%dma_start3A_120 : memref<1000xf32, #tpu.memory_space<hbm>>) target(%dma_start3A_119 : memref<1000xf32, #tpu.memory_space<vmem>>) target_semaphore(%arg20 : memref<!tpu.dma_semaphore, #tpu.memory_space<semaphore_mem>>)
    %add3A_121 = arith.constant 4 : i32
    %add3A_122 = arith.addi %select_n3A, %add3A_121 : i32
    %ge3A_123 = arith.constant 40 : i32
    %ge3A_124 = arith.cmpi sge, %add3A_122, %ge3A_123 : i32
    %sub3A_125 = arith.constant 40 : i32
    %sub3A_126 = arith.subi %add3A_122, %sub3A_125 : i32
    %select_n3A_127 = arith.select %ge3A_124, %sub3A_126, %add3A_122 : i32
    %mul3A_128 = arith.constant 1000 : i32
    %mul3A_129 = arith.muli %select_n3A_127, %mul3A_128 : i32
    %dma_start3A_130 = tpu.memref_slice %arg11[%mul3A_129] : memref<40000xf32, #tpu.memory_space<vmem>> -> memref<1000xf32, #tpu.memory_space<vmem>>
    %dma_start3A_131 = tpu.memref_slice %arg2[%mul3A_129] : memref<40000xf32, #tpu.memory_space<hbm>> -> memref<1000xf32, #tpu.memory_space<hbm>>
    %dma_start3A_132 = tpu.memref_slice %arg11[%mul3A_129] : memref<40000xf32, #tpu.memory_space<vmem>> -> memref<1000xf32, #tpu.memory_space<vmem>>
    %dma_start3A_133 = tpu.memref_slice %arg2[%mul3A_129] : memref<40000xf32, #tpu.memory_space<hbm>> -> memref<1000xf32, #tpu.memory_space<hbm>>
    tpu.enqueue_dma source(%dma_start3A_133 : memref<1000xf32, #tpu.memory_space<hbm>>) target(%dma_start3A_132 : memref<1000xf32, #tpu.memory_space<vmem>>) target_semaphore(%arg20 : memref<!tpu.dma_semaphore, #tpu.memory_space<semaphore_mem>>)
    %add3A_134 = arith.constant 5 : i32
    %add3A_135 = arith.addi %select_n3A, %add3A_134 : i32
    %ge3A_136 = arith.constant 40 : i32
    %ge3A_137 = arith.cmpi sge, %add3A_135, %ge3A_136 : i32
    %sub3A_138 = arith.constant 40 : i32
    %sub3A_139 = arith.subi %add3A_135, %sub3A_138 : i32
    %select_n3A_140 = arith.select %ge3A_137, %sub3A_139, %add3A_135 : i32
    %mul3A_141 = arith.constant 1000 : i32
    %mul3A_142 = arith.muli %select_n3A_140, %mul3A_141 : i32
    %dma_start3A_143 = tpu.memref_slice %arg11[%mul3A_142] : memref<40000xf32, #tpu.memory_space<vmem>> -> memref<1000xf32, #tpu.memory_space<vmem>>
    %dma_start3A_144 = tpu.memref_slice %arg2[%mul3A_142] : memref<40000xf32, #tpu.memory_space<hbm>> -> memref<1000xf32, #tpu.memory_space<hbm>>
    %dma_start3A_145 = tpu.memref_slice %arg11[%mul3A_142] : memref<40000xf32, #tpu.memory_space<vmem>> -> memref<1000xf32, #tpu.memory_space<vmem>>
    %dma_start3A_146 = tpu.memref_slice %arg2[%mul3A_142] : memref<40000xf32, #tpu.memory_space<hbm>> -> memref<1000xf32, #tpu.memory_space<hbm>>
    tpu.enqueue_dma source(%dma_start3A_146 : memref<1000xf32, #tpu.memory_space<hbm>>) target(%dma_start3A_145 : memref<1000xf32, #tpu.memory_space<vmem>>) target_semaphore(%arg20 : memref<!tpu.dma_semaphore, #tpu.memory_space<semaphore_mem>>)
    %add3A_147 = arith.constant 6 : i32
    %add3A_148 = arith.addi %select_n3A, %add3A_147 : i32
    %ge3A_149 = arith.constant 40 : i32
    %ge3A_150 = arith.cmpi sge, %add3A_148, %ge3A_149 : i32
    %sub3A_151 = arith.constant 40 : i32
    %sub3A_152 = arith.subi %add3A_148, %sub3A_151 : i32
    %select_n3A_153 = arith.select %ge3A_150, %sub3A_152, %add3A_148 : i32
    %mul3A_154 = arith.constant 1000 : i32
    %mul3A_155 = arith.muli %select_n3A_153, %mul3A_154 : i32
    %dma_start3A_156 = tpu.memref_slice %arg11[%mul3A_155] : memref<40000xf32, #tpu.memory_space<vmem>> -> memref<1000xf32, #tpu.memory_space<vmem>>
    %dma_start3A_157 = tpu.memref_slice %arg2[%mul3A_155] : memref<40000xf32, #tpu.memory_space<hbm>> -> memref<1000xf32, #tpu.memory_space<hbm>>
    %dma_start3A_158 = tpu.memref_slice %arg11[%mul3A_155] : memref<40000xf32, #tpu.memory_space<vmem>> -> memref<1000xf32, #tpu.memory_space<vmem>>
    %dma_start3A_159 = tpu.memref_slice %arg2[%mul3A_155] : memref<40000xf32, #tpu.memory_space<hbm>> -> memref<1000xf32, #tpu.memory_space<hbm>>
    tpu.enqueue_dma source(%dma_start3A_159 : memref<1000xf32, #tpu.memory_space<hbm>>) target(%dma_start3A_158 : memref<1000xf32, #tpu.memory_space<vmem>>) target_semaphore(%arg20 : memref<!tpu.dma_semaphore, #tpu.memory_space<semaphore_mem>>)
    %add3A_160 = arith.constant 7 : i32
    %add3A_161 = arith.addi %select_n3A, %add3A_160 : i32
    %ge3A_162 = arith.constant 40 : i32
    %ge3A_163 = arith.cmpi sge, %add3A_161, %ge3A_162 : i32
    %sub3A_164 = arith.constant 40 : i32
    %sub3A_165 = arith.subi %add3A_161, %sub3A_164 : i32
    %select_n3A_166 = arith.select %ge3A_163, %sub3A_165, %add3A_161 : i32
    %mul3A_167 = arith.constant 1000 : i32
    %mul3A_168 = arith.muli %select_n3A_166, %mul3A_167 : i32
    %dma_start3A_169 = tpu.memref_slice %arg11[%mul3A_168] : memref<40000xf32, #tpu.memory_space<vmem>> -> memref<1000xf32, #tpu.memory_space<vmem>>
    %dma_start3A_170 = tpu.memref_slice %arg2[%mul3A_168] : memref<40000xf32, #tpu.memory_space<hbm>> -> memref<1000xf32, #tpu.memory_space<hbm>>
    %dma_start3A_171 = tpu.memref_slice %arg11[%mul3A_168] : memref<40000xf32, #tpu.memory_space<vmem>> -> memref<1000xf32, #tpu.memory_space<vmem>>
    %dma_start3A_172 = tpu.memref_slice %arg2[%mul3A_168] : memref<40000xf32, #tpu.memory_space<hbm>> -> memref<1000xf32, #tpu.memory_space<hbm>>
    tpu.enqueue_dma source(%dma_start3A_172 : memref<1000xf32, #tpu.memory_space<hbm>>) target(%dma_start3A_171 : memref<1000xf32, #tpu.memory_space<vmem>>) target_semaphore(%arg20 : memref<!tpu.dma_semaphore, #tpu.memory_space<semaphore_mem>>)
    %add3A_173 = arith.constant 8 : i32
    %add3A_174 = arith.addi %select_n3A, %add3A_173 : i32
    %ge3A_175 = arith.constant 40 : i32
    %ge3A_176 = arith.cmpi sge, %add3A_174, %ge3A_175 : i32
    %sub3A_177 = arith.constant 40 : i32
    %sub3A_178 = arith.subi %add3A_174, %sub3A_177 : i32
    %select_n3A_179 = arith.select %ge3A_176, %sub3A_178, %add3A_174 : i32
    %mul3A_180 = arith.constant 1000 : i32
    %mul3A_181 = arith.muli %select_n3A_179, %mul3A_180 : i32
    %dma_start3A_182 = tpu.memref_slice %arg11[%mul3A_181] : memref<40000xf32, #tpu.memory_space<vmem>> -> memref<1000xf32, #tpu.memory_space<vmem>>
    %dma_start3A_183 = tpu.memref_slice %arg2[%mul3A_181] : memref<40000xf32, #tpu.memory_space<hbm>> -> memref<1000xf32, #tpu.memory_space<hbm>>
    %dma_start3A_184 = tpu.memref_slice %arg11[%mul3A_181] : memref<40000xf32, #tpu.memory_space<vmem>> -> memref<1000xf32, #tpu.memory_space<vmem>>
    %dma_start3A_185 = tpu.memref_slice %arg2[%mul3A_181] : memref<40000xf32, #tpu.memory_space<hbm>> -> memref<1000xf32, #tpu.memory_space<hbm>>
    tpu.enqueue_dma source(%dma_start3A_185 : memref<1000xf32, #tpu.memory_space<hbm>>) target(%dma_start3A_184 : memref<1000xf32, #tpu.memory_space<vmem>>) target_semaphore(%arg20 : memref<!tpu.dma_semaphore, #tpu.memory_space<semaphore_mem>>)
    %add3A_186 = arith.constant 9 : i32
    %add3A_187 = arith.addi %select_n3A, %add3A_186 : i32
    %ge3A_188 = arith.constant 40 : i32
    %ge3A_189 = arith.cmpi sge, %add3A_187, %ge3A_188 : i32
    %sub3A_190 = arith.constant 40 : i32
    %sub3A_191 = arith.subi %add3A_187, %sub3A_190 : i32
    %select_n3A_192 = arith.select %ge3A_189, %sub3A_191, %add3A_187 : i32
    %mul3A_193 = arith.constant 1000 : i32
    %mul3A_194 = arith.muli %select_n3A_192, %mul3A_193 : i32
    %dma_start3A_195 = tpu.memref_slice %arg11[%mul3A_194] : memref<40000xf32, #tpu.memory_space<vmem>> -> memref<1000xf32, #tpu.memory_space<vmem>>
    %dma_start3A_196 = tpu.memref_slice %arg2[%mul3A_194] : memref<40000xf32, #tpu.memory_space<hbm>> -> memref<1000xf32, #tpu.memory_space<hbm>>
    %dma_start3A_197 = tpu.memref_slice %arg11[%mul3A_194] : memref<40000xf32, #tpu.memory_space<vmem>> -> memref<1000xf32, #tpu.memory_space<vmem>>
    %dma_start3A_198 = tpu.memref_slice %arg2[%mul3A_194] : memref<40000xf32, #tpu.memory_space<hbm>> -> memref<1000xf32, #tpu.memory_space<hbm>>
    tpu.enqueue_dma source(%dma_start3A_198 : memref<1000xf32, #tpu.memory_space<hbm>>) target(%dma_start3A_197 : memref<1000xf32, #tpu.memory_space<vmem>>) target_semaphore(%arg20 : memref<!tpu.dma_semaphore, #tpu.memory_space<semaphore_mem>>)
    %add3A_199 = arith.constant 10 : i32
    %add3A_200 = arith.addi %select_n3A, %add3A_199 : i32
    %ge3A_201 = arith.constant 40 : i32
    %ge3A_202 = arith.cmpi sge, %add3A_200, %ge3A_201 : i32
    %sub3A_203 = arith.constant 40 : i32
    %sub3A_204 = arith.subi %add3A_200, %sub3A_203 : i32
    %select_n3A_205 = arith.select %ge3A_202, %sub3A_204, %add3A_200 : i32
    %mul3A_206 = arith.constant 1000 : i32
    %mul3A_207 = arith.muli %select_n3A_205, %mul3A_206 : i32
    %dma_start3A_208 = tpu.memref_slice %arg11[%mul3A_207] : memref<40000xf32, #tpu.memory_space<vmem>> -> memref<1000xf32, #tpu.memory_space<vmem>>
    %dma_start3A_209 = tpu.memref_slice %arg2[%mul3A_207] : memref<40000xf32, #tpu.memory_space<hbm>> -> memref<1000xf32, #tpu.memory_space<hbm>>
    %dma_start3A_210 = tpu.memref_slice %arg11[%mul3A_207] : memref<40000xf32, #tpu.memory_space<vmem>> -> memref<1000xf32, #tpu.memory_space<vmem>>
    %dma_start3A_211 = tpu.memref_slice %arg2[%mul3A_207] : memref<40000xf32, #tpu.memory_space<hbm>> -> memref<1000xf32, #tpu.memory_space<hbm>>
    tpu.enqueue_dma source(%dma_start3A_211 : memref<1000xf32, #tpu.memory_space<hbm>>) target(%dma_start3A_210 : memref<1000xf32, #tpu.memory_space<vmem>>) target_semaphore(%arg20 : memref<!tpu.dma_semaphore, #tpu.memory_space<semaphore_mem>>)
    %add3A_212 = arith.constant 11 : i32
    %add3A_213 = arith.addi %select_n3A, %add3A_212 : i32
    %ge3A_214 = arith.constant 40 : i32
    %ge3A_215 = arith.cmpi sge, %add3A_213, %ge3A_214 : i32
    %sub3A_216 = arith.constant 40 : i32
    %sub3A_217 = arith.subi %add3A_213, %sub3A_216 : i32
    %select_n3A_218 = arith.select %ge3A_215, %sub3A_217, %add3A_213 : i32
    %mul3A_219 = arith.constant 1000 : i32
    %mul3A_220 = arith.muli %select_n3A_218, %mul3A_219 : i32
    %dma_start3A_221 = tpu.memref_slice %arg11[%mul3A_220] : memref<40000xf32, #tpu.memory_space<vmem>> -> memref<1000xf32, #tpu.memory_space<vmem>>
    %dma_start3A_222 = tpu.memref_slice %arg2[%mul3A_220] : memref<40000xf32, #tpu.memory_space<hbm>> -> memref<1000xf32, #tpu.memory_space<hbm>>
    %dma_start3A_223 = tpu.memref_slice %arg11[%mul3A_220] : memref<40000xf32, #tpu.memory_space<vmem>> -> memref<1000xf32, #tpu.memory_space<vmem>>
    %dma_start3A_224 = tpu.memref_slice %arg2[%mul3A_220] : memref<40000xf32, #tpu.memory_space<hbm>> -> memref<1000xf32, #tpu.memory_space<hbm>>
    tpu.enqueue_dma source(%dma_start3A_224 : memref<1000xf32, #tpu.memory_space<hbm>>) target(%dma_start3A_223 : memref<1000xf32, #tpu.memory_space<vmem>>) target_semaphore(%arg20 : memref<!tpu.dma_semaphore, #tpu.memory_space<semaphore_mem>>)
    %add3A_225 = arith.constant 12 : i32
    %add3A_226 = arith.addi %select_n3A, %add3A_225 : i32
    %ge3A_227 = arith.constant 40 : i32
    %ge3A_228 = arith.cmpi sge, %add3A_226, %ge3A_227 : i32
    %sub3A_229 = arith.constant 40 : i32
    %sub3A_230 = arith.subi %add3A_226, %sub3A_229 : i32
    %select_n3A_231 = arith.select %ge3A_228, %sub3A_230, %add3A_226 : i32
    %mul3A_232 = arith.constant 1000 : i32
    %mul3A_233 = arith.muli %select_n3A_231, %mul3A_232 : i32
    %dma_start3A_234 = tpu.memref_slice %arg11[%mul3A_233] : memref<40000xf32, #tpu.memory_space<vmem>> -> memref<1000xf32, #tpu.memory_space<vmem>>
    %dma_start3A_235 = tpu.memref_slice %arg2[%mul3A_233] : memref<40000xf32, #tpu.memory_space<hbm>> -> memref<1000xf32, #tpu.memory_space<hbm>>
    %dma_start3A_236 = tpu.memref_slice %arg11[%mul3A_233] : memref<40000xf32, #tpu.memory_space<vmem>> -> memref<1000xf32, #tpu.memory_space<vmem>>
    %dma_start3A_237 = tpu.memref_slice %arg2[%mul3A_233] : memref<40000xf32, #tpu.memory_space<hbm>> -> memref<1000xf32, #tpu.memory_space<hbm>>
    tpu.enqueue_dma source(%dma_start3A_237 : memref<1000xf32, #tpu.memory_space<hbm>>) target(%dma_start3A_236 : memref<1000xf32, #tpu.memory_space<vmem>>) target_semaphore(%arg20 : memref<!tpu.dma_semaphore, #tpu.memory_space<semaphore_mem>>)
    %add3A_238 = arith.constant 13 : i32
    %add3A_239 = arith.addi %select_n3A, %add3A_238 : i32
    %ge3A_240 = arith.constant 40 : i32
    %ge3A_241 = arith.cmpi sge, %add3A_239, %ge3A_240 : i32
    %sub3A_242 = arith.constant 40 : i32
    %sub3A_243 = arith.subi %add3A_239, %sub3A_242 : i32
    %select_n3A_244 = arith.select %ge3A_241, %sub3A_243, %add3A_239 : i32
    %mul3A_245 = arith.constant 1000 : i32
    %mul3A_246 = arith.muli %select_n3A_244, %mul3A_245 : i32
    %dma_start3A_247 = tpu.memref_slice %arg11[%mul3A_246] : memref<40000xf32, #tpu.memory_space<vmem>> -> memref<1000xf32, #tpu.memory_space<vmem>>
    %dma_start3A_248 = tpu.memref_slice %arg2[%mul3A_246] : memref<40000xf32, #tpu.memory_space<hbm>> -> memref<1000xf32, #tpu.memory_space<hbm>>
    %dma_start3A_249 = tpu.memref_slice %arg11[%mul3A_246] : memref<40000xf32, #tpu.memory_space<vmem>> -> memref<1000xf32, #tpu.memory_space<vmem>>
    %dma_start3A_250 = tpu.memref_slice %arg2[%mul3A_246] : memref<40000xf32, #tpu.memory_space<hbm>> -> memref<1000xf32, #tpu.memory_space<hbm>>
    tpu.enqueue_dma source(%dma_start3A_250 : memref<1000xf32, #tpu.memory_space<hbm>>) target(%dma_start3A_249 : memref<1000xf32, #tpu.memory_space<vmem>>) target_semaphore(%arg20 : memref<!tpu.dma_semaphore, #tpu.memory_space<semaphore_mem>>)
    %add3A_251 = arith.constant 14 : i32
    %add3A_252 = arith.addi %select_n3A, %add3A_251 : i32
    %ge3A_253 = arith.constant 40 : i32
    %ge3A_254 = arith.cmpi sge, %add3A_252, %ge3A_253 : i32
    %sub3A_255 = arith.constant 40 : i32
    %sub3A_256 = arith.subi %add3A_252, %sub3A_255 : i32
    %select_n3A_257 = arith.select %ge3A_254, %sub3A_256, %add3A_252 : i32
    %mul3A_258 = arith.constant 1000 : i32
    %mul3A_259 = arith.muli %select_n3A_257, %mul3A_258 : i32
    %dma_start3A_260 = tpu.memref_slice %arg11[%mul3A_259] : memref<40000xf32, #tpu.memory_space<vmem>> -> memref<1000xf32, #tpu.memory_space<vmem>>
    %dma_start3A_261 = tpu.memref_slice %arg2[%mul3A_259] : memref<40000xf32, #tpu.memory_space<hbm>> -> memref<1000xf32, #tpu.memory_space<hbm>>
    %dma_start3A_262 = tpu.memref_slice %arg11[%mul3A_259] : memref<40000xf32, #tpu.memory_space<vmem>> -> memref<1000xf32, #tpu.memory_space<vmem>>
    %dma_start3A_263 = tpu.memref_slice %arg2[%mul3A_259] : memref<40000xf32, #tpu.memory_space<hbm>> -> memref<1000xf32, #tpu.memory_space<hbm>>
    tpu.enqueue_dma source(%dma_start3A_263 : memref<1000xf32, #tpu.memory_space<hbm>>) target(%dma_start3A_262 : memref<1000xf32, #tpu.memory_space<vmem>>) target_semaphore(%arg20 : memref<!tpu.dma_semaphore, #tpu.memory_space<semaphore_mem>>)
    %add3A_264 = arith.constant 15 : i32
    %add3A_265 = arith.addi %select_n3A, %add3A_264 : i32
    %ge3A_266 = arith.constant 40 : i32
    %ge3A_267 = arith.cmpi sge, %add3A_265, %ge3A_266 : i32
    %sub3A_268 = arith.constant 40 : i32
    %sub3A_269 = arith.subi %add3A_265, %sub3A_268 : i32
    %select_n3A_270 = arith.select %ge3A_267, %sub3A_269, %add3A_265 : i32
    %mul3A_271 = arith.constant 1000 : i32
    %mul3A_272 = arith.muli %select_n3A_270, %mul3A_271 : i32
    %dma_start3A_273 = tpu.memref_slice %arg11[%mul3A_272] : memref<40000xf32, #tpu.memory_space<vmem>> -> memref<1000xf32, #tpu.memory_space<vmem>>
    %dma_start3A_274 = tpu.memref_slice %arg2[%mul3A_272] : memref<40000xf32, #tpu.memory_space<hbm>> -> memref<1000xf32, #tpu.memory_space<hbm>>
    %dma_start3A_275 = tpu.memref_slice %arg11[%mul3A_272] : memref<40000xf32, #tpu.memory_space<vmem>> -> memref<1000xf32, #tpu.memory_space<vmem>>
    %dma_start3A_276 = tpu.memref_slice %arg2[%mul3A_272] : memref<40000xf32, #tpu.memory_space<hbm>> -> memref<1000xf32, #tpu.memory_space<hbm>>
    tpu.enqueue_dma source(%dma_start3A_276 : memref<1000xf32, #tpu.memory_space<hbm>>) target(%dma_start3A_275 : memref<1000xf32, #tpu.memory_space<vmem>>) target_semaphore(%arg20 : memref<!tpu.dma_semaphore, #tpu.memory_space<semaphore_mem>>)
    %add3A_277 = arith.constant 16 : i32
    %add3A_278 = arith.addi %select_n3A, %add3A_277 : i32
    %ge3A_279 = arith.constant 40 : i32
    %ge3A_280 = arith.cmpi sge, %add3A_278, %ge3A_279 : i32
    %sub3A_281 = arith.constant 40 : i32
    %sub3A_282 = arith.subi %add3A_278, %sub3A_281 : i32
    %select_n3A_283 = arith.select %ge3A_280, %sub3A_282, %add3A_278 : i32
    %mul3A_284 = arith.constant 1000 : i32
    %mul3A_285 = arith.muli %select_n3A_283, %mul3A_284 : i32
    %dma_start3A_286 = tpu.memref_slice %arg11[%mul3A_285] : memref<40000xf32, #tpu.memory_space<vmem>> -> memref<1000xf32, #tpu.memory_space<vmem>>
    %dma_start3A_287 = tpu.memref_slice %arg2[%mul3A_285] : memref<40000xf32, #tpu.memory_space<hbm>> -> memref<1000xf32, #tpu.memory_space<hbm>>
    %dma_start3A_288 = tpu.memref_slice %arg11[%mul3A_285] : memref<40000xf32, #tpu.memory_space<vmem>> -> memref<1000xf32, #tpu.memory_space<vmem>>
    %dma_start3A_289 = tpu.memref_slice %arg2[%mul3A_285] : memref<40000xf32, #tpu.memory_space<hbm>> -> memref<1000xf32, #tpu.memory_space<hbm>>
    tpu.enqueue_dma source(%dma_start3A_289 : memref<1000xf32, #tpu.memory_space<hbm>>) target(%dma_start3A_288 : memref<1000xf32, #tpu.memory_space<vmem>>) target_semaphore(%arg20 : memref<!tpu.dma_semaphore, #tpu.memory_space<semaphore_mem>>)
    %add3A_290 = arith.constant 17 : i32
    %add3A_291 = arith.addi %select_n3A, %add3A_290 : i32
    %ge3A_292 = arith.constant 40 : i32
    %ge3A_293 = arith.cmpi sge, %add3A_291, %ge3A_292 : i32
    %sub3A_294 = arith.constant 40 : i32
    %sub3A_295 = arith.subi %add3A_291, %sub3A_294 : i32
    %select_n3A_296 = arith.select %ge3A_293, %sub3A_295, %add3A_291 : i32
    %mul3A_297 = arith.constant 1000 : i32
    %mul3A_298 = arith.muli %select_n3A_296, %mul3A_297 : i32
    %dma_start3A_299 = tpu.memref_slice %arg11[%mul3A_298] : memref<40000xf32, #tpu.memory_space<vmem>> -> memref<1000xf32, #tpu.memory_space<vmem>>
    %dma_start3A_300 = tpu.memref_slice %arg2[%mul3A_298] : memref<40000xf32, #tpu.memory_space<hbm>> -> memref<1000xf32, #tpu.memory_space<hbm>>
    %dma_start3A_301 = tpu.memref_slice %arg11[%mul3A_298] : memref<40000xf32, #tpu.memory_space<vmem>> -> memref<1000xf32, #tpu.memory_space<vmem>>
    %dma_start3A_302 = tpu.memref_slice %arg2[%mul3A_298] : memref<40000xf32, #tpu.memory_space<hbm>> -> memref<1000xf32, #tpu.memory_space<hbm>>
    tpu.enqueue_dma source(%dma_start3A_302 : memref<1000xf32, #tpu.memory_space<hbm>>) target(%dma_start3A_301 : memref<1000xf32, #tpu.memory_space<vmem>>) target_semaphore(%arg20 : memref<!tpu.dma_semaphore, #tpu.memory_space<semaphore_mem>>)
    %add3A_303 = arith.constant 18 : i32
    %add3A_304 = arith.addi %select_n3A, %add3A_303 : i32
    %ge3A_305 = arith.constant 40 : i32
    %ge3A_306 = arith.cmpi sge, %add3A_304, %ge3A_305 : i32
    %sub3A_307 = arith.constant 40 : i32
    %sub3A_308 = arith.subi %add3A_304, %sub3A_307 : i32
    %select_n3A_309 = arith.select %ge3A_306, %sub3A_308, %add3A_304 : i32
    %mul3A_310 = arith.constant 1000 : i32
    %mul3A_311 = arith.muli %select_n3A_309, %mul3A_310 : i32
    %dma_start3A_312 = tpu.memref_slice %arg11[%mul3A_311] : memref<40000xf32, #tpu.memory_space<vmem>> -> memref<1000xf32, #tpu.memory_space<vmem>>
    %dma_start3A_313 = tpu.memref_slice %arg2[%mul3A_311] : memref<40000xf32, #tpu.memory_space<hbm>> -> memref<1000xf32, #tpu.memory_space<hbm>>
    %dma_start3A_314 = tpu.memref_slice %arg11[%mul3A_311] : memref<40000xf32, #tpu.memory_space<vmem>> -> memref<1000xf32, #tpu.memory_space<vmem>>
    %dma_start3A_315 = tpu.memref_slice %arg2[%mul3A_311] : memref<40000xf32, #tpu.memory_space<hbm>> -> memref<1000xf32, #tpu.memory_space<hbm>>
    tpu.enqueue_dma source(%dma_start3A_315 : memref<1000xf32, #tpu.memory_space<hbm>>) target(%dma_start3A_314 : memref<1000xf32, #tpu.memory_space<vmem>>) target_semaphore(%arg20 : memref<!tpu.dma_semaphore, #tpu.memory_space<semaphore_mem>>)
    %add3A_316 = arith.constant 19 : i32
    %add3A_317 = arith.addi %select_n3A, %add3A_316 : i32
    %ge3A_318 = arith.constant 40 : i32
    %ge3A_319 = arith.cmpi sge, %add3A_317, %ge3A_318 : i32
    %sub3A_320 = arith.constant 40 : i32
    %sub3A_321 = arith.subi %add3A_317, %sub3A_320 : i32
    %select_n3A_322 = arith.select %ge3A_319, %sub3A_321, %add3A_317 : i32
    %mul3A_323 = arith.constant 1000 : i32
    %mul3A_324 = arith.muli %select_n3A_322, %mul3A_323 : i32
    %dma_start3A_325 = tpu.memref_slice %arg11[%mul3A_324] : memref<40000xf32, #tpu.memory_space<vmem>> -> memref<1000xf32, #tpu.memory_space<vmem>>
    %dma_start3A_326 = tpu.memref_slice %arg2[%mul3A_324] : memref<40000xf32, #tpu.memory_space<hbm>> -> memref<1000xf32, #tpu.memory_space<hbm>>
    %dma_start3A_327 = tpu.memref_slice %arg11[%mul3A_324] : memref<40000xf32, #tpu.memory_space<vmem>> -> memref<1000xf32, #tpu.memory_space<vmem>>
    %dma_start3A_328 = tpu.memref_slice %arg2[%mul3A_324] : memref<40000xf32, #tpu.memory_space<hbm>> -> memref<1000xf32, #tpu.memory_space<hbm>>
    tpu.enqueue_dma source(%dma_start3A_328 : memref<1000xf32, #tpu.memory_space<hbm>>) target(%dma_start3A_327 : memref<1000xf32, #tpu.memory_space<vmem>>) target_semaphore(%arg20 : memref<!tpu.dma_semaphore, #tpu.memory_space<semaphore_mem>>)
    %add3A_329 = arith.constant 20 : i32
    %add3A_330 = arith.addi %select_n3A, %add3A_329 : i32
    %ge3A_331 = arith.constant 40 : i32
    %ge3A_332 = arith.cmpi sge, %add3A_330, %ge3A_331 : i32
    %sub3A_333 = arith.constant 40 : i32
    %sub3A_334 = arith.subi %add3A_330, %sub3A_333 : i32
    %select_n3A_335 = arith.select %ge3A_332, %sub3A_334, %add3A_330 : i32
    %mul3A_336 = arith.constant 1000 : i32
    %mul3A_337 = arith.muli %select_n3A_335, %mul3A_336 : i32
    %dma_start3A_338 = tpu.memref_slice %arg11[%mul3A_337] : memref<40000xf32, #tpu.memory_space<vmem>> -> memref<1000xf32, #tpu.memory_space<vmem>>
    %dma_start3A_339 = tpu.memref_slice %arg2[%mul3A_337] : memref<40000xf32, #tpu.memory_space<hbm>> -> memref<1000xf32, #tpu.memory_space<hbm>>
    %dma_start3A_340 = tpu.memref_slice %arg11[%mul3A_337] : memref<40000xf32, #tpu.memory_space<vmem>> -> memref<1000xf32, #tpu.memory_space<vmem>>
    %dma_start3A_341 = tpu.memref_slice %arg2[%mul3A_337] : memref<40000xf32, #tpu.memory_space<hbm>> -> memref<1000xf32, #tpu.memory_space<hbm>>
    tpu.enqueue_dma source(%dma_start3A_341 : memref<1000xf32, #tpu.memory_space<hbm>>) target(%dma_start3A_340 : memref<1000xf32, #tpu.memory_space<vmem>>) target_semaphore(%arg20 : memref<!tpu.dma_semaphore, #tpu.memory_space<semaphore_mem>>)
    %add3A_342 = arith.constant 21 : i32
    %add3A_343 = arith.addi %select_n3A, %add3A_342 : i32
    %ge3A_344 = arith.constant 40 : i32
    %ge3A_345 = arith.cmpi sge, %add3A_343, %ge3A_344 : i32
    %sub3A_346 = arith.constant 40 : i32
    %sub3A_347 = arith.subi %add3A_343, %sub3A_346 : i32
    %select_n3A_348 = arith.select %ge3A_345, %sub3A_347, %add3A_343 : i32
    %mul3A_349 = arith.constant 1000 : i32
    %mul3A_350 = arith.muli %select_n3A_348, %mul3A_349 : i32
    %dma_start3A_351 = tpu.memref_slice %arg11[%mul3A_350] : memref<40000xf32, #tpu.memory_space<vmem>> -> memref<1000xf32, #tpu.memory_space<vmem>>
    %dma_start3A_352 = tpu.memref_slice %arg2[%mul3A_350] : memref<40000xf32, #tpu.memory_space<hbm>> -> memref<1000xf32, #tpu.memory_space<hbm>>
    %dma_start3A_353 = tpu.memref_slice %arg11[%mul3A_350] : memref<40000xf32, #tpu.memory_space<vmem>> -> memref<1000xf32, #tpu.memory_space<vmem>>
    %dma_start3A_354 = tpu.memref_slice %arg2[%mul3A_350] : memref<40000xf32, #tpu.memory_space<hbm>> -> memref<1000xf32, #tpu.memory_space<hbm>>
    tpu.enqueue_dma source(%dma_start3A_354 : memref<1000xf32, #tpu.memory_space<hbm>>) target(%dma_start3A_353 : memref<1000xf32, #tpu.memory_space<vmem>>) target_semaphore(%arg20 : memref<!tpu.dma_semaphore, #tpu.memory_space<semaphore_mem>>)
    %add3A_355 = arith.constant 22 : i32
    %add3A_356 = arith.addi %select_n3A, %add3A_355 : i32
    %ge3A_357 = arith.constant 40 : i32
    %ge3A_358 = arith.cmpi sge, %add3A_356, %ge3A_357 : i32
    %sub3A_359 = arith.constant 40 : i32
    %sub3A_360 = arith.subi %add3A_356, %sub3A_359 : i32
    %select_n3A_361 = arith.select %ge3A_358, %sub3A_360, %add3A_356 : i32
    %mul3A_362 = arith.constant 1000 : i32
    %mul3A_363 = arith.muli %select_n3A_361, %mul3A_362 : i32
    %dma_start3A_364 = tpu.memref_slice %arg11[%mul3A_363] : memref<40000xf32, #tpu.memory_space<vmem>> -> memref<1000xf32, #tpu.memory_space<vmem>>
    %dma_start3A_365 = tpu.memref_slice %arg2[%mul3A_363] : memref<40000xf32, #tpu.memory_space<hbm>> -> memref<1000xf32, #tpu.memory_space<hbm>>
    %dma_start3A_366 = tpu.memref_slice %arg11[%mul3A_363] : memref<40000xf32, #tpu.memory_space<vmem>> -> memref<1000xf32, #tpu.memory_space<vmem>>
    %dma_start3A_367 = tpu.memref_slice %arg2[%mul3A_363] : memref<40000xf32, #tpu.memory_space<hbm>> -> memref<1000xf32, #tpu.memory_space<hbm>>
    tpu.enqueue_dma source(%dma_start3A_367 : memref<1000xf32, #tpu.memory_space<hbm>>) target(%dma_start3A_366 : memref<1000xf32, #tpu.memory_space<vmem>>) target_semaphore(%arg20 : memref<!tpu.dma_semaphore, #tpu.memory_space<semaphore_mem>>)
    %add3A_368 = arith.constant 23 : i32
    %add3A_369 = arith.addi %select_n3A, %add3A_368 : i32
    %ge3A_370 = arith.constant 40 : i32
    %ge3A_371 = arith.cmpi sge, %add3A_369, %ge3A_370 : i32
    %sub3A_372 = arith.constant 40 : i32
    %sub3A_373 = arith.subi %add3A_369, %sub3A_372 : i32
    %select_n3A_374 = arith.select %ge3A_371, %sub3A_373, %add3A_369 : i32
    %mul3A_375 = arith.constant 1000 : i32
    %mul3A_376 = arith.muli %select_n3A_374, %mul3A_375 : i32
    %dma_start3A_377 = tpu.memref_slice %arg11[%mul3A_376] : memref<40000xf32, #tpu.memory_space<vmem>> -> memref<1000xf32, #tpu.memory_space<vmem>>
    %dma_start3A_378 = tpu.memref_slice %arg2[%mul3A_376] : memref<40000xf32, #tpu.memory_space<hbm>> -> memref<1000xf32, #tpu.memory_space<hbm>>
    %dma_start3A_379 = tpu.memref_slice %arg11[%mul3A_376] : memref<40000xf32, #tpu.memory_space<vmem>> -> memref<1000xf32, #tpu.memory_space<vmem>>
    %dma_start3A_380 = tpu.memref_slice %arg2[%mul3A_376] : memref<40000xf32, #tpu.memory_space<hbm>> -> memref<1000xf32, #tpu.memory_space<hbm>>
    tpu.enqueue_dma source(%dma_start3A_380 : memref<1000xf32, #tpu.memory_space<hbm>>) target(%dma_start3A_379 : memref<1000xf32, #tpu.memory_space<vmem>>) target_semaphore(%arg20 : memref<!tpu.dma_semaphore, #tpu.memory_space<semaphore_mem>>)
    %add3A_381 = arith.constant 24 : i32
    %add3A_382 = arith.addi %select_n3A, %add3A_381 : i32
    %ge3A_383 = arith.constant 40 : i32
    %ge3A_384 = arith.cmpi sge, %add3A_382, %ge3A_383 : i32
    %sub3A_385 = arith.constant 40 : i32
    %sub3A_386 = arith.subi %add3A_382, %sub3A_385 : i32
    %select_n3A_387 = arith.select %ge3A_384, %sub3A_386, %add3A_382 : i32
    %mul3A_388 = arith.constant 1000 : i32
    %mul3A_389 = arith.muli %select_n3A_387, %mul3A_388 : i32
    %dma_start3A_390 = tpu.memref_slice %arg11[%mul3A_389] : memref<40000xf32, #tpu.memory_space<vmem>> -> memref<1000xf32, #tpu.memory_space<vmem>>
    %dma_start3A_391 = tpu.memref_slice %arg2[%mul3A_389] : memref<40000xf32, #tpu.memory_space<hbm>> -> memref<1000xf32, #tpu.memory_space<hbm>>
    %dma_start3A_392 = tpu.memref_slice %arg11[%mul3A_389] : memref<40000xf32, #tpu.memory_space<vmem>> -> memref<1000xf32, #tpu.memory_space<vmem>>
    %dma_start3A_393 = tpu.memref_slice %arg2[%mul3A_389] : memref<40000xf32, #tpu.memory_space<hbm>> -> memref<1000xf32, #tpu.memory_space<hbm>>
    tpu.enqueue_dma source(%dma_start3A_393 : memref<1000xf32, #tpu.memory_space<hbm>>) target(%dma_start3A_392 : memref<1000xf32, #tpu.memory_space<vmem>>) target_semaphore(%arg20 : memref<!tpu.dma_semaphore, #tpu.memory_space<semaphore_mem>>)
    %add3A_394 = arith.constant 25 : i32
    %add3A_395 = arith.addi %select_n3A, %add3A_394 : i32
    %ge3A_396 = arith.constant 40 : i32
    %ge3A_397 = arith.cmpi sge, %add3A_395, %ge3A_396 : i32
    %sub3A_398 = arith.constant 40 : i32
    %sub3A_399 = arith.subi %add3A_395, %sub3A_398 : i32
    %select_n3A_400 = arith.select %ge3A_397, %sub3A_399, %add3A_395 : i32
    %mul3A_401 = arith.constant 1000 : i32
    %mul3A_402 = arith.muli %select_n3A_400, %mul3A_401 : i32
    %dma_start3A_403 = tpu.memref_slice %arg11[%mul3A_402] : memref<40000xf32, #tpu.memory_space<vmem>> -> memref<1000xf32, #tpu.memory_space<vmem>>
    %dma_start3A_404 = tpu.memref_slice %arg2[%mul3A_402] : memref<40000xf32, #tpu.memory_space<hbm>> -> memref<1000xf32, #tpu.memory_space<hbm>>
    %dma_start3A_405 = tpu.memref_slice %arg11[%mul3A_402] : memref<40000xf32, #tpu.memory_space<vmem>> -> memref<1000xf32, #tpu.memory_space<vmem>>
    %dma_start3A_406 = tpu.memref_slice %arg2[%mul3A_402] : memref<40000xf32, #tpu.memory_space<hbm>> -> memref<1000xf32, #tpu.memory_space<hbm>>
    tpu.enqueue_dma source(%dma_start3A_406 : memref<1000xf32, #tpu.memory_space<hbm>>) target(%dma_start3A_405 : memref<1000xf32, #tpu.memory_space<vmem>>) target_semaphore(%arg20 : memref<!tpu.dma_semaphore, #tpu.memory_space<semaphore_mem>>)
    %add3A_407 = arith.constant 26 : i32
    %add3A_408 = arith.addi %select_n3A, %add3A_407 : i32
    %ge3A_409 = arith.constant 40 : i32
    %ge3A_410 = arith.cmpi sge, %add3A_408, %ge3A_409 : i32
    %sub3A_411 = arith.constant 40 : i32
    %sub3A_412 = arith.subi %add3A_408, %sub3A_411 : i32
    %select_n3A_413 = arith.select %ge3A_410, %sub3A_412, %add3A_408 : i32
    %mul3A_414 = arith.constant 1000 : i32
    %mul3A_415 = arith.muli %select_n3A_413, %mul3A_414 : i32
    %dma_start3A_416 = tpu.memref_slice %arg11[%mul3A_415] : memref<40000xf32, #tpu.memory_space<vmem>> -> memref<1000xf32, #tpu.memory_space<vmem>>
    %dma_start3A_417 = tpu.memref_slice %arg2[%mul3A_415] : memref<40000xf32, #tpu.memory_space<hbm>> -> memref<1000xf32, #tpu.memory_space<hbm>>
    %dma_start3A_418 = tpu.memref_slice %arg11[%mul3A_415] : memref<40000xf32, #tpu.memory_space<vmem>> -> memref<1000xf32, #tpu.memory_space<vmem>>
    %dma_start3A_419 = tpu.memref_slice %arg2[%mul3A_415] : memref<40000xf32, #tpu.memory_space<hbm>> -> memref<1000xf32, #tpu.memory_space<hbm>>
    tpu.enqueue_dma source(%dma_start3A_419 : memref<1000xf32, #tpu.memory_space<hbm>>) target(%dma_start3A_418 : memref<1000xf32, #tpu.memory_space<vmem>>) target_semaphore(%arg20 : memref<!tpu.dma_semaphore, #tpu.memory_space<semaphore_mem>>)
    %add3A_420 = arith.constant 27 : i32
    %add3A_421 = arith.addi %select_n3A, %add3A_420 : i32
    %ge3A_422 = arith.constant 40 : i32
    %ge3A_423 = arith.cmpi sge, %add3A_421, %ge3A_422 : i32
    %sub3A_424 = arith.constant 40 : i32
    %sub3A_425 = arith.subi %add3A_421, %sub3A_424 : i32
    %select_n3A_426 = arith.select %ge3A_423, %sub3A_425, %add3A_421 : i32
    %mul3A_427 = arith.constant 1000 : i32
    %mul3A_428 = arith.muli %select_n3A_426, %mul3A_427 : i32
    %dma_start3A_429 = tpu.memref_slice %arg11[%mul3A_428] : memref<40000xf32, #tpu.memory_space<vmem>> -> memref<1000xf32, #tpu.memory_space<vmem>>
    %dma_start3A_430 = tpu.memref_slice %arg2[%mul3A_428] : memref<40000xf32, #tpu.memory_space<hbm>> -> memref<1000xf32, #tpu.memory_space<hbm>>
    %dma_start3A_431 = tpu.memref_slice %arg11[%mul3A_428] : memref<40000xf32, #tpu.memory_space<vmem>> -> memref<1000xf32, #tpu.memory_space<vmem>>
    %dma_start3A_432 = tpu.memref_slice %arg2[%mul3A_428] : memref<40000xf32, #tpu.memory_space<hbm>> -> memref<1000xf32, #tpu.memory_space<hbm>>
    tpu.enqueue_dma source(%dma_start3A_432 : memref<1000xf32, #tpu.memory_space<hbm>>) target(%dma_start3A_431 : memref<1000xf32, #tpu.memory_space<vmem>>) target_semaphore(%arg20 : memref<!tpu.dma_semaphore, #tpu.memory_space<semaphore_mem>>)
    %add3A_433 = arith.constant 28 : i32
    %add3A_434 = arith.addi %select_n3A, %add3A_433 : i32
    %ge3A_435 = arith.constant 40 : i32
    %ge3A_436 = arith.cmpi sge, %add3A_434, %ge3A_435 : i32
    %sub3A_437 = arith.constant 40 : i32
    %sub3A_438 = arith.subi %add3A_434, %sub3A_437 : i32
    %select_n3A_439 = arith.select %ge3A_436, %sub3A_438, %add3A_434 : i32
    %mul3A_440 = arith.constant 1000 : i32
    %mul3A_441 = arith.muli %select_n3A_439, %mul3A_440 : i32
    %dma_start3A_442 = tpu.memref_slice %arg11[%mul3A_441] : memref<40000xf32, #tpu.memory_space<vmem>> -> memref<1000xf32, #tpu.memory_space<vmem>>
    %dma_start3A_443 = tpu.memref_slice %arg2[%mul3A_441] : memref<40000xf32, #tpu.memory_space<hbm>> -> memref<1000xf32, #tpu.memory_space<hbm>>
    %dma_start3A_444 = tpu.memref_slice %arg11[%mul3A_441] : memref<40000xf32, #tpu.memory_space<vmem>> -> memref<1000xf32, #tpu.memory_space<vmem>>
    %dma_start3A_445 = tpu.memref_slice %arg2[%mul3A_441] : memref<40000xf32, #tpu.memory_space<hbm>> -> memref<1000xf32, #tpu.memory_space<hbm>>
    tpu.enqueue_dma source(%dma_start3A_445 : memref<1000xf32, #tpu.memory_space<hbm>>) target(%dma_start3A_444 : memref<1000xf32, #tpu.memory_space<vmem>>) target_semaphore(%arg20 : memref<!tpu.dma_semaphore, #tpu.memory_space<semaphore_mem>>)
    %add3A_446 = arith.constant 29 : i32
    %add3A_447 = arith.addi %select_n3A, %add3A_446 : i32
    %ge3A_448 = arith.constant 40 : i32
    %ge3A_449 = arith.cmpi sge, %add3A_447, %ge3A_448 : i32
    %sub3A_450 = arith.constant 40 : i32
    %sub3A_451 = arith.subi %add3A_447, %sub3A_450 : i32
    %select_n3A_452 = arith.select %ge3A_449, %sub3A_451, %add3A_447 : i32
    %mul3A_453 = arith.constant 1000 : i32
    %mul3A_454 = arith.muli %select_n3A_452, %mul3A_453 : i32
    %dma_start3A_455 = tpu.memref_slice %arg11[%mul3A_454] : memref<40000xf32, #tpu.memory_space<vmem>> -> memref<1000xf32, #tpu.memory_space<vmem>>
    %dma_start3A_456 = tpu.memref_slice %arg2[%mul3A_454] : memref<40000xf32, #tpu.memory_space<hbm>> -> memref<1000xf32, #tpu.memory_space<hbm>>
    %dma_start3A_457 = tpu.memref_slice %arg11[%mul3A_454] : memref<40000xf32, #tpu.memory_space<vmem>> -> memref<1000xf32, #tpu.memory_space<vmem>>
    %dma_start3A_458 = tpu.memref_slice %arg2[%mul3A_454] : memref<40000xf32, #tpu.memory_space<hbm>> -> memref<1000xf32, #tpu.memory_space<hbm>>
    tpu.enqueue_dma source(%dma_start3A_458 : memref<1000xf32, #tpu.memory_space<hbm>>) target(%dma_start3A_457 : memref<1000xf32, #tpu.memory_space<vmem>>) target_semaphore(%arg20 : memref<!tpu.dma_semaphore, #tpu.memory_space<semaphore_mem>>)
    %add3A_459 = arith.constant 30 : i32
    %add3A_460 = arith.addi %select_n3A, %add3A_459 : i32
    %ge3A_461 = arith.constant 40 : i32
    %ge3A_462 = arith.cmpi sge, %add3A_460, %ge3A_461 : i32
    %sub3A_463 = arith.constant 40 : i32
    %sub3A_464 = arith.subi %add3A_460, %sub3A_463 : i32
    %select_n3A_465 = arith.select %ge3A_462, %sub3A_464, %add3A_460 : i32
    %mul3A_466 = arith.constant 1000 : i32
    %mul3A_467 = arith.muli %select_n3A_465, %mul3A_466 : i32
    %dma_start3A_468 = tpu.memref_slice %arg11[%mul3A_467] : memref<40000xf32, #tpu.memory_space<vmem>> -> memref<1000xf32, #tpu.memory_space<vmem>>
    %dma_start3A_469 = tpu.memref_slice %arg2[%mul3A_467] : memref<40000xf32, #tpu.memory_space<hbm>> -> memref<1000xf32, #tpu.memory_space<hbm>>
    %dma_start3A_470 = tpu.memref_slice %arg11[%mul3A_467] : memref<40000xf32, #tpu.memory_space<vmem>> -> memref<1000xf32, #tpu.memory_space<vmem>>
    %dma_start3A_471 = tpu.memref_slice %arg2[%mul3A_467] : memref<40000xf32, #tpu.memory_space<hbm>> -> memref<1000xf32, #tpu.memory_space<hbm>>
    tpu.enqueue_dma source(%dma_start3A_471 : memref<1000xf32, #tpu.memory_space<hbm>>) target(%dma_start3A_470 : memref<1000xf32, #tpu.memory_space<vmem>>) target_semaphore(%arg20 : memref<!tpu.dma_semaphore, #tpu.memory_space<semaphore_mem>>)
    %add3A_472 = arith.constant 31 : i32
    %add3A_473 = arith.addi %select_n3A, %add3A_472 : i32
    %ge3A_474 = arith.constant 40 : i32
    %ge3A_475 = arith.cmpi sge, %add3A_473, %ge3A_474 : i32
    %sub3A_476 = arith.constant 40 : i32
    %sub3A_477 = arith.subi %add3A_473, %sub3A_476 : i32
    %select_n3A_478 = arith.select %ge3A_475, %sub3A_477, %add3A_473 : i32
    %mul3A_479 = arith.constant 1000 : i32
    %mul3A_480 = arith.muli %select_n3A_478, %mul3A_479 : i32
    %dma_start3A_481 = tpu.memref_slice %arg11[%mul3A_480] : memref<40000xf32, #tpu.memory_space<vmem>> -> memref<1000xf32, #tpu.memory_space<vmem>>
    %dma_start3A_482 = tpu.memref_slice %arg2[%mul3A_480] : memref<40000xf32, #tpu.memory_space<hbm>> -> memref<1000xf32, #tpu.memory_space<hbm>>
    %dma_start3A_483 = tpu.memref_slice %arg11[%mul3A_480] : memref<40000xf32, #tpu.memory_space<vmem>> -> memref<1000xf32, #tpu.memory_space<vmem>>
    %dma_start3A_484 = tpu.memref_slice %arg2[%mul3A_480] : memref<40000xf32, #tpu.memory_space<hbm>> -> memref<1000xf32, #tpu.memory_space<hbm>>
    tpu.enqueue_dma source(%dma_start3A_484 : memref<1000xf32, #tpu.memory_space<hbm>>) target(%dma_start3A_483 : memref<1000xf32, #tpu.memory_space<vmem>>) target_semaphore(%arg20 : memref<!tpu.dma_semaphore, #tpu.memory_space<semaphore_mem>>)
    %add3A_485 = arith.constant 32 : i32
    %add3A_486 = arith.addi %select_n3A, %add3A_485 : i32
    %ge3A_487 = arith.constant 40 : i32
    %ge3A_488 = arith.cmpi sge, %add3A_486, %ge3A_487 : i32
    %sub3A_489 = arith.constant 40 : i32
    %sub3A_490 = arith.subi %add3A_486, %sub3A_489 : i32
    %select_n3A_491 = arith.select %ge3A_488, %sub3A_490, %add3A_486 : i32
    %mul3A_492 = arith.constant 1000 : i32
    %mul3A_493 = arith.muli %select_n3A_491, %mul3A_492 : i32
    %dma_start3A_494 = tpu.memref_slice %arg11[%mul3A_493] : memref<40000xf32, #tpu.memory_space<vmem>> -> memref<1000xf32, #tpu.memory_space<vmem>>
    %dma_start3A_495 = tpu.memref_slice %arg2[%mul3A_493] : memref<40000xf32, #tpu.memory_space<hbm>> -> memref<1000xf32, #tpu.memory_space<hbm>>
    %dma_start3A_496 = tpu.memref_slice %arg11[%mul3A_493] : memref<40000xf32, #tpu.memory_space<vmem>> -> memref<1000xf32, #tpu.memory_space<vmem>>
    %dma_start3A_497 = tpu.memref_slice %arg2[%mul3A_493] : memref<40000xf32, #tpu.memory_space<hbm>> -> memref<1000xf32, #tpu.memory_space<hbm>>
    tpu.enqueue_dma source(%dma_start3A_497 : memref<1000xf32, #tpu.memory_space<hbm>>) target(%dma_start3A_496 : memref<1000xf32, #tpu.memory_space<vmem>>) target_semaphore(%arg20 : memref<!tpu.dma_semaphore, #tpu.memory_space<semaphore_mem>>)
    %add3A_498 = arith.constant 33 : i32
    %add3A_499 = arith.addi %select_n3A, %add3A_498 : i32
    %ge3A_500 = arith.constant 40 : i32
    %ge3A_501 = arith.cmpi sge, %add3A_499, %ge3A_500 : i32
    %sub3A_502 = arith.constant 40 : i32
    %sub3A_503 = arith.subi %add3A_499, %sub3A_502 : i32
    %select_n3A_504 = arith.select %ge3A_501, %sub3A_503, %add3A_499 : i32
    %mul3A_505 = arith.constant 1000 : i32
    %mul3A_506 = arith.muli %select_n3A_504, %mul3A_505 : i32
    %dma_start3A_507 = tpu.memref_slice %arg11[%mul3A_506] : memref<40000xf32, #tpu.memory_space<vmem>> -> memref<1000xf32, #tpu.memory_space<vmem>>
    %dma_start3A_508 = tpu.memref_slice %arg2[%mul3A_506] : memref<40000xf32, #tpu.memory_space<hbm>> -> memref<1000xf32, #tpu.memory_space<hbm>>
    %dma_start3A_509 = tpu.memref_slice %arg11[%mul3A_506] : memref<40000xf32, #tpu.memory_space<vmem>> -> memref<1000xf32, #tpu.memory_space<vmem>>
    %dma_start3A_510 = tpu.memref_slice %arg2[%mul3A_506] : memref<40000xf32, #tpu.memory_space<hbm>> -> memref<1000xf32, #tpu.memory_space<hbm>>
    tpu.enqueue_dma source(%dma_start3A_510 : memref<1000xf32, #tpu.memory_space<hbm>>) target(%dma_start3A_509 : memref<1000xf32, #tpu.memory_space<vmem>>) target_semaphore(%arg20 : memref<!tpu.dma_semaphore, #tpu.memory_space<semaphore_mem>>)
    %add3A_511 = arith.constant 34 : i32
    %add3A_512 = arith.addi %select_n3A, %add3A_511 : i32
    %ge3A_513 = arith.constant 40 : i32
    %ge3A_514 = arith.cmpi sge, %add3A_512, %ge3A_513 : i32
    %sub3A_515 = arith.constant 40 : i32
    %sub3A_516 = arith.subi %add3A_512, %sub3A_515 : i32
    %select_n3A_517 = arith.select %ge3A_514, %sub3A_516, %add3A_512 : i32
    %mul3A_518 = arith.constant 1000 : i32
    %mul3A_519 = arith.muli %select_n3A_517, %mul3A_518 : i32
    %dma_start3A_520 = tpu.memref_slice %arg11[%mul3A_519] : memref<40000xf32, #tpu.memory_space<vmem>> -> memref<1000xf32, #tpu.memory_space<vmem>>
    %dma_start3A_521 = tpu.memref_slice %arg2[%mul3A_519] : memref<40000xf32, #tpu.memory_space<hbm>> -> memref<1000xf32, #tpu.memory_space<hbm>>
    %dma_start3A_522 = tpu.memref_slice %arg11[%mul3A_519] : memref<40000xf32, #tpu.memory_space<vmem>> -> memref<1000xf32, #tpu.memory_space<vmem>>
    %dma_start3A_523 = tpu.memref_slice %arg2[%mul3A_519] : memref<40000xf32, #tpu.memory_space<hbm>> -> memref<1000xf32, #tpu.memory_space<hbm>>
    tpu.enqueue_dma source(%dma_start3A_523 : memref<1000xf32, #tpu.memory_space<hbm>>) target(%dma_start3A_522 : memref<1000xf32, #tpu.memory_space<vmem>>) target_semaphore(%arg20 : memref<!tpu.dma_semaphore, #tpu.memory_space<semaphore_mem>>)
    %add3A_524 = arith.constant 35 : i32
    %add3A_525 = arith.addi %select_n3A, %add3A_524 : i32
    %ge3A_526 = arith.constant 40 : i32
    %ge3A_527 = arith.cmpi sge, %add3A_525, %ge3A_526 : i32
    %sub3A_528 = arith.constant 40 : i32
    %sub3A_529 = arith.subi %add3A_525, %sub3A_528 : i32
    %select_n3A_530 = arith.select %ge3A_527, %sub3A_529, %add3A_525 : i32
    %mul3A_531 = arith.constant 1000 : i32
    %mul3A_532 = arith.muli %select_n3A_530, %mul3A_531 : i32
    %dma_start3A_533 = tpu.memref_slice %arg11[%mul3A_532] : memref<40000xf32, #tpu.memory_space<vmem>> -> memref<1000xf32, #tpu.memory_space<vmem>>
    %dma_start3A_534 = tpu.memref_slice %arg2[%mul3A_532] : memref<40000xf32, #tpu.memory_space<hbm>> -> memref<1000xf32, #tpu.memory_space<hbm>>
    %dma_start3A_535 = tpu.memref_slice %arg11[%mul3A_532] : memref<40000xf32, #tpu.memory_space<vmem>> -> memref<1000xf32, #tpu.memory_space<vmem>>
    %dma_start3A_536 = tpu.memref_slice %arg2[%mul3A_532] : memref<40000xf32, #tpu.memory_space<hbm>> -> memref<1000xf32, #tpu.memory_space<hbm>>
    tpu.enqueue_dma source(%dma_start3A_536 : memref<1000xf32, #tpu.memory_space<hbm>>) target(%dma_start3A_535 : memref<1000xf32, #tpu.memory_space<vmem>>) target_semaphore(%arg20 : memref<!tpu.dma_semaphore, #tpu.memory_space<semaphore_mem>>)
    %add3A_537 = arith.constant 36 : i32
    %add3A_538 = arith.addi %select_n3A, %add3A_537 : i32
    %ge3A_539 = arith.constant 40 : i32
    %ge3A_540 = arith.cmpi sge, %add3A_538, %ge3A_539 : i32
    %sub3A_541 = arith.constant 40 : i32
    %sub3A_542 = arith.subi %add3A_538, %sub3A_541 : i32
    %select_n3A_543 = arith.select %ge3A_540, %sub3A_542, %add3A_538 : i32
    %mul3A_544 = arith.constant 1000 : i32
    %mul3A_545 = arith.muli %select_n3A_543, %mul3A_544 : i32
    %dma_start3A_546 = tpu.memref_slice %arg11[%mul3A_545] : memref<40000xf32, #tpu.memory_space<vmem>> -> memref<1000xf32, #tpu.memory_space<vmem>>
    %dma_start3A_547 = tpu.memref_slice %arg2[%mul3A_545] : memref<40000xf32, #tpu.memory_space<hbm>> -> memref<1000xf32, #tpu.memory_space<hbm>>
    %dma_start3A_548 = tpu.memref_slice %arg11[%mul3A_545] : memref<40000xf32, #tpu.memory_space<vmem>> -> memref<1000xf32, #tpu.memory_space<vmem>>
    %dma_start3A_549 = tpu.memref_slice %arg2[%mul3A_545] : memref<40000xf32, #tpu.memory_space<hbm>> -> memref<1000xf32, #tpu.memory_space<hbm>>
    tpu.enqueue_dma source(%dma_start3A_549 : memref<1000xf32, #tpu.memory_space<hbm>>) target(%dma_start3A_548 : memref<1000xf32, #tpu.memory_space<vmem>>) target_semaphore(%arg20 : memref<!tpu.dma_semaphore, #tpu.memory_space<semaphore_mem>>)
    %add3A_550 = arith.constant 37 : i32
    %add3A_551 = arith.addi %select_n3A, %add3A_550 : i32
    %ge3A_552 = arith.constant 40 : i32
    %ge3A_553 = arith.cmpi sge, %add3A_551, %ge3A_552 : i32
    %sub3A_554 = arith.constant 40 : i32
    %sub3A_555 = arith.subi %add3A_551, %sub3A_554 : i32
    %select_n3A_556 = arith.select %ge3A_553, %sub3A_555, %add3A_551 : i32
    %mul3A_557 = arith.constant 1000 : i32
    %mul3A_558 = arith.muli %select_n3A_556, %mul3A_557 : i32
    %dma_start3A_559 = tpu.memref_slice %arg11[%mul3A_558] : memref<40000xf32, #tpu.memory_space<vmem>> -> memref<1000xf32, #tpu.memory_space<vmem>>
    %dma_start3A_560 = tpu.memref_slice %arg2[%mul3A_558] : memref<40000xf32, #tpu.memory_space<hbm>> -> memref<1000xf32, #tpu.memory_space<hbm>>
    %dma_start3A_561 = tpu.memref_slice %arg11[%mul3A_558] : memref<40000xf32, #tpu.memory_space<vmem>> -> memref<1000xf32, #tpu.memory_space<vmem>>
    %dma_start3A_562 = tpu.memref_slice %arg2[%mul3A_558] : memref<40000xf32, #tpu.memory_space<hbm>> -> memref<1000xf32, #tpu.memory_space<hbm>>
    tpu.enqueue_dma source(%dma_start3A_562 : memref<1000xf32, #tpu.memory_space<hbm>>) target(%dma_start3A_561 : memref<1000xf32, #tpu.memory_space<vmem>>) target_semaphore(%arg20 : memref<!tpu.dma_semaphore, #tpu.memory_space<semaphore_mem>>)
    %add3A_563 = arith.constant 38 : i32
    %add3A_564 = arith.addi %select_n3A, %add3A_563 : i32
    %ge3A_565 = arith.constant 40 : i32
    %ge3A_566 = arith.cmpi sge, %add3A_564, %ge3A_565 : i32
    %sub3A_567 = arith.constant 40 : i32
    %sub3A_568 = arith.subi %add3A_564, %sub3A_567 : i32
    %select_n3A_569 = arith.select %ge3A_566, %sub3A_568, %add3A_564 : i32
    %mul3A_570 = arith.constant 1000 : i32
    %mul3A_571 = arith.muli %select_n3A_569, %mul3A_570 : i32
    %dma_start3A_572 = tpu.memref_slice %arg11[%mul3A_571] : memref<40000xf32, #tpu.memory_space<vmem>> -> memref<1000xf32, #tpu.memory_space<vmem>>
    %dma_start3A_573 = tpu.memref_slice %arg2[%mul3A_571] : memref<40000xf32, #tpu.memory_space<hbm>> -> memref<1000xf32, #tpu.memory_space<hbm>>
    %dma_start3A_574 = tpu.memref_slice %arg11[%mul3A_571] : memref<40000xf32, #tpu.memory_space<vmem>> -> memref<1000xf32, #tpu.memory_space<vmem>>
    %dma_start3A_575 = tpu.memref_slice %arg2[%mul3A_571] : memref<40000xf32, #tpu.memory_space<hbm>> -> memref<1000xf32, #tpu.memory_space<hbm>>
    tpu.enqueue_dma source(%dma_start3A_575 : memref<1000xf32, #tpu.memory_space<hbm>>) target(%dma_start3A_574 : memref<1000xf32, #tpu.memory_space<vmem>>) target_semaphore(%arg20 : memref<!tpu.dma_semaphore, #tpu.memory_space<semaphore_mem>>)
    %add3A_576 = arith.constant 39 : i32
    %add3A_577 = arith.addi %select_n3A, %add3A_576 : i32
    %ge3A_578 = arith.constant 40 : i32
    %ge3A_579 = arith.cmpi sge, %add3A_577, %ge3A_578 : i32
    %sub3A_580 = arith.constant 40 : i32
    %sub3A_581 = arith.subi %add3A_577, %sub3A_580 : i32
    %select_n3A_582 = arith.select %ge3A_579, %sub3A_581, %add3A_577 : i32
    %mul3A_583 = arith.constant 1000 : i32
    %mul3A_584 = arith.muli %select_n3A_582, %mul3A_583 : i32
    %dma_start3A_585 = tpu.memref_slice %arg11[%mul3A_584] : memref<40000xf32, #tpu.memory_space<vmem>> -> memref<1000xf32, #tpu.memory_space<vmem>>
    %dma_start3A_586 = tpu.memref_slice %arg2[%mul3A_584] : memref<40000xf32, #tpu.memory_space<hbm>> -> memref<1000xf32, #tpu.memory_space<hbm>>
    %dma_start3A_587 = tpu.memref_slice %arg11[%mul3A_584] : memref<40000xf32, #tpu.memory_space<vmem>> -> memref<1000xf32, #tpu.memory_space<vmem>>
    %dma_start3A_588 = tpu.memref_slice %arg2[%mul3A_584] : memref<40000xf32, #tpu.memory_space<hbm>> -> memref<1000xf32, #tpu.memory_space<hbm>>
    tpu.enqueue_dma source(%dma_start3A_588 : memref<1000xf32, #tpu.memory_space<hbm>>) target(%dma_start3A_587 : memref<1000xf32, #tpu.memory_space<vmem>>) target_semaphore(%arg20 : memref<!tpu.dma_semaphore, #tpu.memory_space<semaphore_mem>>)
    %broadcast_in_dim3A = arith.constant 0.000000e+00 : f32
    %broadcast_in_dim3A_589 = vector.broadcast %broadcast_in_dim3A : f32 to vector<16xf32>
    %scan3A = arith.constant 0 : i32
    %scan3A_590 = arith.constant 0 : i32
    %scan3A_591 = arith.constant 625 : i32
    %scan3A_592 = arith.addi %scan3A_590, %scan3A_591 : i32
    %scan3A_593 = arith.constant 1 : i32
    scf.for %scan3A_838 = %scan3A_590 to %scan3A_592 step %scan3A_593  : i32 {
      %mul3A_839 = arith.constant 16 : i32
      %mul3A_840 = arith.muli %scan3A_838, %mul3A_839 : i32
      %swap3A_841 = arith.index_cast %mul3A_840 : i32 to index
      %swap3A_842 = tpu.vector_load %arg12[%swap3A_841] {strides = array<i32>} : memref<10000xf32, #tpu.memory_space<vmem>>, vector<16xf32>,
      tpu.vector_store %arg12[%swap3A_841], %broadcast_in_dim3A_589 {strides = array<i32>} : memref<10000xf32, #tpu.memory_space<vmem>>, vector<16xf32>,
      %swap3A_843 = arith.index_cast %mul3A_840 : i32 to index
      %swap3A_844 = tpu.vector_load %arg13[%swap3A_843] {strides = array<i32>} : memref<10000xf32, #tpu.memory_space<vmem>>, vector<16xf32>,
      tpu.vector_store %arg13[%swap3A_843], %broadcast_in_dim3A_589 {strides = array<i32>} : memref<10000xf32, #tpu.memory_space<vmem>>, vector<16xf32>,
      %swap3A_845 = arith.index_cast %mul3A_840 : i32 to index
      %swap3A_846 = tpu.vector_load %arg14[%swap3A_845] {strides = array<i32>} : memref<10000xf32, #tpu.memory_space<vmem>>, vector<16xf32>,
      tpu.vector_store %arg14[%swap3A_845], %broadcast_in_dim3A_589 {strides = array<i32>} : memref<10000xf32, #tpu.memory_space<vmem>>, vector<16xf32>,
    }
    %scan3A_594 = arith.constant 625 : i32
    %dma_wait3A = arith.constant 0 : i32
    %dma_wait3A_595 = tpu.memref_slice %arg15[%dma_wait3A] : memref<10496xi32, #tpu.memory_space<vmem>> -> memref<9984xi32, #tpu.memory_space<vmem>>
    %dma_wait3A_596 = tpu.memref_slice %arg3[%mul3A_2] : memref<640000xi32, #tpu.memory_space<hbm>> -> memref<9984xi32, #tpu.memory_space<hbm>>
    %dma_wait3A_597 = arith.constant 0 : i32
    %dma_wait3A_598 = tpu.memref_slice %arg15[%dma_wait3A_597] : memref<10496xi32, #tpu.memory_space<vmem>> -> memref<9984xi32, #tpu.memory_space<vmem>>
    %dma_wait3A_599 = tpu.memref_slice %arg3[%mul3A_2] : memref<640000xi32, #tpu.memory_space<hbm>> -> memref<9984xi32, #tpu.memory_space<hbm>>
    tpu.wait_dma2 semaphore(%arg20 : memref<!tpu.dma_semaphore, #tpu.memory_space<semaphore_mem>>) src(%dma_wait3A_599 : memref<9984xi32, #tpu.memory_space<hbm>>) dst(%dma_wait3A_598 : memref<9984xi32, #tpu.memory_space<vmem>>)
    %dma_wait3A_600 = arith.constant 0 : i32
    %dma_wait3A_601 = tpu.memref_slice %arg16[%dma_wait3A_600] : memref<10496xi32, #tpu.memory_space<vmem>> -> memref<9984xi32, #tpu.memory_space<vmem>>
    %dma_wait3A_602 = tpu.memref_slice %arg3[%add3A_9] : memref<640000xi32, #tpu.memory_space<hbm>> -> memref<9984xi32, #tpu.memory_space<hbm>>
    %dma_wait3A_603 = arith.constant 0 : i32
    %dma_wait3A_604 = tpu.memref_slice %arg16[%dma_wait3A_603] : memref<10496xi32, #tpu.memory_space<vmem>> -> memref<9984xi32, #tpu.memory_space<vmem>>
    %dma_wait3A_605 = tpu.memref_slice %arg3[%add3A_9] : memref<640000xi32, #tpu.memory_space<hbm>> -> memref<9984xi32, #tpu.memory_space<hbm>>
    tpu.wait_dma2 semaphore(%arg20 : memref<!tpu.dma_semaphore, #tpu.memory_space<semaphore_mem>>) src(%dma_wait3A_605 : memref<9984xi32, #tpu.memory_space<hbm>>) dst(%dma_wait3A_604 : memref<9984xi32, #tpu.memory_space<vmem>>)
    %dma_wait3A_606 = arith.constant 0 : i32
    %dma_wait3A_607 = arith.constant 0 : i32
    %dma_wait3A_608 = tpu.memref_slice %arg17[%dma_wait3A_607] : memref<10496xf32, #tpu.memory_space<vmem>> -> memref<9984xf32, #tpu.memory_space<vmem>>
    %dma_wait3A_609 = tpu.memref_slice %arg4[%dma_wait3A_606, %mul3A_2] : memref<1x320000xf32, #tpu.memory_space<hbm>> -> memref<1x9984xf32, #tpu.memory_space<hbm>>
    %dma_wait3A_610 = tpu.memref_squeeze %dma_wait3A_609 : memref<1x9984xf32, #tpu.memory_space<hbm>> -> memref<9984xf32, #tpu.memory_space<hbm>>
    %dma_wait3A_611 = arith.constant 0 : i32
    %dma_wait3A_612 = tpu.memref_slice %arg17[%dma_wait3A_611] : memref<10496xf32, #tpu.memory_space<vmem>> -> memref<9984xf32, #tpu.memory_space<vmem>>
    %dma_wait3A_613 = tpu.memref_slice %arg4[%dma_wait3A_606, %mul3A_2] : memref<1x320000xf32, #tpu.memory_space<hbm>> -> memref<1x9984xf32, #tpu.memory_space<hbm>>
    %dma_wait3A_614 = tpu.memref_squeeze %dma_wait3A_613 : memref<1x9984xf32, #tpu.memory_space<hbm>> -> memref<9984xf32, #tpu.memory_space<hbm>>
    tpu.wait_dma2 semaphore(%arg20 : memref<!tpu.dma_semaphore, #tpu.memory_space<semaphore_mem>>) src(%dma_wait3A_614 : memref<9984xf32, #tpu.memory_space<hbm>>) dst(%dma_wait3A_612 : memref<9984xf32, #tpu.memory_space<vmem>>)
    tpu.wait_dma2 semaphore(%arg20 : memref<!tpu.dma_semaphore, #tpu.memory_space<semaphore_mem>>) src(%arg5 : memref<16xf32, #tpu.memory_space<hbm>>) dst(%arg18 : memref<16xf32, #tpu.memory_space<vmem>>)
    %dma_wait3A_615 = arith.constant 9984 : i32
    %dma_wait3A_616 = tpu.memref_slice %arg15[%dma_wait3A_615] : memref<10496xi32, #tpu.memory_space<vmem>> -> memref<512xi32, #tpu.memory_space<vmem>>
    %dma_wait3A_617 = arith.constant 319488 : i32
    %dma_wait3A_618 = tpu.memref_slice %arg3[%dma_wait3A_617] : memref<640000xi32, #tpu.memory_space<hbm>> -> memref<512xi32, #tpu.memory_space<hbm>>
    %dma_wait3A_619 = arith.constant 9984 : i32
    %dma_wait3A_620 = tpu.memref_slice %arg15[%dma_wait3A_619] : memref<10496xi32, #tpu.memory_space<vmem>> -> memref<512xi32, #tpu.memory_space<vmem>>
    %dma_wait3A_621 = arith.constant 319488 : i32
    %dma_wait3A_622 = tpu.memref_slice %arg3[%dma_wait3A_621] : memref<640000xi32, #tpu.memory_space<hbm>> -> memref<512xi32, #tpu.memory_space<hbm>>
    tpu.wait_dma2 semaphore(%arg20 : memref<!tpu.dma_semaphore, #tpu.memory_space<semaphore_mem>>) src(%dma_wait3A_622 : memref<512xi32, #tpu.memory_space<hbm>>) dst(%dma_wait3A_620 : memref<512xi32, #tpu.memory_space<vmem>>)
    %dma_wait3A_623 = arith.constant 9984 : i32
    %dma_wait3A_624 = tpu.memref_slice %arg16[%dma_wait3A_623] : memref<10496xi32, #tpu.memory_space<vmem>> -> memref<512xi32, #tpu.memory_space<vmem>>
    %dma_wait3A_625 = arith.constant 639488 : i32
    %dma_wait3A_626 = tpu.memref_slice %arg3[%dma_wait3A_625] : memref<640000xi32, #tpu.memory_space<hbm>> -> memref<512xi32, #tpu.memory_space<hbm>>
    %dma_wait3A_627 = arith.constant 9984 : i32
    %dma_wait3A_628 = tpu.memref_slice %arg16[%dma_wait3A_627] : memref<10496xi32, #tpu.memory_space<vmem>> -> memref<512xi32, #tpu.memory_space<vmem>>
    %dma_wait3A_629 = arith.constant 639488 : i32
    %dma_wait3A_630 = tpu.memref_slice %arg3[%dma_wait3A_629] : memref<640000xi32, #tpu.memory_space<hbm>> -> memref<512xi32, #tpu.memory_space<hbm>>
    tpu.wait_dma2 semaphore(%arg20 : memref<!tpu.dma_semaphore, #tpu.memory_space<semaphore_mem>>) src(%dma_wait3A_630 : memref<512xi32, #tpu.memory_space<hbm>>) dst(%dma_wait3A_628 : memref<512xi32, #tpu.memory_space<vmem>>)
    %dma_wait3A_631 = arith.constant 0 : i32
    %dma_wait3A_632 = arith.constant 9984 : i32
    %dma_wait3A_633 = tpu.memref_slice %arg17[%dma_wait3A_632] : memref<10496xf32, #tpu.memory_space<vmem>> -> memref<512xf32, #tpu.memory_space<vmem>>
    %dma_wait3A_634 = arith.constant 319488 : i32
    %dma_wait3A_635 = tpu.memref_slice %arg4[%dma_wait3A_631, %dma_wait3A_634] : memref<1x320000xf32, #tpu.memory_space<hbm>> -> memref<1x512xf32, #tpu.memory_space<hbm>>
    %dma_wait3A_636 = tpu.memref_squeeze %dma_wait3A_635 : memref<1x512xf32, #tpu.memory_space<hbm>> -> memref<512xf32, #tpu.memory_space<hbm>>
    %dma_wait3A_637 = arith.constant 9984 : i32
    %dma_wait3A_638 = tpu.memref_slice %arg17[%dma_wait3A_637] : memref<10496xf32, #tpu.memory_space<vmem>> -> memref<512xf32, #tpu.memory_space<vmem>>
    %dma_wait3A_639 = arith.constant 319488 : i32
    %dma_wait3A_640 = tpu.memref_slice %arg4[%dma_wait3A_631, %dma_wait3A_639] : memref<1x320000xf32, #tpu.memory_space<hbm>> -> memref<1x512xf32, #tpu.memory_space<hbm>>
    %dma_wait3A_641 = tpu.memref_squeeze %dma_wait3A_640 : memref<1x512xf32, #tpu.memory_space<hbm>> -> memref<512xf32, #tpu.memory_space<hbm>>
    tpu.wait_dma2 semaphore(%arg20 : memref<!tpu.dma_semaphore, #tpu.memory_space<semaphore_mem>>) src(%dma_wait3A_641 : memref<512xf32, #tpu.memory_space<hbm>>) dst(%dma_wait3A_638 : memref<512xf32, #tpu.memory_space<vmem>>)
    %dma_wait3A_642 = tpu.memref_slice %arg11[%mul3A_77] : memref<40000xf32, #tpu.memory_space<vmem>> -> memref<1000xf32, #tpu.memory_space<vmem>>
    %dma_wait3A_643 = tpu.memref_slice %arg2[%mul3A_77] : memref<40000xf32, #tpu.memory_space<hbm>> -> memref<1000xf32, #tpu.memory_space<hbm>>
    %dma_wait3A_644 = tpu.memref_slice %arg11[%mul3A_77] : memref<40000xf32, #tpu.memory_space<vmem>> -> memref<1000xf32, #tpu.memory_space<vmem>>
    %dma_wait3A_645 = tpu.memref_slice %arg2[%mul3A_77] : memref<40000xf32, #tpu.memory_space<hbm>> -> memref<1000xf32, #tpu.memory_space<hbm>>
    tpu.wait_dma2 semaphore(%arg20 : memref<!tpu.dma_semaphore, #tpu.memory_space<semaphore_mem>>) src(%dma_wait3A_645 : memref<1000xf32, #tpu.memory_space<hbm>>) dst(%dma_wait3A_644 : memref<1000xf32, #tpu.memory_space<vmem>>)
    %dma_wait3A_646 = tpu.memref_slice %arg11[%mul3A_90] : memref<40000xf32, #tpu.memory_space<vmem>> -> memref<1000xf32, #tpu.memory_space<vmem>>
    %dma_wait3A_647 = tpu.memref_slice %arg2[%mul3A_90] : memref<40000xf32, #tpu.memory_space<hbm>> -> memref<1000xf32, #tpu.memory_space<hbm>>
    %dma_wait3A_648 = tpu.memref_slice %arg11[%mul3A_90] : memref<40000xf32, #tpu.memory_space<vmem>> -> memref<1000xf32, #tpu.memory_space<vmem>>
    %dma_wait3A_649 = tpu.memref_slice %arg2[%mul3A_90] : memref<40000xf32, #tpu.memory_space<hbm>> -> memref<1000xf32, #tpu.memory_space<hbm>>
    tpu.wait_dma2 semaphore(%arg20 : memref<!tpu.dma_semaphore, #tpu.memory_space<semaphore_mem>>) src(%dma_wait3A_649 : memref<1000xf32, #tpu.memory_space<hbm>>) dst(%dma_wait3A_648 : memref<1000xf32, #tpu.memory_space<vmem>>)
    %dma_wait3A_650 = tpu.memref_slice %arg11[%mul3A_103] : memref<40000xf32, #tpu.memory_space<vmem>> -> memref<1000xf32, #tpu.memory_space<vmem>>
    %dma_wait3A_651 = tpu.memref_slice %arg2[%mul3A_103] : memref<40000xf32, #tpu.memory_space<hbm>> -> memref<1000xf32, #tpu.memory_space<hbm>>
    %dma_wait3A_652 = tpu.memref_slice %arg11[%mul3A_103] : memref<40000xf32, #tpu.memory_space<vmem>> -> memref<1000xf32, #tpu.memory_space<vmem>>
    %dma_wait3A_653 = tpu.memref_slice %arg2[%mul3A_103] : memref<40000xf32, #tpu.memory_space<hbm>> -> memref<1000xf32, #tpu.memory_space<hbm>>
    tpu.wait_dma2 semaphore(%arg20 : memref<!tpu.dma_semaphore, #tpu.memory_space<semaphore_mem>>) src(%dma_wait3A_653 : memref<1000xf32, #tpu.memory_space<hbm>>) dst(%dma_wait3A_652 : memref<1000xf32, #tpu.memory_space<vmem>>)
    %dma_wait3A_654 = tpu.memref_slice %arg11[%mul3A_116] : memref<40000xf32, #tpu.memory_space<vmem>> -> memref<1000xf32, #tpu.memory_space<vmem>>
    %dma_wait3A_655 = tpu.memref_slice %arg2[%mul3A_116] : memref<40000xf32, #tpu.memory_space<hbm>> -> memref<1000xf32, #tpu.memory_space<hbm>>
    %dma_wait3A_656 = tpu.memref_slice %arg11[%mul3A_116] : memref<40000xf32, #tpu.memory_space<vmem>> -> memref<1000xf32, #tpu.memory_space<vmem>>
    %dma_wait3A_657 = tpu.memref_slice %arg2[%mul3A_116] : memref<40000xf32, #tpu.memory_space<hbm>> -> memref<1000xf32, #tpu.memory_space<hbm>>
    tpu.wait_dma2 semaphore(%arg20 : memref<!tpu.dma_semaphore, #tpu.memory_space<semaphore_mem>>) src(%dma_wait3A_657 : memref<1000xf32, #tpu.memory_space<hbm>>) dst(%dma_wait3A_656 : memref<1000xf32, #tpu.memory_space<vmem>>)
    %dma_wait3A_658 = tpu.memref_slice %arg11[%mul3A_129] : memref<40000xf32, #tpu.memory_space<vmem>> -> memref<1000xf32, #tpu.memory_space<vmem>>
    %dma_wait3A_659 = tpu.memref_slice %arg2[%mul3A_129] : memref<40000xf32, #tpu.memory_space<hbm>> -> memref<1000xf32, #tpu.memory_space<hbm>>
    %dma_wait3A_660 = tpu.memref_slice %arg11[%mul3A_129] : memref<40000xf32, #tpu.memory_space<vmem>> -> memref<1000xf32, #tpu.memory_space<vmem>>
    %dma_wait3A_661 = tpu.memref_slice %arg2[%mul3A_129] : memref<40000xf32, #tpu.memory_space<hbm>> -> memref<1000xf32, #tpu.memory_space<hbm>>
    tpu.wait_dma2 semaphore(%arg20 : memref<!tpu.dma_semaphore, #tpu.memory_space<semaphore_mem>>) src(%dma_wait3A_661 : memref<1000xf32, #tpu.memory_space<hbm>>) dst(%dma_wait3A_660 : memref<1000xf32, #tpu.memory_space<vmem>>)
    %dma_wait3A_662 = tpu.memref_slice %arg11[%mul3A_142] : memref<40000xf32, #tpu.memory_space<vmem>> -> memref<1000xf32, #tpu.memory_space<vmem>>
    %dma_wait3A_663 = tpu.memref_slice %arg2[%mul3A_142] : memref<40000xf32, #tpu.memory_space<hbm>> -> memref<1000xf32, #tpu.memory_space<hbm>>
    %dma_wait3A_664 = tpu.memref_slice %arg11[%mul3A_142] : memref<40000xf32, #tpu.memory_space<vmem>> -> memref<1000xf32, #tpu.memory_space<vmem>>
    %dma_wait3A_665 = tpu.memref_slice %arg2[%mul3A_142] : memref<40000xf32, #tpu.memory_space<hbm>> -> memref<1000xf32, #tpu.memory_space<hbm>>
    tpu.wait_dma2 semaphore(%arg20 : memref<!tpu.dma_semaphore, #tpu.memory_space<semaphore_mem>>) src(%dma_wait3A_665 : memref<1000xf32, #tpu.memory_space<hbm>>) dst(%dma_wait3A_664 : memref<1000xf32, #tpu.memory_space<vmem>>)
    %dma_wait3A_666 = tpu.memref_slice %arg11[%mul3A_155] : memref<40000xf32, #tpu.memory_space<vmem>> -> memref<1000xf32, #tpu.memory_space<vmem>>
    %dma_wait3A_667 = tpu.memref_slice %arg2[%mul3A_155] : memref<40000xf32, #tpu.memory_space<hbm>> -> memref<1000xf32, #tpu.memory_space<hbm>>
    %dma_wait3A_668 = tpu.memref_slice %arg11[%mul3A_155] : memref<40000xf32, #tpu.memory_space<vmem>> -> memref<1000xf32, #tpu.memory_space<vmem>>
    %dma_wait3A_669 = tpu.memref_slice %arg2[%mul3A_155] : memref<40000xf32, #tpu.memory_space<hbm>> -> memref<1000xf32, #tpu.memory_space<hbm>>
    tpu.wait_dma2 semaphore(%arg20 : memref<!tpu.dma_semaphore, #tpu.memory_space<semaphore_mem>>) src(%dma_wait3A_669 : memref<1000xf32, #tpu.memory_space<hbm>>) dst(%dma_wait3A_668 : memref<1000xf32, #tpu.memory_space<vmem>>)
    %dma_wait3A_670 = tpu.memref_slice %arg11[%mul3A_168] : memref<40000xf32, #tpu.memory_space<vmem>> -> memref<1000xf32, #tpu.memory_space<vmem>>
    %dma_wait3A_671 = tpu.memref_slice %arg2[%mul3A_168] : memref<40000xf32, #tpu.memory_space<hbm>> -> memref<1000xf32, #tpu.memory_space<hbm>>
    %dma_wait3A_672 = tpu.memref_slice %arg11[%mul3A_168] : memref<40000xf32, #tpu.memory_space<vmem>> -> memref<1000xf32, #tpu.memory_space<vmem>>
    %dma_wait3A_673 = tpu.memref_slice %arg2[%mul3A_168] : memref<40000xf32, #tpu.memory_space<hbm>> -> memref<1000xf32, #tpu.memory_space<hbm>>
    tpu.wait_dma2 semaphore(%arg20 : memref<!tpu.dma_semaphore, #tpu.memory_space<semaphore_mem>>) src(%dma_wait3A_673 : memref<1000xf32, #tpu.memory_space<hbm>>) dst(%dma_wait3A_672 : memref<1000xf32, #tpu.memory_space<vmem>>)
    %dma_wait3A_674 = tpu.memref_slice %arg11[%mul3A_181] : memref<40000xf32, #tpu.memory_space<vmem>> -> memref<1000xf32, #tpu.memory_space<vmem>>
    %dma_wait3A_675 = tpu.memref_slice %arg2[%mul3A_181] : memref<40000xf32, #tpu.memory_space<hbm>> -> memref<1000xf32, #tpu.memory_space<hbm>>
    %dma_wait3A_676 = tpu.memref_slice %arg11[%mul3A_181] : memref<40000xf32, #tpu.memory_space<vmem>> -> memref<1000xf32, #tpu.memory_space<vmem>>
    %dma_wait3A_677 = tpu.memref_slice %arg2[%mul3A_181] : memref<40000xf32, #tpu.memory_space<hbm>> -> memref<1000xf32, #tpu.memory_space<hbm>>
    tpu.wait_dma2 semaphore(%arg20 : memref<!tpu.dma_semaphore, #tpu.memory_space<semaphore_mem>>) src(%dma_wait3A_677 : memref<1000xf32, #tpu.memory_space<hbm>>) dst(%dma_wait3A_676 : memref<1000xf32, #tpu.memory_space<vmem>>)
    %dma_wait3A_678 = tpu.memref_slice %arg11[%mul3A_194] : memref<40000xf32, #tpu.memory_space<vmem>> -> memref<1000xf32, #tpu.memory_space<vmem>>
    %dma_wait3A_679 = tpu.memref_slice %arg2[%mul3A_194] : memref<40000xf32, #tpu.memory_space<hbm>> -> memref<1000xf32, #tpu.memory_space<hbm>>
    %dma_wait3A_680 = tpu.memref_slice %arg11[%mul3A_194] : memref<40000xf32, #tpu.memory_space<vmem>> -> memref<1000xf32, #tpu.memory_space<vmem>>
    %dma_wait3A_681 = tpu.memref_slice %arg2[%mul3A_194] : memref<40000xf32, #tpu.memory_space<hbm>> -> memref<1000xf32, #tpu.memory_space<hbm>>
    tpu.wait_dma2 semaphore(%arg20 : memref<!tpu.dma_semaphore, #tpu.memory_space<semaphore_mem>>) src(%dma_wait3A_681 : memref<1000xf32, #tpu.memory_space<hbm>>) dst(%dma_wait3A_680 : memref<1000xf32, #tpu.memory_space<vmem>>)
    %dma_wait3A_682 = tpu.memref_slice %arg11[%mul3A_207] : memref<40000xf32, #tpu.memory_space<vmem>> -> memref<1000xf32, #tpu.memory_space<vmem>>
    %dma_wait3A_683 = tpu.memref_slice %arg2[%mul3A_207] : memref<40000xf32, #tpu.memory_space<hbm>> -> memref<1000xf32, #tpu.memory_space<hbm>>
    %dma_wait3A_684 = tpu.memref_slice %arg11[%mul3A_207] : memref<40000xf32, #tpu.memory_space<vmem>> -> memref<1000xf32, #tpu.memory_space<vmem>>
    %dma_wait3A_685 = tpu.memref_slice %arg2[%mul3A_207] : memref<40000xf32, #tpu.memory_space<hbm>> -> memref<1000xf32, #tpu.memory_space<hbm>>
    tpu.wait_dma2 semaphore(%arg20 : memref<!tpu.dma_semaphore, #tpu.memory_space<semaphore_mem>>) src(%dma_wait3A_685 : memref<1000xf32, #tpu.memory_space<hbm>>) dst(%dma_wait3A_684 : memref<1000xf32, #tpu.memory_space<vmem>>)
    %dma_wait3A_686 = tpu.memref_slice %arg11[%mul3A_220] : memref<40000xf32, #tpu.memory_space<vmem>> -> memref<1000xf32, #tpu.memory_space<vmem>>
    %dma_wait3A_687 = tpu.memref_slice %arg2[%mul3A_220] : memref<40000xf32, #tpu.memory_space<hbm>> -> memref<1000xf32, #tpu.memory_space<hbm>>
    %dma_wait3A_688 = tpu.memref_slice %arg11[%mul3A_220] : memref<40000xf32, #tpu.memory_space<vmem>> -> memref<1000xf32, #tpu.memory_space<vmem>>
    %dma_wait3A_689 = tpu.memref_slice %arg2[%mul3A_220] : memref<40000xf32, #tpu.memory_space<hbm>> -> memref<1000xf32, #tpu.memory_space<hbm>>
    tpu.wait_dma2 semaphore(%arg20 : memref<!tpu.dma_semaphore, #tpu.memory_space<semaphore_mem>>) src(%dma_wait3A_689 : memref<1000xf32, #tpu.memory_space<hbm>>) dst(%dma_wait3A_688 : memref<1000xf32, #tpu.memory_space<vmem>>)
    %dma_wait3A_690 = tpu.memref_slice %arg11[%mul3A_233] : memref<40000xf32, #tpu.memory_space<vmem>> -> memref<1000xf32, #tpu.memory_space<vmem>>
    %dma_wait3A_691 = tpu.memref_slice %arg2[%mul3A_233] : memref<40000xf32, #tpu.memory_space<hbm>> -> memref<1000xf32, #tpu.memory_space<hbm>>
    %dma_wait3A_692 = tpu.memref_slice %arg11[%mul3A_233] : memref<40000xf32, #tpu.memory_space<vmem>> -> memref<1000xf32, #tpu.memory_space<vmem>>
    %dma_wait3A_693 = tpu.memref_slice %arg2[%mul3A_233] : memref<40000xf32, #tpu.memory_space<hbm>> -> memref<1000xf32, #tpu.memory_space<hbm>>
    tpu.wait_dma2 semaphore(%arg20 : memref<!tpu.dma_semaphore, #tpu.memory_space<semaphore_mem>>) src(%dma_wait3A_693 : memref<1000xf32, #tpu.memory_space<hbm>>) dst(%dma_wait3A_692 : memref<1000xf32, #tpu.memory_space<vmem>>)
    %dma_wait3A_694 = tpu.memref_slice %arg11[%mul3A_246] : memref<40000xf32, #tpu.memory_space<vmem>> -> memref<1000xf32, #tpu.memory_space<vmem>>
    %dma_wait3A_695 = tpu.memref_slice %arg2[%mul3A_246] : memref<40000xf32, #tpu.memory_space<hbm>> -> memref<1000xf32, #tpu.memory_space<hbm>>
    %dma_wait3A_696 = tpu.memref_slice %arg11[%mul3A_246] : memref<40000xf32, #tpu.memory_space<vmem>> -> memref<1000xf32, #tpu.memory_space<vmem>>
    %dma_wait3A_697 = tpu.memref_slice %arg2[%mul3A_246] : memref<40000xf32, #tpu.memory_space<hbm>> -> memref<1000xf32, #tpu.memory_space<hbm>>
    tpu.wait_dma2 semaphore(%arg20 : memref<!tpu.dma_semaphore, #tpu.memory_space<semaphore_mem>>) src(%dma_wait3A_697 : memref<1000xf32, #tpu.memory_space<hbm>>) dst(%dma_wait3A_696 : memref<1000xf32, #tpu.memory_space<vmem>>)
    %dma_wait3A_698 = tpu.memref_slice %arg11[%mul3A_259] : memref<40000xf32, #tpu.memory_space<vmem>> -> memref<1000xf32, #tpu.memory_space<vmem>>
    %dma_wait3A_699 = tpu.memref_slice %arg2[%mul3A_259] : memref<40000xf32, #tpu.memory_space<hbm>> -> memref<1000xf32, #tpu.memory_space<hbm>>
    %dma_wait3A_700 = tpu.memref_slice %arg11[%mul3A_259] : memref<40000xf32, #tpu.memory_space<vmem>> -> memref<1000xf32, #tpu.memory_space<vmem>>
    %dma_wait3A_701 = tpu.memref_slice %arg2[%mul3A_259] : memref<40000xf32, #tpu.memory_space<hbm>> -> memref<1000xf32, #tpu.memory_space<hbm>>
    tpu.wait_dma2 semaphore(%arg20 : memref<!tpu.dma_semaphore, #tpu.memory_space<semaphore_mem>>) src(%dma_wait3A_701 : memref<1000xf32, #tpu.memory_space<hbm>>) dst(%dma_wait3A_700 : memref<1000xf32, #tpu.memory_space<vmem>>)
    %dma_wait3A_702 = tpu.memref_slice %arg11[%mul3A_272] : memref<40000xf32, #tpu.memory_space<vmem>> -> memref<1000xf32, #tpu.memory_space<vmem>>
    %dma_wait3A_703 = tpu.memref_slice %arg2[%mul3A_272] : memref<40000xf32, #tpu.memory_space<hbm>> -> memref<1000xf32, #tpu.memory_space<hbm>>
    %dma_wait3A_704 = tpu.memref_slice %arg11[%mul3A_272] : memref<40000xf32, #tpu.memory_space<vmem>> -> memref<1000xf32, #tpu.memory_space<vmem>>
    %dma_wait3A_705 = tpu.memref_slice %arg2[%mul3A_272] : memref<40000xf32, #tpu.memory_space<hbm>> -> memref<1000xf32, #tpu.memory_space<hbm>>
    tpu.wait_dma2 semaphore(%arg20 : memref<!tpu.dma_semaphore, #tpu.memory_space<semaphore_mem>>) src(%dma_wait3A_705 : memref<1000xf32, #tpu.memory_space<hbm>>) dst(%dma_wait3A_704 : memref<1000xf32, #tpu.memory_space<vmem>>)
    %dma_wait3A_706 = tpu.memref_slice %arg11[%mul3A_285] : memref<40000xf32, #tpu.memory_space<vmem>> -> memref<1000xf32, #tpu.memory_space<vmem>>
    %dma_wait3A_707 = tpu.memref_slice %arg2[%mul3A_285] : memref<40000xf32, #tpu.memory_space<hbm>> -> memref<1000xf32, #tpu.memory_space<hbm>>
    %dma_wait3A_708 = tpu.memref_slice %arg11[%mul3A_285] : memref<40000xf32, #tpu.memory_space<vmem>> -> memref<1000xf32, #tpu.memory_space<vmem>>
    %dma_wait3A_709 = tpu.memref_slice %arg2[%mul3A_285] : memref<40000xf32, #tpu.memory_space<hbm>> -> memref<1000xf32, #tpu.memory_space<hbm>>
    tpu.wait_dma2 semaphore(%arg20 : memref<!tpu.dma_semaphore, #tpu.memory_space<semaphore_mem>>) src(%dma_wait3A_709 : memref<1000xf32, #tpu.memory_space<hbm>>) dst(%dma_wait3A_708 : memref<1000xf32, #tpu.memory_space<vmem>>)
    %dma_wait3A_710 = tpu.memref_slice %arg11[%mul3A_298] : memref<40000xf32, #tpu.memory_space<vmem>> -> memref<1000xf32, #tpu.memory_space<vmem>>
    %dma_wait3A_711 = tpu.memref_slice %arg2[%mul3A_298] : memref<40000xf32, #tpu.memory_space<hbm>> -> memref<1000xf32, #tpu.memory_space<hbm>>
    %dma_wait3A_712 = tpu.memref_slice %arg11[%mul3A_298] : memref<40000xf32, #tpu.memory_space<vmem>> -> memref<1000xf32, #tpu.memory_space<vmem>>
    %dma_wait3A_713 = tpu.memref_slice %arg2[%mul3A_298] : memref<40000xf32, #tpu.memory_space<hbm>> -> memref<1000xf32, #tpu.memory_space<hbm>>
    tpu.wait_dma2 semaphore(%arg20 : memref<!tpu.dma_semaphore, #tpu.memory_space<semaphore_mem>>) src(%dma_wait3A_713 : memref<1000xf32, #tpu.memory_space<hbm>>) dst(%dma_wait3A_712 : memref<1000xf32, #tpu.memory_space<vmem>>)
    %dma_wait3A_714 = tpu.memref_slice %arg11[%mul3A_311] : memref<40000xf32, #tpu.memory_space<vmem>> -> memref<1000xf32, #tpu.memory_space<vmem>>
    %dma_wait3A_715 = tpu.memref_slice %arg2[%mul3A_311] : memref<40000xf32, #tpu.memory_space<hbm>> -> memref<1000xf32, #tpu.memory_space<hbm>>
    %dma_wait3A_716 = tpu.memref_slice %arg11[%mul3A_311] : memref<40000xf32, #tpu.memory_space<vmem>> -> memref<1000xf32, #tpu.memory_space<vmem>>
    %dma_wait3A_717 = tpu.memref_slice %arg2[%mul3A_311] : memref<40000xf32, #tpu.memory_space<hbm>> -> memref<1000xf32, #tpu.memory_space<hbm>>
    tpu.wait_dma2 semaphore(%arg20 : memref<!tpu.dma_semaphore, #tpu.memory_space<semaphore_mem>>) src(%dma_wait3A_717 : memref<1000xf32, #tpu.memory_space<hbm>>) dst(%dma_wait3A_716 : memref<1000xf32, #tpu.memory_space<vmem>>)
    %dma_wait3A_718 = tpu.memref_slice %arg11[%mul3A_324] : memref<40000xf32, #tpu.memory_space<vmem>> -> memref<1000xf32, #tpu.memory_space<vmem>>
    %dma_wait3A_719 = tpu.memref_slice %arg2[%mul3A_324] : memref<40000xf32, #tpu.memory_space<hbm>> -> memref<1000xf32, #tpu.memory_space<hbm>>
    %dma_wait3A_720 = tpu.memref_slice %arg11[%mul3A_324] : memref<40000xf32, #tpu.memory_space<vmem>> -> memref<1000xf32, #tpu.memory_space<vmem>>
    %dma_wait3A_721 = tpu.memref_slice %arg2[%mul3A_324] : memref<40000xf32, #tpu.memory_space<hbm>> -> memref<1000xf32, #tpu.memory_space<hbm>>
    tpu.wait_dma2 semaphore(%arg20 : memref<!tpu.dma_semaphore, #tpu.memory_space<semaphore_mem>>) src(%dma_wait3A_721 : memref<1000xf32, #tpu.memory_space<hbm>>) dst(%dma_wait3A_720 : memref<1000xf32, #tpu.memory_space<vmem>>)
    %dma_wait3A_722 = tpu.memref_slice %arg11[%mul3A_337] : memref<40000xf32, #tpu.memory_space<vmem>> -> memref<1000xf32, #tpu.memory_space<vmem>>
    %dma_wait3A_723 = tpu.memref_slice %arg2[%mul3A_337] : memref<40000xf32, #tpu.memory_space<hbm>> -> memref<1000xf32, #tpu.memory_space<hbm>>
    %dma_wait3A_724 = tpu.memref_slice %arg11[%mul3A_337] : memref<40000xf32, #tpu.memory_space<vmem>> -> memref<1000xf32, #tpu.memory_space<vmem>>
    %dma_wait3A_725 = tpu.memref_slice %arg2[%mul3A_337] : memref<40000xf32, #tpu.memory_space<hbm>> -> memref<1000xf32, #tpu.memory_space<hbm>>
    tpu.wait_dma2 semaphore(%arg20 : memref<!tpu.dma_semaphore, #tpu.memory_space<semaphore_mem>>) src(%dma_wait3A_725 : memref<1000xf32, #tpu.memory_space<hbm>>) dst(%dma_wait3A_724 : memref<1000xf32, #tpu.memory_space<vmem>>)
    %dma_wait3A_726 = tpu.memref_slice %arg11[%mul3A_350] : memref<40000xf32, #tpu.memory_space<vmem>> -> memref<1000xf32, #tpu.memory_space<vmem>>
    %dma_wait3A_727 = tpu.memref_slice %arg2[%mul3A_350] : memref<40000xf32, #tpu.memory_space<hbm>> -> memref<1000xf32, #tpu.memory_space<hbm>>
    %dma_wait3A_728 = tpu.memref_slice %arg11[%mul3A_350] : memref<40000xf32, #tpu.memory_space<vmem>> -> memref<1000xf32, #tpu.memory_space<vmem>>
    %dma_wait3A_729 = tpu.memref_slice %arg2[%mul3A_350] : memref<40000xf32, #tpu.memory_space<hbm>> -> memref<1000xf32, #tpu.memory_space<hbm>>
    tpu.wait_dma2 semaphore(%arg20 : memref<!tpu.dma_semaphore, #tpu.memory_space<semaphore_mem>>) src(%dma_wait3A_729 : memref<1000xf32, #tpu.memory_space<hbm>>) dst(%dma_wait3A_728 : memref<1000xf32, #tpu.memory_space<vmem>>)
    %dma_wait3A_730 = tpu.memref_slice %arg11[%mul3A_363] : memref<40000xf32, #tpu.memory_space<vmem>> -> memref<1000xf32, #tpu.memory_space<vmem>>
    %dma_wait3A_731 = tpu.memref_slice %arg2[%mul3A_363] : memref<40000xf32, #tpu.memory_space<hbm>> -> memref<1000xf32, #tpu.memory_space<hbm>>
    %dma_wait3A_732 = tpu.memref_slice %arg11[%mul3A_363] : memref<40000xf32, #tpu.memory_space<vmem>> -> memref<1000xf32, #tpu.memory_space<vmem>>
    %dma_wait3A_733 = tpu.memref_slice %arg2[%mul3A_363] : memref<40000xf32, #tpu.memory_space<hbm>> -> memref<1000xf32, #tpu.memory_space<hbm>>
    tpu.wait_dma2 semaphore(%arg20 : memref<!tpu.dma_semaphore, #tpu.memory_space<semaphore_mem>>) src(%dma_wait3A_733 : memref<1000xf32, #tpu.memory_space<hbm>>) dst(%dma_wait3A_732 : memref<1000xf32, #tpu.memory_space<vmem>>)
    %dma_wait3A_734 = tpu.memref_slice %arg11[%mul3A_376] : memref<40000xf32, #tpu.memory_space<vmem>> -> memref<1000xf32, #tpu.memory_space<vmem>>
    %dma_wait3A_735 = tpu.memref_slice %arg2[%mul3A_376] : memref<40000xf32, #tpu.memory_space<hbm>> -> memref<1000xf32, #tpu.memory_space<hbm>>
    %dma_wait3A_736 = tpu.memref_slice %arg11[%mul3A_376] : memref<40000xf32, #tpu.memory_space<vmem>> -> memref<1000xf32, #tpu.memory_space<vmem>>
    %dma_wait3A_737 = tpu.memref_slice %arg2[%mul3A_376] : memref<40000xf32, #tpu.memory_space<hbm>> -> memref<1000xf32, #tpu.memory_space<hbm>>
    tpu.wait_dma2 semaphore(%arg20 : memref<!tpu.dma_semaphore, #tpu.memory_space<semaphore_mem>>) src(%dma_wait3A_737 : memref<1000xf32, #tpu.memory_space<hbm>>) dst(%dma_wait3A_736 : memref<1000xf32, #tpu.memory_space<vmem>>)
    %dma_wait3A_738 = tpu.memref_slice %arg11[%mul3A_389] : memref<40000xf32, #tpu.memory_space<vmem>> -> memref<1000xf32, #tpu.memory_space<vmem>>
    %dma_wait3A_739 = tpu.memref_slice %arg2[%mul3A_389] : memref<40000xf32, #tpu.memory_space<hbm>> -> memref<1000xf32, #tpu.memory_space<hbm>>
    %dma_wait3A_740 = tpu.memref_slice %arg11[%mul3A_389] : memref<40000xf32, #tpu.memory_space<vmem>> -> memref<1000xf32, #tpu.memory_space<vmem>>
    %dma_wait3A_741 = tpu.memref_slice %arg2[%mul3A_389] : memref<40000xf32, #tpu.memory_space<hbm>> -> memref<1000xf32, #tpu.memory_space<hbm>>
    tpu.wait_dma2 semaphore(%arg20 : memref<!tpu.dma_semaphore, #tpu.memory_space<semaphore_mem>>) src(%dma_wait3A_741 : memref<1000xf32, #tpu.memory_space<hbm>>) dst(%dma_wait3A_740 : memref<1000xf32, #tpu.memory_space<vmem>>)
    %dma_wait3A_742 = tpu.memref_slice %arg11[%mul3A_402] : memref<40000xf32, #tpu.memory_space<vmem>> -> memref<1000xf32, #tpu.memory_space<vmem>>
    %dma_wait3A_743 = tpu.memref_slice %arg2[%mul3A_402] : memref<40000xf32, #tpu.memory_space<hbm>> -> memref<1000xf32, #tpu.memory_space<hbm>>
    %dma_wait3A_744 = tpu.memref_slice %arg11[%mul3A_402] : memref<40000xf32, #tpu.memory_space<vmem>> -> memref<1000xf32, #tpu.memory_space<vmem>>
    %dma_wait3A_745 = tpu.memref_slice %arg2[%mul3A_402] : memref<40000xf32, #tpu.memory_space<hbm>> -> memref<1000xf32, #tpu.memory_space<hbm>>
    tpu.wait_dma2 semaphore(%arg20 : memref<!tpu.dma_semaphore, #tpu.memory_space<semaphore_mem>>) src(%dma_wait3A_745 : memref<1000xf32, #tpu.memory_space<hbm>>) dst(%dma_wait3A_744 : memref<1000xf32, #tpu.memory_space<vmem>>)
    %dma_wait3A_746 = tpu.memref_slice %arg11[%mul3A_415] : memref<40000xf32, #tpu.memory_space<vmem>> -> memref<1000xf32, #tpu.memory_space<vmem>>
    %dma_wait3A_747 = tpu.memref_slice %arg2[%mul3A_415] : memref<40000xf32, #tpu.memory_space<hbm>> -> memref<1000xf32, #tpu.memory_space<hbm>>
    %dma_wait3A_748 = tpu.memref_slice %arg11[%mul3A_415] : memref<40000xf32, #tpu.memory_space<vmem>> -> memref<1000xf32, #tpu.memory_space<vmem>>
    %dma_wait3A_749 = tpu.memref_slice %arg2[%mul3A_415] : memref<40000xf32, #tpu.memory_space<hbm>> -> memref<1000xf32, #tpu.memory_space<hbm>>
    tpu.wait_dma2 semaphore(%arg20 : memref<!tpu.dma_semaphore, #tpu.memory_space<semaphore_mem>>) src(%dma_wait3A_749 : memref<1000xf32, #tpu.memory_space<hbm>>) dst(%dma_wait3A_748 : memref<1000xf32, #tpu.memory_space<vmem>>)
    %dma_wait3A_750 = tpu.memref_slice %arg11[%mul3A_428] : memref<40000xf32, #tpu.memory_space<vmem>> -> memref<1000xf32, #tpu.memory_space<vmem>>
    %dma_wait3A_751 = tpu.memref_slice %arg2[%mul3A_428] : memref<40000xf32, #tpu.memory_space<hbm>> -> memref<1000xf32, #tpu.memory_space<hbm>>
    %dma_wait3A_752 = tpu.memref_slice %arg11[%mul3A_428] : memref<40000xf32, #tpu.memory_space<vmem>> -> memref<1000xf32, #tpu.memory_space<vmem>>
    %dma_wait3A_753 = tpu.memref_slice %arg2[%mul3A_428] : memref<40000xf32, #tpu.memory_space<hbm>> -> memref<1000xf32, #tpu.memory_space<hbm>>
    tpu.wait_dma2 semaphore(%arg20 : memref<!tpu.dma_semaphore, #tpu.memory_space<semaphore_mem>>) src(%dma_wait3A_753 : memref<1000xf32, #tpu.memory_space<hbm>>) dst(%dma_wait3A_752 : memref<1000xf32, #tpu.memory_space<vmem>>)
    %dma_wait3A_754 = tpu.memref_slice %arg11[%mul3A_441] : memref<40000xf32, #tpu.memory_space<vmem>> -> memref<1000xf32, #tpu.memory_space<vmem>>
    %dma_wait3A_755 = tpu.memref_slice %arg2[%mul3A_441] : memref<40000xf32, #tpu.memory_space<hbm>> -> memref<1000xf32, #tpu.memory_space<hbm>>
    %dma_wait3A_756 = tpu.memref_slice %arg11[%mul3A_441] : memref<40000xf32, #tpu.memory_space<vmem>> -> memref<1000xf32, #tpu.memory_space<vmem>>
    %dma_wait3A_757 = tpu.memref_slice %arg2[%mul3A_441] : memref<40000xf32, #tpu.memory_space<hbm>> -> memref<1000xf32, #tpu.memory_space<hbm>>
    tpu.wait_dma2 semaphore(%arg20 : memref<!tpu.dma_semaphore, #tpu.memory_space<semaphore_mem>>) src(%dma_wait3A_757 : memref<1000xf32, #tpu.memory_space<hbm>>) dst(%dma_wait3A_756 : memref<1000xf32, #tpu.memory_space<vmem>>)
    %dma_wait3A_758 = tpu.memref_slice %arg11[%mul3A_454] : memref<40000xf32, #tpu.memory_space<vmem>> -> memref<1000xf32, #tpu.memory_space<vmem>>
    %dma_wait3A_759 = tpu.memref_slice %arg2[%mul3A_454] : memref<40000xf32, #tpu.memory_space<hbm>> -> memref<1000xf32, #tpu.memory_space<hbm>>
    %dma_wait3A_760 = tpu.memref_slice %arg11[%mul3A_454] : memref<40000xf32, #tpu.memory_space<vmem>> -> memref<1000xf32, #tpu.memory_space<vmem>>
    %dma_wait3A_761 = tpu.memref_slice %arg2[%mul3A_454] : memref<40000xf32, #tpu.memory_space<hbm>> -> memref<1000xf32, #tpu.memory_space<hbm>>
    tpu.wait_dma2 semaphore(%arg20 : memref<!tpu.dma_semaphore, #tpu.memory_space<semaphore_mem>>) src(%dma_wait3A_761 : memref<1000xf32, #tpu.memory_space<hbm>>) dst(%dma_wait3A_760 : memref<1000xf32, #tpu.memory_space<vmem>>)
    %dma_wait3A_762 = tpu.memref_slice %arg11[%mul3A_467] : memref<40000xf32, #tpu.memory_space<vmem>> -> memref<1000xf32, #tpu.memory_space<vmem>>
    %dma_wait3A_763 = tpu.memref_slice %arg2[%mul3A_467] : memref<40000xf32, #tpu.memory_space<hbm>> -> memref<1000xf32, #tpu.memory_space<hbm>>
    %dma_wait3A_764 = tpu.memref_slice %arg11[%mul3A_467] : memref<40000xf32, #tpu.memory_space<vmem>> -> memref<1000xf32, #tpu.memory_space<vmem>>
    %dma_wait3A_765 = tpu.memref_slice %arg2[%mul3A_467] : memref<40000xf32, #tpu.memory_space<hbm>> -> memref<1000xf32, #tpu.memory_space<hbm>>
    tpu.wait_dma2 semaphore(%arg20 : memref<!tpu.dma_semaphore, #tpu.memory_space<semaphore_mem>>) src(%dma_wait3A_765 : memref<1000xf32, #tpu.memory_space<hbm>>) dst(%dma_wait3A_764 : memref<1000xf32, #tpu.memory_space<vmem>>)
    %dma_wait3A_766 = tpu.memref_slice %arg11[%mul3A_480] : memref<40000xf32, #tpu.memory_space<vmem>> -> memref<1000xf32, #tpu.memory_space<vmem>>
    %dma_wait3A_767 = tpu.memref_slice %arg2[%mul3A_480] : memref<40000xf32, #tpu.memory_space<hbm>> -> memref<1000xf32, #tpu.memory_space<hbm>>
    %dma_wait3A_768 = tpu.memref_slice %arg11[%mul3A_480] : memref<40000xf32, #tpu.memory_space<vmem>> -> memref<1000xf32, #tpu.memory_space<vmem>>
    %dma_wait3A_769 = tpu.memref_slice %arg2[%mul3A_480] : memref<40000xf32, #tpu.memory_space<hbm>> -> memref<1000xf32, #tpu.memory_space<hbm>>
    tpu.wait_dma2 semaphore(%arg20 : memref<!tpu.dma_semaphore, #tpu.memory_space<semaphore_mem>>) src(%dma_wait3A_769 : memref<1000xf32, #tpu.memory_space<hbm>>) dst(%dma_wait3A_768 : memref<1000xf32, #tpu.memory_space<vmem>>)
    %dma_wait3A_770 = tpu.memref_slice %arg11[%mul3A_493] : memref<40000xf32, #tpu.memory_space<vmem>> -> memref<1000xf32, #tpu.memory_space<vmem>>
    %dma_wait3A_771 = tpu.memref_slice %arg2[%mul3A_493] : memref<40000xf32, #tpu.memory_space<hbm>> -> memref<1000xf32, #tpu.memory_space<hbm>>
    %dma_wait3A_772 = tpu.memref_slice %arg11[%mul3A_493] : memref<40000xf32, #tpu.memory_space<vmem>> -> memref<1000xf32, #tpu.memory_space<vmem>>
    %dma_wait3A_773 = tpu.memref_slice %arg2[%mul3A_493] : memref<40000xf32, #tpu.memory_space<hbm>> -> memref<1000xf32, #tpu.memory_space<hbm>>
    tpu.wait_dma2 semaphore(%arg20 : memref<!tpu.dma_semaphore, #tpu.memory_space<semaphore_mem>>) src(%dma_wait3A_773 : memref<1000xf32, #tpu.memory_space<hbm>>) dst(%dma_wait3A_772 : memref<1000xf32, #tpu.memory_space<vmem>>)
    %dma_wait3A_774 = tpu.memref_slice %arg11[%mul3A_506] : memref<40000xf32, #tpu.memory_space<vmem>> -> memref<1000xf32, #tpu.memory_space<vmem>>
    %dma_wait3A_775 = tpu.memref_slice %arg2[%mul3A_506] : memref<40000xf32, #tpu.memory_space<hbm>> -> memref<1000xf32, #tpu.memory_space<hbm>>
    %dma_wait3A_776 = tpu.memref_slice %arg11[%mul3A_506] : memref<40000xf32, #tpu.memory_space<vmem>> -> memref<1000xf32, #tpu.memory_space<vmem>>
    %dma_wait3A_777 = tpu.memref_slice %arg2[%mul3A_506] : memref<40000xf32, #tpu.memory_space<hbm>> -> memref<1000xf32, #tpu.memory_space<hbm>>
    tpu.wait_dma2 semaphore(%arg20 : memref<!tpu.dma_semaphore, #tpu.memory_space<semaphore_mem>>) src(%dma_wait3A_777 : memref<1000xf32, #tpu.memory_space<hbm>>) dst(%dma_wait3A_776 : memref<1000xf32, #tpu.memory_space<vmem>>)
    %dma_wait3A_778 = tpu.memref_slice %arg11[%mul3A_519] : memref<40000xf32, #tpu.memory_space<vmem>> -> memref<1000xf32, #tpu.memory_space<vmem>>
    %dma_wait3A_779 = tpu.memref_slice %arg2[%mul3A_519] : memref<40000xf32, #tpu.memory_space<hbm>> -> memref<1000xf32, #tpu.memory_space<hbm>>
    %dma_wait3A_780 = tpu.memref_slice %arg11[%mul3A_519] : memref<40000xf32, #tpu.memory_space<vmem>> -> memref<1000xf32, #tpu.memory_space<vmem>>
    %dma_wait3A_781 = tpu.memref_slice %arg2[%mul3A_519] : memref<40000xf32, #tpu.memory_space<hbm>> -> memref<1000xf32, #tpu.memory_space<hbm>>
    tpu.wait_dma2 semaphore(%arg20 : memref<!tpu.dma_semaphore, #tpu.memory_space<semaphore_mem>>) src(%dma_wait3A_781 : memref<1000xf32, #tpu.memory_space<hbm>>) dst(%dma_wait3A_780 : memref<1000xf32, #tpu.memory_space<vmem>>)
    %dma_wait3A_782 = tpu.memref_slice %arg11[%mul3A_532] : memref<40000xf32, #tpu.memory_space<vmem>> -> memref<1000xf32, #tpu.memory_space<vmem>>
    %dma_wait3A_783 = tpu.memref_slice %arg2[%mul3A_532] : memref<40000xf32, #tpu.memory_space<hbm>> -> memref<1000xf32, #tpu.memory_space<hbm>>
    %dma_wait3A_784 = tpu.memref_slice %arg11[%mul3A_532] : memref<40000xf32, #tpu.memory_space<vmem>> -> memref<1000xf32, #tpu.memory_space<vmem>>
    %dma_wait3A_785 = tpu.memref_slice %arg2[%mul3A_532] : memref<40000xf32, #tpu.memory_space<hbm>> -> memref<1000xf32, #tpu.memory_space<hbm>>
    tpu.wait_dma2 semaphore(%arg20 : memref<!tpu.dma_semaphore, #tpu.memory_space<semaphore_mem>>) src(%dma_wait3A_785 : memref<1000xf32, #tpu.memory_space<hbm>>) dst(%dma_wait3A_784 : memref<1000xf32, #tpu.memory_space<vmem>>)
    %dma_wait3A_786 = tpu.memref_slice %arg11[%mul3A_545] : memref<40000xf32, #tpu.memory_space<vmem>> -> memref<1000xf32, #tpu.memory_space<vmem>>
    %dma_wait3A_787 = tpu.memref_slice %arg2[%mul3A_545] : memref<40000xf32, #tpu.memory_space<hbm>> -> memref<1000xf32, #tpu.memory_space<hbm>>
    %dma_wait3A_788 = tpu.memref_slice %arg11[%mul3A_545] : memref<40000xf32, #tpu.memory_space<vmem>> -> memref<1000xf32, #tpu.memory_space<vmem>>
    %dma_wait3A_789 = tpu.memref_slice %arg2[%mul3A_545] : memref<40000xf32, #tpu.memory_space<hbm>> -> memref<1000xf32, #tpu.memory_space<hbm>>
    tpu.wait_dma2 semaphore(%arg20 : memref<!tpu.dma_semaphore, #tpu.memory_space<semaphore_mem>>) src(%dma_wait3A_789 : memref<1000xf32, #tpu.memory_space<hbm>>) dst(%dma_wait3A_788 : memref<1000xf32, #tpu.memory_space<vmem>>)
    %dma_wait3A_790 = tpu.memref_slice %arg11[%mul3A_558] : memref<40000xf32, #tpu.memory_space<vmem>> -> memref<1000xf32, #tpu.memory_space<vmem>>
    %dma_wait3A_791 = tpu.memref_slice %arg2[%mul3A_558] : memref<40000xf32, #tpu.memory_space<hbm>> -> memref<1000xf32, #tpu.memory_space<hbm>>
    %dma_wait3A_792 = tpu.memref_slice %arg11[%mul3A_558] : memref<40000xf32, #tpu.memory_space<vmem>> -> memref<1000xf32, #tpu.memory_space<vmem>>
    %dma_wait3A_793 = tpu.memref_slice %arg2[%mul3A_558] : memref<40000xf32, #tpu.memory_space<hbm>> -> memref<1000xf32, #tpu.memory_space<hbm>>
    tpu.wait_dma2 semaphore(%arg20 : memref<!tpu.dma_semaphore, #tpu.memory_space<semaphore_mem>>) src(%dma_wait3A_793 : memref<1000xf32, #tpu.memory_space<hbm>>) dst(%dma_wait3A_792 : memref<1000xf32, #tpu.memory_space<vmem>>)
    %dma_wait3A_794 = tpu.memref_slice %arg11[%mul3A_571] : memref<40000xf32, #tpu.memory_space<vmem>> -> memref<1000xf32, #tpu.memory_space<vmem>>
    %dma_wait3A_795 = tpu.memref_slice %arg2[%mul3A_571] : memref<40000xf32, #tpu.memory_space<hbm>> -> memref<1000xf32, #tpu.memory_space<hbm>>
    %dma_wait3A_796 = tpu.memref_slice %arg11[%mul3A_571] : memref<40000xf32, #tpu.memory_space<vmem>> -> memref<1000xf32, #tpu.memory_space<vmem>>
    %dma_wait3A_797 = tpu.memref_slice %arg2[%mul3A_571] : memref<40000xf32, #tpu.memory_space<hbm>> -> memref<1000xf32, #tpu.memory_space<hbm>>
    tpu.wait_dma2 semaphore(%arg20 : memref<!tpu.dma_semaphore, #tpu.memory_space<semaphore_mem>>) src(%dma_wait3A_797 : memref<1000xf32, #tpu.memory_space<hbm>>) dst(%dma_wait3A_796 : memref<1000xf32, #tpu.memory_space<vmem>>)
    %dma_wait3A_798 = tpu.memref_slice %arg11[%mul3A_584] : memref<40000xf32, #tpu.memory_space<vmem>> -> memref<1000xf32, #tpu.memory_space<vmem>>
    %dma_wait3A_799 = tpu.memref_slice %arg2[%mul3A_584] : memref<40000xf32, #tpu.memory_space<hbm>> -> memref<1000xf32, #tpu.memory_space<hbm>>
    %dma_wait3A_800 = tpu.memref_slice %arg11[%mul3A_584] : memref<40000xf32, #tpu.memory_space<vmem>> -> memref<1000xf32, #tpu.memory_space<vmem>>
    %dma_wait3A_801 = tpu.memref_slice %arg2[%mul3A_584] : memref<40000xf32, #tpu.memory_space<hbm>> -> memref<1000xf32, #tpu.memory_space<hbm>>
    tpu.wait_dma2 semaphore(%arg20 : memref<!tpu.dma_semaphore, #tpu.memory_space<semaphore_mem>>) src(%dma_wait3A_801 : memref<1000xf32, #tpu.memory_space<hbm>>) dst(%dma_wait3A_800 : memref<1000xf32, #tpu.memory_space<vmem>>)
    %get3A = arith.constant 0 : index
    %get3A_802 = tpu.vector_load %arg18[%get3A] {strides = array<i32>} : memref<16xf32, #tpu.memory_space<vmem>>, vector<16xf32>,
    %slice3A = vector.extract_strided_slice %get3A_802 {offsets = [0], sizes = [1], strides = [1]} : vector<16xf32> to vector<1xf32>
    %squeeze3A = vector.extract %slice3A[0] : f32 from vector<1xf32>
    %broadcast_in_dim3A_803 = arith.constant -3.400000e+38 : f32
    %broadcast_in_dim3A_804 = vector.broadcast %broadcast_in_dim3A_803 : f32 to vector<16xf32>
    %scan3A_805 = arith.constant 0 : i32
    %scan3A_806 = arith.constant 624 : i32
    %scan3A_807 = arith.addi %scan3A_805, %scan3A_806 : i32
    %scan3A_808 = arith.constant 2 : i32
    %scan3A_809 = scf.for %scan3A_838 = %scan3A_805 to %scan3A_807 step %scan3A_808 iter_args(%scan3A_839 = %broadcast_in_dim3A_804) -> (vector<16xf32>)  : i32 {
      %mul3A_840 = arith.constant 16 : i32
      %mul3A_841 = arith.muli %scan3A_838, %mul3A_840 : i32
      %get3A_842 = arith.index_cast %mul3A_841 : i32 to index
      %get3A_843 = tpu.vector_load %arg15[%get3A_842] {strides = array<i32>} : memref<10496xi32, #tpu.memory_space<vmem>>, vector<16xi32>,
      %get3A_844 = arith.index_cast %mul3A_841 : i32 to index
      %get3A_845 = tpu.vector_load %arg16[%get3A_844] {strides = array<i32>} : memref<10496xi32, #tpu.memory_space<vmem>>, vector<16xi32>,
      %get3A_846 = arith.index_cast %mul3A_841 : i32 to index
      %get3A_847 = tpu.vector_load %arg17[%get3A_846] {strides = array<i32>} : memref<10496xf32, #tpu.memory_space<vmem>>, vector<16xf32>,
      %gather3A = tpu.vector_load_idx %arg11[%get3A_843] : memref<40000xf32, #tpu.memory_space<vmem>>[vector<16xi32>], vector<16xf32>,
      %add3A_848 = arith.constant 10000 : i32
      %add3A_849 = vector.broadcast %add3A_848 : i32 to vector<16xi32>
      %add3A_850 = arith.addi %get3A_845, %add3A_849 : vector<16xi32>
      %gather3A_851 = tpu.vector_load_idx %arg11[%add3A_850] : memref<40000xf32, #tpu.memory_space<vmem>>[vector<16xi32>], vector<16xf32>,
      %add3A_852 = arith.addf %gather3A, %gather3A_851 : vector<16xf32>
      %mul3A_853 = vector.broadcast %squeeze3A : f32 to vector<16xf32>
      %mul3A_854 = arith.mulf %mul3A_853, %get3A_847 : vector<16xf32>
      %add3A_855 = arith.addf %add3A_852, %mul3A_854 : vector<16xf32>
      %ge3A_856 = arith.constant 0.000000e+00 : f32
      %ge3A_857 = vector.broadcast %ge3A_856 : f32 to vector<16xf32>
      %ge3A_858 = arith.cmpf oge, %add3A_855, %ge3A_857 : vector<16xf32>
      %mul3A_859 = arith.constant 2.000000e-01 : f32
      %mul3A_860 = vector.broadcast %mul3A_859 : f32 to vector<16xf32>
      %mul3A_861 = arith.mulf %add3A_855, %mul3A_860 : vector<16xf32>
      %select_n3A_862 = arith.select %ge3A_858, %add3A_855, %mul3A_861 : vector<16xi1>, vector<16xf32>
      %swap3A_863 = arith.index_cast %mul3A_841 : i32 to index
      %swap3A_864 = tpu.vector_load %arg17[%swap3A_863] {strides = array<i32>} : memref<10496xf32, #tpu.memory_space<vmem>>, vector<16xf32>,
      tpu.vector_store %arg17[%swap3A_863], %select_n3A_862 {strides = array<i32>} : memref<10496xf32, #tpu.memory_space<vmem>>, vector<16xf32>,
      %max3A = arith.maximumf %scan3A_839, %select_n3A_862 : vector<16xf32>
      %scan3A_865 = arith.constant 1 : i32
      %scan3A_866 = arith.addi %scan3A_838, %scan3A_865 : i32
      %mul3A_867 = arith.constant 16 : i32
      %mul3A_868 = arith.muli %scan3A_866, %mul3A_867 : i32
      %get3A_869 = arith.index_cast %mul3A_868 : i32 to index
      %get3A_870 = tpu.vector_load %arg15[%get3A_869] {strides = array<i32>} : memref<10496xi32, #tpu.memory_space<vmem>>, vector<16xi32>,
      %get3A_871 = arith.index_cast %mul3A_868 : i32 to index
      %get3A_872 = tpu.vector_load %arg16[%get3A_871] {strides = array<i32>} : memref<10496xi32, #tpu.memory_space<vmem>>, vector<16xi32>,
      %get3A_873 = arith.index_cast %mul3A_868 : i32 to index
      %get3A_874 = tpu.vector_load %arg17[%get3A_873] {strides = array<i32>} : memref<10496xf32, #tpu.memory_space<vmem>>, vector<16xf32>,
      %gather3A_875 = tpu.vector_load_idx %arg11[%get3A_870] : memref<40000xf32, #tpu.memory_space<vmem>>[vector<16xi32>], vector<16xf32>,
      %add3A_876 = arith.constant 10000 : i32
      %add3A_877 = vector.broadcast %add3A_876 : i32 to vector<16xi32>
      %add3A_878 = arith.addi %get3A_872, %add3A_877 : vector<16xi32>
      %gather3A_879 = tpu.vector_load_idx %arg11[%add3A_878] : memref<40000xf32, #tpu.memory_space<vmem>>[vector<16xi32>], vector<16xf32>,
      %add3A_880 = arith.addf %gather3A_875, %gather3A_879 : vector<16xf32>
      %mul3A_881 = vector.broadcast %squeeze3A : f32 to vector<16xf32>
      %mul3A_882 = arith.mulf %mul3A_881, %get3A_874 : vector<16xf32>
      %add3A_883 = arith.addf %add3A_880, %mul3A_882 : vector<16xf32>
      %ge3A_884 = arith.constant 0.000000e+00 : f32
      %ge3A_885 = vector.broadcast %ge3A_884 : f32 to vector<16xf32>
      %ge3A_886 = arith.cmpf oge, %add3A_883, %ge3A_885 : vector<16xf32>
      %mul3A_887 = arith.constant 2.000000e-01 : f32
      %mul3A_888 = vector.broadcast %mul3A_887 : f32 to vector<16xf32>
      %mul3A_889 = arith.mulf %add3A_883, %mul3A_888 : vector<16xf32>
      %select_n3A_890 = arith.select %ge3A_886, %add3A_883, %mul3A_889 : vector<16xi1>, vector<16xf32>
      %swap3A_891 = arith.index_cast %mul3A_868 : i32 to index
      %swap3A_892 = tpu.vector_load %arg17[%swap3A_891] {strides = array<i32>} : memref<10496xf32, #tpu.memory_space<vmem>>, vector<16xf32>,
      tpu.vector_store %arg17[%swap3A_891], %select_n3A_890 {strides = array<i32>} : memref<10496xf32, #tpu.memory_space<vmem>>, vector<16xf32>,
      %max3A_893 = arith.maximumf %max3A, %select_n3A_890 : vector<16xf32>
      scf.yield %max3A_893 : vector<16xf32>
    }
    %scan3A_810 = arith.constant 624 : i32
    %swap3A = arith.constant 0 : index
    %swap3A_811 = tpu.vector_load %arg19[%swap3A] {strides = array<i32>} : memref<16xf32, #tpu.memory_space<vmem>>, vector<16xf32>,
    tpu.vector_store %arg19[%swap3A], %scan3A_809 {strides = array<i32>} : memref<16xf32, #tpu.memory_space<vmem>>, vector<16xf32>,
    %eq3A = arith.constant 0 : i32
    %eq3A_812 = arith.cmpi eq, %add3A, %eq3A : i32
    %convert_element_type3A = arith.extui %eq3A_812 : i1 to i32
    %cond3A = arith.constant 0 : i32
    %cond3A_813 = arith.cmpi ne, %convert_element_type3A, %cond3A : i32
    scf.if %cond3A_813 {
      %scan3A_838 = arith.constant 0 : i32
      %scan3A_839 = arith.constant 624 : i32
      %scan3A_840 = arith.constant 32 : i32
      %scan3A_841 = arith.addi %scan3A_839, %scan3A_840 : i32
      %scan3A_842 = arith.constant 1 : i32
      scf.for %scan3A_844 = %scan3A_839 to %scan3A_841 step %scan3A_842  : i32 {
        %mul3A_845 = arith.constant 16 : i32
        %mul3A_846 = arith.muli %scan3A_844, %mul3A_845 : i32
        %get3A_847 = arith.index_cast %mul3A_846 : i32 to index
        %get3A_848 = tpu.vector_load %arg15[%get3A_847] {strides = array<i32>} : memref<10496xi32, #tpu.memory_space<vmem>>, vector<16xi32>,
        %get3A_849 = arith.index_cast %mul3A_846 : i32 to index
        %get3A_850 = tpu.vector_load %arg16[%get3A_849] {strides = array<i32>} : memref<10496xi32, #tpu.memory_space<vmem>>, vector<16xi32>,
        %get3A_851 = arith.index_cast %mul3A_846 : i32 to index
        %get3A_852 = tpu.vector_load %arg17[%get3A_851] {strides = array<i32>} : memref<10496xf32, #tpu.memory_space<vmem>>, vector<16xf32>,
        %gather3A = tpu.vector_load_idx %arg11[%get3A_848] : memref<40000xf32, #tpu.memory_space<vmem>>[vector<16xi32>], vector<16xf32>,
        %add3A_853 = arith.constant 10000 : i32
        %add3A_854 = vector.broadcast %add3A_853 : i32 to vector<16xi32>
        %add3A_855 = arith.addi %get3A_850, %add3A_854 : vector<16xi32>
        %gather3A_856 = tpu.vector_load_idx %arg11[%add3A_855] : memref<40000xf32, #tpu.memory_space<vmem>>[vector<16xi32>], vector<16xf32>,
        %add3A_857 = arith.addf %gather3A, %gather3A_856 : vector<16xf32>
        %mul3A_858 = vector.broadcast %squeeze3A : f32 to vector<16xf32>
        %mul3A_859 = arith.mulf %mul3A_858, %get3A_852 : vector<16xf32>
        %add3A_860 = arith.addf %add3A_857, %mul3A_859 : vector<16xf32>
        %ge3A_861 = arith.constant 0.000000e+00 : f32
        %ge3A_862 = vector.broadcast %ge3A_861 : f32 to vector<16xf32>
        %ge3A_863 = arith.cmpf oge, %add3A_860, %ge3A_862 : vector<16xf32>
        %mul3A_864 = arith.constant 2.000000e-01 : f32
        %mul3A_865 = vector.broadcast %mul3A_864 : f32 to vector<16xf32>
        %mul3A_866 = arith.mulf %add3A_860, %mul3A_865 : vector<16xf32>
        %select_n3A_867 = arith.select %ge3A_863, %add3A_860, %mul3A_866 : vector<16xi1>, vector<16xf32>
        %swap3A_868 = arith.index_cast %mul3A_846 : i32 to index
        %swap3A_869 = tpu.vector_load %arg17[%swap3A_868] {strides = array<i32>} : memref<10496xf32, #tpu.memory_space<vmem>>, vector<16xf32>,
        tpu.vector_store %arg17[%swap3A_868], %select_n3A_867 {strides = array<i32>} : memref<10496xf32, #tpu.memory_space<vmem>>, vector<16xf32>,
        %get3A_870 = arith.constant 0 : index
        %get3A_871 = tpu.vector_load %arg19[%get3A_870] {strides = array<i32>} : memref<16xf32, #tpu.memory_space<vmem>>, vector<16xf32>,
        %max3A = arith.maximumf %get3A_871, %select_n3A_867 : vector<16xf32>
        %swap3A_872 = arith.constant 0 : index
        %swap3A_873 = tpu.vector_load %arg19[%swap3A_872] {strides = array<i32>} : memref<16xf32, #tpu.memory_space<vmem>>, vector<16xf32>,
        tpu.vector_store %arg19[%swap3A_872], %max3A {strides = array<i32>} : memref<16xf32, #tpu.memory_space<vmem>>, vector<16xf32>,
      }
      %scan3A_843 = arith.constant 32 : i32
    } else {
    }
    %get3A_814 = arith.constant 0 : index
    %get3A_815 = tpu.vector_load %arg19[%get3A_814] {strides = array<i32>} : memref<16xf32, #tpu.memory_space<vmem>>, vector<16xf32>,
    %reduce_max3A = arith.constant true
    %reduce_max3A_816 = vector.broadcast %reduce_max3A : i1 to vector<16xi1>
    %reduce_max3A_817 = tpu.scan <max>, %get3A_815 masked %reduce_max3A_816 : vector<16xf32>, vector<16xi1> -> vector<16xf32>
    %reduce_max3A_818 = vector.extract %reduce_max3A_817[15] : f32 from vector<16xf32>
    %scan3A_819 = arith.constant 0 : i32
    %scan3A_820 = arith.constant 0 : i32
    %scan3A_821 = arith.constant 624 : i32
    %scan3A_822 = arith.addi %scan3A_820, %scan3A_821 : i32
    %scan3A_823 = arith.constant 2 : i32
    scf.for %scan3A_838 = %scan3A_820 to %scan3A_822 step %scan3A_823  : i32 {
      %mul3A_839 = arith.constant 16 : i32
      %mul3A_840 = arith.muli %scan3A_838, %mul3A_839 : i32
      %get3A_841 = arith.index_cast %mul3A_840 : i32 to index
      %get3A_842 = tpu.vector_load %arg17[%get3A_841] {strides = array<i32>} : memref<10496xf32, #tpu.memory_space<vmem>>, vector<16xf32>,
      %sub3A_843 = vector.broadcast %reduce_max3A_818 : f32 to vector<16xf32>
      %sub3A_844 = arith.subf %get3A_842, %sub3A_843 : vector<16xf32>
      %exp3A = math.exp %sub3A_844 : vector<16xf32>
      %swap3A_845 = arith.index_cast %mul3A_840 : i32 to index
      %swap3A_846 = tpu.vector_load %arg17[%swap3A_845] {strides = array<i32>} : memref<10496xf32, #tpu.memory_space<vmem>>, vector<16xf32>,
      tpu.vector_store %arg17[%swap3A_845], %exp3A {strides = array<i32>} : memref<10496xf32, #tpu.memory_space<vmem>>, vector<16xf32>,
      %get3A_847 = arith.index_cast %mul3A_840 : i32 to index
      %get3A_848 = tpu.vector_load %arg15[%get3A_847] {strides = array<i32>} : memref<10496xi32, #tpu.memory_space<vmem>>, vector<16xi32>,
      %get3A_849 = arith.index_cast %mul3A_840 : i32 to index
      %get3A_850 = tpu.vector_load %arg16[%get3A_849] {strides = array<i32>} : memref<10496xi32, #tpu.memory_space<vmem>>, vector<16xi32>,
      tpu.vector_store_idx %arg12[%get3A_850], %exp3A {add = true} : memref<10000xf32, #tpu.memory_space<vmem>>[vector<16xi32>], vector<16xf32>,
      %add3A_851 = arith.constant 20000 : i32
      %add3A_852 = vector.broadcast %add3A_851 : i32 to vector<16xi32>
      %add3A_853 = arith.addi %get3A_848, %add3A_852 : vector<16xi32>
      %gather3A = tpu.vector_load_idx %arg11[%add3A_853] : memref<40000xf32, #tpu.memory_space<vmem>>[vector<16xi32>], vector<16xf32>,
      %add3A_854 = arith.constant 30000 : i32
      %add3A_855 = vector.broadcast %add3A_854 : i32 to vector<16xi32>
      %add3A_856 = arith.addi %get3A_848, %add3A_855 : vector<16xi32>
      %gather3A_857 = tpu.vector_load_idx %arg11[%add3A_856] : memref<40000xf32, #tpu.memory_space<vmem>>[vector<16xi32>], vector<16xf32>,
      %mul3A_858 = arith.mulf %exp3A, %gather3A : vector<16xf32>
      tpu.vector_store_idx %arg13[%get3A_850], %mul3A_858 {add = true} : memref<10000xf32, #tpu.memory_space<vmem>>[vector<16xi32>], vector<16xf32>,
      %mul3A_859 = arith.mulf %exp3A, %gather3A_857 : vector<16xf32>
      tpu.vector_store_idx %arg14[%get3A_850], %mul3A_859 {add = true} : memref<10000xf32, #tpu.memory_space<vmem>>[vector<16xi32>], vector<16xf32>,
      %scan3A_860 = arith.constant 1 : i32
      %scan3A_861 = arith.addi %scan3A_838, %scan3A_860 : i32
      %mul3A_862 = arith.constant 16 : i32
      %mul3A_863 = arith.muli %scan3A_861, %mul3A_862 : i32
      %get3A_864 = arith.index_cast %mul3A_863 : i32 to index
      %get3A_865 = tpu.vector_load %arg17[%get3A_864] {strides = array<i32>} : memref<10496xf32, #tpu.memory_space<vmem>>, vector<16xf32>,
      %sub3A_866 = vector.broadcast %reduce_max3A_818 : f32 to vector<16xf32>
      %sub3A_867 = arith.subf %get3A_865, %sub3A_866 : vector<16xf32>
      %exp3A_868 = math.exp %sub3A_867 : vector<16xf32>
      %swap3A_869 = arith.index_cast %mul3A_863 : i32 to index
      %swap3A_870 = tpu.vector_load %arg17[%swap3A_869] {strides = array<i32>} : memref<10496xf32, #tpu.memory_space<vmem>>, vector<16xf32>,
      tpu.vector_store %arg17[%swap3A_869], %exp3A_868 {strides = array<i32>} : memref<10496xf32, #tpu.memory_space<vmem>>, vector<16xf32>,
      %get3A_871 = arith.index_cast %mul3A_863 : i32 to index
      %get3A_872 = tpu.vector_load %arg15[%get3A_871] {strides = array<i32>} : memref<10496xi32, #tpu.memory_space<vmem>>, vector<16xi32>,
      %get3A_873 = arith.index_cast %mul3A_863 : i32 to index
      %get3A_874 = tpu.vector_load %arg16[%get3A_873] {strides = array<i32>} : memref<10496xi32, #tpu.memory_space<vmem>>, vector<16xi32>,
      tpu.vector_store_idx %arg12[%get3A_874], %exp3A_868 {add = true} : memref<10000xf32, #tpu.memory_space<vmem>>[vector<16xi32>], vector<16xf32>,
      %add3A_875 = arith.constant 20000 : i32
      %add3A_876 = vector.broadcast %add3A_875 : i32 to vector<16xi32>
      %add3A_877 = arith.addi %get3A_872, %add3A_876 : vector<16xi32>
      %gather3A_878 = tpu.vector_load_idx %arg11[%add3A_877] : memref<40000xf32, #tpu.memory_space<vmem>>[vector<16xi32>], vector<16xf32>,
      %add3A_879 = arith.constant 30000 : i32
      %add3A_880 = vector.broadcast %add3A_879 : i32 to vector<16xi32>
      %add3A_881 = arith.addi %get3A_872, %add3A_880 : vector<16xi32>
      %gather3A_882 = tpu.vector_load_idx %arg11[%add3A_881] : memref<40000xf32, #tpu.memory_space<vmem>>[vector<16xi32>], vector<16xf32>,
      %mul3A_883 = arith.mulf %exp3A_868, %gather3A_878 : vector<16xf32>
      tpu.vector_store_idx %arg13[%get3A_874], %mul3A_883 {add = true} : memref<10000xf32, #tpu.memory_space<vmem>>[vector<16xi32>], vector<16xf32>,
      %mul3A_884 = arith.mulf %exp3A_868, %gather3A_882 : vector<16xf32>
      tpu.vector_store_idx %arg14[%get3A_874], %mul3A_884 {add = true} : memref<10000xf32, #tpu.memory_space<vmem>>[vector<16xi32>], vector<16xf32>,
    }
    %scan3A_824 = arith.constant 624 : i32
    %eq3A_825 = arith.constant 0 : i32
    %eq3A_826 = arith.cmpi eq, %add3A, %eq3A_825 : i32
    %convert_element_type3A_827 = arith.extui %eq3A_826 : i1 to i32
    %cond3A_828 = arith.constant 0 : i32
    %cond3A_829 = arith.cmpi ne, %convert_element_type3A_827, %cond3A_828 : i32
    scf.if %cond3A_829 {
      %scan3A_838 = arith.constant 0 : i32
      %scan3A_839 = arith.constant 624 : i32
      %scan3A_840 = arith.constant 32 : i32
      %scan3A_841 = arith.addi %scan3A_839, %scan3A_840 : i32
      %scan3A_842 = arith.constant 1 : i32
      scf.for %scan3A_844 = %scan3A_839 to %scan3A_841 step %scan3A_842  : i32 {
        %mul3A_845 = arith.constant 16 : i32
        %mul3A_846 = arith.muli %scan3A_844, %mul3A_845 : i32
        %get3A_847 = arith.index_cast %mul3A_846 : i32 to index
        %get3A_848 = tpu.vector_load %arg17[%get3A_847] {strides = array<i32>} : memref<10496xf32, #tpu.memory_space<vmem>>, vector<16xf32>,
        %sub3A_849 = vector.broadcast %reduce_max3A_818 : f32 to vector<16xf32>
        %sub3A_850 = arith.subf %get3A_848, %sub3A_849 : vector<16xf32>
        %exp3A = math.exp %sub3A_850 : vector<16xf32>
        %swap3A_851 = arith.index_cast %mul3A_846 : i32 to index
        %swap3A_852 = tpu.vector_load %arg17[%swap3A_851] {strides = array<i32>} : memref<10496xf32, #tpu.memory_space<vmem>>, vector<16xf32>,
        tpu.vector_store %arg17[%swap3A_851], %exp3A {strides = array<i32>} : memref<10496xf32, #tpu.memory_space<vmem>>, vector<16xf32>,
        %get3A_853 = arith.index_cast %mul3A_846 : i32 to index
        %get3A_854 = tpu.vector_load %arg15[%get3A_853] {strides = array<i32>} : memref<10496xi32, #tpu.memory_space<vmem>>, vector<16xi32>,
        %get3A_855 = arith.index_cast %mul3A_846 : i32 to index
        %get3A_856 = tpu.vector_load %arg16[%get3A_855] {strides = array<i32>} : memref<10496xi32, #tpu.memory_space<vmem>>, vector<16xi32>,
        tpu.vector_store_idx %arg12[%get3A_856], %exp3A {add = true} : memref<10000xf32, #tpu.memory_space<vmem>>[vector<16xi32>], vector<16xf32>,
        %add3A_857 = arith.constant 20000 : i32
        %add3A_858 = vector.broadcast %add3A_857 : i32 to vector<16xi32>
        %add3A_859 = arith.addi %get3A_854, %add3A_858 : vector<16xi32>
        %gather3A = tpu.vector_load_idx %arg11[%add3A_859] : memref<40000xf32, #tpu.memory_space<vmem>>[vector<16xi32>], vector<16xf32>,
        %add3A_860 = arith.constant 30000 : i32
        %add3A_861 = vector.broadcast %add3A_860 : i32 to vector<16xi32>
        %add3A_862 = arith.addi %get3A_854, %add3A_861 : vector<16xi32>
        %gather3A_863 = tpu.vector_load_idx %arg11[%add3A_862] : memref<40000xf32, #tpu.memory_space<vmem>>[vector<16xi32>], vector<16xf32>,
        %mul3A_864 = arith.mulf %exp3A, %gather3A : vector<16xf32>
        tpu.vector_store_idx %arg13[%get3A_856], %mul3A_864 {add = true} : memref<10000xf32, #tpu.memory_space<vmem>>[vector<16xi32>], vector<16xf32>,
        %mul3A_865 = arith.mulf %exp3A, %gather3A_863 : vector<16xf32>
        tpu.vector_store_idx %arg14[%get3A_856], %mul3A_865 {add = true} : memref<10000xf32, #tpu.memory_space<vmem>>[vector<16xi32>], vector<16xf32>,
      }
      %scan3A_843 = arith.constant 32 : i32
    } else {
    }
    %broadcast_in_dim3A_830 = vector.broadcast %reduce_max3A_818 : f32 to vector<16xf32>
    %swap3A_831 = arith.constant 0 : index
    %swap3A_832 = tpu.vector_load %arg19[%swap3A_831] {strides = array<i32>} : memref<16xf32, #tpu.memory_space<vmem>>, vector<16xf32>,
    tpu.vector_store %arg19[%swap3A_831], %broadcast_in_dim3A_830 {strides = array<i32>} : memref<16xf32, #tpu.memory_space<vmem>>, vector<16xf32>,
    "tpu.region"() ({
      %run_scoped3A = tpu.sem_alloc : memref<!tpu.dma_semaphore, #tpu.memory_space<semaphore_mem>>
      %dma_start3A_838 = arith.constant 0 : i32
      %dma_start3A_839 = tpu.memref_slice %arg7[%add3A, %dma_start3A_838] : memref<32x16xf32, #tpu.memory_space<hbm>> -> memref<1x16xf32, #tpu.memory_space<hbm>>
      %dma_start3A_840 = tpu.memref_squeeze %dma_start3A_839 : memref<1x16xf32, #tpu.memory_space<hbm>> -> memref<16xf32, #tpu.memory_space<hbm>>
      %dma_start3A_841 = arith.constant 0 : i32
      %dma_start3A_842 = tpu.memref_slice %arg7[%add3A, %dma_start3A_841] : memref<32x16xf32, #tpu.memory_space<hbm>> -> memref<1x16xf32, #tpu.memory_space<hbm>>
      %dma_start3A_843 = tpu.memref_squeeze %dma_start3A_842 : memref<1x16xf32, #tpu.memory_space<hbm>> -> memref<16xf32, #tpu.memory_space<hbm>>
      tpu.enqueue_dma source(%arg19 : memref<16xf32, #tpu.memory_space<vmem>>) target(%dma_start3A_843 : memref<16xf32, #tpu.memory_space<hbm>>) target_semaphore(%run_scoped3A : memref<!tpu.dma_semaphore, #tpu.memory_space<semaphore_mem>>)
      %dma_wait3A_844 = arith.constant 0 : i32
      %dma_wait3A_845 = tpu.memref_slice %arg7[%add3A, %dma_wait3A_844] : memref<32x16xf32, #tpu.memory_space<hbm>> -> memref<1x16xf32, #tpu.memory_space<hbm>>
      %dma_wait3A_846 = tpu.memref_squeeze %dma_wait3A_845 : memref<1x16xf32, #tpu.memory_space<hbm>> -> memref<16xf32, #tpu.memory_space<hbm>>
      %dma_wait3A_847 = arith.constant 0 : i32
      %dma_wait3A_848 = tpu.memref_slice %arg7[%add3A, %dma_wait3A_847] : memref<32x16xf32, #tpu.memory_space<hbm>> -> memref<1x16xf32, #tpu.memory_space<hbm>>
      %dma_wait3A_849 = tpu.memref_squeeze %dma_wait3A_848 : memref<1x16xf32, #tpu.memory_space<hbm>> -> memref<16xf32, #tpu.memory_space<hbm>>
      tpu.wait_dma2 semaphore(%run_scoped3A : memref<!tpu.dma_semaphore, #tpu.memory_space<semaphore_mem>>) src(%arg19 : memref<16xf32, #tpu.memory_space<vmem>>) dst(%dma_wait3A_849 : memref<16xf32, #tpu.memory_space<hbm>>)
      tpu.yield
    }) : () -> ()
    "tpu.region"() ({
      %run_scoped3A = tpu.sem_alloc : memref<!tpu.dma_semaphore, #tpu.memory_space<semaphore_mem>>
      %dma_start3A_838 = arith.constant 0 : i32
      %dma_start3A_839 = tpu.memref_slice %arg17[%dma_start3A_838] : memref<10496xf32, #tpu.memory_space<vmem>> -> memref<9984xf32, #tpu.memory_space<vmem>>
      %dma_start3A_840 = tpu.memref_slice %arg6[%mul3A_2] : memref<320000xf32, #tpu.memory_space<hbm>> -> memref<9984xf32, #tpu.memory_space<hbm>>
      %dma_start3A_841 = tpu.memref_slice %arg6[%mul3A_2] : memref<320000xf32, #tpu.memory_space<hbm>> -> memref<9984xf32, #tpu.memory_space<hbm>>
      %dma_start3A_842 = arith.constant 0 : i32
      %dma_start3A_843 = tpu.memref_slice %arg17[%dma_start3A_842] : memref<10496xf32, #tpu.memory_space<vmem>> -> memref<9984xf32, #tpu.memory_space<vmem>>
      tpu.enqueue_dma source(%dma_start3A_843 : memref<9984xf32, #tpu.memory_space<vmem>>) target(%dma_start3A_841 : memref<9984xf32, #tpu.memory_space<hbm>>) target_semaphore(%run_scoped3A : memref<!tpu.dma_semaphore, #tpu.memory_space<semaphore_mem>>)
      %dma_wait3A_844 = arith.constant 0 : i32
      %dma_wait3A_845 = tpu.memref_slice %arg17[%dma_wait3A_844] : memref<10496xf32, #tpu.memory_space<vmem>> -> memref<9984xf32, #tpu.memory_space<vmem>>
      %dma_wait3A_846 = tpu.memref_slice %arg6[%mul3A_2] : memref<320000xf32, #tpu.memory_space<hbm>> -> memref<9984xf32, #tpu.memory_space<hbm>>
      %dma_wait3A_847 = tpu.memref_slice %arg6[%mul3A_2] : memref<320000xf32, #tpu.memory_space<hbm>> -> memref<9984xf32, #tpu.memory_space<hbm>>
      %dma_wait3A_848 = arith.constant 0 : i32
      %dma_wait3A_849 = tpu.memref_slice %arg17[%dma_wait3A_848] : memref<10496xf32, #tpu.memory_space<vmem>> -> memref<9984xf32, #tpu.memory_space<vmem>>
      tpu.wait_dma2 semaphore(%run_scoped3A : memref<!tpu.dma_semaphore, #tpu.memory_space<semaphore_mem>>) src(%dma_wait3A_849 : memref<9984xf32, #tpu.memory_space<vmem>>) dst(%dma_wait3A_847 : memref<9984xf32, #tpu.memory_space<hbm>>)
      tpu.yield
    }) : () -> ()
    %eq3A_833 = arith.constant 0 : i32
    %eq3A_834 = arith.cmpi eq, %add3A, %eq3A_833 : i32
    %convert_element_type3A_835 = arith.extui %eq3A_834 : i1 to i32
    %cond3A_836 = arith.constant 0 : i32
    %cond3A_837 = arith.cmpi ne, %convert_element_type3A_835, %cond3A_836 : i32
    scf.if %cond3A_837 {
      "tpu.region"() ({
        %run_scoped3A = tpu.sem_alloc : memref<!tpu.dma_semaphore, #tpu.memory_space<semaphore_mem>>
        %dma_start3A_838 = arith.constant 9984 : i32
        %dma_start3A_839 = tpu.memref_slice %arg17[%dma_start3A_838] : memref<10496xf32, #tpu.memory_space<vmem>> -> memref<512xf32, #tpu.memory_space<vmem>>
        %dma_start3A_840 = arith.constant 319488 : i32
        %dma_start3A_841 = tpu.memref_slice %arg6[%dma_start3A_840] : memref<320000xf32, #tpu.memory_space<hbm>> -> memref<512xf32, #tpu.memory_space<hbm>>
        %dma_start3A_842 = arith.constant 319488 : i32
        %dma_start3A_843 = tpu.memref_slice %arg6[%dma_start3A_842] : memref<320000xf32, #tpu.memory_space<hbm>> -> memref<512xf32, #tpu.memory_space<hbm>>
        %dma_start3A_844 = arith.constant 9984 : i32
        %dma_start3A_845 = tpu.memref_slice %arg17[%dma_start3A_844] : memref<10496xf32, #tpu.memory_space<vmem>> -> memref<512xf32, #tpu.memory_space<vmem>>
        tpu.enqueue_dma source(%dma_start3A_845 : memref<512xf32, #tpu.memory_space<vmem>>) target(%dma_start3A_843 : memref<512xf32, #tpu.memory_space<hbm>>) target_semaphore(%run_scoped3A : memref<!tpu.dma_semaphore, #tpu.memory_space<semaphore_mem>>)
        %dma_wait3A_846 = arith.constant 9984 : i32
        %dma_wait3A_847 = tpu.memref_slice %arg17[%dma_wait3A_846] : memref<10496xf32, #tpu.memory_space<vmem>> -> memref<512xf32, #tpu.memory_space<vmem>>
        %dma_wait3A_848 = arith.constant 319488 : i32
        %dma_wait3A_849 = tpu.memref_slice %arg6[%dma_wait3A_848] : memref<320000xf32, #tpu.memory_space<hbm>> -> memref<512xf32, #tpu.memory_space<hbm>>
        %dma_wait3A_850 = arith.constant 319488 : i32
        %dma_wait3A_851 = tpu.memref_slice %arg6[%dma_wait3A_850] : memref<320000xf32, #tpu.memory_space<hbm>> -> memref<512xf32, #tpu.memory_space<hbm>>
        %dma_wait3A_852 = arith.constant 9984 : i32
        %dma_wait3A_853 = tpu.memref_slice %arg17[%dma_wait3A_852] : memref<10496xf32, #tpu.memory_space<vmem>> -> memref<512xf32, #tpu.memory_space<vmem>>
        tpu.wait_dma2 semaphore(%run_scoped3A : memref<!tpu.dma_semaphore, #tpu.memory_space<semaphore_mem>>) src(%dma_wait3A_853 : memref<512xf32, #tpu.memory_space<vmem>>) dst(%dma_wait3A_851 : memref<512xf32, #tpu.memory_space<hbm>>)
        tpu.yield
      }) : () -> ()
    } else {
    }
    "tpu.region"() ({
      %run_scoped3A = tpu.sem_alloc : memref<!tpu.dma_semaphore, #tpu.memory_space<semaphore_mem>>
      %dma_start3A_838 = arith.constant 0 : i32
      %dma_start3A_839 = tpu.memref_slice %arg8[%add3A, %dma_start3A_838] : memref<32x10000xf32, #tpu.memory_space<hbm>> -> memref<1x10000xf32, #tpu.memory_space<hbm>>
      %dma_start3A_840 = tpu.memref_squeeze %dma_start3A_839 : memref<1x10000xf32, #tpu.memory_space<hbm>> -> memref<10000xf32, #tpu.memory_space<hbm>>
      %dma_start3A_841 = arith.constant 0 : i32
      %dma_start3A_842 = tpu.memref_slice %arg8[%add3A, %dma_start3A_841] : memref<32x10000xf32, #tpu.memory_space<hbm>> -> memref<1x10000xf32, #tpu.memory_space<hbm>>
      %dma_start3A_843 = tpu.memref_squeeze %dma_start3A_842 : memref<1x10000xf32, #tpu.memory_space<hbm>> -> memref<10000xf32, #tpu.memory_space<hbm>>
      tpu.enqueue_dma source(%arg12 : memref<10000xf32, #tpu.memory_space<vmem>>) target(%dma_start3A_843 : memref<10000xf32, #tpu.memory_space<hbm>>) target_semaphore(%run_scoped3A : memref<!tpu.dma_semaphore, #tpu.memory_space<semaphore_mem>>)
      %dma_wait3A_844 = arith.constant 0 : i32
      %dma_wait3A_845 = tpu.memref_slice %arg8[%add3A, %dma_wait3A_844] : memref<32x10000xf32, #tpu.memory_space<hbm>> -> memref<1x10000xf32, #tpu.memory_space<hbm>>
      %dma_wait3A_846 = tpu.memref_squeeze %dma_wait3A_845 : memref<1x10000xf32, #tpu.memory_space<hbm>> -> memref<10000xf32, #tpu.memory_space<hbm>>
      %dma_wait3A_847 = arith.constant 0 : i32
      %dma_wait3A_848 = tpu.memref_slice %arg8[%add3A, %dma_wait3A_847] : memref<32x10000xf32, #tpu.memory_space<hbm>> -> memref<1x10000xf32, #tpu.memory_space<hbm>>
      %dma_wait3A_849 = tpu.memref_squeeze %dma_wait3A_848 : memref<1x10000xf32, #tpu.memory_space<hbm>> -> memref<10000xf32, #tpu.memory_space<hbm>>
      tpu.wait_dma2 semaphore(%run_scoped3A : memref<!tpu.dma_semaphore, #tpu.memory_space<semaphore_mem>>) src(%arg12 : memref<10000xf32, #tpu.memory_space<vmem>>) dst(%dma_wait3A_849 : memref<10000xf32, #tpu.memory_space<hbm>>)
      tpu.yield
    }) : () -> ()
    "tpu.region"() ({
      %run_scoped3A = tpu.sem_alloc : memref<!tpu.dma_semaphore, #tpu.memory_space<semaphore_mem>>
      %dma_start3A_838 = arith.constant 0 : i32
      %dma_start3A_839 = tpu.memref_slice %arg9[%add3A, %dma_start3A_838] : memref<32x10000xf32, #tpu.memory_space<hbm>> -> memref<1x10000xf32, #tpu.memory_space<hbm>>
      %dma_start3A_840 = tpu.memref_squeeze %dma_start3A_839 : memref<1x10000xf32, #tpu.memory_space<hbm>> -> memref<10000xf32, #tpu.memory_space<hbm>>
      %dma_start3A_841 = arith.constant 0 : i32
      %dma_start3A_842 = tpu.memref_slice %arg9[%add3A, %dma_start3A_841] : memref<32x10000xf32, #tpu.memory_space<hbm>> -> memref<1x10000xf32, #tpu.memory_space<hbm>>
      %dma_start3A_843 = tpu.memref_squeeze %dma_start3A_842 : memref<1x10000xf32, #tpu.memory_space<hbm>> -> memref<10000xf32, #tpu.memory_space<hbm>>
      tpu.enqueue_dma source(%arg13 : memref<10000xf32, #tpu.memory_space<vmem>>) target(%dma_start3A_843 : memref<10000xf32, #tpu.memory_space<hbm>>) target_semaphore(%run_scoped3A : memref<!tpu.dma_semaphore, #tpu.memory_space<semaphore_mem>>)
      %dma_wait3A_844 = arith.constant 0 : i32
      %dma_wait3A_845 = tpu.memref_slice %arg9[%add3A, %dma_wait3A_844] : memref<32x10000xf32, #tpu.memory_space<hbm>> -> memref<1x10000xf32, #tpu.memory_space<hbm>>
      %dma_wait3A_846 = tpu.memref_squeeze %dma_wait3A_845 : memref<1x10000xf32, #tpu.memory_space<hbm>> -> memref<10000xf32, #tpu.memory_space<hbm>>
      %dma_wait3A_847 = arith.constant 0 : i32
      %dma_wait3A_848 = tpu.memref_slice %arg9[%add3A, %dma_wait3A_847] : memref<32x10000xf32, #tpu.memory_space<hbm>> -> memref<1x10000xf32, #tpu.memory_space<hbm>>
      %dma_wait3A_849 = tpu.memref_squeeze %dma_wait3A_848 : memref<1x10000xf32, #tpu.memory_space<hbm>> -> memref<10000xf32, #tpu.memory_space<hbm>>
      tpu.wait_dma2 semaphore(%run_scoped3A : memref<!tpu.dma_semaphore, #tpu.memory_space<semaphore_mem>>) src(%arg13 : memref<10000xf32, #tpu.memory_space<vmem>>) dst(%dma_wait3A_849 : memref<10000xf32, #tpu.memory_space<hbm>>)
      tpu.yield
    }) : () -> ()
    "tpu.region"() ({
      %run_scoped3A = tpu.sem_alloc : memref<!tpu.dma_semaphore, #tpu.memory_space<semaphore_mem>>
      %dma_start3A_838 = arith.constant 0 : i32
      %dma_start3A_839 = tpu.memref_slice %arg10[%add3A, %dma_start3A_838] : memref<32x10000xf32, #tpu.memory_space<hbm>> -> memref<1x10000xf32, #tpu.memory_space<hbm>>
      %dma_start3A_840 = tpu.memref_squeeze %dma_start3A_839 : memref<1x10000xf32, #tpu.memory_space<hbm>> -> memref<10000xf32, #tpu.memory_space<hbm>>
      %dma_start3A_841 = arith.constant 0 : i32
      %dma_start3A_842 = tpu.memref_slice %arg10[%add3A, %dma_start3A_841] : memref<32x10000xf32, #tpu.memory_space<hbm>> -> memref<1x10000xf32, #tpu.memory_space<hbm>>
      %dma_start3A_843 = tpu.memref_squeeze %dma_start3A_842 : memref<1x10000xf32, #tpu.memory_space<hbm>> -> memref<10000xf32, #tpu.memory_space<hbm>>
      tpu.enqueue_dma source(%arg14 : memref<10000xf32, #tpu.memory_space<vmem>>) target(%dma_start3A_843 : memref<10000xf32, #tpu.memory_space<hbm>>) target_semaphore(%run_scoped3A : memref<!tpu.dma_semaphore, #tpu.memory_space<semaphore_mem>>)
      %dma_wait3A_844 = arith.constant 0 : i32
      %dma_wait3A_845 = tpu.memref_slice %arg10[%add3A, %dma_wait3A_844] : memref<32x10000xf32, #tpu.memory_space<hbm>> -> memref<1x10000xf32, #tpu.memory_space<hbm>>
      %dma_wait3A_846 = tpu.memref_squeeze %dma_wait3A_845 : memref<1x10000xf32, #tpu.memory_space<hbm>> -> memref<10000xf32, #tpu.memory_space<hbm>>
      %dma_wait3A_847 = arith.constant 0 : i32
      %dma_wait3A_848 = tpu.memref_slice %arg10[%add3A, %dma_wait3A_847] : memref<32x10000xf32, #tpu.memory_space<hbm>> -> memref<1x10000xf32, #tpu.memory_space<hbm>>
      %dma_wait3A_849 = tpu.memref_squeeze %dma_wait3A_848 : memref<1x10000xf32, #tpu.memory_space<hbm>> -> memref<10000xf32, #tpu.memory_space<hbm>>
      tpu.wait_dma2 semaphore(%run_scoped3A : memref<!tpu.dma_semaphore, #tpu.memory_space<semaphore_mem>>) src(%arg14 : memref<10000xf32, #tpu.memory_space<vmem>>) dst(%dma_wait3A_849 : memref<10000xf32, #tpu.memory_space<hbm>>)
      tpu.yield
    }) : () -> ()
    return
  }
}

#map = affine_map<(d0, d1) -> (0)>
#map1 = affine_map<(d0, d1) -> (0, 0)>
module attributes {stable_mosaic.version = 14 : i64} {
  func.func @_kc(%arg0: i32, %arg1: i32, %arg2: memref<320000xf32, #tpu.memory_space<hbm>>, %arg3: memref<640000xi32, #tpu.memory_space<hbm>>, %arg4: memref<10000xf32, #tpu.memory_space<hbm>>, %arg5: memref<32x16xf32, #tpu.memory_space<hbm>>, %arg6: memref<1x320000xf32, #tpu.memory_space<hbm>>, %arg7: memref<10000xf32, #tpu.memory_space<vmem>>, %arg8: memref<10496xf32, #tpu.memory_space<vmem>>, %arg9: memref<10496xi32, #tpu.memory_space<vmem>>, %arg10: memref<16xf32, #tpu.memory_space<vmem>>, %arg11: memref<!tpu.dma_semaphore, #tpu.memory_space<semaphore_mem>>) attributes {dimension_semantics = [#tpu.dimension_semantics<core_parallel>, #tpu.dimension_semantics<subcore_parallel>], iteration_bounds = array<i64: 2, 16>, scalar_prefetch = 0 : i64, scratch_operands = 5 : i64, tpu.core_type = #tpu.core_type<sc_vector_subcore>, window_params = [{transform_indices = #map}, {transform_indices = #map}, {transform_indices = #map}, {transform_indices = #map1}, {transform_indices = #map1}]} {
    %mul3A = arith.constant 16 : i32
    %mul3A_0 = arith.muli %arg0, %mul3A : i32
    %add3A = arith.addi %mul3A_0, %arg1 : i32
    %mul3A_1 = arith.constant 9984 : i32
    %mul3A_2 = arith.muli %add3A, %mul3A_1 : i32
    %dma_start3A = arith.constant 0 : i32
    %dma_start3A_3 = tpu.memref_slice %arg8[%dma_start3A] : memref<10496xf32, #tpu.memory_space<vmem>> -> memref<9984xf32, #tpu.memory_space<vmem>>
    %dma_start3A_4 = tpu.memref_slice %arg2[%mul3A_2] : memref<320000xf32, #tpu.memory_space<hbm>> -> memref<9984xf32, #tpu.memory_space<hbm>>
    %dma_start3A_5 = arith.constant 0 : i32
    %dma_start3A_6 = tpu.memref_slice %arg8[%dma_start3A_5] : memref<10496xf32, #tpu.memory_space<vmem>> -> memref<9984xf32, #tpu.memory_space<vmem>>
    %dma_start3A_7 = tpu.memref_slice %arg2[%mul3A_2] : memref<320000xf32, #tpu.memory_space<hbm>> -> memref<9984xf32, #tpu.memory_space<hbm>>
    tpu.enqueue_dma source(%dma_start3A_7 : memref<9984xf32, #tpu.memory_space<hbm>>) target(%dma_start3A_6 : memref<9984xf32, #tpu.memory_space<vmem>>) target_semaphore(%arg11 : memref<!tpu.dma_semaphore, #tpu.memory_space<semaphore_mem>>)
    %add3A_8 = arith.constant 320000 : i32
    %add3A_9 = arith.addi %add3A_8, %mul3A_2 : i32
    %dma_start3A_10 = arith.constant 0 : i32
    %dma_start3A_11 = tpu.memref_slice %arg9[%dma_start3A_10] : memref<10496xi32, #tpu.memory_space<vmem>> -> memref<9984xi32, #tpu.memory_space<vmem>>
    %dma_start3A_12 = tpu.memref_slice %arg3[%add3A_9] : memref<640000xi32, #tpu.memory_space<hbm>> -> memref<9984xi32, #tpu.memory_space<hbm>>
    %dma_start3A_13 = arith.constant 0 : i32
    %dma_start3A_14 = tpu.memref_slice %arg9[%dma_start3A_13] : memref<10496xi32, #tpu.memory_space<vmem>> -> memref<9984xi32, #tpu.memory_space<vmem>>
    %dma_start3A_15 = tpu.memref_slice %arg3[%add3A_9] : memref<640000xi32, #tpu.memory_space<hbm>> -> memref<9984xi32, #tpu.memory_space<hbm>>
    tpu.enqueue_dma source(%dma_start3A_15 : memref<9984xi32, #tpu.memory_space<hbm>>) target(%dma_start3A_14 : memref<9984xi32, #tpu.memory_space<vmem>>) target_semaphore(%arg11 : memref<!tpu.dma_semaphore, #tpu.memory_space<semaphore_mem>>)
    %dma_start3A_16 = arith.constant 0 : i32
    %dma_start3A_17 = tpu.memref_slice %arg5[%add3A, %dma_start3A_16] : memref<32x16xf32, #tpu.memory_space<hbm>> -> memref<1x16xf32, #tpu.memory_space<hbm>>
    %dma_start3A_18 = tpu.memref_squeeze %dma_start3A_17 : memref<1x16xf32, #tpu.memory_space<hbm>> -> memref<16xf32, #tpu.memory_space<hbm>>
    %dma_start3A_19 = arith.constant 0 : i32
    %dma_start3A_20 = tpu.memref_slice %arg5[%add3A, %dma_start3A_19] : memref<32x16xf32, #tpu.memory_space<hbm>> -> memref<1x16xf32, #tpu.memory_space<hbm>>
    %dma_start3A_21 = tpu.memref_squeeze %dma_start3A_20 : memref<1x16xf32, #tpu.memory_space<hbm>> -> memref<16xf32, #tpu.memory_space<hbm>>
    tpu.enqueue_dma source(%dma_start3A_21 : memref<16xf32, #tpu.memory_space<hbm>>) target(%arg10 : memref<16xf32, #tpu.memory_space<vmem>>) target_semaphore(%arg11 : memref<!tpu.dma_semaphore, #tpu.memory_space<semaphore_mem>>)
    %dma_start3A_22 = arith.constant 9984 : i32
    %dma_start3A_23 = tpu.memref_slice %arg8[%dma_start3A_22] : memref<10496xf32, #tpu.memory_space<vmem>> -> memref<512xf32, #tpu.memory_space<vmem>>
    %dma_start3A_24 = arith.constant 319488 : i32
    %dma_start3A_25 = tpu.memref_slice %arg2[%dma_start3A_24] : memref<320000xf32, #tpu.memory_space<hbm>> -> memref<512xf32, #tpu.memory_space<hbm>>
    %dma_start3A_26 = arith.constant 9984 : i32
    %dma_start3A_27 = tpu.memref_slice %arg8[%dma_start3A_26] : memref<10496xf32, #tpu.memory_space<vmem>> -> memref<512xf32, #tpu.memory_space<vmem>>
    %dma_start3A_28 = arith.constant 319488 : i32
    %dma_start3A_29 = tpu.memref_slice %arg2[%dma_start3A_28] : memref<320000xf32, #tpu.memory_space<hbm>> -> memref<512xf32, #tpu.memory_space<hbm>>
    tpu.enqueue_dma source(%dma_start3A_29 : memref<512xf32, #tpu.memory_space<hbm>>) target(%dma_start3A_27 : memref<512xf32, #tpu.memory_space<vmem>>) target_semaphore(%arg11 : memref<!tpu.dma_semaphore, #tpu.memory_space<semaphore_mem>>)
    %dma_start3A_30 = arith.constant 9984 : i32
    %dma_start3A_31 = tpu.memref_slice %arg9[%dma_start3A_30] : memref<10496xi32, #tpu.memory_space<vmem>> -> memref<512xi32, #tpu.memory_space<vmem>>
    %dma_start3A_32 = arith.constant 639488 : i32
    %dma_start3A_33 = tpu.memref_slice %arg3[%dma_start3A_32] : memref<640000xi32, #tpu.memory_space<hbm>> -> memref<512xi32, #tpu.memory_space<hbm>>
    %dma_start3A_34 = arith.constant 9984 : i32
    %dma_start3A_35 = tpu.memref_slice %arg9[%dma_start3A_34] : memref<10496xi32, #tpu.memory_space<vmem>> -> memref<512xi32, #tpu.memory_space<vmem>>
    %dma_start3A_36 = arith.constant 639488 : i32
    %dma_start3A_37 = tpu.memref_slice %arg3[%dma_start3A_36] : memref<640000xi32, #tpu.memory_space<hbm>> -> memref<512xi32, #tpu.memory_space<hbm>>
    tpu.enqueue_dma source(%dma_start3A_37 : memref<512xi32, #tpu.memory_space<hbm>>) target(%dma_start3A_35 : memref<512xi32, #tpu.memory_space<vmem>>) target_semaphore(%arg11 : memref<!tpu.dma_semaphore, #tpu.memory_space<semaphore_mem>>)
    %mul3A_38 = arith.constant 25 : i32
    %mul3A_39 = arith.muli %add3A, %mul3A_38 : i32
    %jit3A = arith.constant 32 : i32
    %div3A = arith.divsi %mul3A_39, %jit3A : i32
    %sign3A = arith.constant 0 : i32
    %sign3A_40 = arith.cmpi sgt, %mul3A_39, %sign3A : i32
    %sign3A_41 = arith.extui %sign3A_40 : i1 to i32
    %sign3A_42 = arith.constant 0 : i32
    %sign3A_43 = arith.cmpi slt, %mul3A_39, %sign3A_42 : i32
    %sign3A_44 = arith.extui %sign3A_43 : i1 to i32
    %sign3A_45 = arith.subi %sign3A_41, %sign3A_44 : i32
    %sign3A_46 = arith.constant 0 : i32
    %sign3A_47 = arith.cmpi sgt, %jit3A, %sign3A_46 : i32
    %sign3A_48 = arith.extui %sign3A_47 : i1 to i32
    %sign3A_49 = arith.constant 0 : i32
    %sign3A_50 = arith.cmpi slt, %jit3A, %sign3A_49 : i32
    %sign3A_51 = arith.extui %sign3A_50 : i1 to i32
    %sign3A_52 = arith.subi %sign3A_48, %sign3A_51 : i32
    %ne3A = arith.cmpi ne, %sign3A_45, %sign3A_52 : i32
    %rem3A = arith.remsi %mul3A_39, %jit3A : i32
    %ne3A_53 = arith.constant 0 : i32
    %ne3A_54 = arith.cmpi ne, %rem3A, %ne3A_53 : i32
    %and3A = arith.andi %ne3A, %ne3A_54 : i1
    %sub3A = arith.constant 1 : i32
    %sub3A_55 = arith.subi %div3A, %sub3A : i32
    %select_n3A = arith.select %and3A, %sub3A_55, %div3A : i32
    %add3A_56 = arith.constant 0 : i32
    %add3A_57 = arith.addi %select_n3A, %add3A_56 : i32
    %ge3A = arith.constant 25 : i32
    %ge3A_58 = arith.cmpi sge, %add3A_57, %ge3A : i32
    %sub3A_59 = arith.constant 25 : i32
    %sub3A_60 = arith.subi %add3A_57, %sub3A_59 : i32
    %select_n3A_61 = arith.select %ge3A_58, %sub3A_60, %add3A_57 : i32
    %mul3A_62 = arith.constant 400 : i32
    %mul3A_63 = arith.muli %select_n3A_61, %mul3A_62 : i32
    %dma_start3A_64 = tpu.memref_slice %arg7[%mul3A_63] : memref<10000xf32, #tpu.memory_space<vmem>> -> memref<400xf32, #tpu.memory_space<vmem>>
    %dma_start3A_65 = tpu.memref_slice %arg4[%mul3A_63] : memref<10000xf32, #tpu.memory_space<hbm>> -> memref<400xf32, #tpu.memory_space<hbm>>
    %dma_start3A_66 = tpu.memref_slice %arg7[%mul3A_63] : memref<10000xf32, #tpu.memory_space<vmem>> -> memref<400xf32, #tpu.memory_space<vmem>>
    %dma_start3A_67 = tpu.memref_slice %arg4[%mul3A_63] : memref<10000xf32, #tpu.memory_space<hbm>> -> memref<400xf32, #tpu.memory_space<hbm>>
    tpu.enqueue_dma source(%dma_start3A_67 : memref<400xf32, #tpu.memory_space<hbm>>) target(%dma_start3A_66 : memref<400xf32, #tpu.memory_space<vmem>>) target_semaphore(%arg11 : memref<!tpu.dma_semaphore, #tpu.memory_space<semaphore_mem>>)
    %add3A_68 = arith.constant 1 : i32
    %add3A_69 = arith.addi %select_n3A, %add3A_68 : i32
    %ge3A_70 = arith.constant 25 : i32
    %ge3A_71 = arith.cmpi sge, %add3A_69, %ge3A_70 : i32
    %sub3A_72 = arith.constant 25 : i32
    %sub3A_73 = arith.subi %add3A_69, %sub3A_72 : i32
    %select_n3A_74 = arith.select %ge3A_71, %sub3A_73, %add3A_69 : i32
    %mul3A_75 = arith.constant 400 : i32
    %mul3A_76 = arith.muli %select_n3A_74, %mul3A_75 : i32
    %dma_start3A_77 = tpu.memref_slice %arg7[%mul3A_76] : memref<10000xf32, #tpu.memory_space<vmem>> -> memref<400xf32, #tpu.memory_space<vmem>>
    %dma_start3A_78 = tpu.memref_slice %arg4[%mul3A_76] : memref<10000xf32, #tpu.memory_space<hbm>> -> memref<400xf32, #tpu.memory_space<hbm>>
    %dma_start3A_79 = tpu.memref_slice %arg7[%mul3A_76] : memref<10000xf32, #tpu.memory_space<vmem>> -> memref<400xf32, #tpu.memory_space<vmem>>
    %dma_start3A_80 = tpu.memref_slice %arg4[%mul3A_76] : memref<10000xf32, #tpu.memory_space<hbm>> -> memref<400xf32, #tpu.memory_space<hbm>>
    tpu.enqueue_dma source(%dma_start3A_80 : memref<400xf32, #tpu.memory_space<hbm>>) target(%dma_start3A_79 : memref<400xf32, #tpu.memory_space<vmem>>) target_semaphore(%arg11 : memref<!tpu.dma_semaphore, #tpu.memory_space<semaphore_mem>>)
    %add3A_81 = arith.constant 2 : i32
    %add3A_82 = arith.addi %select_n3A, %add3A_81 : i32
    %ge3A_83 = arith.constant 25 : i32
    %ge3A_84 = arith.cmpi sge, %add3A_82, %ge3A_83 : i32
    %sub3A_85 = arith.constant 25 : i32
    %sub3A_86 = arith.subi %add3A_82, %sub3A_85 : i32
    %select_n3A_87 = arith.select %ge3A_84, %sub3A_86, %add3A_82 : i32
    %mul3A_88 = arith.constant 400 : i32
    %mul3A_89 = arith.muli %select_n3A_87, %mul3A_88 : i32
    %dma_start3A_90 = tpu.memref_slice %arg7[%mul3A_89] : memref<10000xf32, #tpu.memory_space<vmem>> -> memref<400xf32, #tpu.memory_space<vmem>>
    %dma_start3A_91 = tpu.memref_slice %arg4[%mul3A_89] : memref<10000xf32, #tpu.memory_space<hbm>> -> memref<400xf32, #tpu.memory_space<hbm>>
    %dma_start3A_92 = tpu.memref_slice %arg7[%mul3A_89] : memref<10000xf32, #tpu.memory_space<vmem>> -> memref<400xf32, #tpu.memory_space<vmem>>
    %dma_start3A_93 = tpu.memref_slice %arg4[%mul3A_89] : memref<10000xf32, #tpu.memory_space<hbm>> -> memref<400xf32, #tpu.memory_space<hbm>>
    tpu.enqueue_dma source(%dma_start3A_93 : memref<400xf32, #tpu.memory_space<hbm>>) target(%dma_start3A_92 : memref<400xf32, #tpu.memory_space<vmem>>) target_semaphore(%arg11 : memref<!tpu.dma_semaphore, #tpu.memory_space<semaphore_mem>>)
    %add3A_94 = arith.constant 3 : i32
    %add3A_95 = arith.addi %select_n3A, %add3A_94 : i32
    %ge3A_96 = arith.constant 25 : i32
    %ge3A_97 = arith.cmpi sge, %add3A_95, %ge3A_96 : i32
    %sub3A_98 = arith.constant 25 : i32
    %sub3A_99 = arith.subi %add3A_95, %sub3A_98 : i32
    %select_n3A_100 = arith.select %ge3A_97, %sub3A_99, %add3A_95 : i32
    %mul3A_101 = arith.constant 400 : i32
    %mul3A_102 = arith.muli %select_n3A_100, %mul3A_101 : i32
    %dma_start3A_103 = tpu.memref_slice %arg7[%mul3A_102] : memref<10000xf32, #tpu.memory_space<vmem>> -> memref<400xf32, #tpu.memory_space<vmem>>
    %dma_start3A_104 = tpu.memref_slice %arg4[%mul3A_102] : memref<10000xf32, #tpu.memory_space<hbm>> -> memref<400xf32, #tpu.memory_space<hbm>>
    %dma_start3A_105 = tpu.memref_slice %arg7[%mul3A_102] : memref<10000xf32, #tpu.memory_space<vmem>> -> memref<400xf32, #tpu.memory_space<vmem>>
    %dma_start3A_106 = tpu.memref_slice %arg4[%mul3A_102] : memref<10000xf32, #tpu.memory_space<hbm>> -> memref<400xf32, #tpu.memory_space<hbm>>
    tpu.enqueue_dma source(%dma_start3A_106 : memref<400xf32, #tpu.memory_space<hbm>>) target(%dma_start3A_105 : memref<400xf32, #tpu.memory_space<vmem>>) target_semaphore(%arg11 : memref<!tpu.dma_semaphore, #tpu.memory_space<semaphore_mem>>)
    %add3A_107 = arith.constant 4 : i32
    %add3A_108 = arith.addi %select_n3A, %add3A_107 : i32
    %ge3A_109 = arith.constant 25 : i32
    %ge3A_110 = arith.cmpi sge, %add3A_108, %ge3A_109 : i32
    %sub3A_111 = arith.constant 25 : i32
    %sub3A_112 = arith.subi %add3A_108, %sub3A_111 : i32
    %select_n3A_113 = arith.select %ge3A_110, %sub3A_112, %add3A_108 : i32
    %mul3A_114 = arith.constant 400 : i32
    %mul3A_115 = arith.muli %select_n3A_113, %mul3A_114 : i32
    %dma_start3A_116 = tpu.memref_slice %arg7[%mul3A_115] : memref<10000xf32, #tpu.memory_space<vmem>> -> memref<400xf32, #tpu.memory_space<vmem>>
    %dma_start3A_117 = tpu.memref_slice %arg4[%mul3A_115] : memref<10000xf32, #tpu.memory_space<hbm>> -> memref<400xf32, #tpu.memory_space<hbm>>
    %dma_start3A_118 = tpu.memref_slice %arg7[%mul3A_115] : memref<10000xf32, #tpu.memory_space<vmem>> -> memref<400xf32, #tpu.memory_space<vmem>>
    %dma_start3A_119 = tpu.memref_slice %arg4[%mul3A_115] : memref<10000xf32, #tpu.memory_space<hbm>> -> memref<400xf32, #tpu.memory_space<hbm>>
    tpu.enqueue_dma source(%dma_start3A_119 : memref<400xf32, #tpu.memory_space<hbm>>) target(%dma_start3A_118 : memref<400xf32, #tpu.memory_space<vmem>>) target_semaphore(%arg11 : memref<!tpu.dma_semaphore, #tpu.memory_space<semaphore_mem>>)
    %add3A_120 = arith.constant 5 : i32
    %add3A_121 = arith.addi %select_n3A, %add3A_120 : i32
    %ge3A_122 = arith.constant 25 : i32
    %ge3A_123 = arith.cmpi sge, %add3A_121, %ge3A_122 : i32
    %sub3A_124 = arith.constant 25 : i32
    %sub3A_125 = arith.subi %add3A_121, %sub3A_124 : i32
    %select_n3A_126 = arith.select %ge3A_123, %sub3A_125, %add3A_121 : i32
    %mul3A_127 = arith.constant 400 : i32
    %mul3A_128 = arith.muli %select_n3A_126, %mul3A_127 : i32
    %dma_start3A_129 = tpu.memref_slice %arg7[%mul3A_128] : memref<10000xf32, #tpu.memory_space<vmem>> -> memref<400xf32, #tpu.memory_space<vmem>>
    %dma_start3A_130 = tpu.memref_slice %arg4[%mul3A_128] : memref<10000xf32, #tpu.memory_space<hbm>> -> memref<400xf32, #tpu.memory_space<hbm>>
    %dma_start3A_131 = tpu.memref_slice %arg7[%mul3A_128] : memref<10000xf32, #tpu.memory_space<vmem>> -> memref<400xf32, #tpu.memory_space<vmem>>
    %dma_start3A_132 = tpu.memref_slice %arg4[%mul3A_128] : memref<10000xf32, #tpu.memory_space<hbm>> -> memref<400xf32, #tpu.memory_space<hbm>>
    tpu.enqueue_dma source(%dma_start3A_132 : memref<400xf32, #tpu.memory_space<hbm>>) target(%dma_start3A_131 : memref<400xf32, #tpu.memory_space<vmem>>) target_semaphore(%arg11 : memref<!tpu.dma_semaphore, #tpu.memory_space<semaphore_mem>>)
    %add3A_133 = arith.constant 6 : i32
    %add3A_134 = arith.addi %select_n3A, %add3A_133 : i32
    %ge3A_135 = arith.constant 25 : i32
    %ge3A_136 = arith.cmpi sge, %add3A_134, %ge3A_135 : i32
    %sub3A_137 = arith.constant 25 : i32
    %sub3A_138 = arith.subi %add3A_134, %sub3A_137 : i32
    %select_n3A_139 = arith.select %ge3A_136, %sub3A_138, %add3A_134 : i32
    %mul3A_140 = arith.constant 400 : i32
    %mul3A_141 = arith.muli %select_n3A_139, %mul3A_140 : i32
    %dma_start3A_142 = tpu.memref_slice %arg7[%mul3A_141] : memref<10000xf32, #tpu.memory_space<vmem>> -> memref<400xf32, #tpu.memory_space<vmem>>
    %dma_start3A_143 = tpu.memref_slice %arg4[%mul3A_141] : memref<10000xf32, #tpu.memory_space<hbm>> -> memref<400xf32, #tpu.memory_space<hbm>>
    %dma_start3A_144 = tpu.memref_slice %arg7[%mul3A_141] : memref<10000xf32, #tpu.memory_space<vmem>> -> memref<400xf32, #tpu.memory_space<vmem>>
    %dma_start3A_145 = tpu.memref_slice %arg4[%mul3A_141] : memref<10000xf32, #tpu.memory_space<hbm>> -> memref<400xf32, #tpu.memory_space<hbm>>
    tpu.enqueue_dma source(%dma_start3A_145 : memref<400xf32, #tpu.memory_space<hbm>>) target(%dma_start3A_144 : memref<400xf32, #tpu.memory_space<vmem>>) target_semaphore(%arg11 : memref<!tpu.dma_semaphore, #tpu.memory_space<semaphore_mem>>)
    %add3A_146 = arith.constant 7 : i32
    %add3A_147 = arith.addi %select_n3A, %add3A_146 : i32
    %ge3A_148 = arith.constant 25 : i32
    %ge3A_149 = arith.cmpi sge, %add3A_147, %ge3A_148 : i32
    %sub3A_150 = arith.constant 25 : i32
    %sub3A_151 = arith.subi %add3A_147, %sub3A_150 : i32
    %select_n3A_152 = arith.select %ge3A_149, %sub3A_151, %add3A_147 : i32
    %mul3A_153 = arith.constant 400 : i32
    %mul3A_154 = arith.muli %select_n3A_152, %mul3A_153 : i32
    %dma_start3A_155 = tpu.memref_slice %arg7[%mul3A_154] : memref<10000xf32, #tpu.memory_space<vmem>> -> memref<400xf32, #tpu.memory_space<vmem>>
    %dma_start3A_156 = tpu.memref_slice %arg4[%mul3A_154] : memref<10000xf32, #tpu.memory_space<hbm>> -> memref<400xf32, #tpu.memory_space<hbm>>
    %dma_start3A_157 = tpu.memref_slice %arg7[%mul3A_154] : memref<10000xf32, #tpu.memory_space<vmem>> -> memref<400xf32, #tpu.memory_space<vmem>>
    %dma_start3A_158 = tpu.memref_slice %arg4[%mul3A_154] : memref<10000xf32, #tpu.memory_space<hbm>> -> memref<400xf32, #tpu.memory_space<hbm>>
    tpu.enqueue_dma source(%dma_start3A_158 : memref<400xf32, #tpu.memory_space<hbm>>) target(%dma_start3A_157 : memref<400xf32, #tpu.memory_space<vmem>>) target_semaphore(%arg11 : memref<!tpu.dma_semaphore, #tpu.memory_space<semaphore_mem>>)
    %add3A_159 = arith.constant 8 : i32
    %add3A_160 = arith.addi %select_n3A, %add3A_159 : i32
    %ge3A_161 = arith.constant 25 : i32
    %ge3A_162 = arith.cmpi sge, %add3A_160, %ge3A_161 : i32
    %sub3A_163 = arith.constant 25 : i32
    %sub3A_164 = arith.subi %add3A_160, %sub3A_163 : i32
    %select_n3A_165 = arith.select %ge3A_162, %sub3A_164, %add3A_160 : i32
    %mul3A_166 = arith.constant 400 : i32
    %mul3A_167 = arith.muli %select_n3A_165, %mul3A_166 : i32
    %dma_start3A_168 = tpu.memref_slice %arg7[%mul3A_167] : memref<10000xf32, #tpu.memory_space<vmem>> -> memref<400xf32, #tpu.memory_space<vmem>>
    %dma_start3A_169 = tpu.memref_slice %arg4[%mul3A_167] : memref<10000xf32, #tpu.memory_space<hbm>> -> memref<400xf32, #tpu.memory_space<hbm>>
    %dma_start3A_170 = tpu.memref_slice %arg7[%mul3A_167] : memref<10000xf32, #tpu.memory_space<vmem>> -> memref<400xf32, #tpu.memory_space<vmem>>
    %dma_start3A_171 = tpu.memref_slice %arg4[%mul3A_167] : memref<10000xf32, #tpu.memory_space<hbm>> -> memref<400xf32, #tpu.memory_space<hbm>>
    tpu.enqueue_dma source(%dma_start3A_171 : memref<400xf32, #tpu.memory_space<hbm>>) target(%dma_start3A_170 : memref<400xf32, #tpu.memory_space<vmem>>) target_semaphore(%arg11 : memref<!tpu.dma_semaphore, #tpu.memory_space<semaphore_mem>>)
    %add3A_172 = arith.constant 9 : i32
    %add3A_173 = arith.addi %select_n3A, %add3A_172 : i32
    %ge3A_174 = arith.constant 25 : i32
    %ge3A_175 = arith.cmpi sge, %add3A_173, %ge3A_174 : i32
    %sub3A_176 = arith.constant 25 : i32
    %sub3A_177 = arith.subi %add3A_173, %sub3A_176 : i32
    %select_n3A_178 = arith.select %ge3A_175, %sub3A_177, %add3A_173 : i32
    %mul3A_179 = arith.constant 400 : i32
    %mul3A_180 = arith.muli %select_n3A_178, %mul3A_179 : i32
    %dma_start3A_181 = tpu.memref_slice %arg7[%mul3A_180] : memref<10000xf32, #tpu.memory_space<vmem>> -> memref<400xf32, #tpu.memory_space<vmem>>
    %dma_start3A_182 = tpu.memref_slice %arg4[%mul3A_180] : memref<10000xf32, #tpu.memory_space<hbm>> -> memref<400xf32, #tpu.memory_space<hbm>>
    %dma_start3A_183 = tpu.memref_slice %arg7[%mul3A_180] : memref<10000xf32, #tpu.memory_space<vmem>> -> memref<400xf32, #tpu.memory_space<vmem>>
    %dma_start3A_184 = tpu.memref_slice %arg4[%mul3A_180] : memref<10000xf32, #tpu.memory_space<hbm>> -> memref<400xf32, #tpu.memory_space<hbm>>
    tpu.enqueue_dma source(%dma_start3A_184 : memref<400xf32, #tpu.memory_space<hbm>>) target(%dma_start3A_183 : memref<400xf32, #tpu.memory_space<vmem>>) target_semaphore(%arg11 : memref<!tpu.dma_semaphore, #tpu.memory_space<semaphore_mem>>)
    %add3A_185 = arith.constant 10 : i32
    %add3A_186 = arith.addi %select_n3A, %add3A_185 : i32
    %ge3A_187 = arith.constant 25 : i32
    %ge3A_188 = arith.cmpi sge, %add3A_186, %ge3A_187 : i32
    %sub3A_189 = arith.constant 25 : i32
    %sub3A_190 = arith.subi %add3A_186, %sub3A_189 : i32
    %select_n3A_191 = arith.select %ge3A_188, %sub3A_190, %add3A_186 : i32
    %mul3A_192 = arith.constant 400 : i32
    %mul3A_193 = arith.muli %select_n3A_191, %mul3A_192 : i32
    %dma_start3A_194 = tpu.memref_slice %arg7[%mul3A_193] : memref<10000xf32, #tpu.memory_space<vmem>> -> memref<400xf32, #tpu.memory_space<vmem>>
    %dma_start3A_195 = tpu.memref_slice %arg4[%mul3A_193] : memref<10000xf32, #tpu.memory_space<hbm>> -> memref<400xf32, #tpu.memory_space<hbm>>
    %dma_start3A_196 = tpu.memref_slice %arg7[%mul3A_193] : memref<10000xf32, #tpu.memory_space<vmem>> -> memref<400xf32, #tpu.memory_space<vmem>>
    %dma_start3A_197 = tpu.memref_slice %arg4[%mul3A_193] : memref<10000xf32, #tpu.memory_space<hbm>> -> memref<400xf32, #tpu.memory_space<hbm>>
    tpu.enqueue_dma source(%dma_start3A_197 : memref<400xf32, #tpu.memory_space<hbm>>) target(%dma_start3A_196 : memref<400xf32, #tpu.memory_space<vmem>>) target_semaphore(%arg11 : memref<!tpu.dma_semaphore, #tpu.memory_space<semaphore_mem>>)
    %add3A_198 = arith.constant 11 : i32
    %add3A_199 = arith.addi %select_n3A, %add3A_198 : i32
    %ge3A_200 = arith.constant 25 : i32
    %ge3A_201 = arith.cmpi sge, %add3A_199, %ge3A_200 : i32
    %sub3A_202 = arith.constant 25 : i32
    %sub3A_203 = arith.subi %add3A_199, %sub3A_202 : i32
    %select_n3A_204 = arith.select %ge3A_201, %sub3A_203, %add3A_199 : i32
    %mul3A_205 = arith.constant 400 : i32
    %mul3A_206 = arith.muli %select_n3A_204, %mul3A_205 : i32
    %dma_start3A_207 = tpu.memref_slice %arg7[%mul3A_206] : memref<10000xf32, #tpu.memory_space<vmem>> -> memref<400xf32, #tpu.memory_space<vmem>>
    %dma_start3A_208 = tpu.memref_slice %arg4[%mul3A_206] : memref<10000xf32, #tpu.memory_space<hbm>> -> memref<400xf32, #tpu.memory_space<hbm>>
    %dma_start3A_209 = tpu.memref_slice %arg7[%mul3A_206] : memref<10000xf32, #tpu.memory_space<vmem>> -> memref<400xf32, #tpu.memory_space<vmem>>
    %dma_start3A_210 = tpu.memref_slice %arg4[%mul3A_206] : memref<10000xf32, #tpu.memory_space<hbm>> -> memref<400xf32, #tpu.memory_space<hbm>>
    tpu.enqueue_dma source(%dma_start3A_210 : memref<400xf32, #tpu.memory_space<hbm>>) target(%dma_start3A_209 : memref<400xf32, #tpu.memory_space<vmem>>) target_semaphore(%arg11 : memref<!tpu.dma_semaphore, #tpu.memory_space<semaphore_mem>>)
    %add3A_211 = arith.constant 12 : i32
    %add3A_212 = arith.addi %select_n3A, %add3A_211 : i32
    %ge3A_213 = arith.constant 25 : i32
    %ge3A_214 = arith.cmpi sge, %add3A_212, %ge3A_213 : i32
    %sub3A_215 = arith.constant 25 : i32
    %sub3A_216 = arith.subi %add3A_212, %sub3A_215 : i32
    %select_n3A_217 = arith.select %ge3A_214, %sub3A_216, %add3A_212 : i32
    %mul3A_218 = arith.constant 400 : i32
    %mul3A_219 = arith.muli %select_n3A_217, %mul3A_218 : i32
    %dma_start3A_220 = tpu.memref_slice %arg7[%mul3A_219] : memref<10000xf32, #tpu.memory_space<vmem>> -> memref<400xf32, #tpu.memory_space<vmem>>
    %dma_start3A_221 = tpu.memref_slice %arg4[%mul3A_219] : memref<10000xf32, #tpu.memory_space<hbm>> -> memref<400xf32, #tpu.memory_space<hbm>>
    %dma_start3A_222 = tpu.memref_slice %arg7[%mul3A_219] : memref<10000xf32, #tpu.memory_space<vmem>> -> memref<400xf32, #tpu.memory_space<vmem>>
    %dma_start3A_223 = tpu.memref_slice %arg4[%mul3A_219] : memref<10000xf32, #tpu.memory_space<hbm>> -> memref<400xf32, #tpu.memory_space<hbm>>
    tpu.enqueue_dma source(%dma_start3A_223 : memref<400xf32, #tpu.memory_space<hbm>>) target(%dma_start3A_222 : memref<400xf32, #tpu.memory_space<vmem>>) target_semaphore(%arg11 : memref<!tpu.dma_semaphore, #tpu.memory_space<semaphore_mem>>)
    %add3A_224 = arith.constant 13 : i32
    %add3A_225 = arith.addi %select_n3A, %add3A_224 : i32
    %ge3A_226 = arith.constant 25 : i32
    %ge3A_227 = arith.cmpi sge, %add3A_225, %ge3A_226 : i32
    %sub3A_228 = arith.constant 25 : i32
    %sub3A_229 = arith.subi %add3A_225, %sub3A_228 : i32
    %select_n3A_230 = arith.select %ge3A_227, %sub3A_229, %add3A_225 : i32
    %mul3A_231 = arith.constant 400 : i32
    %mul3A_232 = arith.muli %select_n3A_230, %mul3A_231 : i32
    %dma_start3A_233 = tpu.memref_slice %arg7[%mul3A_232] : memref<10000xf32, #tpu.memory_space<vmem>> -> memref<400xf32, #tpu.memory_space<vmem>>
    %dma_start3A_234 = tpu.memref_slice %arg4[%mul3A_232] : memref<10000xf32, #tpu.memory_space<hbm>> -> memref<400xf32, #tpu.memory_space<hbm>>
    %dma_start3A_235 = tpu.memref_slice %arg7[%mul3A_232] : memref<10000xf32, #tpu.memory_space<vmem>> -> memref<400xf32, #tpu.memory_space<vmem>>
    %dma_start3A_236 = tpu.memref_slice %arg4[%mul3A_232] : memref<10000xf32, #tpu.memory_space<hbm>> -> memref<400xf32, #tpu.memory_space<hbm>>
    tpu.enqueue_dma source(%dma_start3A_236 : memref<400xf32, #tpu.memory_space<hbm>>) target(%dma_start3A_235 : memref<400xf32, #tpu.memory_space<vmem>>) target_semaphore(%arg11 : memref<!tpu.dma_semaphore, #tpu.memory_space<semaphore_mem>>)
    %add3A_237 = arith.constant 14 : i32
    %add3A_238 = arith.addi %select_n3A, %add3A_237 : i32
    %ge3A_239 = arith.constant 25 : i32
    %ge3A_240 = arith.cmpi sge, %add3A_238, %ge3A_239 : i32
    %sub3A_241 = arith.constant 25 : i32
    %sub3A_242 = arith.subi %add3A_238, %sub3A_241 : i32
    %select_n3A_243 = arith.select %ge3A_240, %sub3A_242, %add3A_238 : i32
    %mul3A_244 = arith.constant 400 : i32
    %mul3A_245 = arith.muli %select_n3A_243, %mul3A_244 : i32
    %dma_start3A_246 = tpu.memref_slice %arg7[%mul3A_245] : memref<10000xf32, #tpu.memory_space<vmem>> -> memref<400xf32, #tpu.memory_space<vmem>>
    %dma_start3A_247 = tpu.memref_slice %arg4[%mul3A_245] : memref<10000xf32, #tpu.memory_space<hbm>> -> memref<400xf32, #tpu.memory_space<hbm>>
    %dma_start3A_248 = tpu.memref_slice %arg7[%mul3A_245] : memref<10000xf32, #tpu.memory_space<vmem>> -> memref<400xf32, #tpu.memory_space<vmem>>
    %dma_start3A_249 = tpu.memref_slice %arg4[%mul3A_245] : memref<10000xf32, #tpu.memory_space<hbm>> -> memref<400xf32, #tpu.memory_space<hbm>>
    tpu.enqueue_dma source(%dma_start3A_249 : memref<400xf32, #tpu.memory_space<hbm>>) target(%dma_start3A_248 : memref<400xf32, #tpu.memory_space<vmem>>) target_semaphore(%arg11 : memref<!tpu.dma_semaphore, #tpu.memory_space<semaphore_mem>>)
    %add3A_250 = arith.constant 15 : i32
    %add3A_251 = arith.addi %select_n3A, %add3A_250 : i32
    %ge3A_252 = arith.constant 25 : i32
    %ge3A_253 = arith.cmpi sge, %add3A_251, %ge3A_252 : i32
    %sub3A_254 = arith.constant 25 : i32
    %sub3A_255 = arith.subi %add3A_251, %sub3A_254 : i32
    %select_n3A_256 = arith.select %ge3A_253, %sub3A_255, %add3A_251 : i32
    %mul3A_257 = arith.constant 400 : i32
    %mul3A_258 = arith.muli %select_n3A_256, %mul3A_257 : i32
    %dma_start3A_259 = tpu.memref_slice %arg7[%mul3A_258] : memref<10000xf32, #tpu.memory_space<vmem>> -> memref<400xf32, #tpu.memory_space<vmem>>
    %dma_start3A_260 = tpu.memref_slice %arg4[%mul3A_258] : memref<10000xf32, #tpu.memory_space<hbm>> -> memref<400xf32, #tpu.memory_space<hbm>>
    %dma_start3A_261 = tpu.memref_slice %arg7[%mul3A_258] : memref<10000xf32, #tpu.memory_space<vmem>> -> memref<400xf32, #tpu.memory_space<vmem>>
    %dma_start3A_262 = tpu.memref_slice %arg4[%mul3A_258] : memref<10000xf32, #tpu.memory_space<hbm>> -> memref<400xf32, #tpu.memory_space<hbm>>
    tpu.enqueue_dma source(%dma_start3A_262 : memref<400xf32, #tpu.memory_space<hbm>>) target(%dma_start3A_261 : memref<400xf32, #tpu.memory_space<vmem>>) target_semaphore(%arg11 : memref<!tpu.dma_semaphore, #tpu.memory_space<semaphore_mem>>)
    %add3A_263 = arith.constant 16 : i32
    %add3A_264 = arith.addi %select_n3A, %add3A_263 : i32
    %ge3A_265 = arith.constant 25 : i32
    %ge3A_266 = arith.cmpi sge, %add3A_264, %ge3A_265 : i32
    %sub3A_267 = arith.constant 25 : i32
    %sub3A_268 = arith.subi %add3A_264, %sub3A_267 : i32
    %select_n3A_269 = arith.select %ge3A_266, %sub3A_268, %add3A_264 : i32
    %mul3A_270 = arith.constant 400 : i32
    %mul3A_271 = arith.muli %select_n3A_269, %mul3A_270 : i32
    %dma_start3A_272 = tpu.memref_slice %arg7[%mul3A_271] : memref<10000xf32, #tpu.memory_space<vmem>> -> memref<400xf32, #tpu.memory_space<vmem>>
    %dma_start3A_273 = tpu.memref_slice %arg4[%mul3A_271] : memref<10000xf32, #tpu.memory_space<hbm>> -> memref<400xf32, #tpu.memory_space<hbm>>
    %dma_start3A_274 = tpu.memref_slice %arg7[%mul3A_271] : memref<10000xf32, #tpu.memory_space<vmem>> -> memref<400xf32, #tpu.memory_space<vmem>>
    %dma_start3A_275 = tpu.memref_slice %arg4[%mul3A_271] : memref<10000xf32, #tpu.memory_space<hbm>> -> memref<400xf32, #tpu.memory_space<hbm>>
    tpu.enqueue_dma source(%dma_start3A_275 : memref<400xf32, #tpu.memory_space<hbm>>) target(%dma_start3A_274 : memref<400xf32, #tpu.memory_space<vmem>>) target_semaphore(%arg11 : memref<!tpu.dma_semaphore, #tpu.memory_space<semaphore_mem>>)
    %add3A_276 = arith.constant 17 : i32
    %add3A_277 = arith.addi %select_n3A, %add3A_276 : i32
    %ge3A_278 = arith.constant 25 : i32
    %ge3A_279 = arith.cmpi sge, %add3A_277, %ge3A_278 : i32
    %sub3A_280 = arith.constant 25 : i32
    %sub3A_281 = arith.subi %add3A_277, %sub3A_280 : i32
    %select_n3A_282 = arith.select %ge3A_279, %sub3A_281, %add3A_277 : i32
    %mul3A_283 = arith.constant 400 : i32
    %mul3A_284 = arith.muli %select_n3A_282, %mul3A_283 : i32
    %dma_start3A_285 = tpu.memref_slice %arg7[%mul3A_284] : memref<10000xf32, #tpu.memory_space<vmem>> -> memref<400xf32, #tpu.memory_space<vmem>>
    %dma_start3A_286 = tpu.memref_slice %arg4[%mul3A_284] : memref<10000xf32, #tpu.memory_space<hbm>> -> memref<400xf32, #tpu.memory_space<hbm>>
    %dma_start3A_287 = tpu.memref_slice %arg7[%mul3A_284] : memref<10000xf32, #tpu.memory_space<vmem>> -> memref<400xf32, #tpu.memory_space<vmem>>
    %dma_start3A_288 = tpu.memref_slice %arg4[%mul3A_284] : memref<10000xf32, #tpu.memory_space<hbm>> -> memref<400xf32, #tpu.memory_space<hbm>>
    tpu.enqueue_dma source(%dma_start3A_288 : memref<400xf32, #tpu.memory_space<hbm>>) target(%dma_start3A_287 : memref<400xf32, #tpu.memory_space<vmem>>) target_semaphore(%arg11 : memref<!tpu.dma_semaphore, #tpu.memory_space<semaphore_mem>>)
    %add3A_289 = arith.constant 18 : i32
    %add3A_290 = arith.addi %select_n3A, %add3A_289 : i32
    %ge3A_291 = arith.constant 25 : i32
    %ge3A_292 = arith.cmpi sge, %add3A_290, %ge3A_291 : i32
    %sub3A_293 = arith.constant 25 : i32
    %sub3A_294 = arith.subi %add3A_290, %sub3A_293 : i32
    %select_n3A_295 = arith.select %ge3A_292, %sub3A_294, %add3A_290 : i32
    %mul3A_296 = arith.constant 400 : i32
    %mul3A_297 = arith.muli %select_n3A_295, %mul3A_296 : i32
    %dma_start3A_298 = tpu.memref_slice %arg7[%mul3A_297] : memref<10000xf32, #tpu.memory_space<vmem>> -> memref<400xf32, #tpu.memory_space<vmem>>
    %dma_start3A_299 = tpu.memref_slice %arg4[%mul3A_297] : memref<10000xf32, #tpu.memory_space<hbm>> -> memref<400xf32, #tpu.memory_space<hbm>>
    %dma_start3A_300 = tpu.memref_slice %arg7[%mul3A_297] : memref<10000xf32, #tpu.memory_space<vmem>> -> memref<400xf32, #tpu.memory_space<vmem>>
    %dma_start3A_301 = tpu.memref_slice %arg4[%mul3A_297] : memref<10000xf32, #tpu.memory_space<hbm>> -> memref<400xf32, #tpu.memory_space<hbm>>
    tpu.enqueue_dma source(%dma_start3A_301 : memref<400xf32, #tpu.memory_space<hbm>>) target(%dma_start3A_300 : memref<400xf32, #tpu.memory_space<vmem>>) target_semaphore(%arg11 : memref<!tpu.dma_semaphore, #tpu.memory_space<semaphore_mem>>)
    %add3A_302 = arith.constant 19 : i32
    %add3A_303 = arith.addi %select_n3A, %add3A_302 : i32
    %ge3A_304 = arith.constant 25 : i32
    %ge3A_305 = arith.cmpi sge, %add3A_303, %ge3A_304 : i32
    %sub3A_306 = arith.constant 25 : i32
    %sub3A_307 = arith.subi %add3A_303, %sub3A_306 : i32
    %select_n3A_308 = arith.select %ge3A_305, %sub3A_307, %add3A_303 : i32
    %mul3A_309 = arith.constant 400 : i32
    %mul3A_310 = arith.muli %select_n3A_308, %mul3A_309 : i32
    %dma_start3A_311 = tpu.memref_slice %arg7[%mul3A_310] : memref<10000xf32, #tpu.memory_space<vmem>> -> memref<400xf32, #tpu.memory_space<vmem>>
    %dma_start3A_312 = tpu.memref_slice %arg4[%mul3A_310] : memref<10000xf32, #tpu.memory_space<hbm>> -> memref<400xf32, #tpu.memory_space<hbm>>
    %dma_start3A_313 = tpu.memref_slice %arg7[%mul3A_310] : memref<10000xf32, #tpu.memory_space<vmem>> -> memref<400xf32, #tpu.memory_space<vmem>>
    %dma_start3A_314 = tpu.memref_slice %arg4[%mul3A_310] : memref<10000xf32, #tpu.memory_space<hbm>> -> memref<400xf32, #tpu.memory_space<hbm>>
    tpu.enqueue_dma source(%dma_start3A_314 : memref<400xf32, #tpu.memory_space<hbm>>) target(%dma_start3A_313 : memref<400xf32, #tpu.memory_space<vmem>>) target_semaphore(%arg11 : memref<!tpu.dma_semaphore, #tpu.memory_space<semaphore_mem>>)
    %add3A_315 = arith.constant 20 : i32
    %add3A_316 = arith.addi %select_n3A, %add3A_315 : i32
    %ge3A_317 = arith.constant 25 : i32
    %ge3A_318 = arith.cmpi sge, %add3A_316, %ge3A_317 : i32
    %sub3A_319 = arith.constant 25 : i32
    %sub3A_320 = arith.subi %add3A_316, %sub3A_319 : i32
    %select_n3A_321 = arith.select %ge3A_318, %sub3A_320, %add3A_316 : i32
    %mul3A_322 = arith.constant 400 : i32
    %mul3A_323 = arith.muli %select_n3A_321, %mul3A_322 : i32
    %dma_start3A_324 = tpu.memref_slice %arg7[%mul3A_323] : memref<10000xf32, #tpu.memory_space<vmem>> -> memref<400xf32, #tpu.memory_space<vmem>>
    %dma_start3A_325 = tpu.memref_slice %arg4[%mul3A_323] : memref<10000xf32, #tpu.memory_space<hbm>> -> memref<400xf32, #tpu.memory_space<hbm>>
    %dma_start3A_326 = tpu.memref_slice %arg7[%mul3A_323] : memref<10000xf32, #tpu.memory_space<vmem>> -> memref<400xf32, #tpu.memory_space<vmem>>
    %dma_start3A_327 = tpu.memref_slice %arg4[%mul3A_323] : memref<10000xf32, #tpu.memory_space<hbm>> -> memref<400xf32, #tpu.memory_space<hbm>>
    tpu.enqueue_dma source(%dma_start3A_327 : memref<400xf32, #tpu.memory_space<hbm>>) target(%dma_start3A_326 : memref<400xf32, #tpu.memory_space<vmem>>) target_semaphore(%arg11 : memref<!tpu.dma_semaphore, #tpu.memory_space<semaphore_mem>>)
    %add3A_328 = arith.constant 21 : i32
    %add3A_329 = arith.addi %select_n3A, %add3A_328 : i32
    %ge3A_330 = arith.constant 25 : i32
    %ge3A_331 = arith.cmpi sge, %add3A_329, %ge3A_330 : i32
    %sub3A_332 = arith.constant 25 : i32
    %sub3A_333 = arith.subi %add3A_329, %sub3A_332 : i32
    %select_n3A_334 = arith.select %ge3A_331, %sub3A_333, %add3A_329 : i32
    %mul3A_335 = arith.constant 400 : i32
    %mul3A_336 = arith.muli %select_n3A_334, %mul3A_335 : i32
    %dma_start3A_337 = tpu.memref_slice %arg7[%mul3A_336] : memref<10000xf32, #tpu.memory_space<vmem>> -> memref<400xf32, #tpu.memory_space<vmem>>
    %dma_start3A_338 = tpu.memref_slice %arg4[%mul3A_336] : memref<10000xf32, #tpu.memory_space<hbm>> -> memref<400xf32, #tpu.memory_space<hbm>>
    %dma_start3A_339 = tpu.memref_slice %arg7[%mul3A_336] : memref<10000xf32, #tpu.memory_space<vmem>> -> memref<400xf32, #tpu.memory_space<vmem>>
    %dma_start3A_340 = tpu.memref_slice %arg4[%mul3A_336] : memref<10000xf32, #tpu.memory_space<hbm>> -> memref<400xf32, #tpu.memory_space<hbm>>
    tpu.enqueue_dma source(%dma_start3A_340 : memref<400xf32, #tpu.memory_space<hbm>>) target(%dma_start3A_339 : memref<400xf32, #tpu.memory_space<vmem>>) target_semaphore(%arg11 : memref<!tpu.dma_semaphore, #tpu.memory_space<semaphore_mem>>)
    %add3A_341 = arith.constant 22 : i32
    %add3A_342 = arith.addi %select_n3A, %add3A_341 : i32
    %ge3A_343 = arith.constant 25 : i32
    %ge3A_344 = arith.cmpi sge, %add3A_342, %ge3A_343 : i32
    %sub3A_345 = arith.constant 25 : i32
    %sub3A_346 = arith.subi %add3A_342, %sub3A_345 : i32
    %select_n3A_347 = arith.select %ge3A_344, %sub3A_346, %add3A_342 : i32
    %mul3A_348 = arith.constant 400 : i32
    %mul3A_349 = arith.muli %select_n3A_347, %mul3A_348 : i32
    %dma_start3A_350 = tpu.memref_slice %arg7[%mul3A_349] : memref<10000xf32, #tpu.memory_space<vmem>> -> memref<400xf32, #tpu.memory_space<vmem>>
    %dma_start3A_351 = tpu.memref_slice %arg4[%mul3A_349] : memref<10000xf32, #tpu.memory_space<hbm>> -> memref<400xf32, #tpu.memory_space<hbm>>
    %dma_start3A_352 = tpu.memref_slice %arg7[%mul3A_349] : memref<10000xf32, #tpu.memory_space<vmem>> -> memref<400xf32, #tpu.memory_space<vmem>>
    %dma_start3A_353 = tpu.memref_slice %arg4[%mul3A_349] : memref<10000xf32, #tpu.memory_space<hbm>> -> memref<400xf32, #tpu.memory_space<hbm>>
    tpu.enqueue_dma source(%dma_start3A_353 : memref<400xf32, #tpu.memory_space<hbm>>) target(%dma_start3A_352 : memref<400xf32, #tpu.memory_space<vmem>>) target_semaphore(%arg11 : memref<!tpu.dma_semaphore, #tpu.memory_space<semaphore_mem>>)
    %add3A_354 = arith.constant 23 : i32
    %add3A_355 = arith.addi %select_n3A, %add3A_354 : i32
    %ge3A_356 = arith.constant 25 : i32
    %ge3A_357 = arith.cmpi sge, %add3A_355, %ge3A_356 : i32
    %sub3A_358 = arith.constant 25 : i32
    %sub3A_359 = arith.subi %add3A_355, %sub3A_358 : i32
    %select_n3A_360 = arith.select %ge3A_357, %sub3A_359, %add3A_355 : i32
    %mul3A_361 = arith.constant 400 : i32
    %mul3A_362 = arith.muli %select_n3A_360, %mul3A_361 : i32
    %dma_start3A_363 = tpu.memref_slice %arg7[%mul3A_362] : memref<10000xf32, #tpu.memory_space<vmem>> -> memref<400xf32, #tpu.memory_space<vmem>>
    %dma_start3A_364 = tpu.memref_slice %arg4[%mul3A_362] : memref<10000xf32, #tpu.memory_space<hbm>> -> memref<400xf32, #tpu.memory_space<hbm>>
    %dma_start3A_365 = tpu.memref_slice %arg7[%mul3A_362] : memref<10000xf32, #tpu.memory_space<vmem>> -> memref<400xf32, #tpu.memory_space<vmem>>
    %dma_start3A_366 = tpu.memref_slice %arg4[%mul3A_362] : memref<10000xf32, #tpu.memory_space<hbm>> -> memref<400xf32, #tpu.memory_space<hbm>>
    tpu.enqueue_dma source(%dma_start3A_366 : memref<400xf32, #tpu.memory_space<hbm>>) target(%dma_start3A_365 : memref<400xf32, #tpu.memory_space<vmem>>) target_semaphore(%arg11 : memref<!tpu.dma_semaphore, #tpu.memory_space<semaphore_mem>>)
    %add3A_367 = arith.constant 24 : i32
    %add3A_368 = arith.addi %select_n3A, %add3A_367 : i32
    %ge3A_369 = arith.constant 25 : i32
    %ge3A_370 = arith.cmpi sge, %add3A_368, %ge3A_369 : i32
    %sub3A_371 = arith.constant 25 : i32
    %sub3A_372 = arith.subi %add3A_368, %sub3A_371 : i32
    %select_n3A_373 = arith.select %ge3A_370, %sub3A_372, %add3A_368 : i32
    %mul3A_374 = arith.constant 400 : i32
    %mul3A_375 = arith.muli %select_n3A_373, %mul3A_374 : i32
    %dma_start3A_376 = tpu.memref_slice %arg7[%mul3A_375] : memref<10000xf32, #tpu.memory_space<vmem>> -> memref<400xf32, #tpu.memory_space<vmem>>
    %dma_start3A_377 = tpu.memref_slice %arg4[%mul3A_375] : memref<10000xf32, #tpu.memory_space<hbm>> -> memref<400xf32, #tpu.memory_space<hbm>>
    %dma_start3A_378 = tpu.memref_slice %arg7[%mul3A_375] : memref<10000xf32, #tpu.memory_space<vmem>> -> memref<400xf32, #tpu.memory_space<vmem>>
    %dma_start3A_379 = tpu.memref_slice %arg4[%mul3A_375] : memref<10000xf32, #tpu.memory_space<hbm>> -> memref<400xf32, #tpu.memory_space<hbm>>
    tpu.enqueue_dma source(%dma_start3A_379 : memref<400xf32, #tpu.memory_space<hbm>>) target(%dma_start3A_378 : memref<400xf32, #tpu.memory_space<vmem>>) target_semaphore(%arg11 : memref<!tpu.dma_semaphore, #tpu.memory_space<semaphore_mem>>)
    %dma_wait3A = arith.constant 0 : i32
    %dma_wait3A_380 = tpu.memref_slice %arg8[%dma_wait3A] : memref<10496xf32, #tpu.memory_space<vmem>> -> memref<9984xf32, #tpu.memory_space<vmem>>
    %dma_wait3A_381 = tpu.memref_slice %arg2[%mul3A_2] : memref<320000xf32, #tpu.memory_space<hbm>> -> memref<9984xf32, #tpu.memory_space<hbm>>
    %dma_wait3A_382 = arith.constant 0 : i32
    %dma_wait3A_383 = tpu.memref_slice %arg8[%dma_wait3A_382] : memref<10496xf32, #tpu.memory_space<vmem>> -> memref<9984xf32, #tpu.memory_space<vmem>>
    %dma_wait3A_384 = tpu.memref_slice %arg2[%mul3A_2] : memref<320000xf32, #tpu.memory_space<hbm>> -> memref<9984xf32, #tpu.memory_space<hbm>>
    tpu.wait_dma2 semaphore(%arg11 : memref<!tpu.dma_semaphore, #tpu.memory_space<semaphore_mem>>) src(%dma_wait3A_384 : memref<9984xf32, #tpu.memory_space<hbm>>) dst(%dma_wait3A_383 : memref<9984xf32, #tpu.memory_space<vmem>>)
    %dma_wait3A_385 = arith.constant 0 : i32
    %dma_wait3A_386 = tpu.memref_slice %arg9[%dma_wait3A_385] : memref<10496xi32, #tpu.memory_space<vmem>> -> memref<9984xi32, #tpu.memory_space<vmem>>
    %dma_wait3A_387 = tpu.memref_slice %arg3[%add3A_9] : memref<640000xi32, #tpu.memory_space<hbm>> -> memref<9984xi32, #tpu.memory_space<hbm>>
    %dma_wait3A_388 = arith.constant 0 : i32
    %dma_wait3A_389 = tpu.memref_slice %arg9[%dma_wait3A_388] : memref<10496xi32, #tpu.memory_space<vmem>> -> memref<9984xi32, #tpu.memory_space<vmem>>
    %dma_wait3A_390 = tpu.memref_slice %arg3[%add3A_9] : memref<640000xi32, #tpu.memory_space<hbm>> -> memref<9984xi32, #tpu.memory_space<hbm>>
    tpu.wait_dma2 semaphore(%arg11 : memref<!tpu.dma_semaphore, #tpu.memory_space<semaphore_mem>>) src(%dma_wait3A_390 : memref<9984xi32, #tpu.memory_space<hbm>>) dst(%dma_wait3A_389 : memref<9984xi32, #tpu.memory_space<vmem>>)
    %dma_wait3A_391 = arith.constant 0 : i32
    %dma_wait3A_392 = tpu.memref_slice %arg5[%add3A, %dma_wait3A_391] : memref<32x16xf32, #tpu.memory_space<hbm>> -> memref<1x16xf32, #tpu.memory_space<hbm>>
    %dma_wait3A_393 = tpu.memref_squeeze %dma_wait3A_392 : memref<1x16xf32, #tpu.memory_space<hbm>> -> memref<16xf32, #tpu.memory_space<hbm>>
    %dma_wait3A_394 = arith.constant 0 : i32
    %dma_wait3A_395 = tpu.memref_slice %arg5[%add3A, %dma_wait3A_394] : memref<32x16xf32, #tpu.memory_space<hbm>> -> memref<1x16xf32, #tpu.memory_space<hbm>>
    %dma_wait3A_396 = tpu.memref_squeeze %dma_wait3A_395 : memref<1x16xf32, #tpu.memory_space<hbm>> -> memref<16xf32, #tpu.memory_space<hbm>>
    tpu.wait_dma2 semaphore(%arg11 : memref<!tpu.dma_semaphore, #tpu.memory_space<semaphore_mem>>) src(%dma_wait3A_396 : memref<16xf32, #tpu.memory_space<hbm>>) dst(%arg10 : memref<16xf32, #tpu.memory_space<vmem>>)
    %dma_wait3A_397 = arith.constant 9984 : i32
    %dma_wait3A_398 = tpu.memref_slice %arg8[%dma_wait3A_397] : memref<10496xf32, #tpu.memory_space<vmem>> -> memref<512xf32, #tpu.memory_space<vmem>>
    %dma_wait3A_399 = arith.constant 319488 : i32
    %dma_wait3A_400 = tpu.memref_slice %arg2[%dma_wait3A_399] : memref<320000xf32, #tpu.memory_space<hbm>> -> memref<512xf32, #tpu.memory_space<hbm>>
    %dma_wait3A_401 = arith.constant 9984 : i32
    %dma_wait3A_402 = tpu.memref_slice %arg8[%dma_wait3A_401] : memref<10496xf32, #tpu.memory_space<vmem>> -> memref<512xf32, #tpu.memory_space<vmem>>
    %dma_wait3A_403 = arith.constant 319488 : i32
    %dma_wait3A_404 = tpu.memref_slice %arg2[%dma_wait3A_403] : memref<320000xf32, #tpu.memory_space<hbm>> -> memref<512xf32, #tpu.memory_space<hbm>>
    tpu.wait_dma2 semaphore(%arg11 : memref<!tpu.dma_semaphore, #tpu.memory_space<semaphore_mem>>) src(%dma_wait3A_404 : memref<512xf32, #tpu.memory_space<hbm>>) dst(%dma_wait3A_402 : memref<512xf32, #tpu.memory_space<vmem>>)
    %dma_wait3A_405 = arith.constant 9984 : i32
    %dma_wait3A_406 = tpu.memref_slice %arg9[%dma_wait3A_405] : memref<10496xi32, #tpu.memory_space<vmem>> -> memref<512xi32, #tpu.memory_space<vmem>>
    %dma_wait3A_407 = arith.constant 639488 : i32
    %dma_wait3A_408 = tpu.memref_slice %arg3[%dma_wait3A_407] : memref<640000xi32, #tpu.memory_space<hbm>> -> memref<512xi32, #tpu.memory_space<hbm>>
    %dma_wait3A_409 = arith.constant 9984 : i32
    %dma_wait3A_410 = tpu.memref_slice %arg9[%dma_wait3A_409] : memref<10496xi32, #tpu.memory_space<vmem>> -> memref<512xi32, #tpu.memory_space<vmem>>
    %dma_wait3A_411 = arith.constant 639488 : i32
    %dma_wait3A_412 = tpu.memref_slice %arg3[%dma_wait3A_411] : memref<640000xi32, #tpu.memory_space<hbm>> -> memref<512xi32, #tpu.memory_space<hbm>>
    tpu.wait_dma2 semaphore(%arg11 : memref<!tpu.dma_semaphore, #tpu.memory_space<semaphore_mem>>) src(%dma_wait3A_412 : memref<512xi32, #tpu.memory_space<hbm>>) dst(%dma_wait3A_410 : memref<512xi32, #tpu.memory_space<vmem>>)
    %dma_wait3A_413 = tpu.memref_slice %arg7[%mul3A_63] : memref<10000xf32, #tpu.memory_space<vmem>> -> memref<400xf32, #tpu.memory_space<vmem>>
    %dma_wait3A_414 = tpu.memref_slice %arg4[%mul3A_63] : memref<10000xf32, #tpu.memory_space<hbm>> -> memref<400xf32, #tpu.memory_space<hbm>>
    %dma_wait3A_415 = tpu.memref_slice %arg7[%mul3A_63] : memref<10000xf32, #tpu.memory_space<vmem>> -> memref<400xf32, #tpu.memory_space<vmem>>
    %dma_wait3A_416 = tpu.memref_slice %arg4[%mul3A_63] : memref<10000xf32, #tpu.memory_space<hbm>> -> memref<400xf32, #tpu.memory_space<hbm>>
    tpu.wait_dma2 semaphore(%arg11 : memref<!tpu.dma_semaphore, #tpu.memory_space<semaphore_mem>>) src(%dma_wait3A_416 : memref<400xf32, #tpu.memory_space<hbm>>) dst(%dma_wait3A_415 : memref<400xf32, #tpu.memory_space<vmem>>)
    %dma_wait3A_417 = tpu.memref_slice %arg7[%mul3A_76] : memref<10000xf32, #tpu.memory_space<vmem>> -> memref<400xf32, #tpu.memory_space<vmem>>
    %dma_wait3A_418 = tpu.memref_slice %arg4[%mul3A_76] : memref<10000xf32, #tpu.memory_space<hbm>> -> memref<400xf32, #tpu.memory_space<hbm>>
    %dma_wait3A_419 = tpu.memref_slice %arg7[%mul3A_76] : memref<10000xf32, #tpu.memory_space<vmem>> -> memref<400xf32, #tpu.memory_space<vmem>>
    %dma_wait3A_420 = tpu.memref_slice %arg4[%mul3A_76] : memref<10000xf32, #tpu.memory_space<hbm>> -> memref<400xf32, #tpu.memory_space<hbm>>
    tpu.wait_dma2 semaphore(%arg11 : memref<!tpu.dma_semaphore, #tpu.memory_space<semaphore_mem>>) src(%dma_wait3A_420 : memref<400xf32, #tpu.memory_space<hbm>>) dst(%dma_wait3A_419 : memref<400xf32, #tpu.memory_space<vmem>>)
    %dma_wait3A_421 = tpu.memref_slice %arg7[%mul3A_89] : memref<10000xf32, #tpu.memory_space<vmem>> -> memref<400xf32, #tpu.memory_space<vmem>>
    %dma_wait3A_422 = tpu.memref_slice %arg4[%mul3A_89] : memref<10000xf32, #tpu.memory_space<hbm>> -> memref<400xf32, #tpu.memory_space<hbm>>
    %dma_wait3A_423 = tpu.memref_slice %arg7[%mul3A_89] : memref<10000xf32, #tpu.memory_space<vmem>> -> memref<400xf32, #tpu.memory_space<vmem>>
    %dma_wait3A_424 = tpu.memref_slice %arg4[%mul3A_89] : memref<10000xf32, #tpu.memory_space<hbm>> -> memref<400xf32, #tpu.memory_space<hbm>>
    tpu.wait_dma2 semaphore(%arg11 : memref<!tpu.dma_semaphore, #tpu.memory_space<semaphore_mem>>) src(%dma_wait3A_424 : memref<400xf32, #tpu.memory_space<hbm>>) dst(%dma_wait3A_423 : memref<400xf32, #tpu.memory_space<vmem>>)
    %dma_wait3A_425 = tpu.memref_slice %arg7[%mul3A_102] : memref<10000xf32, #tpu.memory_space<vmem>> -> memref<400xf32, #tpu.memory_space<vmem>>
    %dma_wait3A_426 = tpu.memref_slice %arg4[%mul3A_102] : memref<10000xf32, #tpu.memory_space<hbm>> -> memref<400xf32, #tpu.memory_space<hbm>>
    %dma_wait3A_427 = tpu.memref_slice %arg7[%mul3A_102] : memref<10000xf32, #tpu.memory_space<vmem>> -> memref<400xf32, #tpu.memory_space<vmem>>
    %dma_wait3A_428 = tpu.memref_slice %arg4[%mul3A_102] : memref<10000xf32, #tpu.memory_space<hbm>> -> memref<400xf32, #tpu.memory_space<hbm>>
    tpu.wait_dma2 semaphore(%arg11 : memref<!tpu.dma_semaphore, #tpu.memory_space<semaphore_mem>>) src(%dma_wait3A_428 : memref<400xf32, #tpu.memory_space<hbm>>) dst(%dma_wait3A_427 : memref<400xf32, #tpu.memory_space<vmem>>)
    %dma_wait3A_429 = tpu.memref_slice %arg7[%mul3A_115] : memref<10000xf32, #tpu.memory_space<vmem>> -> memref<400xf32, #tpu.memory_space<vmem>>
    %dma_wait3A_430 = tpu.memref_slice %arg4[%mul3A_115] : memref<10000xf32, #tpu.memory_space<hbm>> -> memref<400xf32, #tpu.memory_space<hbm>>
    %dma_wait3A_431 = tpu.memref_slice %arg7[%mul3A_115] : memref<10000xf32, #tpu.memory_space<vmem>> -> memref<400xf32, #tpu.memory_space<vmem>>
    %dma_wait3A_432 = tpu.memref_slice %arg4[%mul3A_115] : memref<10000xf32, #tpu.memory_space<hbm>> -> memref<400xf32, #tpu.memory_space<hbm>>
    tpu.wait_dma2 semaphore(%arg11 : memref<!tpu.dma_semaphore, #tpu.memory_space<semaphore_mem>>) src(%dma_wait3A_432 : memref<400xf32, #tpu.memory_space<hbm>>) dst(%dma_wait3A_431 : memref<400xf32, #tpu.memory_space<vmem>>)
    %dma_wait3A_433 = tpu.memref_slice %arg7[%mul3A_128] : memref<10000xf32, #tpu.memory_space<vmem>> -> memref<400xf32, #tpu.memory_space<vmem>>
    %dma_wait3A_434 = tpu.memref_slice %arg4[%mul3A_128] : memref<10000xf32, #tpu.memory_space<hbm>> -> memref<400xf32, #tpu.memory_space<hbm>>
    %dma_wait3A_435 = tpu.memref_slice %arg7[%mul3A_128] : memref<10000xf32, #tpu.memory_space<vmem>> -> memref<400xf32, #tpu.memory_space<vmem>>
    %dma_wait3A_436 = tpu.memref_slice %arg4[%mul3A_128] : memref<10000xf32, #tpu.memory_space<hbm>> -> memref<400xf32, #tpu.memory_space<hbm>>
    tpu.wait_dma2 semaphore(%arg11 : memref<!tpu.dma_semaphore, #tpu.memory_space<semaphore_mem>>) src(%dma_wait3A_436 : memref<400xf32, #tpu.memory_space<hbm>>) dst(%dma_wait3A_435 : memref<400xf32, #tpu.memory_space<vmem>>)
    %dma_wait3A_437 = tpu.memref_slice %arg7[%mul3A_141] : memref<10000xf32, #tpu.memory_space<vmem>> -> memref<400xf32, #tpu.memory_space<vmem>>
    %dma_wait3A_438 = tpu.memref_slice %arg4[%mul3A_141] : memref<10000xf32, #tpu.memory_space<hbm>> -> memref<400xf32, #tpu.memory_space<hbm>>
    %dma_wait3A_439 = tpu.memref_slice %arg7[%mul3A_141] : memref<10000xf32, #tpu.memory_space<vmem>> -> memref<400xf32, #tpu.memory_space<vmem>>
    %dma_wait3A_440 = tpu.memref_slice %arg4[%mul3A_141] : memref<10000xf32, #tpu.memory_space<hbm>> -> memref<400xf32, #tpu.memory_space<hbm>>
    tpu.wait_dma2 semaphore(%arg11 : memref<!tpu.dma_semaphore, #tpu.memory_space<semaphore_mem>>) src(%dma_wait3A_440 : memref<400xf32, #tpu.memory_space<hbm>>) dst(%dma_wait3A_439 : memref<400xf32, #tpu.memory_space<vmem>>)
    %dma_wait3A_441 = tpu.memref_slice %arg7[%mul3A_154] : memref<10000xf32, #tpu.memory_space<vmem>> -> memref<400xf32, #tpu.memory_space<vmem>>
    %dma_wait3A_442 = tpu.memref_slice %arg4[%mul3A_154] : memref<10000xf32, #tpu.memory_space<hbm>> -> memref<400xf32, #tpu.memory_space<hbm>>
    %dma_wait3A_443 = tpu.memref_slice %arg7[%mul3A_154] : memref<10000xf32, #tpu.memory_space<vmem>> -> memref<400xf32, #tpu.memory_space<vmem>>
    %dma_wait3A_444 = tpu.memref_slice %arg4[%mul3A_154] : memref<10000xf32, #tpu.memory_space<hbm>> -> memref<400xf32, #tpu.memory_space<hbm>>
    tpu.wait_dma2 semaphore(%arg11 : memref<!tpu.dma_semaphore, #tpu.memory_space<semaphore_mem>>) src(%dma_wait3A_444 : memref<400xf32, #tpu.memory_space<hbm>>) dst(%dma_wait3A_443 : memref<400xf32, #tpu.memory_space<vmem>>)
    %dma_wait3A_445 = tpu.memref_slice %arg7[%mul3A_167] : memref<10000xf32, #tpu.memory_space<vmem>> -> memref<400xf32, #tpu.memory_space<vmem>>
    %dma_wait3A_446 = tpu.memref_slice %arg4[%mul3A_167] : memref<10000xf32, #tpu.memory_space<hbm>> -> memref<400xf32, #tpu.memory_space<hbm>>
    %dma_wait3A_447 = tpu.memref_slice %arg7[%mul3A_167] : memref<10000xf32, #tpu.memory_space<vmem>> -> memref<400xf32, #tpu.memory_space<vmem>>
    %dma_wait3A_448 = tpu.memref_slice %arg4[%mul3A_167] : memref<10000xf32, #tpu.memory_space<hbm>> -> memref<400xf32, #tpu.memory_space<hbm>>
    tpu.wait_dma2 semaphore(%arg11 : memref<!tpu.dma_semaphore, #tpu.memory_space<semaphore_mem>>) src(%dma_wait3A_448 : memref<400xf32, #tpu.memory_space<hbm>>) dst(%dma_wait3A_447 : memref<400xf32, #tpu.memory_space<vmem>>)
    %dma_wait3A_449 = tpu.memref_slice %arg7[%mul3A_180] : memref<10000xf32, #tpu.memory_space<vmem>> -> memref<400xf32, #tpu.memory_space<vmem>>
    %dma_wait3A_450 = tpu.memref_slice %arg4[%mul3A_180] : memref<10000xf32, #tpu.memory_space<hbm>> -> memref<400xf32, #tpu.memory_space<hbm>>
    %dma_wait3A_451 = tpu.memref_slice %arg7[%mul3A_180] : memref<10000xf32, #tpu.memory_space<vmem>> -> memref<400xf32, #tpu.memory_space<vmem>>
    %dma_wait3A_452 = tpu.memref_slice %arg4[%mul3A_180] : memref<10000xf32, #tpu.memory_space<hbm>> -> memref<400xf32, #tpu.memory_space<hbm>>
    tpu.wait_dma2 semaphore(%arg11 : memref<!tpu.dma_semaphore, #tpu.memory_space<semaphore_mem>>) src(%dma_wait3A_452 : memref<400xf32, #tpu.memory_space<hbm>>) dst(%dma_wait3A_451 : memref<400xf32, #tpu.memory_space<vmem>>)
    %dma_wait3A_453 = tpu.memref_slice %arg7[%mul3A_193] : memref<10000xf32, #tpu.memory_space<vmem>> -> memref<400xf32, #tpu.memory_space<vmem>>
    %dma_wait3A_454 = tpu.memref_slice %arg4[%mul3A_193] : memref<10000xf32, #tpu.memory_space<hbm>> -> memref<400xf32, #tpu.memory_space<hbm>>
    %dma_wait3A_455 = tpu.memref_slice %arg7[%mul3A_193] : memref<10000xf32, #tpu.memory_space<vmem>> -> memref<400xf32, #tpu.memory_space<vmem>>
    %dma_wait3A_456 = tpu.memref_slice %arg4[%mul3A_193] : memref<10000xf32, #tpu.memory_space<hbm>> -> memref<400xf32, #tpu.memory_space<hbm>>
    tpu.wait_dma2 semaphore(%arg11 : memref<!tpu.dma_semaphore, #tpu.memory_space<semaphore_mem>>) src(%dma_wait3A_456 : memref<400xf32, #tpu.memory_space<hbm>>) dst(%dma_wait3A_455 : memref<400xf32, #tpu.memory_space<vmem>>)
    %dma_wait3A_457 = tpu.memref_slice %arg7[%mul3A_206] : memref<10000xf32, #tpu.memory_space<vmem>> -> memref<400xf32, #tpu.memory_space<vmem>>
    %dma_wait3A_458 = tpu.memref_slice %arg4[%mul3A_206] : memref<10000xf32, #tpu.memory_space<hbm>> -> memref<400xf32, #tpu.memory_space<hbm>>
    %dma_wait3A_459 = tpu.memref_slice %arg7[%mul3A_206] : memref<10000xf32, #tpu.memory_space<vmem>> -> memref<400xf32, #tpu.memory_space<vmem>>
    %dma_wait3A_460 = tpu.memref_slice %arg4[%mul3A_206] : memref<10000xf32, #tpu.memory_space<hbm>> -> memref<400xf32, #tpu.memory_space<hbm>>
    tpu.wait_dma2 semaphore(%arg11 : memref<!tpu.dma_semaphore, #tpu.memory_space<semaphore_mem>>) src(%dma_wait3A_460 : memref<400xf32, #tpu.memory_space<hbm>>) dst(%dma_wait3A_459 : memref<400xf32, #tpu.memory_space<vmem>>)
    %dma_wait3A_461 = tpu.memref_slice %arg7[%mul3A_219] : memref<10000xf32, #tpu.memory_space<vmem>> -> memref<400xf32, #tpu.memory_space<vmem>>
    %dma_wait3A_462 = tpu.memref_slice %arg4[%mul3A_219] : memref<10000xf32, #tpu.memory_space<hbm>> -> memref<400xf32, #tpu.memory_space<hbm>>
    %dma_wait3A_463 = tpu.memref_slice %arg7[%mul3A_219] : memref<10000xf32, #tpu.memory_space<vmem>> -> memref<400xf32, #tpu.memory_space<vmem>>
    %dma_wait3A_464 = tpu.memref_slice %arg4[%mul3A_219] : memref<10000xf32, #tpu.memory_space<hbm>> -> memref<400xf32, #tpu.memory_space<hbm>>
    tpu.wait_dma2 semaphore(%arg11 : memref<!tpu.dma_semaphore, #tpu.memory_space<semaphore_mem>>) src(%dma_wait3A_464 : memref<400xf32, #tpu.memory_space<hbm>>) dst(%dma_wait3A_463 : memref<400xf32, #tpu.memory_space<vmem>>)
    %dma_wait3A_465 = tpu.memref_slice %arg7[%mul3A_232] : memref<10000xf32, #tpu.memory_space<vmem>> -> memref<400xf32, #tpu.memory_space<vmem>>
    %dma_wait3A_466 = tpu.memref_slice %arg4[%mul3A_232] : memref<10000xf32, #tpu.memory_space<hbm>> -> memref<400xf32, #tpu.memory_space<hbm>>
    %dma_wait3A_467 = tpu.memref_slice %arg7[%mul3A_232] : memref<10000xf32, #tpu.memory_space<vmem>> -> memref<400xf32, #tpu.memory_space<vmem>>
    %dma_wait3A_468 = tpu.memref_slice %arg4[%mul3A_232] : memref<10000xf32, #tpu.memory_space<hbm>> -> memref<400xf32, #tpu.memory_space<hbm>>
    tpu.wait_dma2 semaphore(%arg11 : memref<!tpu.dma_semaphore, #tpu.memory_space<semaphore_mem>>) src(%dma_wait3A_468 : memref<400xf32, #tpu.memory_space<hbm>>) dst(%dma_wait3A_467 : memref<400xf32, #tpu.memory_space<vmem>>)
    %dma_wait3A_469 = tpu.memref_slice %arg7[%mul3A_245] : memref<10000xf32, #tpu.memory_space<vmem>> -> memref<400xf32, #tpu.memory_space<vmem>>
    %dma_wait3A_470 = tpu.memref_slice %arg4[%mul3A_245] : memref<10000xf32, #tpu.memory_space<hbm>> -> memref<400xf32, #tpu.memory_space<hbm>>
    %dma_wait3A_471 = tpu.memref_slice %arg7[%mul3A_245] : memref<10000xf32, #tpu.memory_space<vmem>> -> memref<400xf32, #tpu.memory_space<vmem>>
    %dma_wait3A_472 = tpu.memref_slice %arg4[%mul3A_245] : memref<10000xf32, #tpu.memory_space<hbm>> -> memref<400xf32, #tpu.memory_space<hbm>>
    tpu.wait_dma2 semaphore(%arg11 : memref<!tpu.dma_semaphore, #tpu.memory_space<semaphore_mem>>) src(%dma_wait3A_472 : memref<400xf32, #tpu.memory_space<hbm>>) dst(%dma_wait3A_471 : memref<400xf32, #tpu.memory_space<vmem>>)
    %dma_wait3A_473 = tpu.memref_slice %arg7[%mul3A_258] : memref<10000xf32, #tpu.memory_space<vmem>> -> memref<400xf32, #tpu.memory_space<vmem>>
    %dma_wait3A_474 = tpu.memref_slice %arg4[%mul3A_258] : memref<10000xf32, #tpu.memory_space<hbm>> -> memref<400xf32, #tpu.memory_space<hbm>>
    %dma_wait3A_475 = tpu.memref_slice %arg7[%mul3A_258] : memref<10000xf32, #tpu.memory_space<vmem>> -> memref<400xf32, #tpu.memory_space<vmem>>
    %dma_wait3A_476 = tpu.memref_slice %arg4[%mul3A_258] : memref<10000xf32, #tpu.memory_space<hbm>> -> memref<400xf32, #tpu.memory_space<hbm>>
    tpu.wait_dma2 semaphore(%arg11 : memref<!tpu.dma_semaphore, #tpu.memory_space<semaphore_mem>>) src(%dma_wait3A_476 : memref<400xf32, #tpu.memory_space<hbm>>) dst(%dma_wait3A_475 : memref<400xf32, #tpu.memory_space<vmem>>)
    %dma_wait3A_477 = tpu.memref_slice %arg7[%mul3A_271] : memref<10000xf32, #tpu.memory_space<vmem>> -> memref<400xf32, #tpu.memory_space<vmem>>
    %dma_wait3A_478 = tpu.memref_slice %arg4[%mul3A_271] : memref<10000xf32, #tpu.memory_space<hbm>> -> memref<400xf32, #tpu.memory_space<hbm>>
    %dma_wait3A_479 = tpu.memref_slice %arg7[%mul3A_271] : memref<10000xf32, #tpu.memory_space<vmem>> -> memref<400xf32, #tpu.memory_space<vmem>>
    %dma_wait3A_480 = tpu.memref_slice %arg4[%mul3A_271] : memref<10000xf32, #tpu.memory_space<hbm>> -> memref<400xf32, #tpu.memory_space<hbm>>
    tpu.wait_dma2 semaphore(%arg11 : memref<!tpu.dma_semaphore, #tpu.memory_space<semaphore_mem>>) src(%dma_wait3A_480 : memref<400xf32, #tpu.memory_space<hbm>>) dst(%dma_wait3A_479 : memref<400xf32, #tpu.memory_space<vmem>>)
    %dma_wait3A_481 = tpu.memref_slice %arg7[%mul3A_284] : memref<10000xf32, #tpu.memory_space<vmem>> -> memref<400xf32, #tpu.memory_space<vmem>>
    %dma_wait3A_482 = tpu.memref_slice %arg4[%mul3A_284] : memref<10000xf32, #tpu.memory_space<hbm>> -> memref<400xf32, #tpu.memory_space<hbm>>
    %dma_wait3A_483 = tpu.memref_slice %arg7[%mul3A_284] : memref<10000xf32, #tpu.memory_space<vmem>> -> memref<400xf32, #tpu.memory_space<vmem>>
    %dma_wait3A_484 = tpu.memref_slice %arg4[%mul3A_284] : memref<10000xf32, #tpu.memory_space<hbm>> -> memref<400xf32, #tpu.memory_space<hbm>>
    tpu.wait_dma2 semaphore(%arg11 : memref<!tpu.dma_semaphore, #tpu.memory_space<semaphore_mem>>) src(%dma_wait3A_484 : memref<400xf32, #tpu.memory_space<hbm>>) dst(%dma_wait3A_483 : memref<400xf32, #tpu.memory_space<vmem>>)
    %dma_wait3A_485 = tpu.memref_slice %arg7[%mul3A_297] : memref<10000xf32, #tpu.memory_space<vmem>> -> memref<400xf32, #tpu.memory_space<vmem>>
    %dma_wait3A_486 = tpu.memref_slice %arg4[%mul3A_297] : memref<10000xf32, #tpu.memory_space<hbm>> -> memref<400xf32, #tpu.memory_space<hbm>>
    %dma_wait3A_487 = tpu.memref_slice %arg7[%mul3A_297] : memref<10000xf32, #tpu.memory_space<vmem>> -> memref<400xf32, #tpu.memory_space<vmem>>
    %dma_wait3A_488 = tpu.memref_slice %arg4[%mul3A_297] : memref<10000xf32, #tpu.memory_space<hbm>> -> memref<400xf32, #tpu.memory_space<hbm>>
    tpu.wait_dma2 semaphore(%arg11 : memref<!tpu.dma_semaphore, #tpu.memory_space<semaphore_mem>>) src(%dma_wait3A_488 : memref<400xf32, #tpu.memory_space<hbm>>) dst(%dma_wait3A_487 : memref<400xf32, #tpu.memory_space<vmem>>)
    %dma_wait3A_489 = tpu.memref_slice %arg7[%mul3A_310] : memref<10000xf32, #tpu.memory_space<vmem>> -> memref<400xf32, #tpu.memory_space<vmem>>
    %dma_wait3A_490 = tpu.memref_slice %arg4[%mul3A_310] : memref<10000xf32, #tpu.memory_space<hbm>> -> memref<400xf32, #tpu.memory_space<hbm>>
    %dma_wait3A_491 = tpu.memref_slice %arg7[%mul3A_310] : memref<10000xf32, #tpu.memory_space<vmem>> -> memref<400xf32, #tpu.memory_space<vmem>>
    %dma_wait3A_492 = tpu.memref_slice %arg4[%mul3A_310] : memref<10000xf32, #tpu.memory_space<hbm>> -> memref<400xf32, #tpu.memory_space<hbm>>
    tpu.wait_dma2 semaphore(%arg11 : memref<!tpu.dma_semaphore, #tpu.memory_space<semaphore_mem>>) src(%dma_wait3A_492 : memref<400xf32, #tpu.memory_space<hbm>>) dst(%dma_wait3A_491 : memref<400xf32, #tpu.memory_space<vmem>>)
    %dma_wait3A_493 = tpu.memref_slice %arg7[%mul3A_323] : memref<10000xf32, #tpu.memory_space<vmem>> -> memref<400xf32, #tpu.memory_space<vmem>>
    %dma_wait3A_494 = tpu.memref_slice %arg4[%mul3A_323] : memref<10000xf32, #tpu.memory_space<hbm>> -> memref<400xf32, #tpu.memory_space<hbm>>
    %dma_wait3A_495 = tpu.memref_slice %arg7[%mul3A_323] : memref<10000xf32, #tpu.memory_space<vmem>> -> memref<400xf32, #tpu.memory_space<vmem>>
    %dma_wait3A_496 = tpu.memref_slice %arg4[%mul3A_323] : memref<10000xf32, #tpu.memory_space<hbm>> -> memref<400xf32, #tpu.memory_space<hbm>>
    tpu.wait_dma2 semaphore(%arg11 : memref<!tpu.dma_semaphore, #tpu.memory_space<semaphore_mem>>) src(%dma_wait3A_496 : memref<400xf32, #tpu.memory_space<hbm>>) dst(%dma_wait3A_495 : memref<400xf32, #tpu.memory_space<vmem>>)
    %dma_wait3A_497 = tpu.memref_slice %arg7[%mul3A_336] : memref<10000xf32, #tpu.memory_space<vmem>> -> memref<400xf32, #tpu.memory_space<vmem>>
    %dma_wait3A_498 = tpu.memref_slice %arg4[%mul3A_336] : memref<10000xf32, #tpu.memory_space<hbm>> -> memref<400xf32, #tpu.memory_space<hbm>>
    %dma_wait3A_499 = tpu.memref_slice %arg7[%mul3A_336] : memref<10000xf32, #tpu.memory_space<vmem>> -> memref<400xf32, #tpu.memory_space<vmem>>
    %dma_wait3A_500 = tpu.memref_slice %arg4[%mul3A_336] : memref<10000xf32, #tpu.memory_space<hbm>> -> memref<400xf32, #tpu.memory_space<hbm>>
    tpu.wait_dma2 semaphore(%arg11 : memref<!tpu.dma_semaphore, #tpu.memory_space<semaphore_mem>>) src(%dma_wait3A_500 : memref<400xf32, #tpu.memory_space<hbm>>) dst(%dma_wait3A_499 : memref<400xf32, #tpu.memory_space<vmem>>)
    %dma_wait3A_501 = tpu.memref_slice %arg7[%mul3A_349] : memref<10000xf32, #tpu.memory_space<vmem>> -> memref<400xf32, #tpu.memory_space<vmem>>
    %dma_wait3A_502 = tpu.memref_slice %arg4[%mul3A_349] : memref<10000xf32, #tpu.memory_space<hbm>> -> memref<400xf32, #tpu.memory_space<hbm>>
    %dma_wait3A_503 = tpu.memref_slice %arg7[%mul3A_349] : memref<10000xf32, #tpu.memory_space<vmem>> -> memref<400xf32, #tpu.memory_space<vmem>>
    %dma_wait3A_504 = tpu.memref_slice %arg4[%mul3A_349] : memref<10000xf32, #tpu.memory_space<hbm>> -> memref<400xf32, #tpu.memory_space<hbm>>
    tpu.wait_dma2 semaphore(%arg11 : memref<!tpu.dma_semaphore, #tpu.memory_space<semaphore_mem>>) src(%dma_wait3A_504 : memref<400xf32, #tpu.memory_space<hbm>>) dst(%dma_wait3A_503 : memref<400xf32, #tpu.memory_space<vmem>>)
    %dma_wait3A_505 = tpu.memref_slice %arg7[%mul3A_362] : memref<10000xf32, #tpu.memory_space<vmem>> -> memref<400xf32, #tpu.memory_space<vmem>>
    %dma_wait3A_506 = tpu.memref_slice %arg4[%mul3A_362] : memref<10000xf32, #tpu.memory_space<hbm>> -> memref<400xf32, #tpu.memory_space<hbm>>
    %dma_wait3A_507 = tpu.memref_slice %arg7[%mul3A_362] : memref<10000xf32, #tpu.memory_space<vmem>> -> memref<400xf32, #tpu.memory_space<vmem>>
    %dma_wait3A_508 = tpu.memref_slice %arg4[%mul3A_362] : memref<10000xf32, #tpu.memory_space<hbm>> -> memref<400xf32, #tpu.memory_space<hbm>>
    tpu.wait_dma2 semaphore(%arg11 : memref<!tpu.dma_semaphore, #tpu.memory_space<semaphore_mem>>) src(%dma_wait3A_508 : memref<400xf32, #tpu.memory_space<hbm>>) dst(%dma_wait3A_507 : memref<400xf32, #tpu.memory_space<vmem>>)
    %dma_wait3A_509 = tpu.memref_slice %arg7[%mul3A_375] : memref<10000xf32, #tpu.memory_space<vmem>> -> memref<400xf32, #tpu.memory_space<vmem>>
    %dma_wait3A_510 = tpu.memref_slice %arg4[%mul3A_375] : memref<10000xf32, #tpu.memory_space<hbm>> -> memref<400xf32, #tpu.memory_space<hbm>>
    %dma_wait3A_511 = tpu.memref_slice %arg7[%mul3A_375] : memref<10000xf32, #tpu.memory_space<vmem>> -> memref<400xf32, #tpu.memory_space<vmem>>
    %dma_wait3A_512 = tpu.memref_slice %arg4[%mul3A_375] : memref<10000xf32, #tpu.memory_space<hbm>> -> memref<400xf32, #tpu.memory_space<hbm>>
    tpu.wait_dma2 semaphore(%arg11 : memref<!tpu.dma_semaphore, #tpu.memory_space<semaphore_mem>>) src(%dma_wait3A_512 : memref<400xf32, #tpu.memory_space<hbm>>) dst(%dma_wait3A_511 : memref<400xf32, #tpu.memory_space<vmem>>)
    %get3A = arith.constant 0 : index
    %get3A_513 = tpu.vector_load %arg10[%get3A] {strides = array<i32>} : memref<16xf32, #tpu.memory_space<vmem>>, vector<16xf32>,
    %slice3A = vector.extract_strided_slice %get3A_513 {offsets = [0], sizes = [1], strides = [1]} : vector<16xf32> to vector<1xf32>
    %squeeze3A = vector.extract %slice3A[0] : f32 from vector<1xf32>
    %scan3A = arith.constant 0 : i32
    %scan3A_514 = arith.constant 0 : i32
    %scan3A_515 = arith.constant 624 : i32
    %scan3A_516 = arith.addi %scan3A_514, %scan3A_515 : i32
    %scan3A_517 = arith.constant 2 : i32
    scf.for %scan3A_526 = %scan3A_514 to %scan3A_516 step %scan3A_517  : i32 {
      %mul3A_527 = arith.constant 16 : i32
      %mul3A_528 = arith.muli %scan3A_526, %mul3A_527 : i32
      %get3A_529 = arith.index_cast %mul3A_528 : i32 to index
      %get3A_530 = tpu.vector_load %arg8[%get3A_529] {strides = array<i32>} : memref<10496xf32, #tpu.memory_space<vmem>>, vector<16xf32>,
      %get3A_531 = arith.index_cast %mul3A_528 : i32 to index
      %get3A_532 = tpu.vector_load %arg9[%get3A_531] {strides = array<i32>} : memref<10496xi32, #tpu.memory_space<vmem>>, vector<16xi32>,
      %gather3A = tpu.vector_load_idx %arg7[%get3A_532] : memref<10000xf32, #tpu.memory_space<vmem>>[vector<16xi32>], vector<16xf32>,
      %mul3A_533 = vector.broadcast %squeeze3A : f32 to vector<16xf32>
      %mul3A_534 = arith.mulf %get3A_530, %mul3A_533 : vector<16xf32>
      %mul3A_535 = arith.mulf %mul3A_534, %gather3A : vector<16xf32>
      %swap3A = arith.index_cast %mul3A_528 : i32 to index
      %swap3A_536 = tpu.vector_load %arg8[%swap3A] {strides = array<i32>} : memref<10496xf32, #tpu.memory_space<vmem>>, vector<16xf32>,
      tpu.vector_store %arg8[%swap3A], %mul3A_535 {strides = array<i32>} : memref<10496xf32, #tpu.memory_space<vmem>>, vector<16xf32>,
      %scan3A_537 = arith.constant 1 : i32
      %scan3A_538 = arith.addi %scan3A_526, %scan3A_537 : i32
      %mul3A_539 = arith.constant 16 : i32
      %mul3A_540 = arith.muli %scan3A_538, %mul3A_539 : i32
      %get3A_541 = arith.index_cast %mul3A_540 : i32 to index
      %get3A_542 = tpu.vector_load %arg8[%get3A_541] {strides = array<i32>} : memref<10496xf32, #tpu.memory_space<vmem>>, vector<16xf32>,
      %get3A_543 = arith.index_cast %mul3A_540 : i32 to index
      %get3A_544 = tpu.vector_load %arg9[%get3A_543] {strides = array<i32>} : memref<10496xi32, #tpu.memory_space<vmem>>, vector<16xi32>,
      %gather3A_545 = tpu.vector_load_idx %arg7[%get3A_544] : memref<10000xf32, #tpu.memory_space<vmem>>[vector<16xi32>], vector<16xf32>,
      %mul3A_546 = vector.broadcast %squeeze3A : f32 to vector<16xf32>
      %mul3A_547 = arith.mulf %get3A_542, %mul3A_546 : vector<16xf32>
      %mul3A_548 = arith.mulf %mul3A_547, %gather3A_545 : vector<16xf32>
      %swap3A_549 = arith.index_cast %mul3A_540 : i32 to index
      %swap3A_550 = tpu.vector_load %arg8[%swap3A_549] {strides = array<i32>} : memref<10496xf32, #tpu.memory_space<vmem>>, vector<16xf32>,
      tpu.vector_store %arg8[%swap3A_549], %mul3A_548 {strides = array<i32>} : memref<10496xf32, #tpu.memory_space<vmem>>, vector<16xf32>,
    }
    %scan3A_518 = arith.constant 624 : i32
    %eq3A = arith.constant 0 : i32
    %eq3A_519 = arith.cmpi eq, %add3A, %eq3A : i32
    %convert_element_type3A = arith.extui %eq3A_519 : i1 to i32
    %cond3A = arith.constant 0 : i32
    %cond3A_520 = arith.cmpi ne, %convert_element_type3A, %cond3A : i32
    scf.if %cond3A_520 {
      %scan3A_526 = arith.constant 0 : i32
      %scan3A_527 = arith.constant 624 : i32
      %scan3A_528 = arith.constant 32 : i32
      %scan3A_529 = arith.addi %scan3A_527, %scan3A_528 : i32
      %scan3A_530 = arith.constant 1 : i32
      scf.for %scan3A_532 = %scan3A_527 to %scan3A_529 step %scan3A_530  : i32 {
        %mul3A_533 = arith.constant 16 : i32
        %mul3A_534 = arith.muli %scan3A_532, %mul3A_533 : i32
        %get3A_535 = arith.index_cast %mul3A_534 : i32 to index
        %get3A_536 = tpu.vector_load %arg8[%get3A_535] {strides = array<i32>} : memref<10496xf32, #tpu.memory_space<vmem>>, vector<16xf32>,
        %get3A_537 = arith.index_cast %mul3A_534 : i32 to index
        %get3A_538 = tpu.vector_load %arg9[%get3A_537] {strides = array<i32>} : memref<10496xi32, #tpu.memory_space<vmem>>, vector<16xi32>,
        %gather3A = tpu.vector_load_idx %arg7[%get3A_538] : memref<10000xf32, #tpu.memory_space<vmem>>[vector<16xi32>], vector<16xf32>,
        %mul3A_539 = vector.broadcast %squeeze3A : f32 to vector<16xf32>
        %mul3A_540 = arith.mulf %get3A_536, %mul3A_539 : vector<16xf32>
        %mul3A_541 = arith.mulf %mul3A_540, %gather3A : vector<16xf32>
        %swap3A = arith.index_cast %mul3A_534 : i32 to index
        %swap3A_542 = tpu.vector_load %arg8[%swap3A] {strides = array<i32>} : memref<10496xf32, #tpu.memory_space<vmem>>, vector<16xf32>,
        tpu.vector_store %arg8[%swap3A], %mul3A_541 {strides = array<i32>} : memref<10496xf32, #tpu.memory_space<vmem>>, vector<16xf32>,
      }
      %scan3A_531 = arith.constant 32 : i32
    } else {
    }
    %run_scoped3A = arith.constant 0 : i32
    "tpu.region"() ({
      %run_scoped3A_526 = tpu.sem_alloc : memref<!tpu.dma_semaphore, #tpu.memory_space<semaphore_mem>>
      %dma_start3A_527 = arith.constant 0 : i32
      %dma_start3A_528 = tpu.memref_slice %arg8[%dma_start3A_527] : memref<10496xf32, #tpu.memory_space<vmem>> -> memref<9984xf32, #tpu.memory_space<vmem>>
      %dma_start3A_529 = tpu.memref_slice %arg6[%run_scoped3A, %mul3A_2] : memref<1x320000xf32, #tpu.memory_space<hbm>> -> memref<1x9984xf32, #tpu.memory_space<hbm>>
      %dma_start3A_530 = tpu.memref_squeeze %dma_start3A_529 : memref<1x9984xf32, #tpu.memory_space<hbm>> -> memref<9984xf32, #tpu.memory_space<hbm>>
      %dma_start3A_531 = tpu.memref_slice %arg6[%run_scoped3A, %mul3A_2] : memref<1x320000xf32, #tpu.memory_space<hbm>> -> memref<1x9984xf32, #tpu.memory_space<hbm>>
      %dma_start3A_532 = tpu.memref_squeeze %dma_start3A_531 : memref<1x9984xf32, #tpu.memory_space<hbm>> -> memref<9984xf32, #tpu.memory_space<hbm>>
      %dma_start3A_533 = arith.constant 0 : i32
      %dma_start3A_534 = tpu.memref_slice %arg8[%dma_start3A_533] : memref<10496xf32, #tpu.memory_space<vmem>> -> memref<9984xf32, #tpu.memory_space<vmem>>
      tpu.enqueue_dma source(%dma_start3A_534 : memref<9984xf32, #tpu.memory_space<vmem>>) target(%dma_start3A_532 : memref<9984xf32, #tpu.memory_space<hbm>>) target_semaphore(%run_scoped3A_526 : memref<!tpu.dma_semaphore, #tpu.memory_space<semaphore_mem>>)
      %dma_wait3A_535 = arith.constant 0 : i32
      %dma_wait3A_536 = tpu.memref_slice %arg8[%dma_wait3A_535] : memref<10496xf32, #tpu.memory_space<vmem>> -> memref<9984xf32, #tpu.memory_space<vmem>>
      %dma_wait3A_537 = tpu.memref_slice %arg6[%run_scoped3A, %mul3A_2] : memref<1x320000xf32, #tpu.memory_space<hbm>> -> memref<1x9984xf32, #tpu.memory_space<hbm>>
      %dma_wait3A_538 = tpu.memref_squeeze %dma_wait3A_537 : memref<1x9984xf32, #tpu.memory_space<hbm>> -> memref<9984xf32, #tpu.memory_space<hbm>>
      %dma_wait3A_539 = tpu.memref_slice %arg6[%run_scoped3A, %mul3A_2] : memref<1x320000xf32, #tpu.memory_space<hbm>> -> memref<1x9984xf32, #tpu.memory_space<hbm>>
      %dma_wait3A_540 = tpu.memref_squeeze %dma_wait3A_539 : memref<1x9984xf32, #tpu.memory_space<hbm>> -> memref<9984xf32, #tpu.memory_space<hbm>>
      %dma_wait3A_541 = arith.constant 0 : i32
      %dma_wait3A_542 = tpu.memref_slice %arg8[%dma_wait3A_541] : memref<10496xf32, #tpu.memory_space<vmem>> -> memref<9984xf32, #tpu.memory_space<vmem>>
      tpu.wait_dma2 semaphore(%run_scoped3A_526 : memref<!tpu.dma_semaphore, #tpu.memory_space<semaphore_mem>>) src(%dma_wait3A_542 : memref<9984xf32, #tpu.memory_space<vmem>>) dst(%dma_wait3A_540 : memref<9984xf32, #tpu.memory_space<hbm>>)
      tpu.yield
    }) : () -> ()
    %eq3A_521 = arith.constant 0 : i32
    %eq3A_522 = arith.cmpi eq, %add3A, %eq3A_521 : i32
    %convert_element_type3A_523 = arith.extui %eq3A_522 : i1 to i32
    %cond3A_524 = arith.constant 0 : i32
    %cond3A_525 = arith.cmpi ne, %convert_element_type3A_523, %cond3A_524 : i32
    scf.if %cond3A_525 {
      %run_scoped3A_526 = arith.constant 0 : i32
      "tpu.region"() ({
        %run_scoped3A_527 = tpu.sem_alloc : memref<!tpu.dma_semaphore, #tpu.memory_space<semaphore_mem>>
        %dma_start3A_528 = arith.constant 9984 : i32
        %dma_start3A_529 = tpu.memref_slice %arg8[%dma_start3A_528] : memref<10496xf32, #tpu.memory_space<vmem>> -> memref<512xf32, #tpu.memory_space<vmem>>
        %dma_start3A_530 = arith.constant 319488 : i32
        %dma_start3A_531 = tpu.memref_slice %arg6[%run_scoped3A_526, %dma_start3A_530] : memref<1x320000xf32, #tpu.memory_space<hbm>> -> memref<1x512xf32, #tpu.memory_space<hbm>>
        %dma_start3A_532 = tpu.memref_squeeze %dma_start3A_531 : memref<1x512xf32, #tpu.memory_space<hbm>> -> memref<512xf32, #tpu.memory_space<hbm>>
        %dma_start3A_533 = arith.constant 319488 : i32
        %dma_start3A_534 = tpu.memref_slice %arg6[%run_scoped3A_526, %dma_start3A_533] : memref<1x320000xf32, #tpu.memory_space<hbm>> -> memref<1x512xf32, #tpu.memory_space<hbm>>
        %dma_start3A_535 = tpu.memref_squeeze %dma_start3A_534 : memref<1x512xf32, #tpu.memory_space<hbm>> -> memref<512xf32, #tpu.memory_space<hbm>>
        %dma_start3A_536 = arith.constant 9984 : i32
        %dma_start3A_537 = tpu.memref_slice %arg8[%dma_start3A_536] : memref<10496xf32, #tpu.memory_space<vmem>> -> memref<512xf32, #tpu.memory_space<vmem>>
        tpu.enqueue_dma source(%dma_start3A_537 : memref<512xf32, #tpu.memory_space<vmem>>) target(%dma_start3A_535 : memref<512xf32, #tpu.memory_space<hbm>>) target_semaphore(%run_scoped3A_527 : memref<!tpu.dma_semaphore, #tpu.memory_space<semaphore_mem>>)
        %dma_wait3A_538 = arith.constant 9984 : i32
        %dma_wait3A_539 = tpu.memref_slice %arg8[%dma_wait3A_538] : memref<10496xf32, #tpu.memory_space<vmem>> -> memref<512xf32, #tpu.memory_space<vmem>>
        %dma_wait3A_540 = arith.constant 319488 : i32
        %dma_wait3A_541 = tpu.memref_slice %arg6[%run_scoped3A_526, %dma_wait3A_540] : memref<1x320000xf32, #tpu.memory_space<hbm>> -> memref<1x512xf32, #tpu.memory_space<hbm>>
        %dma_wait3A_542 = tpu.memref_squeeze %dma_wait3A_541 : memref<1x512xf32, #tpu.memory_space<hbm>> -> memref<512xf32, #tpu.memory_space<hbm>>
        %dma_wait3A_543 = arith.constant 319488 : i32
        %dma_wait3A_544 = tpu.memref_slice %arg6[%run_scoped3A_526, %dma_wait3A_543] : memref<1x320000xf32, #tpu.memory_space<hbm>> -> memref<1x512xf32, #tpu.memory_space<hbm>>
        %dma_wait3A_545 = tpu.memref_squeeze %dma_wait3A_544 : memref<1x512xf32, #tpu.memory_space<hbm>> -> memref<512xf32, #tpu.memory_space<hbm>>
        %dma_wait3A_546 = arith.constant 9984 : i32
        %dma_wait3A_547 = tpu.memref_slice %arg8[%dma_wait3A_546] : memref<10496xf32, #tpu.memory_space<vmem>> -> memref<512xf32, #tpu.memory_space<vmem>>
        tpu.wait_dma2 semaphore(%run_scoped3A_527 : memref<!tpu.dma_semaphore, #tpu.memory_space<semaphore_mem>>) src(%dma_wait3A_547 : memref<512xf32, #tpu.memory_space<vmem>>) dst(%dma_wait3A_545 : memref<512xf32, #tpu.memory_space<hbm>>)
        tpu.yield
      }) : () -> ()
    } else {
    }
    return
  }
}

module attributes {stable_mosaic.version = 14 : i64} {
  func.func @_k2_body(%arg0: memref<32x16xf32, #tpu.memory_space<vmem>>, %arg1: memref<32x10000xf32, #tpu.memory_space<vmem>>, %arg2: memref<32x10000xf32, #tpu.memory_space<vmem>>, %arg3: memref<32x10000xf32, #tpu.memory_space<vmem>>, %arg4: memref<2x1xf32, #tpu.memory_space<vmem>>, %arg5: memref<10000x2xf32, #tpu.memory_space<vmem>>, %arg6: memref<10000xf32, #tpu.memory_space<vmem>>, %arg7: memref<32x16xf32, #tpu.memory_space<vmem>>) attributes {dimension_semantics = [], scalar_prefetch = 0 : i64, scratch_operands = 0 : i64, tpu.core_type = #tpu.core_type<tc>} {
    %get3A = arith.constant 0 : index
    %get3A_0 = arith.constant 0 : index
    %get3A_1 = vector.load %arg0[%get3A, %get3A_0] : memref<32x16xf32, #tpu.memory_space<vmem>>, vector<32x1xf32>
    %reduce_max3A = vector.shape_cast %get3A_1 : vector<32x1xf32> to vector<1x32x1xf32>
    %reduce_max3A_2 = arith.constant dense<0xFF800000> : vector<1xf32>
    %reduce_max3A_3 = vector.multi_reduction <maximumf>, %reduce_max3A, %reduce_max3A_2 [1, 2] : vector<1x32x1xf32> to vector<1xf32>
    %reduce_max3A_4 = vector.shape_cast %reduce_max3A_3 : vector<1xf32> to vector<1x1x1xf32>
    %reduce_max3A_5 = vector.extract %reduce_max3A_4[0, 0, 0] : f32 from vector<1x1x1xf32>
    %sub3A = vector.broadcast %reduce_max3A_5 : f32 to vector<32x1xf32>
    %sub3A_6 = arith.subf %get3A_1, %sub3A : vector<32x1xf32>
    %exp3A = math.exp %sub3A_6 : vector<32x1xf32>
    %get3A_7 = arith.constant 0 : index
    %get3A_8 = arith.constant 0 : index
    %get3A_9 = vector.load %arg1[%get3A_7, %get3A_8] : memref<32x10000xf32, #tpu.memory_space<vmem>>, vector<32x10000xf32>
    %mul3A = vector.broadcast %exp3A : vector<32x1xf32> to vector<32x10000xf32>
    %mul3A_10 = arith.mulf %get3A_9, %mul3A : vector<32x10000xf32>
    %reduce_sum3A = arith.constant dense<0.000000e+00> : vector<10000xf32>
    %reduce_sum3A_11 = vector.multi_reduction <add>, %mul3A_10, %reduce_sum3A [0] : vector<32x10000xf32> to vector<10000xf32>
    %broadcast_in_dim3A = vector.shape_cast %reduce_sum3A_11 : vector<10000xf32> to vector<1x10000xf32>
    %get3A_12 = arith.constant 0 : index
    %get3A_13 = arith.constant 0 : index
    %get3A_14 = vector.load %arg2[%get3A_12, %get3A_13] : memref<32x10000xf32, #tpu.memory_space<vmem>>, vector<32x10000xf32>
    %mul3A_15 = vector.broadcast %exp3A : vector<32x1xf32> to vector<32x10000xf32>
    %mul3A_16 = arith.mulf %get3A_14, %mul3A_15 : vector<32x10000xf32>
    %reduce_sum3A_17 = arith.constant dense<0.000000e+00> : vector<10000xf32>
    %reduce_sum3A_18 = vector.multi_reduction <add>, %mul3A_16, %reduce_sum3A_17 [0] : vector<32x10000xf32> to vector<10000xf32>
    %broadcast_in_dim3A_19 = vector.shape_cast %reduce_sum3A_18 : vector<10000xf32> to vector<1x10000xf32>
    %get3A_20 = arith.constant 0 : index
    %get3A_21 = arith.constant 0 : index
    %get3A_22 = vector.load %arg3[%get3A_20, %get3A_21] : memref<32x10000xf32, #tpu.memory_space<vmem>>, vector<32x10000xf32>
    %mul3A_23 = vector.broadcast %exp3A : vector<32x1xf32> to vector<32x10000xf32>
    %mul3A_24 = arith.mulf %get3A_22, %mul3A_23 : vector<32x10000xf32>
    %reduce_sum3A_25 = arith.constant dense<0.000000e+00> : vector<10000xf32>
    %reduce_sum3A_26 = vector.multi_reduction <add>, %mul3A_24, %reduce_sum3A_25 [0] : vector<32x10000xf32> to vector<10000xf32>
    %broadcast_in_dim3A_27 = vector.shape_cast %reduce_sum3A_26 : vector<10000xf32> to vector<1x10000xf32>
    %gt3A = arith.constant 0.000000e+00 : f32
    %gt3A_28 = vector.broadcast %gt3A : f32 to vector<1x10000xf32>
    %gt3A_29 = arith.cmpf ogt, %broadcast_in_dim3A, %gt3A_28 : vector<1x10000xf32>
    %jit3A = arith.constant 1.000000e+00 : f32
    %broadcast_in_dim3A_30 = vector.broadcast %jit3A : f32 to vector<1x10000xf32>
    %select_n3A = arith.select %gt3A_29, %broadcast_in_dim3A, %broadcast_in_dim3A_30 : vector<1x10000xi1>, vector<1x10000xf32>
    %div3A = arith.constant 1.000000e+00 : f32
    %div3A_31 = vector.broadcast %div3A : f32 to vector<1x10000xf32>
    %div3A_32 = arith.divf %div3A_31, %select_n3A : vector<1x10000xf32>
    %jit3A_33 = arith.constant 0.000000e+00 : f32
    %broadcast_in_dim3A_34 = vector.broadcast %jit3A_33 : f32 to vector<1x10000xf32>
    %select_n3A_35 = arith.select %gt3A_29, %div3A_32, %broadcast_in_dim3A_34 : vector<1x10000xi1>, vector<1x10000xf32>
    %mul3A_36 = arith.mulf %broadcast_in_dim3A_19, %select_n3A_35 : vector<1x10000xf32>
    %get3A_37 = arith.constant 0 : index
    %get3A_38 = arith.constant 0 : index
    %get3A_39 = vector.load %arg4[%get3A_37, %get3A_38] : memref<2x1xf32, #tpu.memory_space<vmem>>, vector<1x1xf32>
    %add3A = vector.broadcast %get3A_39 : vector<1x1xf32> to vector<1x10000xf32>
    %add3A_40 = arith.addf %mul3A_36, %add3A : vector<1x10000xf32>
    %mul3A_41 = arith.mulf %broadcast_in_dim3A_27, %select_n3A_35 : vector<1x10000xf32>
    %get3A_42 = arith.constant 1 : index
    %get3A_43 = arith.constant 0 : index
    %get3A_44 = vector.load %arg4[%get3A_42, %get3A_43] : memref<2x1xf32, #tpu.memory_space<vmem>>, vector<1x1xf32>
    %add3A_45 = vector.broadcast %get3A_44 : vector<1x1xf32> to vector<1x10000xf32>
    %add3A_46 = arith.addf %mul3A_41, %add3A_45 : vector<1x10000xf32>
    %concatenate3A = tpu.concatenate %add3A_40, %add3A_46 in 0 : vector<1x10000xf32>, vector<1x10000xf32> -> vector<2x10000xf32>
    %transpose3A = tpu.transpose %concatenate3A, [1, 0] : vector<2x10000xf32> -> vector<10000x2xf32>
    %swap3A = arith.constant 0 : index
    %swap3A_47 = arith.constant 0 : index
    %swap3A_48 = vector.load %arg5[%swap3A, %swap3A_47] : memref<10000x2xf32, #tpu.memory_space<vmem>>, vector<10000x2xf32>
    tpu.vector_store %arg5[%swap3A, %swap3A_47], %transpose3A {strides = array<i32>} : memref<10000x2xf32, #tpu.memory_space<vmem>>, vector<10000x2xf32>,
    %squeeze3A = vector.shape_cast %select_n3A_35 : vector<1x10000xf32> to vector<10000xf32>
    %swap3A_49 = arith.constant 0 : index
    %swap3A_50 = vector.load %arg6[%swap3A_49] : memref<10000xf32, #tpu.memory_space<vmem>>, vector<10000xf32>
    tpu.vector_store %arg6[%swap3A_49], %squeeze3A {strides = array<i32>} : memref<10000xf32, #tpu.memory_space<vmem>>, vector<10000xf32>,
    %broadcast_in_dim3A_51 = vector.shape_cast %exp3A : vector<32x1xf32> to vector<32x1xf32>
    %broadcast_in_dim3A_52 = vector.broadcast %broadcast_in_dim3A_51 : vector<32x1xf32> to vector<32x16xf32>
    %swap3A_53 = arith.constant 0 : index
    %swap3A_54 = arith.constant 0 : index
    %swap3A_55 = vector.load %arg7[%swap3A_53, %swap3A_54] : memref<32x16xf32, #tpu.memory_space<vmem>>, vector<32x16xf32>
    tpu.vector_store %arg7[%swap3A_53, %swap3A_54], %broadcast_in_dim3A_52 {strides = array<i32>} : memref<32x16xf32, #tpu.memory_space<vmem>>, vector<32x16xf32>,
    return
  }
}

module attributes {stable_mosaic.version = 14 : i64} {
  func.func @_k1_body(%arg0: memref<10000x128xf32, #tpu.memory_space<vmem>>, %arg1: memref<2x128xf32, #tpu.memory_space<vmem>>, %arg2: memref<2x128xf32, #tpu.memory_space<vmem>>, %arg3: memref<1x2xf32, #tpu.memory_space<vmem>>, %arg4: memref<1x2xf32, #tpu.memory_space<vmem>>, %arg5: memref<1x2xf32, #tpu.memory_space<vmem>>, %arg6: memref<1x2xf32, #tpu.memory_space<vmem>>, %arg7: memref<40000xf32, #tpu.memory_space<vmem>>, %arg8: memref<16xf32, #tpu.memory_space<vmem>>) attributes {dimension_semantics = [], scalar_prefetch = 0 : i64, scratch_operands = 0 : i64, tpu.core_type = #tpu.core_type<tc>} {
    %get3A = arith.constant 0 : index
    %get3A_0 = arith.constant 0 : index
    %get3A_1 = vector.load %arg1[%get3A, %get3A_0] : memref<2x128xf32, #tpu.memory_space<vmem>>, vector<2x128xf32>
    %get3A_2 = arith.constant 0 : index
    %get3A_3 = arith.constant 0 : index
    %get3A_4 = vector.load %arg0[%get3A_2, %get3A_3] : memref<10000x128xf32, #tpu.memory_space<vmem>>, vector<10000x128xf32>
    %dot_general3A = arith.constant dense<0.000000e+00> : vector<2x10000xf32>
    %dot_general3A_5 = tpu.matmul %get3A_1, %get3A_4, %dot_general3A {dimension_numbers = #tpu.dot_dimension_numbers<[1], [1], [0], [0], [0, 0, 1, 0], [], []>, transpose_lhs_hint = false} : vector<2x128xf32>, vector<10000x128xf32>, vector<2x10000xf32> -> vector<2x10000xf32>
    %get3A_6 = arith.constant 0 : index
    %get3A_7 = arith.constant 0 : index
    %get3A_8 = vector.load %arg4[%get3A_6, %get3A_7] : memref<1x2xf32, #tpu.memory_space<vmem>>, vector<1x2xf32>
    %get3A_9 = arith.constant 0 : index
    %get3A_10 = arith.constant 0 : index
    %get3A_11 = vector.load %arg2[%get3A_9, %get3A_10] : memref<2x128xf32, #tpu.memory_space<vmem>>, vector<2x128xf32>
    %dot_general3A_12 = arith.constant dense<0.000000e+00> : vector<1x128xf32>
    %dot_general3A_13 = tpu.matmul %get3A_8, %get3A_11, %dot_general3A_12 {dimension_numbers = #tpu.dot_dimension_numbers<[1], [0], [0], [1], [0, 0, 1, 1], [], []>, transpose_lhs_hint = false} : vector<1x2xf32>, vector<2x128xf32>, vector<1x128xf32> -> vector<1x128xf32>
    %get3A_14 = arith.constant 0 : index
    %get3A_15 = arith.constant 0 : index
    %get3A_16 = vector.load %arg0[%get3A_14, %get3A_15] : memref<10000x128xf32, #tpu.memory_space<vmem>>, vector<10000x128xf32>
    %dot_general3A_17 = arith.constant dense<0.000000e+00> : vector<1x10000xf32>
    %dot_general3A_18 = tpu.matmul %dot_general3A_13, %get3A_16, %dot_general3A_17 {dimension_numbers = #tpu.dot_dimension_numbers<[1], [1], [0], [0], [0, 0, 1, 0], [], []>, transpose_lhs_hint = false} : vector<1x128xf32>, vector<10000x128xf32>, vector<1x10000xf32> -> vector<1x10000xf32>
    %get3A_19 = arith.constant 0 : index
    %get3A_20 = arith.constant 0 : index
    %get3A_21 = vector.load %arg3[%get3A_19, %get3A_20] : memref<1x2xf32, #tpu.memory_space<vmem>>, vector<1x2xf32>
    %transpose3A = tpu.transpose %get3A_21, [1, 0] : vector<1x2xf32> -> vector<2x1xf32>
    %mul3A = vector.broadcast %transpose3A : vector<2x1xf32> to vector<2x10000xf32>
    %mul3A_22 = arith.mulf %dot_general3A_5, %mul3A : vector<2x10000xf32>
    %reduce_sum3A = arith.constant dense<0.000000e+00> : vector<10000xf32>
    %reduce_sum3A_23 = vector.multi_reduction <add>, %mul3A_22, %reduce_sum3A [0] : vector<2x10000xf32> to vector<10000xf32>
    %swap3A = arith.constant 0 : index
    %swap3A_24 = vector.load %arg7[%swap3A] : memref<40000xf32, #tpu.memory_space<vmem>>, vector<10000xf32>
    tpu.vector_store %arg7[%swap3A], %reduce_sum3A_23 {strides = array<i32>} : memref<40000xf32, #tpu.memory_space<vmem>>, vector<10000xf32>,
    %squeeze3A = vector.shape_cast %dot_general3A_18 : vector<1x10000xf32> to vector<10000xf32>
    %swap3A_25 = arith.constant 10000 : index
    %swap3A_26 = vector.load %arg7[%swap3A_25] : memref<40000xf32, #tpu.memory_space<vmem>>, vector<10000xf32>
    tpu.vector_store %arg7[%swap3A_25], %squeeze3A {strides = array<i32>} : memref<40000xf32, #tpu.memory_space<vmem>>, vector<10000xf32>,
    %slice3A = vector.extract_strided_slice %dot_general3A_5 {offsets = [0, 0], sizes = [1, 10000], strides = [1, 1]} : vector<2x10000xf32> to vector<1x10000xf32>
    %squeeze3A_27 = vector.shape_cast %slice3A : vector<1x10000xf32> to vector<10000xf32>
    %swap3A_28 = arith.constant 20000 : index
    %swap3A_29 = vector.load %arg7[%swap3A_28] : memref<40000xf32, #tpu.memory_space<vmem>>, vector<10000xf32>
    tpu.vector_store %arg7[%swap3A_28], %squeeze3A_27 {strides = array<i32>} : memref<40000xf32, #tpu.memory_space<vmem>>, vector<10000xf32>,
    %slice3A_30 = vector.extract_strided_slice %dot_general3A_5 {offsets = [1, 0], sizes = [1, 10000], strides = [1, 1]} : vector<2x10000xf32> to vector<1x10000xf32>
    %squeeze3A_31 = vector.shape_cast %slice3A_30 : vector<1x10000xf32> to vector<10000xf32>
    %swap3A_32 = arith.constant 30000 : index
    %swap3A_33 = vector.load %arg7[%swap3A_32] : memref<40000xf32, #tpu.memory_space<vmem>>, vector<10000xf32>
    tpu.vector_store %arg7[%swap3A_32], %squeeze3A_31 {strides = array<i32>} : memref<40000xf32, #tpu.memory_space<vmem>>, vector<10000xf32>,
    %get3A_34 = arith.constant 0 : index
    %get3A_35 = arith.constant 0 : index
    %get3A_36 = vector.load %arg5[%get3A_34, %get3A_35] : memref<1x2xf32, #tpu.memory_space<vmem>>, vector<1x2xf32>
    %get3A_37 = arith.constant 0 : index
    %get3A_38 = arith.constant 0 : index
    %get3A_39 = vector.load %arg6[%get3A_37, %get3A_38] : memref<1x2xf32, #tpu.memory_space<vmem>>, vector<1x2xf32>
    %mul3A_40 = arith.mulf %get3A_36, %get3A_39 : vector<1x2xf32>
    %reduce_sum3A_41 = vector.shape_cast %mul3A_40 : vector<1x2xf32> to vector<1x1x2xf32>
    %reduce_sum3A_42 = arith.constant dense<0.000000e+00> : vector<1xf32>
    %reduce_sum3A_43 = vector.multi_reduction <add>, %reduce_sum3A_41, %reduce_sum3A_42 [1, 2] : vector<1x1x2xf32> to vector<1xf32>
    %reduce_sum3A_44 = vector.shape_cast %reduce_sum3A_43 : vector<1xf32> to vector<1x1x1xf32>
    %reduce_sum3A_45 = vector.extract %reduce_sum3A_44[0, 0, 0] : f32 from vector<1x1x1xf32>
    %broadcast_in_dim3A = vector.broadcast %reduce_sum3A_45 : f32 to vector<16xf32>
    %swap3A_46 = arith.constant 0 : index
    %swap3A_47 = vector.load %arg8[%swap3A_46] : memref<16xf32, #tpu.memory_space<vmem>>, vector<16xf32>
    tpu.vector_store %arg8[%swap3A_46], %broadcast_in_dim3A {strides = array<i32>} : memref<16xf32, #tpu.memory_space<vmem>>, vector<16xf32>,
    return
  }
}

</mosaic_0001>

<sc_bundles>
// kernel: kernel.6.cloned.1.call-start
scs
__scs_entry_jumppad:
0x0: {  	(pc) =	sbr.rel $0x88, $3  }
0x1: {  	(tag) =	ssettag $0x0;
	lr =	simm.s32 $0x1  }
0x2: {  	[smem:$0x3F97] =	sst lr;
	_ =	strace $0xD0000000  }
0x3: {  	_ = 	snop  }
0x4: {  	_ = 	snop  }
0x5: {  	_ = 	snop  }
0x6: {  	_ = 	snop  }
0x7: {  	_ = 	snop  }
__scs_overlays_trampoline_lowered:
0x8: {  	[smem:$0x3FA6] =	sst s0  }
0x9: {  	[smem:$0x3FA7] =	sst s1  }
0xa: {  	[smem:$0x3FA8] =	sst s2  }
0xb: {  	[smem:$0x3FA9] =	sst s3  }
0xc: {  	[smem:$0x3FAA] =	sst s4  }
0xd: {  	[smem:$0x3FAB] =	sst s5  }
0xe: {  	[smem:$0x3FAC] =	sst s6  }
0xf: {  	[smem:$0x3FAD] =	sst s7  }
0x10: {  	[smem:$0x3FAE] =	sst s8  }
0x11: {  	[smem:$0x3FAF] =	sst s9;
	s0 =	simm.s32 @!p0 $0x0  }
0x12: {  	s1 =	sld [smem:$0x3F95];
	s0 =	simm.s32 @p0 $0x1  }
0x13: {  	[smem:$0x3FB0] =	sst s0;
	s0 =	simm.s32 @!p1 $0x0  }
0x14: {  	s2 =	sld [smem:$0x3F94];
	s0 =	simm.s32 @p1 $0x1  }
0x15: {  	[smem:$0x3FB1] =	sst s0;
	s0 =	simm.s32 @!p2 $0x0  }
0x16: {  	s3 =	sld [smem:$0x3FDB];
	s0 =	simm.s32 @p2 $0x1  }
0x17: {  	s4 =	simm.s32 $0x1BF5;
	[smem:$0x3FB3] =	sst s0  }
0x18: {  	s0 =	sld [smem:$0x3F96];
	_ =	swait.ge [sflag:s4], $0x0  }
0x19: {  	s7 =	sld [smem:$0x3F97]  }
0x1a: {  	s8 =	sadd.s32 $0xFFFFE003, lr  }
0x1b: {  	s9 =	sadd.s32 $0xFFFFFEF7, lr;
	s5 =	simm.s32 $0xFFFFFFFF;
	p2 =	slt.u32 s8, $0xFFFFF086  }
0x1c: {  	p1 =	slt.u32 s9, $0xF7A;
	s5 =	simm.s32 @!p2 $0x0  }
0x1d: {  	s5 =	simm.s32 @p1 $0x1;
	p0 =	seq.s32 s7, s2  }
0x1e: {  	s7 =	smul.u32 @!p0 $0xF7A, s2;
	p2 =	seq.s32 @!p0 s5, $0x0  }
0x1f: {  	s9 =	smul.u32 $0xF7A, s1;
	s8 =	simm.s32 @!p0 $0x1BF5;
	p2 =	por !p2, p0  }
0x20: {  	[sflag:s8] =	ssyncset.s32 @!p0 $0xFFFFF086;
	s6 =	sadd.s32 @!p0 s3, s7;
	s7 =	simm.s32 @!p0 $0x108  }
0x21: {  	s3 =	sadd.s32 s3, s9;
	s6 =	sadd.s32 @!p0 $0x88, s6;
	s7 =	simm.s32 @p2 $0x1082  }
0x22: {  	[simem:s7], [sflag:s8] =	dma.local @!p0 [hbm:s6], $0xF7A  }
0x23: {  	s9 =	sor.u32 $0xD0000000, s2;
	s6 =	simm.s32 $0x108;
	_ =	swait.ge @!p0 [sflag:s8], $0x0  }
0x24: {  	s3 =	sadd.s32 $0x88, s3;
	s6 =	simm.s32 @!p1 $0x1082;
	[sflag:s4] =	ssyncset.s32 $0xFFFFF086  }
0x25: {  	[simem:s6], [sflag:s4] =	dma.local [hbm:s3], $0xF7A  }
0x26: {  	[smem:$0x3F97] =	sst s1;
	(tag) =	ssettag s2;
	_ =	strace s9  }
0x27: {  	s1 =	sld [smem:$0x3FA7]  }
0x28: {  	s2 =	sld [smem:$0x3FA8]  }
0x29: {  	s4 =	sld [smem:$0x3FAA]  }
0x2a: {  	p0 =	seq.s32 s5, $0x0;
	s5 =	sld [smem:$0x3FAB]  }
0x2b: {  	s6 =	sld [smem:$0x3FAC]  }
0x2c: {  	s7 =	sld [smem:$0x3FAD]  }
0x2d: {  	s3 =	simm.s32 $0x108;
	s8 =	sld [smem:$0x3FAE]  }
0x2e: {  	s3 =	simm.s32 @!p0 $0x1082;
	s9 =	sld [smem:$0x3FAF]  }
0x2f: {  	lr =	sadd.s32 s0, s3;
	s0 =	sld [smem:$0x3FA6]  }
0x30: {  	s3 =	sld [smem:$0x3FA9]  }
0x31: {  	[smem:$0x3FB2] =	sst s10  }
0x32: {  	s10 =	sld [smem:$0x3FB0];
	_ =	sdelay $0x3  }
0x33: {  	p0 =	seq.s32 s10, $0x1;
	s10 =	sld [smem:$0x3FB2];
	_ =	sdelay $0x3  }
0x34: {  	[smem:$0x3FB2] =	sst s10  }
0x35: {  	s10 =	sld [smem:$0x3FB1];
	_ =	sdelay $0x3  }
0x36: {  	p1 =	seq.s32 s10, $0x1;
	s10 =	sld [smem:$0x3FB2];
	_ =	sdelay $0x3  }
0x37: {  	[smem:$0x3FB2] =	sst s10  }
0x38: {  	s10 =	sld [smem:$0x3FB3]  }
0x39: {  	_ = 	snop;
	(pc) =	sbr.ind lr, $3  }
0x3a: {  	_ = 	snop  }
0x3b: {  	_ = 	snop  }
0x3c: {  	p2 =	seq.s32 s10, $0x1;
	s10 =	sld [smem:$0x3FB2]  }
0x3d: {  	_ =	shalt  }
0x3e: {  	_ =	shalt  }
0x3f: {  	_ =	shalt  }
0x40: {  	_ =	shalt  }
0x41: {  	_ =	shalt  }
0x42: {  	_ =	shalt  }
0x43: {  	_ =	shalt  }
0x44: {  	_ =	shalt  }
0x45: {  	_ =	shalt  }
0x46: {  	_ =	shalt  }
0x47: {  	_ =	shalt  }
0x48: {  	_ =	shalt  }
0x49: {  	_ =	shalt  }
0x4a: {  	_ =	shalt  }
0x4b: {  	_ =	shalt  }
0x4c: {  	_ =	shalt  }
0x4d: {  	_ =	shalt  }
0x4e: {  	_ =	shalt  }
0x4f: {  	_ =	shalt  }
0x50: {  	_ =	shalt  }
0x51: {  	_ =	shalt  }
0x52: {  	_ =	shalt  }
0x53: {  	_ =	shalt  }
0x54: {  	_ =	shalt  }
0x55: {  	_ =	shalt  }
0x56: {  	_ =	shalt  }
0x57: {  	_ =	shalt  }
0x58: {  	_ =	shalt  }
0x59: {  	_ =	shalt  }
0x5a: {  	_ =	shalt  }
0x5b: {  	_ =	shalt  }
0x5c: {  	_ =	shalt  }
0x5d: {  	_ =	shalt  }
0x5e: {  	_ =	shalt  }
0x5f: {  	_ =	shalt  }
0x60: {  	_ =	shalt  }
0x61: {  	_ =	shalt  }
0x62: {  	_ =	shalt  }
0x63: {  	_ =	shalt  }
0x64: {  	_ =	shalt  }
0x65: {  	_ =	shalt  }
0x66: {  	_ =	shalt  }
0x67: {  	_ =	shalt  }
0x68: {  	_ =	shalt  }
0x69: {  	_ =	shalt  }
0x6a: {  	_ =	shalt  }
0x6b: {  	_ =	shalt  }
0x6c: {  	_ =	shalt  }
0x6d: {  	_ =	shalt  }
0x6e: {  	_ =	shalt  }
0x6f: {  	_ =	shalt  }
0x70: {  	_ =	shalt  }
0x71: {  	_ =	shalt  }
0x72: {  	_ =	shalt  }
0x73: {  	_ =	shalt  }
0x74: {  	_ =	shalt  }
0x75: {  	_ =	shalt  }
0x76: {  	_ =	shalt  }
0x77: {  	_ =	shalt  }
0x78: {  	_ =	shalt  }
0x79: {  	_ =	shalt  }
0x7a: {  	_ =	shalt  }
0x7b: {  	_ =	shalt  }
0x7c: {  	_ =	shalt  }
0x7d: {  	_ =	shalt  }
0x7e: {  	_ =	shalt  }
0x7f: {  	_ =	shalt  }
0x80: {  	_ =	shalt  }
0x81: {  	_ =	shalt  }
0x82: {  	_ =	shalt  }
0x83: {  	_ =	shalt  }
0x84: {  	_ =	shalt  }
0x85: {  	_ =	shalt  }
0x86: {  	_ =	shalt  }
0x87: {  	_ =	shalt  }
.Lfunc_end0:
.L_simem_size_0:
called_computation_lowered:
.L_overlay_start_0:
0x88: {  	s2 =	sld [smem:$0x3FD9]  }
0x89: {  	s3 =	sld [smem:$0x3FFE];
	_ =	sdelay $0x1  }
0x8a: {  	s1 =	srdreg.scid  }
0x8b: {  	s0 =	sand.u32 $0x1, s1  }
0x8c: {  	s14 =	sshll.u32 s0, $0xA;
	s2 =	sadd.s32 s3, s2  }
0x8d: {  	s2 =	sadd.s32 s2, s14  }
0x8e: {  	[smem:$0x3FBE] =	sst s2  }
0x8f: {  	_ = 	snop  }
0x90: {  	s2 =	sld [smem:$0x3FD0];
	_ =	sdelay $0x2  }
0x91: {  	s4 =	simm.s32 $0xA;
	s5 =	simm.s32 $0x10;
	s15 =	sld [smem:$0x3FC7]  }
0x92: {  	[smem:s5], [sflag:s4] =	dma.local [hbm:s2], $0x1  }
0x93: {  	_ =	swait.eq [sflag:s4], $0x1  }
0x94: {  	[sflag:s4] =	ssyncset.done $0x0  }
0x95: {  	s16 =	sld [smem:$0x10];
	[sflag:s4] =	ssyncadd.s32 $0xFFFFFFFF  }
0x96: {  	s17 =	sld [smem:$0x11];
	(tm) =	ssettm $0x1  }
0x97: {  	s18 =	sld [smem:$0x3FFB];
	_ =	sdelay $0x3  }
0x98: {  	_ =	strace s18  }
0x99: {  	s5 =	sld [smem:$0x3FFC];
	_ =	sdelay $0x3  }
0x9a: {  	_ =	strace s5  }
0x9b: {  	s5 =	sld [smem:$0x3FFD];
	_ =	sdelay $0x3  }
0x9c: {  	_ =	strace s5  }
0x9d: {  	_ =	strace $0x8FFFFFFF  }
0x9e: {  	s19 =	sld [smem:$0x3FDB];
	_ =	sdelay $0x1  }
0x9f: {  	s6 =	simm.s32 $_scs_section_size  }
0xa0: {  	s7 =	simm.s32 $_size__tile_overlayer_lowered;
	s8 =	simm.s32 $_tile_overlayer_lowered  }
0xa1: {  	s22 =	simm.s32 $0x1BFF;
	s21 =	sshll.u32 s8, $0x1;
	s5 =	sadd.s32 s6, s19  }
0xa2: {  	s9 =	simm.s32 $0x0;
	s20 =	sshll.u32 s7, $0x1;
	s7 =	sadd.s32 s21, s5  }
0xa3: {  	[timem:s9], [sflag:s22] =	dma.local [hbm:s7], s20  }
0xa4: {  	_ =	swait.ge [sflag:s22], s20  }
0xa5: {  	s6 =	ssub.s32 $0x0, s20;
	[sflag:s22] =	ssyncset.done $0x0  }
0xa6: {  	[sflag:s22] =	ssyncadd.s32 s6;
	_ =	sdelay $0x1  }
0xa7: {  	s23 =	simm.s32 $0x1B8B  }
0xa8: {  	_ =	swait.ge [sflag:s23], $0x1  }
0xa9: {  	[sflag:s23] =	ssyncset.done $0x0  }
0xaa: {  	s25 =	simm.s32 $0x1B8E;
	s24 =	sld [smem:$0x3FFE];
	[sflag:s23] =	ssyncadd.s32 $0xFFFFFFFF  }
0xab: {  	s26 =	simm.s32 $execute0_lowered;
	[smem:$0x3FD2] =	sst s25  }
0xac: {  	s7 =	sshll.u32 s26, $0x1;
	_ =	strace $0x80000046;
	[dreg:$0x1] =	wrdreg $0xFFFFFFFF  }
0xad: {  	s28 =	simm.s32 $_size_execute0_lowered;
	s5 =	sadd.s32 s5, s7;
	[dreg:$0x0] =	wrdreg $0x0  }
0xae: {  	s7 =	sshll.u32 s28, $0x1;
	[dreg:$0x2] =	wrdreg s5  }
0xaf: {  	[dreg:$0x3] =	wrdreg s7  }
0xb0: {  	[dreg:$0x4] =	wrdreg $0xC0  }
0xb1: {  	_ =	task [dreg:s9], $0x5FFFF  }
0xb2: {  	[dreg:$0x1] =	wrdreg $0xFFFFFFFF  }
0xb3: {  	[dreg:$0x0] =	wrdreg $0x60  }
0xb4: {  	[dreg:$0x2] =	wrdreg s17  }
0xb5: {  	[dreg:$0x3] =	wrdreg s24  }
0xb6: {  	[dreg:$0x4] =	wrdreg s15  }
0xb7: {  	[dreg:$0x5] =	wrdreg s16  }
0xb8: {  	[dreg:$0x6] =	wrdreg $0x9  }
0xb9: {  	_ =	task.clear_ibuf [dreg:s9], $0x7FFFF;
	_ =	strace $0x90000046  }
0xba: {  	s29 =	simm.s32 $0x9;
	_ =	strace $0x80000048  }
0xbb: {  	_ =	swait.ge [sflag:s29], $0x1  }
0xbc: {  	[sflag:s29] =	ssyncadd.s32 $0xFFFFFFFF  }
0xbd: {  	_ =	strace $0x90000048  }
0xbe: {  	_ =	sfence  }
0xbf: {  	s30 =	sld [smem:$0x0];
	_ =	sdelay $0x2  }
0xc0: {  	s31 =	sshll.u32 s1, $0xD;
	s1 =	sshrl.u32 s1, $0x2  }
0xc1: {  	s3 =	sand.u32 $0x4000, s31;
	s1 =	sadd.s32 s1, s30  }
0xc2: {  	s0 =	sor.u32 s3, s0;
	s1 =	sshll.u32 s1, $0x11  }
0xc3: {  	s0 =	sor.u32 s1, s0  }
0xc4: {  	s0 =	sadd.s32 $0x8F2B, s0  }
0xc5: {  	[sflag:s0] =	ssyncadd.remote.s32 $0x1  }
0xc6: {  	_ =	sfence.sel $0xFFFF  }
0xc7: {  	[dreg:$0x0] =	wrdreg $0xFFFFFFFF;
	(pc) =	sbr.abs _section_cstart, $3  }
0xc8: {  	[dreg:$0x1] =	wrdreg $0xFFFFFFFF  }
0xc9: {  	_ =	task.clear_ibuf [dreg:s9], $0x2FFFF;
	_ =	strace $0x9FFFFFFF  }
0xca: {  	(tm) =	ssettm $0x7FFFFFFF  }
0xcb: {  	_ =	shalt  }
tec
execute0_lowered:
.L_overlay_start_1:
0x0: {  	(tag) =	ssettag $0x1  }
0x1: {  	s0 =	srdreg.scid  }
0x2: {  	s2 =	stileid.u32;
	s0 =	sand.u32 $0x1, s0  }
0x3: {  	s8 =	simm.s32 $0xFFFFFFDA;
	s1 =	sshll.u32 s0, $0x4;
	s19 =	ssub.s32 $0x2, s0  }
0x4: {  	s1 =	sor.u32 s2, s1;
	s2 =	sshll.u32 s2, $0x7;
	s6 =	sshrl.u32 s19, $0x1  }
0x5: {  	s3 =	sshrl.u32 s1, $0x3;
	s20 =	smul.u32 $0x28, s1;
	p0 =	seq.s32 s1, $0x1F  }
0x6: {  	s4 =	sand.u32 $0x380, s2;
	s5 =	smul.u32 $0x13C00, s3;
	s8 =	simm.s32 @!p0 $0x2  }
0x7: {  	p0 =	sgt.u32 s1, $0x1D;
	s3 =	sshll.u32 s3, $0xA;
	s7 =	sshrl.u32 s20, $0x5  }
0x8: {  	s2 =	sor.u32 s4, s5;
	s21 =	sadd.s32 s8, s7;
	s5 =	simm.s32 $0xFFFFFFDC  }
0x9: {  	s8 =	simm.s32 $0xFFFFFFE2;
	[smem:$0x7FC] =	sst s2;
	s2 =	ssub.s32 s19, s6  }
0xa: {  	[smem:$0x7BA] =	sst s21;
	s6 =	simm.s32 $0xFFFFFFDD;
	s19 =	sor.u32 s4, s3  }
0xb: {  	s3 =	simm.s32 $0x0;
	[smem:$0x7FD] =	sst s2;
	s2 =	simm.s32 $0xFFFFFFDB  }
0xc: {  	s4 =	sld [smem:$0x7BA];
	s2 =	simm.s32 @!p0 $0x3;
	p0 =	sgt.u32 s1, $0x1C  }
0xd: {  	[smem:$0x7FF] =	sst s3;
	s5 =	simm.s32 @!p0 $0x4;
	s2 =	sadd.s32 s2, s7  }
0xe: {  	p0 =	sgt.u32 s1, $0x1B;
	[smem:$0x7BB] =	sst s2;
	s2 =	simm.s32 $0xFFFFFFDE  }
0xf: {  	s6 =	simm.s32 @!p0 $0x5;
	s5 =	sadd.s32 s5, s7;
	s2 =	simm.s32 @!p0 $0x6  }
0x10: {  	[smem:$0x7BC] =	sst s5;
	s22 =	sadd.s32 s6, s7;
	s2 =	sadd.s32 s2, s7  }
0x11: {  	p0 =	sgt.u32 s1, $0x1A;
	[smem:$0x7BE] =	sst s2;
	s2 =	simm.s32 $0xFFFFFFDF  }
0x12: {  	s5 =	simm.s32 $0xFFFFFFE0;
	s2 =	simm.s32 @!p0 $0x7;
	p0 =	sgt.u32 s1, $0x19  }
0x13: {  	s6 =	simm.s32 $0xFFFFFFE1;
	s5 =	simm.s32 @!p0 $0x8;
	p0 =	sgt.u32 s1, $0x18  }
0x14: {  	[smem:$0x7BD] =	sst s22;
	s2 =	sadd.s32 s2, s7;
	s6 =	simm.s32 @!p0 $0x9  }
0x15: {  	p0 =	sgt.u32 s1, $0x17;
	[smem:$0x7BF] =	sst s2;
	s23 =	sadd.s32 s5, s7  }
0x16: {  	s2 =	simm.s32 $0xFFFFFFE3;
	s5 =	simm.s32 $0xFFFFFFE4;
	[smem:$0x7C0] =	sst s23  }
0x17: {  	s8 =	simm.s32 @!p0 $0xA;
	s24 =	sadd.s32 s6, s7;
	s2 =	simm.s32 @!p0 $0xB  }
0x18: {  	p0 =	sgt.u32 s1, $0x16;
	[smem:$0x7C1] =	sst s24;
	s25 =	sadd.s32 s8, s7  }
0x19: {  	s6 =	simm.s32 $0xFFFFFFE5;
	s2 =	sadd.s32 s2, s7;
	[smem:$0x7C2] =	sst s25  }
0x1a: {  	s5 =	simm.s32 @!p0 $0xC;
	p0 =	sgt.u32 s1, $0x15;
	[smem:$0x7C3] =	sst s2  }
0x1b: {  	s26 =	sadd.s32 s5, s7;
	s6 =	simm.s32 @!p0 $0xD;
	p0 =	sgt.u32 s1, $0x14  }
0x1c: {  	s2 =	simm.s32 $0xFFFFFFE6;
	[smem:$0x7C4] =	sst s26;
	s5 =	sadd.s32 s6, s7  }
0x1d: {  	s2 =	simm.s32 @!p0 $0xE;
	p0 =	sgt.u32 s1, $0x13;
	s6 =	simm.s32 $0xFFFFFFE9  }
0x1e: {  	[smem:$0x7C5] =	sst s5;
	s5 =	simm.s32 $0xFFFFFFE7;
	s2 =	sadd.s32 s2, s7  }
0x1f: {  	[smem:$0x7C6] =	sst s2;
	s5 =	simm.s32 @!p0 $0xF;
	s2 =	simm.s32 $0xFFFFFFE8  }
0x20: {  	s2 =	simm.s32 @!p0 $0x10;
	p0 =	sgt.u32 s1, $0x12;
	s22 =	sadd.s32 s5, s7  }
0x21: {  	s5 =	simm.s32 $0xFFFFFFEB;
	s2 =	sadd.s32 s2, s7;
	s6 =	simm.s32 @!p0 $0x11  }
0x22: {  	p0 =	slt.u32 s1, $0x12;
	[smem:$0x7C9] =	sst s2;
	s2 =	simm.s32 $0x12  }
0x23: {  	s6 =	sadd.s32 s6, s7;
	s2 =	simm.s32 @!p0 $0xFFFFFFEA;
	p0 =	sgt.u32 s1, $0x10  }
0x24: {  	[smem:$0x7CA] =	sst s6;
	s6 =	simm.s32 $0xFFFFFFF1;
	s5 =	simm.s32 @!p0 $0x13  }
0x25: {  	p0 =	seq.s32 s0, $0x0;
	s0 =	simm.s32 $0x14;
	s24 =	sadd.s32 s2, s7  }
0x26: {  	s2 =	simm.s32 $0x15;
	s0 =	simm.s32 @!p0 $0xFFFFFFEC;
	s25 =	sadd.s32 s5, s7  }
0x27: {  	s2 =	simm.s32 @!p0 $0xFFFFFFED;
	p0 =	sgt.u32 s1, $0xE;
	s0 =	sadd.s32 s0, s7  }
0x28: {  	s23 =	sadd.s32 s2, s7;
	[smem:$0x7D2] =	sst s0;
	s0 =	simm.s32 $0xFFFFFFEE  }
0x29: {  	s2 =	simm.s32 $0xFFFFFFEF;
	s0 =	simm.s32 @!p0 $0x16;
	p0 =	sgt.u32 s1, $0xD  }
0x2a: {  	s5 =	simm.s32 $0xFFFFFFF0;
	s2 =	simm.s32 @!p0 $0x17;
	p0 =	sgt.u32 s1, $0xC  }
0x2b: {  	s30 =	sadd.s32 s0, s7;
	s0 =	simm.s32 $0xFFFFFFF2;
	s5 =	simm.s32 @!p0 $0x18  }
0x2c: {  	p0 =	sgt.u32 s1, $0xB;
	s31 =	sadd.s32 s2, s7;
	s2 =	simm.s32 $0xFFFFFFF3  }
0x2d: {  	s6 =	simm.s32 @!p0 $0x19;
	s26 =	sadd.s32 s5, s7;
	s0 =	simm.s32 @!p0 $0x1A  }
0x2e: {  	p0 =	sgt.u32 s1, $0xA;
	s5 =	simm.s32 $0xFFFFFFF4;
	s28 =	sadd.s32 s6, s7  }
0x2f: {  	s2 =	simm.s32 @!p0 $0x1B;
	p0 =	sgt.u32 s1, $0x9;
	s21 =	sadd.s32 s0, s7  }
0x30: {  	s0 =	simm.s32 $0xFFFFFFF5;
	s26 =	smul.u32 $0x3E8, s26;
	s20 =	sadd.s32 s2, s7  }
0x31: {  	s5 =	simm.s32 @!p0 $0x1C;
	p0 =	sgt.u32 s1, $0x8;
	s2 =	simm.s32 $0xFFFFFFF6  }
0x32: {  	s29 =	sadd.s32 s5, s7;
	s0 =	simm.s32 @!p0 $0x1D;
	p0 =	sgt.u32 s1, $0x7  }
0x33: {  	s5 =	simm.s32 $0xFFFFFFF8;
	s17 =	sadd.s32 s0, s7;
	s0 =	simm.s32 $0xFFFFFFF7  }
0x34: {  	[smem:$0x7DF] =	sst s26;
	s2 =	simm.s32 @!p0 $0x1E;
	s0 =	simm.s32 @!p0 $0x1F  }
0x35: {  	p0 =	sgt.u32 s1, $0x6;
	s16 =	sadd.s32 s2, s7;
	s2 =	simm.s32 $0xFFFFFFFA  }
0x36: {  	s17 =	smul.u32 $0x3E8, s17;
	s14 =	sadd.s32 s0, s7;
	s5 =	simm.s32 @!p0 $0x20  }
0x37: {  	p0 =	sgt.u32 s1, $0x5;
	s0 =	simm.s32 $0xFFFFFFF9;
	s18 =	sadd.s32 s5, s7  }
0x38: {  	s0 =	simm.s32 @!p0 $0x21;
	p0 =	sgt.u32 s1, $0x4;
	s5 =	sld [smem:$0x7BB]  }
0x39: {  	s6 =	simm.s32 $0xFFFFFFFB;
	[smem:$0x7E8] =	sst s17;
	s2 =	simm.s32 @!p0 $0x22  }
0x3a: {  	p0 =	sgt.u32 s1, $0x3;
	s9 =	sadd.s32 s0, s7;
	s0 =	simm.s32 $0xFFFFFFFC  }
0x3b: {  	s6 =	simm.s32 @!p0 $0x23;
	s12 =	sadd.s32 s2, s7;
	s0 =	simm.s32 @!p0 $0x24  }
0x3c: {  	p0 =	sgt.u32 s1, $0x2;
	s2 =	simm.s32 $0xFFFFFFFD;
	s9 =	smul.u32 $0x3E8, s9  }
0x3d: {  	s13 =	sadd.s32 s6, s7;
	s15 =	sadd.s32 s0, s7;
	s2 =	simm.s32 @!p0 $0x25  }
0x3e: {  	p0 =	sgt.u32 s1, $0x1;
	s6 =	simm.s32 $0xFFFFFFFE;
	s0 =	simm.s32 $0x27  }
0x3f: {  	s5 =	smul.u32 $0x3E8, s5;
	s6 =	simm.s32 @!p0 $0x26;
	p0 =	seq.s32 s7, $0x0  }
0x40: {  	s8 =	sadd.s32 s2, s7;
	[smem:$0x7F0] =	sst s9;
	s11 =	sadd.s32 s6, s7  }
0x41: {  	s0 =	simm.s32 @!p0 $0xFFFFFFFF;
	s6 =	smul.u32 $0x3E8, s4;
	[dreg:$0x7] =	wrdreg s5  }
0x42: {  	s10 =	sadd.s32 s7, s0;
	s7 =	smul.u32 $0x3E8, s7;
	s0 =	rddreg [dreg:$0x0]  }
0x43: {  	[dreg:$0x6] =	wrdreg s6  }
0x44: {  	s4 =	sadd.s32 $0x3E8, s7;
	[dreg:$0x5] =	wrdreg s7  }
0x45: {  	s7 =	sshrl.u32 s7, $0x3;
	[dreg:$0x8] =	wrdreg s4  }
0x46: {  	s2 =	sshrl.u32 s4, $0x3;
	s7 =	sadd.s32 s0, s7;
	s4 =	sld [smem:$0x7BC]  }
0x47: {  	s6 =	sshrl.u32 s6, $0x3;
	[dreg:$0x9] =	wrdreg s7  }
0x48: {  	s6 =	sadd.s32 s0, s6;
	s7 =	sld [smem:$0x7BD]  }
0x49: {  	[dreg:$0xd] =	wrdreg s6  }
0x4a: {  	s6 =	sld [smem:$0x7BE];
	s2 =	sadd.s32 s0, s2;
	s4 =	smul.u32 $0x3E8, s4  }
0x4b: {  	[dreg:$0xa] =	wrdreg s2;
	s2 =	smul.u32 $0x3E8, s7;
	s7 =	sshrl.u32 s5, $0x3  }
0x4c: {  	s7 =	sadd.s32 s0, s7;
	[dreg:$0xb] =	wrdreg s4  }
0x4d: {  	s4 =	sshrl.u32 s4, $0x3;
	[dreg:$0xe] =	wrdreg s7  }
0x4e: {  	s7 =	sld [smem:$0x7BF];
	s4 =	sadd.s32 s0, s4  }
0x4f: {  	[dreg:$0x11] =	wrdreg s4  }
0x50: {  	s5 =	smul.u32 $0x3E8, s6;
	s4 =	sld [smem:$0x7C0]  }
0x51: {  	[dreg:$0xc] =	wrdreg s2;
	s6 =	smul.u32 $0x3E8, s7;
	s7 =	sshrl.u32 s2, $0x3  }
0x52: {  	[dreg:$0xf] =	wrdreg s5;
	s7 =	sadd.s32 s0, s7  }
0x53: {  	s4 =	smul.u32 $0x3E8, s4;
	[dreg:$0x12] =	wrdreg s7  }
0x54: {  	s7 =	sld [smem:$0x7C1]  }
0x55: {  	[dreg:$0x13] =	wrdreg s4;
	s4 =	sshrl.u32 s4, $0x3  }
0x56: {  	[dreg:$0x10] =	wrdreg s6;
	s6 =	sshrl.u32 s6, $0x3;
	s4 =	sadd.s32 s0, s4  }
0x57: {  	s2 =	smul.u32 $0x3E8, s7;
	s7 =	sadd.s32 s0, s6;
	s6 =	sld [smem:$0x7C2]  }
0x58: {  	[dreg:$0x19] =	wrdreg s4  }
0x59: {  	s4 =	sld [smem:$0x7C4]  }
0x5a: {  	s5 =	sshrl.u32 s5, $0x3;
	[dreg:$0x16] =	wrdreg s7  }
0x5b: {  	s5 =	sadd.s32 s0, s5;
	s7 =	sld [smem:$0x7C3]  }
0x5c: {  	[dreg:$0x15] =	wrdreg s5;
	s5 =	smul.u32 $0x3E8, s6  }
0x5d: {  	[dreg:$0x14] =	wrdreg s2;
	s4 =	smul.u32 $0x3E8, s4  }
0x5e: {  	s6 =	smul.u32 $0x3E8, s7;
	s7 =	sshrl.u32 s2, $0x3;
	[dreg:$0x17] =	wrdreg s5  }
0x5f: {  	s7 =	sadd.s32 s0, s7;
	[dreg:$0x1b] =	wrdreg s4  }
0x60: {  	[dreg:$0x1a] =	wrdreg s7  }
0x61: {  	s5 =	sshrl.u32 s5, $0x3;
	s7 =	sld [smem:$0x7C5]  }
0x62: {  	[dreg:$0x18] =	wrdreg s6;
	s6 =	sshrl.u32 s6, $0x3;
	s5 =	sadd.s32 s0, s5  }
0x63: {  	[dreg:$0x1d] =	wrdreg s5;
	s6 =	sadd.s32 s0, s6  }
0x64: {  	s4 =	sshrl.u32 s4, $0x3;
	[dreg:$0x1e] =	wrdreg s6;
	s6 =	smul.u32 $0x3E8, s22  }
0x65: {  	s22 =	sadd.s32 s0, s4;
	s2 =	smul.u32 $0x3E8, s7;
	s7 =	sld [smem:$0x7C6]  }
0x66: {  	[smem:$0x7C7] =	sst s22  }
0x67: {  	s22 =	sld [smem:$0x7CA]  }
0x68: {  	[smem:$0x7CB] =	sst s6  }
0x69: {  	[dreg:$0x1c] =	wrdreg s2;
	s5 =	smul.u32 $0x3E8, s7;
	s7 =	sshrl.u32 s2, $0x3  }
0x6a: {  	s4 =	sadd.s32 s0, s7;
	s7 =	sld [smem:$0x7C9]  }
0x6b: {  	s22 =	smul.u32 $0x3E8, s22;
	[smem:$0x7C8] =	sst s4  }
0x6c: {  	s6 =	sshrl.u32 s6, $0x3;
	[dreg:$0x1f] =	wrdreg s5;
	s5 =	sshrl.u32 s5, $0x3  }
0x6d: {  	[smem:$0x7CF] =	sst s22;
	s2 =	sadd.s32 s0, s5;
	s5 =	smul.u32 $0x3E8, s24  }
0x6e: {  	s4 =	smul.u32 $0x3E8, s7;
	[smem:$0x7CC] =	sst s2;
	s7 =	sadd.s32 s0, s6  }
0x6f: {  	[smem:$0x7CD] =	sst s7  }
0x70: {  	[smem:$0x7D3] =	sst s5  }
0x71: {  	s6 =	smul.u32 $0x3E8, s25;
	[smem:$0x7CE] =	sst s4  }
0x72: {  	s25 =	sshrl.u32 s4, $0x3;
	s4 =	sshrl.u32 s22, $0x3;
	s22 =	sld [smem:$0x7D2]  }
0x73: {  	[smem:$0x7D4] =	sst s6;
	s2 =	sadd.s32 s0, s25  }
0x74: {  	s5 =	sshrl.u32 s5, $0x3;
	s7 =	sadd.s32 s0, s4;
	[smem:$0x7D0] =	sst s2  }
0x75: {  	s6 =	sshrl.u32 s6, $0x3;
	[smem:$0x7D1] =	sst s7;
	s2 =	sadd.s32 s0, s5  }
0x76: {  	s25 =	smul.u32 $0x3E8, s23;
	s7 =	sadd.s32 s0, s6;
	[smem:$0x7D5] =	sst s2  }
0x77: {  	s5 =	smul.u32 $0x3E8, s30;
	[smem:$0x7D6] =	sst s7  }
0x78: {  	s6 =	smul.u32 $0x3E8, s31;
	[smem:$0x7D8] =	sst s25  }
0x79: {  	s24 =	smul.u32 $0x3E8, s22;
	[smem:$0x7DB] =	sst s5  }
0x7a: {  	s22 =	smul.u32 $0x3E8, s28;
	[smem:$0x7DC] =	sst s6  }
0x7b: {  	[smem:$0x7D7] =	sst s24;
	s23 =	sshrl.u32 s24, $0x3  }
0x7c: {  	s24 =	sshrl.u32 s25, $0x3;
	[smem:$0x7E0] =	sst s22;
	s2 =	sadd.s32 s0, s23  }
0x7d: {  	s6 =	sshrl.u32 s6, $0x3;
	s25 =	sadd.s32 s0, s24;
	[smem:$0x7D9] =	sst s2  }
0x7e: {  	s4 =	sshrl.u32 s22, $0x3;
	s23 =	sadd.s32 s0, s6;
	[smem:$0x7DA] =	sst s25  }
0x7f: {  	s5 =	sshrl.u32 s5, $0x3;
	s7 =	sadd.s32 s0, s4;
	[smem:$0x7DE] =	sst s23  }
0x80: {  	s24 =	smul.u32 $0x3E8, s21;
	s2 =	sadd.s32 s0, s5;
	[smem:$0x7E2] =	sst s7  }
0x81: {  	s26 =	sshrl.u32 s26, $0x3;
	[smem:$0x7DD] =	sst s2  }
0x82: {  	s25 =	smul.u32 $0x3E8, s20;
	s2 =	sadd.s32 s0, s26;
	[smem:$0x7E3] =	sst s24  }
0x83: {  	s4 =	sshrl.u32 s17, $0x3;
	s20 =	smul.u32 $0x3E8, s29;
	[smem:$0x7E1] =	sst s2  }
0x84: {  	s21 =	sshrl.u32 s24, $0x3;
	s24 =	smul.u32 $0x3E8, s16;
	[smem:$0x7E4] =	sst s25  }
0x85: {  	s22 =	sshrl.u32 s25, $0x3;
	s2 =	sadd.s32 s0, s21;
	[smem:$0x7E7] =	sst s20  }
0x86: {  	s25 =	smul.u32 $0x3E8, s14;
	s14 =	sadd.s32 s0, s4;
	[smem:$0x7E5] =	sst s2  }
0x87: {  	s16 =	smul.u32 $0x3E8, s18;
	[smem:$0x7EA] =	sst s14  }
0x88: {  	s19 =	sshrl.u32 s19, $0x3;
	p0 =	sne.s32 s1, $0x0;
	[smem:$0x7EB] =	sst s24  }
0x89: {  	s30 =	simm.s32 $0x2;
	s31 =	simm.s32 $0x80;
	[smem:$0x7EF] =	sst s16  }
0x8a: {  	s26 =	sshrl.u32 s20, $0x3;
	s23 =	sadd.s32 s0, s22;
	s14 =	rddreg [dreg:$0x1]  }
0x8b: {  	s28 =	simm.s32 $0xC400;
	s2 =	sadd.s32 s0, s26;
	[smem:$0x7E6] =	sst s23  }
0x8c: {  	s6 =	simm.s32 $0x0;
	s21 =	smul.u32 $0x3E8, s12;
	[smem:$0x7E9] =	sst s2  }
0x8d: {  	s5 =	smul.u32 $0x3E8, s11;
	s17 =	sshrl.u32 s24, $0x3;
	[smem:$0x7EC] =	sst s25  }
0x8e: {  	s22 =	smul.u32 $0x3E8, s13;
	s24 =	sshrl.u32 s9, $0x3;
	[smem:$0x7F3] =	sst s21  }
0x8f: {  	s2 =	sadd.s32 s0, s17;
	s7 =	sshrl.u32 s21, $0x3;
	s21 =	rddreg [dreg:$0x2]  }
0x90: {  	s18 =	sshrl.u32 s25, $0x3;
	s25 =	sadd.s32 s0, s24;
	[smem:$0x7ED] =	sst s2  }
0x91: {  	s29 =	simm.s32 $0xEB80;
	s26 =	smul.u32 $0x3E8, s15;
	[smem:$0x7F2] =	sst s25  }
0x92: {  	s15 =	smul.u32 $0x3E8, s8;
	s13 =	sshrl.u32 s5, $0x3;
	[smem:$0x7F4] =	sst s22  }
0x93: {  	s23 =	sshrl.u32 s16, $0x3;
	s16 =	sadd.s32 $0x16A00, s14;
	[smem:$0x7F7] =	sst s26  }
0x94: {  	s20 =	sadd.s32 s0, s18;
	s2 =	sadd.s32 s0, s23;
	s23 =	sld [smem:$0x7FC]  }
0x95: {  	s8 =	sshrl.u32 s22, $0x3;
	s18 =	smul.u32 $0x3E8, s10;
	[smem:$0x7EE] =	sst s20  }
0x96: {  	s10 =	sshrl.u32 s26, $0x3;
	s11 =	sshrl.u32 s15, $0x3;
	[smem:$0x7F1] =	sst s2  }
0x97: {  	s22 =	smul.u32 $0x2700, s1;
	s2 =	sadd.s32 s0, s7;
	s20 =	rddreg [dreg:$0x3]  }
0x98: {  	s9 =	sadd.s32 s0, s8;
	s12 =	sadd.s32 s0, s11;
	[smem:$0x7F5] =	sst s2  }
0x99: {  	s8 =	sadd.s32 $0x3E200, s14;
	[smem:$0x7F6] =	sst s9;
	s2 =	sadd.s32 s0, s10  }
0x9a: {  	[smem:$0x7F9] =	sst s12;
	s17 =	sshrl.u32 s18, $0x3;
	s10 =	sadd.s32 s20, s19  }
0x9b: {  	s19 =	sadd.s32 $0x16840, s14;
	[smem:$0x7F8] =	sst s2;
	s2 =	sadd.s32 s0, s13  }
0x9c: {  	s0 =	sadd.s32 s0, s17;
	s1 =	sshrl.u32 s23, $0x3;
	[smem:$0x7FA] =	sst s2  }
0x9d: {  	s13 =	sadd.s32 $0x9C00, s21;
	s17 =	sadd.s32 $0xCC00, s14;
	[smem:$0x7FB] =	sst s0  }
0x9e: {  	s2 =	sshrl.u32 s22, $0x3;
	s1 =	sadd.s32 s1, s14;
	s0 =	simm.s32 $0x400  }
.Ltmp0:
0x9f: {  	_ =	strace $0x80000047;
	s24 =	sadd.s32 s2, s14;
	(pc) =	sbr.rel .LBB2_1-.Ltmp0, $4  }
0xa0: {  	s11 =	sadd.s32 s21, s2;
	s20 =	sadd.s32 $0x16C00, s1;
	s25 =	sld [smem:$0x7FD]  }
0xa1: {  	s21 =	sadd.s32 $0x20A00, s1;
	s23 =	sadd.s32 $0x2A800, s1;
	s1 =	simm.s32 $0x9C80  }
0xa2: {  	s26 =	sadd.s32 $0x3000, s24;
	s2 =	sadd.s32 $0xCC40, s24;
	s4 =	sadd.s32 $0x34600, s24  }
0xa3: {  	v0 =	vimm.f32 $0.0e+00;
	s24 =	simm.s32 $0x16500;
	s12 =	smax.u32 s25, $0x1;
	s25 =	simm.s32 $0x1  }
.LBB2_14:
0xa4: {  	_ =	sdelay $0x3  }
0xa5: {  	s7 =	sshra.s32 s9, $0x2;
	[tilespmem:v2+s29+$0x0] =	vst.idx.add.f32.msk $0xffff, v3  }
0xa6: {  	v2 =	vld [tilespmem:s7+$0x18C00];
	_ =	sdelay $0x4  }
0xa7: {  	v2 =	vsub.f32 v2, v1;
	_ =	sdelay $0x1  }
0xa8: {  	v2 =	vmul.f32 $1.442695020e+00, v2;
	_ =	sdelay $0x1  }
0xa9: {  	(erf) = vpow2.f32 v2;
	_ =	sdelay $0x1  }
0xaa: {  	v2 =	vld [tilespmem:s7+$0x13A00]  }
0xab: {  	v3 =	vld [tilespmem:s7+$0x16300];
	_ =	sdelay $0x3  }
0xac: {  	v4 =	vadd.s32 $0x4E20, v2  }
0xad: {  	v2 =	vadd.s32 $0x7530, v2  }
0xae: {  	v5 =	vpop (erf)  }
0xaf: {  	[tilespmem:s7+$0x18C00] =	vst v5  }
0xb0: {  	[tilespmem:v3+s1+$0x0] =	vst.idx.add.f32.msk $0xffff, v5  }
0xb1: {  	v4 =	vld.idx.msk [tilespmem:v4+s3+$0x0], $0xffff  }
0xb2: {  	v2 =	vld.idx.msk [tilespmem:v2+s3+$0x0], $0xffff;
	_ =	sdelay $0x3  }
0xb3: {  	v4 =	vmul.f32 v4, v5  }
0xb4: {  	v2 =	vmul.f32 v2, v5  }
0xb5: {  	[tilespmem:v3+s28+$0x0] =	vst.idx.add.f32.msk $0xffff, v4  }
0xb6: {  	[tilespmem:v3+s29+$0x0] =	vst.idx.add.f32.msk $0xffff, v2  }
.LBB2_15:
0xb7: {  	[tilespmem:$0x18E80] =	vst v1;
	s7 =	simm.s32 $0x18E80  }
0xb8: {  	[hbm4b:s10+s3] =	stream.linear.scatter [tilespmem:s7], [sflag:$0x2], $0x80, $0x38;
	[tilespmem:$0x18F00] =	vst v63  }
0xb9: {  	_ =	swait.ge [sflag:s30], $0x80  }
0xba: {  	[sflag:s30] =	ssyncset.done $0x0  }
0xbb: {  	[sflag:s30] =	ssyncadd.s32 $0xFFFFFF80  }
0xbc: {  	[hbm4b:s4+s3] =	stream.linear.scatter [tilespmem:s24], [sflag:$0x2], $0x2700, $0x38;
	[tilespmem:$0x18F00] =	vst v63  }
0xbd: {  	_ =	swait.ge [sflag:s30], $0x2700  }
0xbe: {  	[sflag:s30] =	ssyncset.done $0x0  }
0xbf: {  	s9 =	simm.s32 @!p0 $0x18C00;
	s7 =	simm.s32 @!p0 $0x0;
	[sflag:s30] =	ssyncadd.s32 $0xFFFFD900  }
0xc0: {  	[hbm4b:s8+s7] =	stream.linear.scatter @!p0 [tilespmem:s9], [sflag:$0x2], $0x200, $0x38;
	[tilespmem:$0x18F00] =	vst v63  }
0xc1: {  	s7 =	simm.s32 @!p0 $0x2  }
0xc2: {  	_ =	swait.ge @!p0 [sflag:s7], $0x200  }
0xc3: {  	[sflag:s7] =	ssyncset.done @!p0 $0x0  }
0xc4: {  	[sflag:s7] =	ssyncadd.s32 @!p0 $0xFFFFFE00  }
0xc5: {  	[hbm4b:s20+s31] =	stream.strided.scatter [tilespmem:s1], [sflag:$0x2], $0x2780, s0, s31, $0x38;
	[tilespmem:$0x18F00] =	vst v63  }
0xc6: {  	_ =	swait.ge [sflag:s30], $0x2780  }
0xc7: {  	[sflag:s30] =	ssyncset.done $0x0  }
0xc8: {  	[sflag:s30] =	ssyncadd.s32 $0xFFFFD880  }
0xc9: {  	[hbm4b:s21+s31] =	stream.strided.scatter [tilespmem:s28], [sflag:$0x2], $0x2780, s0, s31, $0x38;
	[tilespmem:$0x18F00] =	vst v63  }
0xca: {  	s6 =	sadd.s32 $0x1, s6;
	_ =	swait.ge [sflag:s30], $0x2780  }
0xcb: {  	p1 =	sne.s32 s6, s12;
	[sflag:s30] =	ssyncset.done $0x0  }
.Ltmp1:
0xcc: {  	[sflag:s30] =	ssyncadd.s32 $0xFFFFD880;
	(pc) =	sbr.rel @!p1 .LBB2_16-.Ltmp1, $4  }
0xcd: {  	[hbm4b:s23+s31] =	stream.strided.scatter [tilespmem:s29], [sflag:$0x2], $0x2780, s0, s31, $0x38;
	[tilespmem:$0x18F00] =	vst v63  }
0xce: {  	_ =	swait.ge [sflag:s30], $0x2780  }
0xcf: {  	[sflag:s30] =	ssyncset.done $0x0  }
0xd0: {  	[sflag:s30] =	ssyncadd.s32 $0xFFFFD880  }
.LBB2_1:
0xd1: {  	s7 =	simm.s32 $0x11300  }
0xd2: {  	[tilespmem:s7], [sflag:$0x1] =	stream.linear.gather [hbm4b:s26+s3], $0x2700, $0x38;
	[tilespmem:$0x18F00] =	vst v63  }
0xd3: {  	s9 =	simm.s32 $0x13C00  }
0xd4: {  	[tilespmem:s9], [sflag:$0x1] =	stream.linear.gather [hbm4b:s2+s3], $0x2700, $0x38;
	[tilespmem:$0x18F00] =	vst v63  }
0xd5: {  	_ = 	snop  }
0xd6: {  	[tilespmem:s24], [sflag:$0x1] =	stream.linear.gather [hbm4b:s11+s3], $0x2700, $0x38;
	[tilespmem:$0x18F00] =	vst v63  }
0xd7: {  	s14 =	simm.s32 $0x18E00  }
0xd8: {  	[tilespmem:s14], [sflag:$0x1] =	stream.linear.gather [hbm4b:s16+s3], $0x80, $0x38;
	[tilespmem:$0x18F00] =	vst v63  }
0xd9: {  	s22 =	simm.s32 $0x13A00  }
0xda: {  	[tilespmem:s22], [sflag:$0x1] =	stream.linear.gather [hbm4b:s17+s3], $0x200, $0x38;
	[tilespmem:$0x18F00] =	vst v63  }
0xdb: {  	s9 =	simm.s32 $0x16300;
	s22 =	rddreg [dreg:$0x5]  }
0xdc: {  	[tilespmem:s9], [sflag:$0x1] =	stream.linear.gather [hbm4b:s19+s3], $0x200, $0x38;
	[tilespmem:$0x18F00] =	vst v63  }
0xdd: {  	s14 =	simm.s32 $0x18C00;
	s9 =	rddreg [dreg:$0x9]  }
0xde: {  	[tilespmem:s14], [sflag:$0x1] =	stream.linear.gather [hbm4b:s13+s3], $0x200, $0x38;
	[tilespmem:$0x18F00] =	vst v63  }
0xdf: {  	s14 =	rddreg [dreg:$0x8]  }
0xe0: {  	[tilespmem:s22], [sflag:$0x1] =	stream.linear.gather [hbm4b:s9+s3], $0x3E8, $0x38;
	[tilespmem:$0x18F00] =	vst v63  }
0xe1: {  	s22 =	rddreg [dreg:$0xa]  }
0xe2: {  	[tilespmem:s14], [sflag:$0x1] =	stream.linear.gather [hbm4b:s22+s3], $0x3E8, $0x38;
	[tilespmem:$0x18F00] =	vst v63  }
0xe3: {  	s14 =	rddreg [dreg:$0x6]  }
0xe4: {  	s22 =	rddreg [dreg:$0xd]  }
0xe5: {  	[tilespmem:s14], [sflag:$0x1] =	stream.linear.gather [hbm4b:s22+s3], $0x3E8, $0x38;
	[tilespmem:$0x18F00] =	vst v63  }
0xe6: {  	s14 =	rddreg [dreg:$0x7]  }
0xe7: {  	s22 =	rddreg [dreg:$0xe]  }
0xe8: {  	[tilespmem:s14], [sflag:$0x1] =	stream.linear.gather [hbm4b:s22+s3], $0x3E8, $0x38;
	[tilespmem:$0x18F00] =	vst v63  }
0xe9: {  	s14 =	rddreg [dreg:$0xb]  }
0xea: {  	s22 =	rddreg [dreg:$0x11]  }
0xeb: {  	[tilespmem:s14], [sflag:$0x1] =	stream.linear.gather [hbm4b:s22+s3], $0x3E8, $0x38;
	[tilespmem:$0x18F00] =	vst v63  }
0xec: {  	s14 =	rddreg [dreg:$0xc]  }
0xed: {  	s22 =	rddreg [dreg:$0x12]  }
0xee: {  	[tilespmem:s14], [sflag:$0x1] =	stream.linear.gather [hbm4b:s22+s3], $0x3E8, $0x38;
	[tilespmem:$0x18F00] =	vst v63  }
0xef: {  	s14 =	rddreg [dreg:$0xf]  }
0xf0: {  	s22 =	rddreg [dreg:$0x15]  }
0xf1: {  	[tilespmem:s14], [sflag:$0x1] =	stream.linear.gather [hbm4b:s22+s3], $0x3E8, $0x38;
	[tilespmem:$0x18F00] =	vst v63  }
0xf2: {  	s14 =	rddreg [dreg:$0x10]  }
0xf3: {  	s22 =	rddreg [dreg:$0x16]  }
0xf4: {  	[tilespmem:s14], [sflag:$0x1] =	stream.linear.gather [hbm4b:s22+s3], $0x3E8, $0x38;
	[tilespmem:$0x18F00] =	vst v63  }
0xf5: {  	s14 =	rddreg [dreg:$0x13]  }
0xf6: {  	s22 =	rddreg [dreg:$0x19]  }
0xf7: {  	[tilespmem:s14], [sflag:$0x1] =	stream.linear.gather [hbm4b:s22+s3], $0x3E8, $0x38;
	[tilespmem:$0x18F00] =	vst v63  }
0xf8: {  	s14 =	rddreg [dreg:$0x14]  }
0xf9: {  	s22 =	rddreg [dreg:$0x1a]  }
0xfa: {  	[tilespmem:s14], [sflag:$0x1] =	stream.linear.gather [hbm4b:s22+s3], $0x3E8, $0x38;
	[tilespmem:$0x18F00] =	vst v63  }
0xfb: {  	s14 =	rddreg [dreg:$0x17]  }
0xfc: {  	s22 =	rddreg [dreg:$0x1d]  }
0xfd: {  	[tilespmem:s14], [sflag:$0x1] =	stream.linear.gather [hbm4b:s22+s3], $0x3E8, $0x38;
	[tilespmem:$0x18F00] =	vst v63  }
0xfe: {  	s14 =	rddreg [dreg:$0x18]  }
0xff: {  	s22 =	rddreg [dreg:$0x1e]  }
0x100: {  	[tilespmem:s14], [sflag:$0x1] =	stream.linear.gather [hbm4b:s22+s3], $0x3E8, $0x38;
	[tilespmem:$0x18F00] =	vst v63  }
0x101: {  	s22 =	sld [smem:$0x7C7];
	_ =	sdelay $0x1  }
0x102: {  	s14 =	rddreg [dreg:$0x1b]  }
0x103: {  	[tilespmem:s14], [sflag:$0x1] =	stream.linear.gather [hbm4b:s22+s3], $0x3E8, $0x38;
	[tilespmem:$0x18F00] =	vst v63  }
0x104: {  	s22 =	sld [smem:$0x7C8];
	_ =	sdelay $0x1  }
0x105: {  	s14 =	rddreg [dreg:$0x1c]  }
0x106: {  	[tilespmem:s14], [sflag:$0x1] =	stream.linear.gather [hbm4b:s22+s3], $0x3E8, $0x38;
	[tilespmem:$0x18F00] =	vst v63  }
0x107: {  	s22 =	sld [smem:$0x7CC];
	_ =	sdelay $0x1  }
0x108: {  	s14 =	rddreg [dreg:$0x1f]  }
0x109: {  	[tilespmem:s14], [sflag:$0x1] =	stream.linear.gather [hbm4b:s22+s3], $0x3E8, $0x38;
	[tilespmem:$0x18F00] =	vst v63  }
0x10a: {  	s14 =	sld [smem:$0x7CB]  }
0x10b: {  	s22 =	sld [smem:$0x7CD];
	_ =	sdelay $0x2  }
0x10c: {  	[tilespmem:s14], [sflag:$0x1] =	stream.linear.gather [hbm4b:s22+s3], $0x3E8, $0x38;
	[tilespmem:$0x18F00] =	vst v63  }
0x10d: {  	s14 =	sld [smem:$0x7CE]  }
0x10e: {  	s22 =	sld [smem:$0x7D0];
	_ =	sdelay $0x2  }
0x10f: {  	[tilespmem:s14], [sflag:$0x1] =	stream.linear.gather [hbm4b:s22+s3], $0x3E8, $0x38;
	[tilespmem:$0x18F00] =	vst v63  }
0x110: {  	s14 =	sld [smem:$0x7CF]  }
0x111: {  	s22 =	sld [smem:$0x7D1];
	_ =	sdelay $0x2  }
0x112: {  	[tilespmem:s14], [sflag:$0x1] =	stream.linear.gather [hbm4b:s22+s3], $0x3E8, $0x38;
	[tilespmem:$0x18F00] =	vst v63  }
0x113: {  	s14 =	sld [smem:$0x7D3]  }
0x114: {  	s22 =	sld [smem:$0x7D5];
	_ =	sdelay $0x2  }
0x115: {  	[tilespmem:s14], [sflag:$0x1] =	stream.linear.gather [hbm4b:s22+s3], $0x3E8, $0x38;
	[tilespmem:$0x18F00] =	vst v63  }
0x116: {  	s14 =	sld [smem:$0x7D4]  }
0x117: {  	s22 =	sld [smem:$0x7D6];
	_ =	sdelay $0x2  }
0x118: {  	[tilespmem:s14], [sflag:$0x1] =	stream.linear.gather [hbm4b:s22+s3], $0x3E8, $0x38;
	[tilespmem:$0x18F00] =	vst v63  }
0x119: {  	s14 =	sld [smem:$0x7D7]  }
0x11a: {  	s22 =	sld [smem:$0x7D9];
	_ =	sdelay $0x2  }
0x11b: {  	[tilespmem:s14], [sflag:$0x1] =	stream.linear.gather [hbm4b:s22+s3], $0x3E8, $0x38;
	[tilespmem:$0x18F00] =	vst v63  }
0x11c: {  	s14 =	sld [smem:$0x7D8]  }
0x11d: {  	s22 =	sld [smem:$0x7DA];
	_ =	sdelay $0x2  }
0x11e: {  	[tilespmem:s14], [sflag:$0x1] =	stream.linear.gather [hbm4b:s22+s3], $0x3E8, $0x38;
	[tilespmem:$0x18F00] =	vst v63  }
0x11f: {  	s14 =	sld [smem:$0x7DB]  }
0x120: {  	s22 =	sld [smem:$0x7DD];
	_ =	sdelay $0x2  }
0x121: {  	[tilespmem:s14], [sflag:$0x1] =	stream.linear.gather [hbm4b:s22+s3], $0x3E8, $0x38;
	[tilespmem:$0x18F00] =	vst v63  }
0x122: {  	s14 =	sld [smem:$0x7DC]  }
0x123: {  	s22 =	sld [smem:$0x7DE];
	_ =	sdelay $0x2  }
0x124: {  	[tilespmem:s14], [sflag:$0x1] =	stream.linear.gather [hbm4b:s22+s3], $0x3E8, $0x38;
	[tilespmem:$0x18F00] =	vst v63  }
0x125: {  	s14 =	sld [smem:$0x7DF]  }
0x126: {  	s22 =	sld [smem:$0x7E1];
	_ =	sdelay $0x2  }
0x127: {  	[tilespmem:s14], [sflag:$0x1] =	stream.linear.gather [hbm4b:s22+s3], $0x3E8, $0x38;
	[tilespmem:$0x18F00] =	vst v63  }
0x128: {  	s14 =	sld [smem:$0x7E0]  }
0x129: {  	s22 =	sld [smem:$0x7E2];
	_ =	sdelay $0x2  }
0x12a: {  	[tilespmem:s14], [sflag:$0x1] =	stream.linear.gather [hbm4b:s22+s3], $0x3E8, $0x38;
	[tilespmem:$0x18F00] =	vst v63  }
0x12b: {  	s14 =	sld [smem:$0x7E3]  }
0x12c: {  	s22 =	sld [smem:$0x7E5];
	_ =	sdelay $0x2  }
0x12d: {  	[tilespmem:s14], [sflag:$0x1] =	stream.linear.gather [hbm4b:s22+s3], $0x3E8, $0x38;
	[tilespmem:$0x18F00] =	vst v63  }
0x12e: {  	s14 =	sld [smem:$0x7E4]  }
0x12f: {  	s22 =	sld [smem:$0x7E6];
	_ =	sdelay $0x2  }
0x130: {  	[tilespmem:s14], [sflag:$0x1] =	stream.linear.gather [hbm4b:s22+s3], $0x3E8, $0x38;
	[tilespmem:$0x18F00] =	vst v63  }
0x131: {  	s14 =	sld [smem:$0x7E7]  }
0x132: {  	s22 =	sld [smem:$0x7E9];
	_ =	sdelay $0x2  }
0x133: {  	[tilespmem:s14], [sflag:$0x1] =	stream.linear.gather [hbm4b:s22+s3], $0x3E8, $0x38;
	[tilespmem:$0x18F00] =	vst v63  }
0x134: {  	s14 =	sld [smem:$0x7E8]  }
0x135: {  	s22 =	sld [smem:$0x7EA];
	_ =	sdelay $0x2  }
0x136: {  	[tilespmem:s14], [sflag:$0x1] =	stream.linear.gather [hbm4b:s22+s3], $0x3E8, $0x38;
	[tilespmem:$0x18F00] =	vst v63  }
0x137: {  	s14 =	sld [smem:$0x7EB]  }
0x138: {  	s22 =	sld [smem:$0x7ED];
	_ =	sdelay $0x2  }
0x139: {  	[tilespmem:s14], [sflag:$0x1] =	stream.linear.gather [hbm4b:s22+s3], $0x3E8, $0x38;
	[tilespmem:$0x18F00] =	vst v63  }
0x13a: {  	s14 =	sld [smem:$0x7EC]  }
0x13b: {  	s22 =	sld [smem:$0x7EE];
	_ =	sdelay $0x2  }
0x13c: {  	[tilespmem:s14], [sflag:$0x1] =	stream.linear.gather [hbm4b:s22+s3], $0x3E8, $0x38;
	[tilespmem:$0x18F00] =	vst v63  }
0x13d: {  	s14 =	sld [smem:$0x7EF]  }
0x13e: {  	s22 =	sld [smem:$0x7F1];
	_ =	sdelay $0x2  }
0x13f: {  	[tilespmem:s14], [sflag:$0x1] =	stream.linear.gather [hbm4b:s22+s3], $0x3E8, $0x38;
	[tilespmem:$0x18F00] =	vst v63  }
0x140: {  	s14 =	sld [smem:$0x7F0]  }
0x141: {  	s22 =	sld [smem:$0x7F2];
	_ =	sdelay $0x2  }
0x142: {  	[tilespmem:s14], [sflag:$0x1] =	stream.linear.gather [hbm4b:s22+s3], $0x3E8, $0x38;
	[tilespmem:$0x18F00] =	vst v63  }
0x143: {  	s14 =	sld [smem:$0x7F3]  }
0x144: {  	s22 =	sld [smem:$0x7F5];
	_ =	sdelay $0x2  }
0x145: {  	[tilespmem:s14], [sflag:$0x1] =	stream.linear.gather [hbm4b:s22+s3], $0x3E8, $0x38;
	[tilespmem:$0x18F00] =	vst v63  }
0x146: {  	s14 =	sld [smem:$0x7F4]  }
0x147: {  	s22 =	sld [smem:$0x7F6];
	_ =	sdelay $0x2  }
0x148: {  	[tilespmem:s14], [sflag:$0x1] =	stream.linear.gather [hbm4b:s22+s3], $0x3E8, $0x38;
	[tilespmem:$0x18F00] =	vst v63  }
0x149: {  	s14 =	sld [smem:$0x7F7]  }
0x14a: {  	s22 =	sld [smem:$0x7F8];
	_ =	sdelay $0x1  }
0x14b: {  	s9 =	sld [smem:$0x7F9]  }
0x14c: {  	[tilespmem:s14], [sflag:$0x1] =	stream.linear.gather [hbm4b:s22+s3], $0x3E8, $0x38;
	[tilespmem:$0x18F00] =	vst v63  }
0x14d: {  	s14 =	sld [smem:$0x7FA]  }
0x14e: {  	[tilespmem:s15], [sflag:$0x1] =	stream.linear.gather [hbm4b:s9+s3], $0x3E8, $0x38;
	[tilespmem:$0x18F00] =	vst v63  }
0x14f: {  	s22 =	sld [smem:$0x7FB]  }
0x150: {  	[tilespmem:s5], [sflag:$0x1] =	stream.linear.gather [hbm4b:s14+s3], $0x3E8, $0x38;
	[tilespmem:$0x18F00] =	vst v63  }
0x151: {  	s7 =	simm.s32 $0x40;
	s9 =	simm.s32 $0x0  }
0x152: {  	[tilespmem:s18], [sflag:$0x1] =	stream.linear.gather [hbm4b:s22+s3], $0x3E8, $0x38;
	[tilespmem:$0x18F00] =	vst v63  }
.LBB2_2:
0x153: {  	p1 =	sne.s32 s7, $0x9C00;
	[tilespmem:s9+$0xEB80] =	vst v0;
	s14 =	smov.u32 s7;
	s7 =	sadd.s32 $0x40, s7  }
.Ltmp2:
0x154: {  	[tilespmem:s9+$0x9C80] =	vst v0;
	(pc) =	sbr.rel @p1 .LBB2_2-.Ltmp2, $2  }
0x155: {  	[tilespmem:s9+$0xC400] =	vst v0;
	_ =	sdelay $0x2  }
0x156: {  	s9 =	sshra.s32 s14, $0x2  }
0x157: {  	[tilespmem:s9+$0xEB80] =	vst v0  }
0x158: {  	[tilespmem:s9+$0x9C80] =	vst v0  }
0x159: {  	[tilespmem:s9+$0xC400] =	vst v0  }
0x15a: {  	_ =	swait.ge [sflag:s25], $0x2700  }
0x15b: {  	[sflag:s25] =	ssyncset.done $0x0  }
0x15c: {  	[sflag:s25] =	ssyncadd.s32 $0xFFFFD900  }
0x15d: {  	_ =	swait.ge [sflag:s25], $0x2700  }
0x15e: {  	[sflag:s25] =	ssyncset.done $0x0  }
0x15f: {  	[sflag:s25] =	ssyncadd.s32 $0xFFFFD900  }
0x160: {  	_ =	swait.ge [sflag:s25], $0x2700  }
0x161: {  	[sflag:s25] =	ssyncset.done $0x0  }
0x162: {  	[sflag:s25] =	ssyncadd.s32 $0xFFFFD900  }
0x163: {  	_ =	swait.ge [sflag:s25], $0x80  }
0x164: {  	[sflag:s25] =	ssyncset.done $0x0  }
0x165: {  	[sflag:s25] =	ssyncadd.s32 $0xFFFFFF80  }
0x166: {  	_ =	swait.ge [sflag:s25], $0x200  }
0x167: {  	[sflag:s25] =	ssyncset.done $0x0  }
0x168: {  	[sflag:s25] =	ssyncadd.s32 $0xFFFFFE00  }
0x169: {  	_ =	swait.ge [sflag:s25], $0x200  }
0x16a: {  	[sflag:s25] =	ssyncset.done $0x0  }
0x16b: {  	[sflag:s25] =	ssyncadd.s32 $0xFFFFFE00  }
0x16c: {  	_ =	swait.ge [sflag:s25], $0x200  }
0x16d: {  	[sflag:s25] =	ssyncset.done $0x0  }
0x16e: {  	[sflag:s25] =	ssyncadd.s32 $0xFFFFFE00  }
0x16f: {  	_ =	swait.ge [sflag:s25], $0x3E8  }
0x170: {  	[sflag:s25] =	ssyncset.done $0x0  }
0x171: {  	[sflag:s25] =	ssyncadd.s32 $0xFFFFFC18  }
0x172: {  	_ =	swait.ge [sflag:s25], $0x3E8  }
0x173: {  	[sflag:s25] =	ssyncset.done $0x0  }
0x174: {  	[sflag:s25] =	ssyncadd.s32 $0xFFFFFC18  }
0x175: {  	_ =	swait.ge [sflag:s25], $0x3E8  }
0x176: {  	[sflag:s25] =	ssyncset.done $0x0  }
0x177: {  	[sflag:s25] =	ssyncadd.s32 $0xFFFFFC18  }
0x178: {  	_ =	swait.ge [sflag:s25], $0x3E8  }
0x179: {  	[sflag:s25] =	ssyncset.done $0x0  }
0x17a: {  	[sflag:s25] =	ssyncadd.s32 $0xFFFFFC18  }
0x17b: {  	_ =	swait.ge [sflag:s25], $0x3E8  }
0x17c: {  	[sflag:s25] =	ssyncset.done $0x0  }
0x17d: {  	[sflag:s25] =	ssyncadd.s32 $0xFFFFFC18  }
0x17e: {  	_ =	swait.ge [sflag:s25], $0x3E8  }
0x17f: {  	[sflag:s25] =	ssyncset.done $0x0  }
0x180: {  	[sflag:s25] =	ssyncadd.s32 $0xFFFFFC18  }
0x181: {  	_ =	swait.ge [sflag:s25], $0x3E8  }
0x182: {  	[sflag:s25] =	ssyncset.done $0x0  }
0x183: {  	[sflag:s25] =	ssyncadd.s32 $0xFFFFFC18  }
0x184: {  	_ =	swait.ge [sflag:s25], $0x3E8  }
0x185: {  	[sflag:s25] =	ssyncset.done $0x0  }
0x186: {  	[sflag:s25] =	ssyncadd.s32 $0xFFFFFC18  }
0x187: {  	_ =	swait.ge [sflag:s25], $0x3E8  }
0x188: {  	[sflag:s25] =	ssyncset.done $0x0  }
0x189: {  	[sflag:s25] =	ssyncadd.s32 $0xFFFFFC18  }
0x18a: {  	_ =	swait.ge [sflag:s25], $0x3E8  }
0x18b: {  	[sflag:s25] =	ssyncset.done $0x0  }
0x18c: {  	[sflag:s25] =	ssyncadd.s32 $0xFFFFFC18  }
0x18d: {  	_ =	swait.ge [sflag:s25], $0x3E8  }
0x18e: {  	[sflag:s25] =	ssyncset.done $0x0  }
0x18f: {  	[sflag:s25] =	ssyncadd.s32 $0xFFFFFC18  }
0x190: {  	_ =	swait.ge [sflag:s25], $0x3E8  }
0x191: {  	[sflag:s25] =	ssyncset.done $0x0  }
0x192: {  	[sflag:s25] =	ssyncadd.s32 $0xFFFFFC18  }
0x193: {  	_ =	swait.ge [sflag:s25], $0x3E8  }
0x194: {  	[sflag:s25] =	ssyncset.done $0x0  }
0x195: {  	[sflag:s25] =	ssyncadd.s32 $0xFFFFFC18  }
0x196: {  	_ =	swait.ge [sflag:s25], $0x3E8  }
0x197: {  	[sflag:s25] =	ssyncset.done $0x0  }
0x198: {  	[sflag:s25] =	ssyncadd.s32 $0xFFFFFC18  }
0x199: {  	_ =	swait.ge [sflag:s25], $0x3E8  }
0x19a: {  	[sflag:s25] =	ssyncset.done $0x0  }
0x19b: {  	[sflag:s25] =	ssyncadd.s32 $0xFFFFFC18  }
0x19c: {  	_ =	swait.ge [sflag:s25], $0x3E8  }
0x19d: {  	[sflag:s25] =	ssyncset.done $0x0  }
0x19e: {  	[sflag:s25] =	ssyncadd.s32 $0xFFFFFC18  }
0x19f: {  	_ =	swait.ge [sflag:s25], $0x3E8  }
0x1a0: {  	[sflag:s25] =	ssyncset.done $0x0  }
0x1a1: {  	[sflag:s25] =	ssyncadd.s32 $0xFFFFFC18  }
0x1a2: {  	_ =	swait.ge [sflag:s25], $0x3E8  }
0x1a3: {  	[sflag:s25] =	ssyncset.done $0x0  }
0x1a4: {  	[sflag:s25] =	ssyncadd.s32 $0xFFFFFC18  }
0x1a5: {  	_ =	swait.ge [sflag:s25], $0x3E8  }
0x1a6: {  	[sflag:s25] =	ssyncset.done $0x0  }
0x1a7: {  	[sflag:s25] =	ssyncadd.s32 $0xFFFFFC18  }
0x1a8: {  	_ =	swait.ge [sflag:s25], $0x3E8  }
0x1a9: {  	[sflag:s25] =	ssyncset.done $0x0  }
0x1aa: {  	[sflag:s25] =	ssyncadd.s32 $0xFFFFFC18  }
0x1ab: {  	_ =	swait.ge [sflag:s25], $0x3E8  }
0x1ac: {  	[sflag:s25] =	ssyncset.done $0x0  }
0x1ad: {  	[sflag:s25] =	ssyncadd.s32 $0xFFFFFC18  }
0x1ae: {  	_ =	swait.ge [sflag:s25], $0x3E8  }
0x1af: {  	[sflag:s25] =	ssyncset.done $0x0  }
0x1b0: {  	[sflag:s25] =	ssyncadd.s32 $0xFFFFFC18  }
0x1b1: {  	_ =	swait.ge [sflag:s25], $0x3E8  }
0x1b2: {  	[sflag:s25] =	ssyncset.done $0x0  }
0x1b3: {  	[sflag:s25] =	ssyncadd.s32 $0xFFFFFC18  }
0x1b4: {  	_ =	swait.ge [sflag:s25], $0x3E8  }
0x1b5: {  	[sflag:s25] =	ssyncset.done $0x0  }
0x1b6: {  	[sflag:s25] =	ssyncadd.s32 $0xFFFFFC18  }
0x1b7: {  	_ =	swait.ge [sflag:s25], $0x3E8  }
0x1b8: {  	[sflag:s25] =	ssyncset.done $0x0  }
0x1b9: {  	[sflag:s25] =	ssyncadd.s32 $0xFFFFFC18  }
0x1ba: {  	_ =	swait.ge [sflag:s25], $0x3E8  }
0x1bb: {  	[sflag:s25] =	ssyncset.done $0x0  }
0x1bc: {  	[sflag:s25] =	ssyncadd.s32 $0xFFFFFC18  }
0x1bd: {  	_ =	swait.ge [sflag:s25], $0x3E8  }
0x1be: {  	[sflag:s25] =	ssyncset.done $0x0  }
0x1bf: {  	[sflag:s25] =	ssyncadd.s32 $0xFFFFFC18  }
0x1c0: {  	_ =	swait.ge [sflag:s25], $0x3E8  }
0x1c1: {  	[sflag:s25] =	ssyncset.done $0x0  }
0x1c2: {  	[sflag:s25] =	ssyncadd.s32 $0xFFFFFC18  }
0x1c3: {  	_ =	swait.ge [sflag:s25], $0x3E8  }
0x1c4: {  	[sflag:s25] =	ssyncset.done $0x0  }
0x1c5: {  	[sflag:s25] =	ssyncadd.s32 $0xFFFFFC18  }
0x1c6: {  	_ =	swait.ge [sflag:s25], $0x3E8  }
0x1c7: {  	[sflag:s25] =	ssyncset.done $0x0  }
0x1c8: {  	[sflag:s25] =	ssyncadd.s32 $0xFFFFFC18  }
0x1c9: {  	_ =	swait.ge [sflag:s25], $0x3E8  }
0x1ca: {  	[sflag:s25] =	ssyncset.done $0x0  }
0x1cb: {  	[sflag:s25] =	ssyncadd.s32 $0xFFFFFC18  }
0x1cc: {  	_ =	swait.ge [sflag:s25], $0x3E8  }
0x1cd: {  	[sflag:s25] =	ssyncset.done $0x0  }
0x1ce: {  	[sflag:s25] =	ssyncadd.s32 $0xFFFFFC18  }
0x1cf: {  	_ =	swait.ge [sflag:s25], $0x3E8  }
0x1d0: {  	[sflag:s25] =	ssyncset.done $0x0  }
0x1d1: {  	[sflag:s25] =	ssyncadd.s32 $0xFFFFFC18  }
0x1d2: {  	_ =	swait.ge [sflag:s25], $0x3E8  }
0x1d3: {  	[sflag:s25] =	ssyncset.done $0x0  }
0x1d4: {  	[sflag:s25] =	ssyncadd.s32 $0xFFFFFC18  }
0x1d5: {  	_ =	swait.ge [sflag:s25], $0x3E8  }
0x1d6: {  	[sflag:s25] =	ssyncset.done $0x0  }
0x1d7: {  	[sflag:s25] =	ssyncadd.s32 $0xFFFFFC18  }
0x1d8: {  	_ =	swait.ge [sflag:s25], $0x3E8  }
0x1d9: {  	[sflag:s25] =	ssyncset.done $0x0  }
0x1da: {  	[sflag:s25] =	ssyncadd.s32 $0xFFFFFC18  }
0x1db: {  	_ =	swait.ge [sflag:s25], $0x3E8  }
0x1dc: {  	[sflag:s25] =	ssyncset.done $0x0  }
0x1dd: {  	[sflag:s25] =	ssyncadd.s32 $0xFFFFFC18  }
0x1de: {  	_ =	swait.ge [sflag:s25], $0x3E8  }
0x1df: {  	[sflag:s25] =	ssyncset.done $0x0  }
0x1e0: {  	[sflag:s25] =	ssyncadd.s32 $0xFFFFFC18  }
0x1e1: {  	_ =	swait.ge [sflag:s25], $0x3E8  }
0x1e2: {  	[sflag:s25] =	ssyncset.done $0x0  }
0x1e3: {  	[sflag:s25] =	ssyncadd.s32 $0xFFFFFC18  }
0x1e4: {  	_ =	swait.ge [sflag:s25], $0x3E8  }
0x1e5: {  	[sflag:s25] =	ssyncset.done $0x0  }
0x1e6: {  	v2 =	vimm.f32 $-3.399999950e+38;
	s7 =	simm.s32 $0xFFFFFFFE;
	[sflag:s25] =	ssyncadd.s32 $0xFFFFFC18  }
0x1e7: {  	s9 =	simm.s32 $0x16510;
	s14 =	simm.s32 $0x13C10;
	s22 =	simm.s32 $0x11310;
	v1 =	vld.msk [tilespmem:$0x18E00 ss:$0x0], $0xffff  }
.LBB2_4:
0x1e8: {  	v3 =	vld [tilespmem:s14+$0xFFFFFFF0]  }
0x1e9: {  	v4 =	vld [tilespmem:s22+$0xFFFFFFF0];
	_ =	sdelay $0x3  }
0x1ea: {  	v3 =	vadd.s32 $0x2710, v3;
	_ =	sdelay $0x2  }
0x1eb: {  	v5 =	vld [tilespmem:s9+$0xFFFFFFF0]  }
0x1ec: {  	v4 =	vld.idx.msk [tilespmem:v4+s3+$0x0], $0xffff  }
0x1ed: {  	v3 =	vld.idx.msk [tilespmem:v3+s3+$0x0], $0xffff;
	_ =	sdelay $0x4  }
0x1ee: {  	v60 =	vmul.f32 v5, v1;
	v3 =	vadd.f32 v3, v4;
	_ =	sdelay $0x1  }
0x1ef: {  	v3 =	vadd.f32 v3, v60;
	_ =	sdelay $0x1  }
0x1f0: {  	v4 =	vmul.f32 $2.000000030e-01, v3  }
0x1f1: {  	vm0 =	vge.f32 v3, $0.0e+00  }
0x1f2: {  	v3 =	vsel vm0, v3, v4  }
0x1f3: {  	[tilespmem:s9+$0xFFFFFFF0] =	vst v3  }
0x1f4: {  	v61 =	vld [tilespmem:s14+$0x0]  }
0x1f5: {  	v62 =	vld [tilespmem:s22+$0x0];
	_ =	sdelay $0x3  }
0x1f6: {  	v4 =	vadd.s32 $0x2710, v61;
	_ =	sdelay $0x2  }
0x1f7: {  	v6 =	vld [tilespmem:s9+$0x0]  }
0x1f8: {  	v5 =	vld.idx.msk [tilespmem:v62+s3+$0x0], $0xffff  }
0x1f9: {  	v4 =	vld.idx.msk [tilespmem:v4+s3+$0x0], $0xffff;
	_ =	sdelay $0x4  }
0x1fa: {  	v63 =	vmul.f32 v6, v1;
	v4 =	vadd.f32 v4, v5  }
0x1fb: {  	s7 =	sadd.s32 $0x2, s7  }
0x1fc: {  	p1 =	slt.u32 s7, $0x26E;
	v4 =	vadd.f32 v4, v63  }
.Ltmp3:
0x1fd: {  	_ = 	snop;
	(pc) =	sbr.rel @p1 .LBB2_4-.Ltmp3, $4  }
0x1fe: {  	v5 =	vmul.f32 $2.000000030e-01, v4  }
0x1ff: {  	vm15 =	vge.f32 v4, $0.0e+00  }
0x200: {  	v2 =	vmax.f32 v2, v3;
	v4 =	vsel vm15, v4, v5  }
0x201: {  	s14 =	sadd.s32 $0x20, s14;
	s22 =	sadd.s32 $0x20, s22;
	[tilespmem:s9+$0x0] =	vst v4;
	v2 =	vmax.f32 v2, v4;
	s9 =	sadd.s32 $0x20, s9  }
.Ltmp4:
0x202: {  	(pc) =	sbr.rel @p0 .LBB2_9-.Ltmp4, $2  }
0x203: {  	_ =	sdelay $0x2  }
0x204: {  	[tilespmem:$0x18E80] =	vst v2  }
0x205: {  	s7 =	simm.s32 $0x0  }
0x206: {  	v2 =	vld [tilespmem:s7+$0x16300]  }
0x207: {  	v3 =	vld [tilespmem:s7+$0x13A00];
	_ =	sdelay $0x3  }
0x208: {  	v2 =	vadd.s32 $0x2710, v2;
	_ =	sdelay $0x2  }
0x209: {  	v4 =	vld [tilespmem:s7+$0x18C00]  }
0x20a: {  	v3 =	vld.idx.msk [tilespmem:v3+s3+$0x0], $0xffff  }
0x20b: {  	v2 =	vld.idx.msk [tilespmem:v2+s3+$0x0], $0xffff;
	_ =	sdelay $0x4  }
0x20c: {  	v4 =	vmul.f32 v4, v1;
	v2 =	vadd.f32 v2, v3;
	_ =	sdelay $0x1  }
0x20d: {  	v2 =	vadd.f32 v2, v4;
	_ =	sdelay $0x1  }
0x20e: {  	v3 =	vmul.f32 $2.000000030e-01, v2  }
0x20f: {  	vm0 =	vge.f32 v2, $0.0e+00  }
0x210: {  	v2 =	vsel vm0, v2, v3  }
0x211: {  	[tilespmem:s7+$0x18C00] =	vst v2  }
0x212: {  	s9 =	simm.s32 $0x80;
	s7 =	simm.s32 $0x40;
	v3 =	vld [tilespmem:$0x18E80]  }
.LBB2_7:
0x213: {  	_ =	sdelay $0x2  }
0x214: {  	p1 =	sne.s32 s9, $0x7C0  }
0x215: {  	s14 =	sshra.s32 s7, $0x2;
	s7 =	smov.u32 s9;
	s9 =	sadd.s32 $0x40, s9;
	v2 =	vmax.f32 v3, v2  }
0x216: {  	[tilespmem:$0x18E80] =	vst v2  }
0x217: {  	v2 =	vld [tilespmem:s14+$0x16300]  }
0x218: {  	v3 =	vld [tilespmem:s14+$0x13A00];
	_ =	sdelay $0x3  }
0x219: {  	v2 =	vadd.s32 $0x2710, v2;
	_ =	sdelay $0x2  }
0x21a: {  	v4 =	vld [tilespmem:s14+$0x18C00]  }
0x21b: {  	v3 =	vld.idx.msk [tilespmem:v3+s3+$0x0], $0xffff  }
0x21c: {  	v2 =	vld.idx.msk [tilespmem:v2+s3+$0x0], $0xffff;
	_ =	sdelay $0x4  }
0x21d: {  	v4 =	vmul.f32 v4, v1  }
0x21e: {  	v2 =	vadd.f32 v2, v3;
	_ =	sdelay $0x1  }
0x21f: {  	v2 =	vadd.f32 v2, v4;
	_ =	sdelay $0x1  }
.Ltmp5:
0x220: {  	vm0 =	vge.f32 v2, $0.0e+00;
	v3 =	vmul.f32 $2.000000030e-01, v2;
	(pc) =	sbr.rel @p1 .LBB2_7-.Ltmp5, $4  }
0x221: {  	_ = 	snop  }
0x222: {  	v2 =	vsel vm0, v2, v3  }
0x223: {  	[tilespmem:s14+$0x18C00] =	vst v2  }
0x224: {  	v3 =	vld [tilespmem:$0x18E80]  }
0x225: {  	_ =	sdelay $0x3  }
0x226: {  	v2 =	vmax.f32 v3, v2  }
0x227: {  	s7 =	sshra.s32 s7, $0x2;
	[tilespmem:$0x18E80] =	vst v2  }
0x228: {  	v2 =	vld [tilespmem:s7+$0x16300]  }
0x229: {  	v3 =	vld [tilespmem:s7+$0x13A00];
	_ =	sdelay $0x3  }
0x22a: {  	v2 =	vadd.s32 $0x2710, v2;
	_ =	sdelay $0x2  }
0x22b: {  	v4 =	vld [tilespmem:s7+$0x18C00]  }
0x22c: {  	v3 =	vld.idx.msk [tilespmem:v3+s3+$0x0], $0xffff  }
0x22d: {  	v2 =	vld.idx.msk [tilespmem:v2+s3+$0x0], $0xffff;
	_ =	sdelay $0x4  }
0x22e: {  	v1 =	vmul.f32 v4, v1;
	v2 =	vadd.f32 v2, v3;
	_ =	sdelay $0x1  }
0x22f: {  	v1 =	vadd.f32 v2, v1;
	_ =	sdelay $0x1  }
0x230: {  	v2 =	vmul.f32 $2.000000030e-01, v1  }
0x231: {  	vm0 =	vge.f32 v1, $0.0e+00  }
0x232: {  	v1 =	vsel vm0, v1, v2  }
0x233: {  	[tilespmem:s7+$0x18C00] =	vst v1  }
0x234: {  	v2 =	vld [tilespmem:$0x18E80];
	_ =	sdelay $0x4  }
0x235: {  	v2 =	vmax.f32 v2, v1  }
0x236: {  	[tilespmem:$0x18E80] =	vst v2  }
.LBB2_9:
0x237: {  	(xrf0) =	vmax.scan.msk.f32 $0xffff, v2;
	_ =	sdelay $0x5  }
0x238: {  	s7 =	simm.s32 $0xFFFFFFFE;
	v1, _, _ =	vpop (xrf0)  }
0x239: {  	s9 =	simm.s32 $0x13C10;
	s22 =	simm.s32 $0x11310;
	s14 =	simm.s32 $0x16510;
	v1 =	vbroadcast v1, $0xF  }
.LBB2_10:
0x23a: {  	v2 =	vld [tilespmem:s14+$0xFFFFFFF0];
	_ =	sdelay $0x4  }
0x23b: {  	v2 =	vsub.f32 v2, v1;
	_ =	sdelay $0x1  }
0x23c: {  	v2 =	vmul.f32 $1.442695020e+00, v2;
	_ =	sdelay $0x1  }
0x23d: {  	(erf) = vpow2.f32 v2;
	_ =	sdelay $0x8  }
0x23e: {  	v2 =	vpop (erf)  }
0x23f: {  	[tilespmem:s14+$0xFFFFFFF0] =	vst v2  }
0x240: {  	v3 =	vld [tilespmem:s22+$0xFFFFFFF0]  }
0x241: {  	v4 =	vld [tilespmem:s9+$0xFFFFFFF0];
	_ =	sdelay $0x3  }
0x242: {  	v5 =	vadd.s32 $0x4E20, v3  }
0x243: {  	v3 =	vadd.s32 $0x7530, v3;
	_ =	sdelay $0x2  }
0x244: {  	[tilespmem:v4+s1+$0x0] =	vst.idx.add.f32.msk $0xffff, v2  }
0x245: {  	v5 =	vld.idx.msk [tilespmem:v5+s3+$0x0], $0xffff  }
0x246: {  	v3 =	vld.idx.msk [tilespmem:v3+s3+$0x0], $0xffff;
	_ =	sdelay $0x3  }
0x247: {  	v5 =	vmul.f32 v5, v2  }
0x248: {  	v2 =	vmul.f32 v3, v2  }
0x249: {  	[tilespmem:v4+s28+$0x0] =	vst.idx.add.f32.msk $0xffff, v5  }
0x24a: {  	[tilespmem:v4+s29+$0x0] =	vst.idx.add.f32.msk $0xffff, v2  }
0x24b: {  	v2 =	vld [tilespmem:s14+$0x0];
	_ =	sdelay $0x4  }
0x24c: {  	v2 =	vsub.f32 v2, v1;
	_ =	sdelay $0x1  }
0x24d: {  	v2 =	vmul.f32 $1.442695020e+00, v2;
	_ =	sdelay $0x1  }
0x24e: {  	(erf) = vpow2.f32 v2;
	_ =	sdelay $0x8  }
0x24f: {  	v2 =	vpop (erf)  }
0x250: {  	[tilespmem:s14+$0x0] =	vst v2  }
0x251: {  	v3 =	vld [tilespmem:s22+$0x0]  }
0x252: {  	v4 =	vld [tilespmem:s9+$0x0];
	_ =	sdelay $0x3  }
0x253: {  	v63 =	vadd.s32 $0x4E20, v3  }
0x254: {  	v3 =	vadd.s32 $0x7530, v3;
	_ =	sdelay $0x2  }
0x255: {  	[tilespmem:v4+s1+$0x0] =	vst.idx.add.f32.msk $0xffff, v2  }
0x256: {  	v5 =	vld.idx.msk [tilespmem:v63+s3+$0x0], $0xffff  }
0x257: {  	v3 =	vld.idx.msk [tilespmem:v3+s3+$0x0], $0xffff  }
0x258: {  	s7 =	sadd.s32 $0x2, s7  }
0x259: {  	p1 =	slt.u32 s7, $0x26E  }
.Ltmp6:
0x25a: {  	_ = 	snop;
	(pc) =	sbr.rel @p1 .LBB2_10-.Ltmp6, $4  }
0x25b: {  	v5 =	vmul.f32 v5, v2  }
0x25c: {  	v2 =	vmul.f32 v3, v2  }
0x25d: {  	[tilespmem:v4+s28+$0x0] =	vst.idx.add.f32.msk $0xffff, v5  }
0x25e: {  	s14 =	sadd.s32 $0x20, s14;
	s9 =	sadd.s32 $0x20, s9;
	s22 =	sadd.s32 $0x20, s22;
	[tilespmem:v4+s29+$0x0] =	vst.idx.add.f32.msk $0xffff, v2  }
.Ltmp7:
0x25f: {  	(pc) =	sbr.rel @p0 .LBB2_15-.Ltmp7, $1  }
0x260: {  	_ =	sdelay $0x3  }
0x261: {  	s7 =	simm.s32 $0x0  }
0x262: {  	v2 =	vld [tilespmem:s7+$0x18C00];
	_ =	sdelay $0x4  }
0x263: {  	v2 =	vsub.f32 v2, v1;
	_ =	sdelay $0x1  }
0x264: {  	v2 =	vmul.f32 $1.442695020e+00, v2;
	_ =	sdelay $0x1  }
0x265: {  	(erf) = vpow2.f32 v2;
	_ =	sdelay $0x1  }
0x266: {  	v3 =	vld [tilespmem:s7+$0x13A00]  }
0x267: {  	v2 =	vld [tilespmem:s7+$0x16300];
	_ =	sdelay $0x3  }
0x268: {  	v4 =	vadd.s32 $0x4E20, v3;
	_ =	sdelay $0x1  }
0x269: {  	v3 =	vadd.s32 $0x7530, v3;
	v5 =	vpop (erf)  }
0x26a: {  	[tilespmem:s7+$0x18C00] =	vst v5  }
0x26b: {  	[tilespmem:v2+s1+$0x0] =	vst.idx.add.f32.msk $0xffff, v5  }
0x26c: {  	v4 =	vld.idx.msk [tilespmem:v4+s3+$0x0], $0xffff;
	_ =	sdelay $0x1  }
0x26d: {  	v3 =	vld.idx.msk [tilespmem:v3+s3+$0x0], $0xffff;
	_ =	sdelay $0x2  }
0x26e: {  	v4 =	vmul.f32 v4, v5;
	_ =	sdelay $0x1  }
0x26f: {  	s9 =	simm.s32 $0x40;
	s7 =	simm.s32 $0x80;
	v3 =	vmul.f32 v3, v5;
	[tilespmem:v2+s28+$0x0] =	vst.idx.add.f32.msk $0xffff, v4  }
.LBB2_13:
0x270: {  	p1 =	sne.s32 s7, $0x7C0  }
0x271: {  	s14 =	sshra.s32 s9, $0x2;
	[tilespmem:v2+s29+$0x0] =	vst.idx.add.f32.msk $0xffff, v3;
	s9 =	smov.u32 s7;
	s7 =	sadd.s32 $0x40, s7  }
0x272: {  	v2 =	vld [tilespmem:s14+$0x18C00];
	_ =	sdelay $0x4  }
0x273: {  	v2 =	vsub.f32 v2, v1;
	_ =	sdelay $0x1  }
0x274: {  	v2 =	vmul.f32 $1.442695020e+00, v2;
	_ =	sdelay $0x1  }
0x275: {  	(erf) = vpow2.f32 v2;
	_ =	sdelay $0x1  }
0x276: {  	v3 =	vld [tilespmem:s14+$0x13A00]  }
0x277: {  	v2 =	vld [tilespmem:s14+$0x16300];
	_ =	sdelay $0x3  }
0x278: {  	v4 =	vadd.s32 $0x4E20, v3  }
0x279: {  	v3 =	vadd.s32 $0x7530, v3  }
0x27a: {  	v5 =	vpop (erf)  }
0x27b: {  	[tilespmem:s14+$0x18C00] =	vst v5  }
0x27c: {  	[tilespmem:v2+s1+$0x0] =	vst.idx.add.f32.msk $0xffff, v5  }
0x27d: {  	v4 =	vld.idx.msk [tilespmem:v4+s3+$0x0], $0xffff  }
0x27e: {  	v3 =	vld.idx.msk [tilespmem:v3+s3+$0x0], $0xffff;
	_ =	sdelay $0x2  }
.Ltmp8:
0x27f: {  	(pc) =	sbr.rel @p1 .LBB2_13-.Ltmp8, $4  }
0x280: {  	_ = 	snop  }
0x281: {  	v4 =	vmul.f32 v4, v5  }
0x282: {  	v3 =	vmul.f32 v3, v5  }
0x283: {  	[tilespmem:v2+s28+$0x0] =	vst.idx.add.f32.msk $0xffff, v4  }
.Ltmp9:
0x284: {  	_ = 	snop;
	(pc) =	sbr.rel .LBB2_14-.Ltmp9, $1  }
0x285: {  	_ =	sdelay $0x3  }
.LBB2_16:
0x286: {  	_ =	sfence.sel $0x180000  }
0x287: {  	[bflag:$0x0] =	sbarrier.arrive $0xFFFF  }
0x288: {  	_ =	strace $0x90000047  }
0x289: {  	s0 =	stileid.u32;
	[bflag:$0x2] =	sbarrier.arrive $0xFFFF  }
0x28a: {  	p0 =	sne.s32 s0, $0x0;
	s0 =	rddreg [dreg:$0x4]  }
0x28b: {  	s0 =	sadd.s32 @!p0 $0x100000, s0  }
0x28c: {  	[sflag:s0] =	ssyncadd.tile.s32 @!p0 $0x1;
	_ =	shalt  }
.Lfunc_end2:
_tile_overlayer_lowered:
.L_overlay_start_2:
0x28d: {  	(tag) =	ssettag $0x2  }
0x28e: {  	s0 =	rddreg [dreg:$0x0];
	s2 =	stileid.u32  }
0x28f: {  	s1 =	rddreg [dreg:$0x1];
	p0 =	sne.s32 s2, $0x0  }
0x290: {  	s3 =	rddreg [dreg:$0x2];
	[bflag:$0x3] =	sbarrier.arrive $0xFFFF;
	s2 =	simm.s32 @!p0 $0x1C02  }
0x291: {  	[timem:s3], [sflag:s2] =	dma.local @!p0 [hbm:s0], s1  }
0x292: {  	s0 =	simm.s32 @!p0 $0x2  }
0x293: {  	_ =	swait.ge @!p0 [sflag:s0], s1  }
0x294: {  	s1 =	ssub.s32 @!p0 $0x0, s1;
	[sflag:s0] =	ssyncset.done @!p0 $0x0  }
0x295: {  	[sflag:s0] =	ssyncadd.s32 @!p0 s1  }
0x296: {  	[bflag:$0x3] =	sbarrier.arrive $0xFFFF  }
0x297: {  	_ =	shalt  }

// kernel: kernel.9.cloned.1.call-start
scs
__scs_entry_jumppad:
0x0: {  	(pc) =	sbr.rel $0x88, $3  }
0x1: {  	(tag) =	ssettag $0x0;
	lr =	simm.s32 $0x1  }
0x2: {  	[smem:$0x3F97] =	sst lr;
	_ =	strace $0xD0000000  }
0x3: {  	_ = 	snop  }
0x4: {  	_ = 	snop  }
0x5: {  	_ = 	snop  }
0x6: {  	_ = 	snop  }
0x7: {  	_ = 	snop  }
__scs_overlays_trampoline_lowered:
0x8: {  	[smem:$0x3FA6] =	sst s0  }
0x9: {  	[smem:$0x3FA7] =	sst s1  }
0xa: {  	[smem:$0x3FA8] =	sst s2  }
0xb: {  	[smem:$0x3FA9] =	sst s3  }
0xc: {  	[smem:$0x3FAA] =	sst s4  }
0xd: {  	[smem:$0x3FAB] =	sst s5  }
0xe: {  	[smem:$0x3FAC] =	sst s6  }
0xf: {  	[smem:$0x3FAD] =	sst s7  }
0x10: {  	[smem:$0x3FAE] =	sst s8  }
0x11: {  	[smem:$0x3FAF] =	sst s9;
	s0 =	simm.s32 @!p0 $0x0  }
0x12: {  	s1 =	sld [smem:$0x3F95];
	s0 =	simm.s32 @p0 $0x1  }
0x13: {  	[smem:$0x3FB0] =	sst s0;
	s0 =	simm.s32 @!p1 $0x0  }
0x14: {  	s2 =	sld [smem:$0x3F94];
	s0 =	simm.s32 @p1 $0x1  }
0x15: {  	[smem:$0x3FB1] =	sst s0;
	s0 =	simm.s32 @!p2 $0x0  }
0x16: {  	s3 =	sld [smem:$0x3FDB];
	s0 =	simm.s32 @p2 $0x1  }
0x17: {  	s4 =	simm.s32 $0x1BF5;
	[smem:$0x3FB3] =	sst s0  }
0x18: {  	s0 =	sld [smem:$0x3F96];
	_ =	swait.ge [sflag:s4], $0x0  }
0x19: {  	s7 =	sld [smem:$0x3F97]  }
0x1a: {  	s8 =	sadd.s32 $0xFFFFE003, lr  }
0x1b: {  	s9 =	sadd.s32 $0xFFFFFEF7, lr;
	s5 =	simm.s32 $0xFFFFFFFF;
	p2 =	slt.u32 s8, $0xFFFFF086  }
0x1c: {  	p1 =	slt.u32 s9, $0xF7A;
	s5 =	simm.s32 @!p2 $0x0  }
0x1d: {  	s5 =	simm.s32 @p1 $0x1;
	p0 =	seq.s32 s7, s2  }
0x1e: {  	s7 =	smul.u32 @!p0 $0xF7A, s2;
	p2 =	seq.s32 @!p0 s5, $0x0  }
0x1f: {  	s9 =	smul.u32 $0xF7A, s1;
	s8 =	simm.s32 @!p0 $0x1BF5;
	p2 =	por !p2, p0  }
0x20: {  	[sflag:s8] =	ssyncset.s32 @!p0 $0xFFFFF086;
	s6 =	sadd.s32 @!p0 s3, s7;
	s7 =	simm.s32 @!p0 $0x108  }
0x21: {  	s3 =	sadd.s32 s3, s9;
	s6 =	sadd.s32 @!p0 $0x88, s6;
	s7 =	simm.s32 @p2 $0x1082  }
0x22: {  	[simem:s7], [sflag:s8] =	dma.local @!p0 [hbm:s6], $0xF7A  }
0x23: {  	s9 =	sor.u32 $0xD0000000, s2;
	s6 =	simm.s32 $0x108;
	_ =	swait.ge @!p0 [sflag:s8], $0x0  }
0x24: {  	s3 =	sadd.s32 $0x88, s3;
	s6 =	simm.s32 @!p1 $0x1082;
	[sflag:s4] =	ssyncset.s32 $0xFFFFF086  }
0x25: {  	[simem:s6], [sflag:s4] =	dma.local [hbm:s3], $0xF7A  }
0x26: {  	[smem:$0x3F97] =	sst s1;
	(tag) =	ssettag s2;
	_ =	strace s9  }
0x27: {  	s1 =	sld [smem:$0x3FA7]  }
0x28: {  	s2 =	sld [smem:$0x3FA8]  }
0x29: {  	s4 =	sld [smem:$0x3FAA]  }
0x2a: {  	p0 =	seq.s32 s5, $0x0;
	s5 =	sld [smem:$0x3FAB]  }
0x2b: {  	s6 =	sld [smem:$0x3FAC]  }
0x2c: {  	s7 =	sld [smem:$0x3FAD]  }
0x2d: {  	s3 =	simm.s32 $0x108;
	s8 =	sld [smem:$0x3FAE]  }
0x2e: {  	s3 =	simm.s32 @!p0 $0x1082;
	s9 =	sld [smem:$0x3FAF]  }
0x2f: {  	lr =	sadd.s32 s0, s3;
	s0 =	sld [smem:$0x3FA6]  }
0x30: {  	s3 =	sld [smem:$0x3FA9]  }
0x31: {  	[smem:$0x3FB2] =	sst s10  }
0x32: {  	s10 =	sld [smem:$0x3FB0];
	_ =	sdelay $0x3  }
0x33: {  	p0 =	seq.s32 s10, $0x1;
	s10 =	sld [smem:$0x3FB2];
	_ =	sdelay $0x3  }
0x34: {  	[smem:$0x3FB2] =	sst s10  }
0x35: {  	s10 =	sld [smem:$0x3FB1];
	_ =	sdelay $0x3  }
0x36: {  	p1 =	seq.s32 s10, $0x1;
	s10 =	sld [smem:$0x3FB2];
	_ =	sdelay $0x3  }
0x37: {  	[smem:$0x3FB2] =	sst s10  }
0x38: {  	s10 =	sld [smem:$0x3FB3]  }
0x39: {  	_ = 	snop;
	(pc) =	sbr.ind lr, $3  }
0x3a: {  	_ = 	snop  }
0x3b: {  	_ = 	snop  }
0x3c: {  	p2 =	seq.s32 s10, $0x1;
	s10 =	sld [smem:$0x3FB2]  }
0x3d: {  	_ =	shalt  }
0x3e: {  	_ =	shalt  }
0x3f: {  	_ =	shalt  }
0x40: {  	_ =	shalt  }
0x41: {  	_ =	shalt  }
0x42: {  	_ =	shalt  }
0x43: {  	_ =	shalt  }
0x44: {  	_ =	shalt  }
0x45: {  	_ =	shalt  }
0x46: {  	_ =	shalt  }
0x47: {  	_ =	shalt  }
0x48: {  	_ =	shalt  }
0x49: {  	_ =	shalt  }
0x4a: {  	_ =	shalt  }
0x4b: {  	_ =	shalt  }
0x4c: {  	_ =	shalt  }
0x4d: {  	_ =	shalt  }
0x4e: {  	_ =	shalt  }
0x4f: {  	_ =	shalt  }
0x50: {  	_ =	shalt  }
0x51: {  	_ =	shalt  }
0x52: {  	_ =	shalt  }
0x53: {  	_ =	shalt  }
0x54: {  	_ =	shalt  }
0x55: {  	_ =	shalt  }
0x56: {  	_ =	shalt  }
0x57: {  	_ =	shalt  }
0x58: {  	_ =	shalt  }
0x59: {  	_ =	shalt  }
0x5a: {  	_ =	shalt  }
0x5b: {  	_ =	shalt  }
0x5c: {  	_ =	shalt  }
0x5d: {  	_ =	shalt  }
0x5e: {  	_ =	shalt  }
0x5f: {  	_ =	shalt  }
0x60: {  	_ =	shalt  }
0x61: {  	_ =	shalt  }
0x62: {  	_ =	shalt  }
0x63: {  	_ =	shalt  }
0x64: {  	_ =	shalt  }
0x65: {  	_ =	shalt  }
0x66: {  	_ =	shalt  }
0x67: {  	_ =	shalt  }
0x68: {  	_ =	shalt  }
0x69: {  	_ =	shalt  }
0x6a: {  	_ =	shalt  }
0x6b: {  	_ =	shalt  }
0x6c: {  	_ =	shalt  }
0x6d: {  	_ =	shalt  }
0x6e: {  	_ =	shalt  }
0x6f: {  	_ =	shalt  }
0x70: {  	_ =	shalt  }
0x71: {  	_ =	shalt  }
0x72: {  	_ =	shalt  }
0x73: {  	_ =	shalt  }
0x74: {  	_ =	shalt  }
0x75: {  	_ =	shalt  }
0x76: {  	_ =	shalt  }
0x77: {  	_ =	shalt  }
0x78: {  	_ =	shalt  }
0x79: {  	_ =	shalt  }
0x7a: {  	_ =	shalt  }
0x7b: {  	_ =	shalt  }
0x7c: {  	_ =	shalt  }
0x7d: {  	_ =	shalt  }
0x7e: {  	_ =	shalt  }
0x7f: {  	_ =	shalt  }
0x80: {  	_ =	shalt  }
0x81: {  	_ =	shalt  }
0x82: {  	_ =	shalt  }
0x83: {  	_ =	shalt  }
0x84: {  	_ =	shalt  }
0x85: {  	_ =	shalt  }
0x86: {  	_ =	shalt  }
0x87: {  	_ =	shalt  }
.Lfunc_end0:
.L_simem_size_0:
called_computation.1_lowered:
.L_overlay_start_0:
0x88: {  	s2 =	sld [smem:$0x3FD9]  }
0x89: {  	s3 =	sld [smem:$0x3FFE];
	_ =	sdelay $0x1  }
0x8a: {  	s1 =	srdreg.scid  }
0x8b: {  	s0 =	sand.u32 $0x1, s1  }
0x8c: {  	s14 =	sshll.u32 s0, $0xA;
	s2 =	sadd.s32 s3, s2  }
0x8d: {  	s2 =	sadd.s32 s2, s14  }
0x8e: {  	[smem:$0x3FBE] =	sst s2  }
0x8f: {  	_ = 	snop  }
0x90: {  	s2 =	sld [smem:$0x3FD0];
	_ =	sdelay $0x2  }
0x91: {  	s15 =	simm.s32 $0xA;
	s4 =	simm.s32 $0x10  }
0x92: {  	[smem:s4], [sflag:s15] =	dma.local [hbm:s2], $0x1  }
0x93: {  	_ =	swait.eq [sflag:s15], $0x1  }
0x94: {  	[sflag:s15] =	ssyncset.done $0x0  }
0x95: {  	[sflag:s15] =	ssyncadd.s32 $0xFFFFFFFF  }
0x96: {  	s16 =	sld [smem:$0x11];
	(tm) =	ssettm $0x1  }
0x97: {  	s17 =	sld [smem:$0x3FFB];
	_ =	sdelay $0x3  }
0x98: {  	_ =	strace s17  }
0x99: {  	s3 =	sld [smem:$0x3FFC];
	_ =	sdelay $0x3  }
0x9a: {  	_ =	strace s3  }
0x9b: {  	s3 =	sld [smem:$0x3FFD];
	_ =	sdelay $0x3  }
0x9c: {  	_ =	strace s3  }
0x9d: {  	_ =	strace $0x8FFFFFFF  }
0x9e: {  	s18 =	sld [smem:$0x3FDB];
	_ =	sdelay $0x1  }
0x9f: {  	s19 =	simm.s32 $_scs_section_size  }
0xa0: {  	s5 =	simm.s32 $_size__tile_overlayer_lowered;
	s6 =	simm.s32 $_tile_overlayer_lowered  }
0xa1: {  	s22 =	simm.s32 $0x1BFF;
	s21 =	sshll.u32 s6, $0x1;
	s3 =	sadd.s32 s19, s18  }
0xa2: {  	s7 =	simm.s32 $0x0;
	s20 =	sshll.u32 s5, $0x1;
	s5 =	sadd.s32 s21, s3  }
0xa3: {  	[timem:s7], [sflag:s22] =	dma.local [hbm:s5], s20  }
0xa4: {  	_ =	swait.ge [sflag:s22], s20  }
0xa5: {  	s4 =	ssub.s32 $0x0, s20;
	[sflag:s22] =	ssyncset.done $0x0  }
0xa6: {  	[sflag:s22] =	ssyncadd.s32 s4;
	_ =	sdelay $0x1  }
0xa7: {  	s23 =	simm.s32 $0x1B8B  }
0xa8: {  	_ =	swait.ge [sflag:s23], $0x1  }
0xa9: {  	[sflag:s23] =	ssyncset.done $0x0  }
0xaa: {  	s25 =	simm.s32 $0x1B8E;
	s24 =	sld [smem:$0x3FFE];
	[sflag:s23] =	ssyncadd.s32 $0xFFFFFFFF  }
0xab: {  	s26 =	simm.s32 $execute0_lowered;
	[smem:$0x3FD2] =	sst s25  }
0xac: {  	s5 =	sshll.u32 s26, $0x1;
	_ =	strace $0x80000049;
	[dreg:$0x1] =	wrdreg $0xFFFFFFFF  }
0xad: {  	s28 =	simm.s32 $_size_execute0_lowered;
	s3 =	sadd.s32 s3, s5;
	[dreg:$0x0] =	wrdreg $0x0  }
0xae: {  	s5 =	sshll.u32 s28, $0x1;
	[dreg:$0x2] =	wrdreg s3  }
0xaf: {  	[dreg:$0x3] =	wrdreg s5  }
0xb0: {  	[dreg:$0x4] =	wrdreg $0xC0  }
0xb1: {  	_ =	task [dreg:s7], $0x5FFFF  }
0xb2: {  	[dreg:$0x1] =	wrdreg $0xFFFFFFFF  }
0xb3: {  	[dreg:$0x0] =	wrdreg $0x60  }
0xb4: {  	[dreg:$0x2] =	wrdreg s24  }
0xb5: {  	[dreg:$0x3] =	wrdreg s16  }
0xb6: {  	[dreg:$0x4] =	wrdreg $0x9  }
0xb7: {  	_ =	task.clear_ibuf [dreg:s7], $0x5FFFF;
	_ =	strace $0x90000049  }
0xb8: {  	s29 =	simm.s32 $0x9;
	_ =	strace $0x8000004B  }
0xb9: {  	_ =	swait.ge [sflag:s29], $0x1  }
0xba: {  	[sflag:s29] =	ssyncadd.s32 $0xFFFFFFFF  }
0xbb: {  	_ =	strace $0x9000004B  }
0xbc: {  	_ =	sfence  }
0xbd: {  	s30 =	sld [smem:$0x0];
	_ =	sdelay $0x2  }
0xbe: {  	s31 =	sshll.u32 s1, $0xD;
	s1 =	sshrl.u32 s1, $0x2  }
0xbf: {  	s3 =	sand.u32 $0x4000, s31;
	s1 =	sadd.s32 s1, s30  }
0xc0: {  	s0 =	sor.u32 s3, s0;
	s1 =	sshll.u32 s1, $0x11  }
0xc1: {  	s0 =	sor.u32 s1, s0  }
0xc2: {  	s0 =	sadd.s32 $0x8F2B, s0  }
0xc3: {  	[sflag:s0] =	ssyncadd.remote.s32 $0x1  }
0xc4: {  	_ =	sfence.sel $0xFFFF  }
0xc5: {  	[dreg:$0x0] =	wrdreg $0xFFFFFFFF;
	(pc) =	sbr.abs _section_cstart, $3  }
0xc6: {  	[dreg:$0x1] =	wrdreg $0xFFFFFFFF  }
0xc7: {  	_ =	task.clear_ibuf [dreg:s7], $0x2FFFF;
	_ =	strace $0x9FFFFFFF  }
0xc8: {  	(tm) =	ssettm $0x7FFFFFFF  }
0xc9: {  	_ =	shalt  }
tec
execute0_lowered:
.L_overlay_start_1:
0x0: {  	(tag) =	ssettag $0x1  }
0x1: {  	s0 =	srdreg.scid  }
0x2: {  	s23 =	rddreg [dreg:$0x0];
	s6 =	stileid.u32  }
0x3: {  	s8 =	simm.s32 $0xFFFFFFEC;
	s9 =	simm.s32 $0xFFFFFFEF;
	s10 =	simm.s32 $0xFFFFFFF1  }
0x4: {  	s14 =	simm.s32 $0xFFFFFFF2;
	s15 =	simm.s32 $0xFFFFFFF5;
	s16 =	simm.s32 $0xFFFFFFF8  }
0x5: {  	s21 =	simm.s32 $0xFFFFFFFB;
	s1 =	sand.u32 $0x1, s0;
	s22 =	sshll.u32 s6, $0x4  }
0x6: {  	s2 =	ssub.s32 $0x2, s1;
	s3 =	sshll.u32 s1, $0x4;
	s0 =	sand.u32 $0x70, s22  }
0x7: {  	s4 =	sshrl.u32 s2, $0x1;
	s22 =	sor.u32 s6, s3;
	s24 =	sadd.s32 s0, s23  }
0x8: {  	s6 =	simm.s32 $0xFFFFFFE9;
	s25 =	ssub.s32 s2, s4;
	s26 =	smul.u32 $0x19, s22  }
0x9: {  	s31 =	sshll.u32 s22, $0x4;
	p0 =	seq.s32 s22, $0x1F;
	s4 =	simm.s32 $0xFFFFFFE8  }
0xa: {  	[smem:$0x7FC] =	sst s25;
	s2 =	sand.u32 $0x180, s31;
	s4 =	simm.s32 @!p0 $0x1  }
0xb: {  	p0 =	sgt.u32 s22, $0x1D;
	s0 =	sshrl.u32 s26, $0x5;
	s2 =	sadd.s32 s2, s24  }
0xc: {  	s6 =	simm.s32 @!p0 $0x2;
	p0 =	sgt.u32 s22, $0x1C;
	s24 =	simm.s32 $0xFFFFFFFE  }
0xd: {  	s4 =	sadd.s32 s4, s0;
	[smem:$0x7FA] =	sst s2;
	s26 =	smul.u32 $0x190, s0  }
0xe: {  	s3 =	sadd.s32 s6, s0;
	s2 =	simm.s32 $0xFFFFFFEA;
	s31 =	smul.u32 $0x190, s4  }
0xf: {  	s2 =	simm.s32 @!p0 $0x3;
	p0 =	sgt.u32 s22, $0x1A;
	s4 =	simm.s32 $0xFFFFFFEB  }
0x10: {  	s4 =	simm.s32 @!p0 $0x4;
	p0 =	sgt.u32 s22, $0x19;
	s6 =	sadd.s32 s2, s0  }
0x11: {  	s2 =	simm.s32 $0xFFFFFFED;
	[dreg:$0x4] =	wrdreg s26;
	s7 =	sadd.s32 s4, s0  }
0x12: {  	s8 =	simm.s32 @!p0 $0x5;
	p0 =	sgt.u32 s22, $0x18;
	s6 =	smul.u32 $0x190, s6  }
0x13: {  	[dreg:$0x3] =	wrdreg s31;
	s4 =	sadd.s32 s8, s0;
	s2 =	simm.s32 @!p0 $0x6  }
0x14: {  	p0 =	sgt.u32 s22, $0x17;
	s8 =	simm.s32 $0xFFFFFFEE;
	s7 =	smul.u32 $0x190, s7  }
0x15: {  	s8 =	simm.s32 @!p0 $0x7;
	p0 =	sgt.u32 s22, $0x15;
	s11 =	sadd.s32 s2, s0  }
0x16: {  	s2 =	simm.s32 $0xFFFFFFF0;
	s4 =	smul.u32 $0x190, s4;
	[dreg:$0x7] =	wrdreg s6  }
0x17: {  	s8 =	sadd.s32 s8, s0;
	s9 =	simm.s32 @!p0 $0x8;
	p0 =	sgt.u32 s22, $0x14  }
0x18: {  	[dreg:$0x8] =	wrdreg s7;
	s2 =	simm.s32 @!p0 $0x9;
	p0 =	sgt.u32 s22, $0x13  }
0x19: {  	s9 =	sadd.s32 s9, s0;
	[dreg:$0xb] =	wrdreg s4;
	s10 =	simm.s32 @!p0 $0xA  }
0x1a: {  	p0 =	sgt.u32 s22, $0x11;
	s12 =	sadd.s32 s2, s0;
	s2 =	simm.s32 $0xFFFFFFF3  }
0x1b: {  	s13 =	sadd.s32 s10, s0;
	s14 =	simm.s32 @!p0 $0xB;
	p0 =	sgt.u32 s22, $0x10  }
0x1c: {  	s2 =	simm.s32 @!p0 $0xC;
	p0 =	seq.s32 s1, $0x0;
	s1 =	simm.s32 $0xD  }
0x1d: {  	s12 =	smul.u32 $0x190, s12;
	s10 =	sadd.s32 s14, s0;
	s1 =	simm.s32 @!p0 $0xFFFFFFF4  }
0x1e: {  	p0 =	sgt.u32 s22, $0xE;
	s17 =	sadd.s32 s2, s0;
	s14 =	sadd.s32 s1, s0  }
0x1f: {  	s15 =	simm.s32 @!p0 $0xE;
	p0 =	sgt.u32 s22, $0xC;
	s1 =	simm.s32 $0xFFFFFFF6  }
0x20: {  	s2 =	simm.s32 $0xFFFFFFF7;
	s1 =	simm.s32 @!p0 $0xF;
	p0 =	sgt.u32 s22, $0xB  }
0x21: {  	[dreg:$0x13] =	wrdreg s12;
	s15 =	sadd.s32 s15, s0;
	s2 =	simm.s32 @!p0 $0x10  }
0x22: {  	p0 =	sgt.u32 s22, $0xA;
	s18 =	sadd.s32 s1, s0;
	s1 =	simm.s32 $0xFFFFFFF9  }
0x23: {  	s19 =	sadd.s32 s2, s0;
	s16 =	simm.s32 @!p0 $0x11;
	p0 =	sgt.u32 s22, $0x8  }
0x24: {  	s2 =	simm.s32 $0xFFFFFFFA;
	s1 =	simm.s32 @!p0 $0x12;
	p0 =	sgt.u32 s22, $0x7  }
0x25: {  	s16 =	sadd.s32 s16, s0;
	s2 =	simm.s32 @!p0 $0x13;
	p0 =	sgt.u32 s22, $0x6  }
0x26: {  	s28 =	sadd.s32 s1, s0;
	s1 =	simm.s32 $0xFFFFFFFC;
	s20 =	sadd.s32 s2, s0  }
0x27: {  	s21 =	simm.s32 @!p0 $0x14;
	p0 =	sgt.u32 s22, $0x5;
	s2 =	simm.s32 $0xFFFFFFFD  }
0x28: {  	s21 =	sadd.s32 s21, s0;
	s1 =	simm.s32 @!p0 $0x15;
	p0 =	sgt.u32 s22, $0x3  }
0x29: {  	s2 =	simm.s32 @!p0 $0x16;
	p0 =	sgt.u32 s22, $0x2;
	s29 =	sadd.s32 s1, s0  }
0x2a: {  	s1 =	simm.s32 $0x18;
	s24 =	simm.s32 @!p0 $0x17;
	p0 =	seq.s32 s0, $0x0  }
0x2b: {  	s30 =	sadd.s32 s2, s0;
	s2 =	simm.s32 $0x0;
	s1 =	simm.s32 @!p0 $0xFFFFFFFF  }
0x2c: {  	s25 =	sadd.s32 s24, s0;
	s5 =	sadd.s32 s0, s1;
	s1 =	smul.u32 $0x2700, s22  }
0x2d: {  	s24 =	sadd.s32 $0x16A00, s23;
	s0 =	smul.u32 $0x190, s3;
	s3 =	sshrl.u32 s26, $0x3  }
0x2e: {  	[smem:$0x7FF] =	sst s2;
	s3 =	sadd.s32 s24, s3  }
0x2f: {  	s26 =	sshrl.u32 s1, $0x3;
	[dreg:$0x6] =	wrdreg s3;
	s3 =	sshrl.u32 s31, $0x3  }
0x30: {  	[dreg:$0x5] =	wrdreg s0;
	s31 =	sshrl.u32 s0, $0x3;
	s1 =	sadd.s32 s24, s3  }
0x31: {  	s3 =	sadd.s32 s24, s31;
	s31 =	smul.u32 $0x190, s11;
	[dreg:$0x9] =	wrdreg s1  }
0x32: {  	[dreg:$0xa] =	wrdreg s3;
	s3 =	sshrl.u32 s6, $0x3;
	s6 =	sshrl.u32 s7, $0x3  }
0x33: {  	s0 =	sadd.s32 s24, s3;
	s7 =	sadd.s32 s24, s6;
	[dreg:$0xc] =	wrdreg s31  }
0x34: {  	s6 =	smul.u32 $0x190, s8;
	s8 =	sshrl.u32 s4, $0x3;
	[dreg:$0xd] =	wrdreg s0  }
0x35: {  	[dreg:$0xe] =	wrdreg s7;
	s0 =	sadd.s32 s24, s8  }
0x36: {  	s7 =	smul.u32 $0x190, s9;
	s9 =	sshrl.u32 s31, $0x3;
	[dreg:$0x11] =	wrdreg s0  }
0x37: {  	s11 =	sadd.s32 s24, s9;
	[dreg:$0xf] =	wrdreg s6  }
0x38: {  	s31 =	smul.u32 $0x190, s13;
	[dreg:$0x12] =	wrdreg s11  }
0x39: {  	s3 =	smul.u32 $0x190, s16;
	s6 =	sshrl.u32 s6, $0x3;
	[dreg:$0x10] =	wrdreg s7  }
0x3a: {  	s9 =	smul.u32 $0x190, s10;
	s0 =	sadd.s32 s24, s6;
	[dreg:$0x14] =	wrdreg s31  }
0x3b: {  	p0 =	sne.s32 s22, $0x0;
	s10 =	smul.u32 $0x190, s17;
	[dreg:$0x15] =	wrdreg s0  }
0x3c: {  	s17 =	smul.u32 $0x190, s14;
	s7 =	sshrl.u32 s7, $0x3;
	[dreg:$0x17] =	wrdreg s9  }
0x3d: {  	s11 =	sshrl.u32 s12, $0x3;
	s12 =	sshrl.u32 s31, $0x3;
	[dreg:$0x18] =	wrdreg s10  }
0x3e: {  	s31 =	smul.u32 $0x190, s15;
	s8 =	sadd.s32 s24, s7;
	[dreg:$0x1b] =	wrdreg s17  }
0x3f: {  	s0 =	sadd.s32 s24, s11;
	s13 =	sadd.s32 s24, s12;
	[dreg:$0x16] =	wrdreg s8  }
0x40: {  	s6 =	sshrl.u32 s9, $0x3;
	s11 =	smul.u32 $0x190, s19;
	[dreg:$0x19] =	wrdreg s0  }
0x41: {  	s12 =	sshrl.u32 s17, $0x3;
	[dreg:$0x1a] =	wrdreg s13;
	s8 =	sshrl.u32 s10, $0x3  }
0x42: {  	s0 =	sadd.s32 s24, s6;
	s10 =	smul.u32 $0x190, s18;
	[dreg:$0x1c] =	wrdreg s31  }
0x43: {  	s13 =	sshrl.u32 s31, $0x3;
	s6 =	smul.u32 $0x190, s20;
	s18 =	sshrl.u32 s3, $0x3  }
0x44: {  	[dreg:$0x1d] =	wrdreg s0;
	s9 =	sadd.s32 s24, s8;
	s0 =	sadd.s32 s24, s12  }
0x45: {  	s14 =	sadd.s32 s24, s13;
	s8 =	smul.u32 $0x190, s28;
	[dreg:$0x1e] =	wrdreg s9  }
0x46: {  	s16 =	sshrl.u32 s11, $0x3;
	s12 =	smul.u32 $0x190, s21;
	[smem:$0x7F6] =	sst s0  }
0x47: {  	s7 =	sadd.s32 s24, s18;
	s28 =	simm.s32 $0x1;
	[smem:$0x7F7] =	sst s14  }
0x48: {  	[dreg:$0x1f] =	wrdreg s10;
	s15 =	sshrl.u32 s10, $0x3;
	s10 =	smul.u32 $0x190, s29  }
0x49: {  	s9 =	smov.u32 s11;
	s17 =	sadd.s32 s24, s16;
	s16 =	smul.u32 $0x190, s30  }
0x4a: {  	s20 =	sshrl.u32 s6, $0x3;
	s14 =	smul.u32 $0x190, s25;
	s0 =	sadd.s32 s24, s15  }
0x4b: {  	[smem:$0x7F9] =	sst s17;
	s19 =	sshrl.u32 s8, $0x3;
	s21 =	sshrl.u32 s12, $0x3  }
0x4c: {  	s11 =	sadd.s32 s24, s20;
	s20 =	smul.u32 $0x190, s5;
	s5 =	smov.u32 s23  }
0x4d: {  	[smem:$0x7F8] =	sst s0;
	s13 =	sadd.s32 s24, s19;
	s17 =	sadd.s32 s24, s21  }
0x4e: {  	s25 =	sshrl.u32 s10, $0x3;
	s31 =	sshrl.u32 s16, $0x3;
	s1 =	sshrl.u32 s14, $0x3  }
0x4f: {  	s29 =	sadd.s32 $0x16840, s5;
	s15 =	sadd.s32 s24, s25;
	s21 =	sadd.s32 s24, s31  }
0x50: {  	s18 =	sadd.s32 s24, s1;
	s1 =	rddreg [dreg:$0x1];
	_ =	strace $0x8000004A  }
0x51: {  	s4 =	sshrl.u32 s20, $0x3;
	s25 =	sadd.s32 s23, s26;
	s31 =	sld [smem:$0x7FA]  }
.Ltmp0:
0x52: {  	s5 =	sadd.s32 s1, s26;
	s26 =	sld [smem:$0x7FC];
	(pc) =	sbr.rel .LBB2_1-.Ltmp0, $4  }
0x53: {  	s23 =	sadd.s32 $0x3E200, s23;
	s19 =	sadd.s32 s24, s4;
	s24 =	sadd.s32 $0x34600, s25  }
0x54: {  	s25 =	sadd.s32 $0xCC40, s25;
	[smem:$0x7FB] =	sst s5;
	s5 =	simm.s32 $0x0  }
0x55: {  	s22 =	sadd.s32 $0x17000, s31;
	s30 =	smax.u32 s26, $0x1;
	s31 =	sadd.s32 $0x9C00, s1  }
0x56: {  	s26 =	simm.s32 $0x2780;
	s1 =	simm.s32 $0x2;
	[smem:$0x7FD] =	sst s31  }
.LBB2_7:
0x57: {  	s0 =	sld [smem:$0x7FB];
	_ =	sdelay $0x2  }
0x58: {  	[hbm4b:s0+s2] =	stream.linear.scatter [tilespmem:s26], [sflag:$0x2], $0x2700, $0x38;
	[tilespmem:$0x7A00] =	vst v63  }
0x59: {  	_ =	swait.ge [sflag:s1], $0x2700  }
0x5a: {  	[sflag:s1] =	ssyncset.done $0x0  }
0x5b: {  	[sflag:s1] =	ssyncadd.s32 $0xFFFFD900  }
.LBB2_8:
0x5c: {  	s5 =	sadd.s32 $0x1, s5  }
0x5d: {  	p1 =	sne.s32 s5, s30  }
.Ltmp1:
0x5e: {  	_ = 	snop;
	(pc) =	sbr.rel @!p1 .LBB2_9-.Ltmp1, $1  }
0x5f: {  	_ =	sdelay $0x3  }
.LBB2_1:
0x60: {  	[tilespmem:s26], [sflag:$0x1] =	stream.linear.gather [hbm4b:s24+s2], $0x2700, $0x38;
	[tilespmem:$0x7A00] =	vst v63  }
0x61: {  	s0 =	simm.s32 $0x5080  }
0x62: {  	[tilespmem:s0], [sflag:$0x1] =	stream.linear.gather [hbm4b:s25+s2], $0x2700, $0x38;
	[tilespmem:$0x7A00] =	vst v63  }
0x63: {  	s4 =	simm.s32 $0x7980  }
0x64: {  	[tilespmem:s4], [sflag:$0x1] =	stream.linear.gather [hbm4b:s22+s2], $0x80, $0x38;
	[tilespmem:$0x7A00] =	vst v63  }
0x65: {  	s4 =	simm.s32 $0x4E80  }
0x66: {  	[tilespmem:s4], [sflag:$0x1] =	stream.linear.gather [hbm4b:s23+s2], $0x200, $0x38;
	[tilespmem:$0x7A00] =	vst v63  }
0x67: {  	s0 =	rddreg [dreg:$0x4];
	s4 =	simm.s32 $0x7780  }
0x68: {  	[tilespmem:s4], [sflag:$0x1] =	stream.linear.gather [hbm4b:s29+s2], $0x200, $0x38;
	[tilespmem:$0x7A00] =	vst v63  }
0x69: {  	s4 =	rddreg [dreg:$0x6]  }
0x6a: {  	[tilespmem:s0], [sflag:$0x1] =	stream.linear.gather [hbm4b:s4+s2], $0x190, $0x38;
	[tilespmem:$0x7A00] =	vst v63  }
0x6b: {  	s0 =	rddreg [dreg:$0x3]  }
0x6c: {  	s4 =	rddreg [dreg:$0x9]  }
0x6d: {  	[tilespmem:s0], [sflag:$0x1] =	stream.linear.gather [hbm4b:s4+s2], $0x190, $0x38;
	[tilespmem:$0x7A00] =	vst v63  }
0x6e: {  	s0 =	rddreg [dreg:$0x5]  }
0x6f: {  	s4 =	rddreg [dreg:$0xa]  }
0x70: {  	[tilespmem:s0], [sflag:$0x1] =	stream.linear.gather [hbm4b:s4+s2], $0x190, $0x38;
	[tilespmem:$0x7A00] =	vst v63  }
0x71: {  	s0 =	rddreg [dreg:$0x7]  }
0x72: {  	s4 =	rddreg [dreg:$0xd]  }
0x73: {  	[tilespmem:s0], [sflag:$0x1] =	stream.linear.gather [hbm4b:s4+s2], $0x190, $0x38;
	[tilespmem:$0x7A00] =	vst v63  }
0x74: {  	s0 =	rddreg [dreg:$0x8]  }
0x75: {  	s4 =	rddreg [dreg:$0xe]  }
0x76: {  	[tilespmem:s0], [sflag:$0x1] =	stream.linear.gather [hbm4b:s4+s2], $0x190, $0x38;
	[tilespmem:$0x7A00] =	vst v63  }
0x77: {  	s0 =	rddreg [dreg:$0xb]  }
0x78: {  	s4 =	rddreg [dreg:$0x11]  }
0x79: {  	[tilespmem:s0], [sflag:$0x1] =	stream.linear.gather [hbm4b:s4+s2], $0x190, $0x38;
	[tilespmem:$0x7A00] =	vst v63  }
0x7a: {  	s0 =	rddreg [dreg:$0xc]  }
0x7b: {  	s4 =	rddreg [dreg:$0x12]  }
0x7c: {  	[tilespmem:s0], [sflag:$0x1] =	stream.linear.gather [hbm4b:s4+s2], $0x190, $0x38;
	[tilespmem:$0x7A00] =	vst v63  }
0x7d: {  	s0 =	rddreg [dreg:$0xf]  }
0x7e: {  	s4 =	rddreg [dreg:$0x15]  }
0x7f: {  	[tilespmem:s0], [sflag:$0x1] =	stream.linear.gather [hbm4b:s4+s2], $0x190, $0x38;
	[tilespmem:$0x7A00] =	vst v63  }
0x80: {  	s0 =	rddreg [dreg:$0x10]  }
0x81: {  	s4 =	rddreg [dreg:$0x16]  }
0x82: {  	[tilespmem:s0], [sflag:$0x1] =	stream.linear.gather [hbm4b:s4+s2], $0x190, $0x38;
	[tilespmem:$0x7A00] =	vst v63  }
0x83: {  	s0 =	rddreg [dreg:$0x13]  }
0x84: {  	s4 =	rddreg [dreg:$0x19]  }
0x85: {  	[tilespmem:s0], [sflag:$0x1] =	stream.linear.gather [hbm4b:s4+s2], $0x190, $0x38;
	[tilespmem:$0x7A00] =	vst v63  }
0x86: {  	s0 =	rddreg [dreg:$0x14]  }
0x87: {  	s4 =	rddreg [dreg:$0x1a]  }
0x88: {  	[tilespmem:s0], [sflag:$0x1] =	stream.linear.gather [hbm4b:s4+s2], $0x190, $0x38;
	[tilespmem:$0x7A00] =	vst v63  }
0x89: {  	s0 =	rddreg [dreg:$0x17]  }
0x8a: {  	s4 =	rddreg [dreg:$0x1d]  }
0x8b: {  	[tilespmem:s0], [sflag:$0x1] =	stream.linear.gather [hbm4b:s4+s2], $0x190, $0x38;
	[tilespmem:$0x7A00] =	vst v63  }
0x8c: {  	s0 =	rddreg [dreg:$0x18]  }
0x8d: {  	s4 =	rddreg [dreg:$0x1e]  }
0x8e: {  	[tilespmem:s0], [sflag:$0x1] =	stream.linear.gather [hbm4b:s4+s2], $0x190, $0x38;
	[tilespmem:$0x7A00] =	vst v63  }
0x8f: {  	s4 =	sld [smem:$0x7F6];
	_ =	sdelay $0x1  }
0x90: {  	s0 =	rddreg [dreg:$0x1b]  }
0x91: {  	[tilespmem:s0], [sflag:$0x1] =	stream.linear.gather [hbm4b:s4+s2], $0x190, $0x38;
	[tilespmem:$0x7A00] =	vst v63  }
0x92: {  	s4 =	sld [smem:$0x7F7];
	_ =	sdelay $0x1  }
0x93: {  	s0 =	rddreg [dreg:$0x1c]  }
0x94: {  	[tilespmem:s0], [sflag:$0x1] =	stream.linear.gather [hbm4b:s4+s2], $0x190, $0x38;
	[tilespmem:$0x7A00] =	vst v63  }
0x95: {  	s4 =	sld [smem:$0x7F8];
	_ =	sdelay $0x1  }
0x96: {  	s0 =	rddreg [dreg:$0x1f]  }
0x97: {  	[tilespmem:s0], [sflag:$0x1] =	stream.linear.gather [hbm4b:s4+s2], $0x190, $0x38;
	[tilespmem:$0x7A00] =	vst v63  }
0x98: {  	s4 =	sld [smem:$0x7F9];
	_ =	sdelay $0x2  }
0x99: {  	[tilespmem:s9], [sflag:$0x1] =	stream.linear.gather [hbm4b:s4+s2], $0x190, $0x38;
	[tilespmem:$0x7A00] =	vst v63  }
0x9a: {  	_ = 	snop  }
0x9b: {  	[tilespmem:s3], [sflag:$0x1] =	stream.linear.gather [hbm4b:s7+s2], $0x190, $0x38;
	[tilespmem:$0x7A00] =	vst v63  }
0x9c: {  	_ = 	snop  }
0x9d: {  	[tilespmem:s8], [sflag:$0x1] =	stream.linear.gather [hbm4b:s13+s2], $0x190, $0x38;
	[tilespmem:$0x7A00] =	vst v63  }
0x9e: {  	_ = 	snop  }
0x9f: {  	[tilespmem:s6], [sflag:$0x1] =	stream.linear.gather [hbm4b:s11+s2], $0x190, $0x38;
	[tilespmem:$0x7A00] =	vst v63  }
0xa0: {  	_ = 	snop  }
0xa1: {  	[tilespmem:s12], [sflag:$0x1] =	stream.linear.gather [hbm4b:s17+s2], $0x190, $0x38;
	[tilespmem:$0x7A00] =	vst v63  }
0xa2: {  	_ = 	snop  }
0xa3: {  	[tilespmem:s10], [sflag:$0x1] =	stream.linear.gather [hbm4b:s15+s2], $0x190, $0x38;
	[tilespmem:$0x7A00] =	vst v63  }
0xa4: {  	_ = 	snop  }
0xa5: {  	[tilespmem:s16], [sflag:$0x1] =	stream.linear.gather [hbm4b:s21+s2], $0x190, $0x38;
	[tilespmem:$0x7A00] =	vst v63  }
0xa6: {  	_ = 	snop  }
0xa7: {  	[tilespmem:s14], [sflag:$0x1] =	stream.linear.gather [hbm4b:s18+s2], $0x190, $0x38;
	[tilespmem:$0x7A00] =	vst v63  }
0xa8: {  	_ = 	snop  }
0xa9: {  	[tilespmem:s20], [sflag:$0x1] =	stream.linear.gather [hbm4b:s19+s2], $0x190, $0x38;
	[tilespmem:$0x7A00] =	vst v63  }
0xaa: {  	_ =	swait.ge [sflag:s28], $0x2700  }
0xab: {  	[sflag:s28] =	ssyncset.done $0x0  }
0xac: {  	[sflag:s28] =	ssyncadd.s32 $0xFFFFD900  }
0xad: {  	_ =	swait.ge [sflag:s28], $0x2700  }
0xae: {  	[sflag:s28] =	ssyncset.done $0x0  }
0xaf: {  	[sflag:s28] =	ssyncadd.s32 $0xFFFFD900  }
0xb0: {  	_ =	swait.ge [sflag:s28], $0x80  }
0xb1: {  	[sflag:s28] =	ssyncset.done $0x0  }
0xb2: {  	[sflag:s28] =	ssyncadd.s32 $0xFFFFFF80  }
0xb3: {  	_ =	swait.ge [sflag:s28], $0x200  }
0xb4: {  	[sflag:s28] =	ssyncset.done $0x0  }
0xb5: {  	[sflag:s28] =	ssyncadd.s32 $0xFFFFFE00  }
0xb6: {  	_ =	swait.ge [sflag:s28], $0x200  }
0xb7: {  	[sflag:s28] =	ssyncset.done $0x0  }
0xb8: {  	[sflag:s28] =	ssyncadd.s32 $0xFFFFFE00  }
0xb9: {  	_ =	swait.ge [sflag:s28], $0x190  }
0xba: {  	[sflag:s28] =	ssyncset.done $0x0  }
0xbb: {  	[sflag:s28] =	ssyncadd.s32 $0xFFFFFE70  }
0xbc: {  	_ =	swait.ge [sflag:s28], $0x190  }
0xbd: {  	[sflag:s28] =	ssyncset.done $0x0  }
0xbe: {  	[sflag:s28] =	ssyncadd.s32 $0xFFFFFE70  }
0xbf: {  	_ =	swait.ge [sflag:s28], $0x190  }
0xc0: {  	[sflag:s28] =	ssyncset.done $0x0  }
0xc1: {  	[sflag:s28] =	ssyncadd.s32 $0xFFFFFE70  }
0xc2: {  	_ =	swait.ge [sflag:s28], $0x190  }
0xc3: {  	[sflag:s28] =	ssyncset.done $0x0  }
0xc4: {  	[sflag:s28] =	ssyncadd.s32 $0xFFFFFE70  }
0xc5: {  	_ =	swait.ge [sflag:s28], $0x190  }
0xc6: {  	[sflag:s28] =	ssyncset.done $0x0  }
0xc7: {  	[sflag:s28] =	ssyncadd.s32 $0xFFFFFE70  }
0xc8: {  	_ =	swait.ge [sflag:s28], $0x190  }
0xc9: {  	[sflag:s28] =	ssyncset.done $0x0  }
0xca: {  	[sflag:s28] =	ssyncadd.s32 $0xFFFFFE70  }
0xcb: {  	_ =	swait.ge [sflag:s28], $0x190  }
0xcc: {  	[sflag:s28] =	ssyncset.done $0x0  }
0xcd: {  	[sflag:s28] =	ssyncadd.s32 $0xFFFFFE70  }
0xce: {  	_ =	swait.ge [sflag:s28], $0x190  }
0xcf: {  	[sflag:s28] =	ssyncset.done $0x0  }
0xd0: {  	[sflag:s28] =	ssyncadd.s32 $0xFFFFFE70  }
0xd1: {  	_ =	swait.ge [sflag:s28], $0x190  }
0xd2: {  	[sflag:s28] =	ssyncset.done $0x0  }
0xd3: {  	[sflag:s28] =	ssyncadd.s32 $0xFFFFFE70  }
0xd4: {  	_ =	swait.ge [sflag:s28], $0x190  }
0xd5: {  	[sflag:s28] =	ssyncset.done $0x0  }
0xd6: {  	[sflag:s28] =	ssyncadd.s32 $0xFFFFFE70  }
0xd7: {  	_ =	swait.ge [sflag:s28], $0x190  }
0xd8: {  	[sflag:s28] =	ssyncset.done $0x0  }
0xd9: {  	[sflag:s28] =	ssyncadd.s32 $0xFFFFFE70  }
0xda: {  	_ =	swait.ge [sflag:s28], $0x190  }
0xdb: {  	[sflag:s28] =	ssyncset.done $0x0  }
0xdc: {  	[sflag:s28] =	ssyncadd.s32 $0xFFFFFE70  }
0xdd: {  	_ =	swait.ge [sflag:s28], $0x190  }
0xde: {  	[sflag:s28] =	ssyncset.done $0x0  }
0xdf: {  	[sflag:s28] =	ssyncadd.s32 $0xFFFFFE70  }
0xe0: {  	_ =	swait.ge [sflag:s28], $0x190  }
0xe1: {  	[sflag:s28] =	ssyncset.done $0x0  }
0xe2: {  	[sflag:s28] =	ssyncadd.s32 $0xFFFFFE70  }
0xe3: {  	_ =	swait.ge [sflag:s28], $0x190  }
0xe4: {  	[sflag:s28] =	ssyncset.done $0x0  }
0xe5: {  	[sflag:s28] =	ssyncadd.s32 $0xFFFFFE70  }
0xe6: {  	_ =	swait.ge [sflag:s28], $0x190  }
0xe7: {  	[sflag:s28] =	ssyncset.done $0x0  }
0xe8: {  	[sflag:s28] =	ssyncadd.s32 $0xFFFFFE70  }
0xe9: {  	_ =	swait.ge [sflag:s28], $0x190  }
0xea: {  	[sflag:s28] =	ssyncset.done $0x0  }
0xeb: {  	[sflag:s28] =	ssyncadd.s32 $0xFFFFFE70  }
0xec: {  	_ =	swait.ge [sflag:s28], $0x190  }
0xed: {  	[sflag:s28] =	ssyncset.done $0x0  }
0xee: {  	[sflag:s28] =	ssyncadd.s32 $0xFFFFFE70  }
0xef: {  	_ =	swait.ge [sflag:s28], $0x190  }
0xf0: {  	[sflag:s28] =	ssyncset.done $0x0  }
0xf1: {  	[sflag:s28] =	ssyncadd.s32 $0xFFFFFE70  }
0xf2: {  	_ =	swait.ge [sflag:s28], $0x190  }
0xf3: {  	[sflag:s28] =	ssyncset.done $0x0  }
0xf4: {  	[sflag:s28] =	ssyncadd.s32 $0xFFFFFE70  }
0xf5: {  	_ =	swait.ge [sflag:s28], $0x190  }
0xf6: {  	[sflag:s28] =	ssyncset.done $0x0  }
0xf7: {  	[sflag:s28] =	ssyncadd.s32 $0xFFFFFE70  }
0xf8: {  	_ =	swait.ge [sflag:s28], $0x190  }
0xf9: {  	[sflag:s28] =	ssyncset.done $0x0  }
0xfa: {  	[sflag:s28] =	ssyncadd.s32 $0xFFFFFE70  }
0xfb: {  	_ =	swait.ge [sflag:s28], $0x190  }
0xfc: {  	[sflag:s28] =	ssyncset.done $0x0  }
0xfd: {  	[sflag:s28] =	ssyncadd.s32 $0xFFFFFE70  }
0xfe: {  	_ =	swait.ge [sflag:s28], $0x190  }
0xff: {  	[sflag:s28] =	ssyncset.done $0x0  }
0x100: {  	[sflag:s28] =	ssyncadd.s32 $0xFFFFFE70  }
0x101: {  	_ =	swait.ge [sflag:s28], $0x190  }
0x102: {  	[sflag:s28] =	ssyncset.done $0x0  }
0x103: {  	[sflag:s28] =	ssyncadd.s32 $0xFFFFFE70  }
0x104: {  	v0 =	vld.msk [tilespmem:$0x7980 ss:$0x0], $0xffff;
	_ =	sdelay $0x1  }
0x105: {  	s31 =	simm.s32 $0xFFFFFFFE;
	s0 =	simm.s32 $0x5090;
	s4 =	simm.s32 $0x2790  }
.LBB2_2:
0x106: {  	v1 =	vld [tilespmem:s0+$0xFFFFFFF0];
	_ =	sdelay $0x5  }
0x107: {  	v2 =	vld [tilespmem:s4+$0xFFFFFFF0];
	_ =	sdelay $0x1  }
0x108: {  	v1 =	vld.idx.msk [tilespmem:v1+s2+$0x0], $0xffff;
	_ =	sdelay $0x2  }
0x109: {  	v2 =	vmul.f32 v2, v0;
	_ =	sdelay $0x1  }
0x10a: {  	v1 =	vmul.f32 v1, v2;
	_ =	sdelay $0x1  }
0x10b: {  	[tilespmem:s4+$0xFFFFFFF0] =	vst v1  }
0x10c: {  	v1 =	vld [tilespmem:s0+$0x0];
	_ =	sdelay $0x5  }
0x10d: {  	v2 =	vld [tilespmem:s4+$0x0];
	_ =	sdelay $0x1  }
0x10e: {  	v1 =	vld.idx.msk [tilespmem:v1+s2+$0x0], $0xffff  }
0x10f: {  	s31 =	sadd.s32 $0x2, s31  }
0x110: {  	p1 =	slt.u32 s31, $0x26E  }
.Ltmp2:
0x111: {  	v2 =	vmul.f32 v2, v0;
	(pc) =	sbr.rel @p1 .LBB2_2-.Ltmp2, $3  }
0x112: {  	_ = 	snop  }
0x113: {  	v1 =	vmul.f32 v1, v2;
	_ =	sdelay $0x1  }
0x114: {  	s0 =	sadd.s32 $0x20, s0;
	[tilespmem:s4+$0x0] =	vst v1;
	s4 =	sadd.s32 $0x20, s4  }
.Ltmp3:
0x115: {  	(pc) =	sbr.rel @p0 .LBB2_7-.Ltmp3, $1  }
0x116: {  	_ =	sdelay $0x3  }
0x117: {  	s31 =	simm.s32 $0x0  }
0x118: {  	v1 =	vld [tilespmem:s31+$0x7780];
	_ =	sdelay $0x5  }
0x119: {  	v2 =	vld [tilespmem:s31+$0x4E80];
	_ =	sdelay $0x1  }
0x11a: {  	s0 =	simm.s32 $0x10;
	s4 =	simm.s32 $0x80;
	v1 =	vld.idx.msk [tilespmem:v1+s2+$0x0], $0xffff  }
.LBB2_5:
0x11b: {  	p1 =	sne.s32 s4, $0x7C0;
	v3 =	vld [tilespmem:s0+$0x7780];
	_ =	sdelay $0x1  }
0x11c: {  	v2 =	vmul.f32 v2, v0;
	_ =	sdelay $0x1  }
0x11d: {  	v1 =	vmul.f32 v1, v2  }
.Ltmp4:
0x11e: {  	(pc) =	sbr.rel @p1 .LBB2_5-.Ltmp4, $4  }
0x11f: {  	[tilespmem:s31+$0x4E80] =	vst v1;
	s31 =	smov.u32 s0  }
0x120: {  	v2 =	vld [tilespmem:s31+$0x4E80]  }
0x121: {  	v1 =	vld.idx.msk [tilespmem:v3+s2+$0x0], $0xffff  }
0x122: {  	s0 =	sshra.s32 s4, $0x2;
	s4 =	sadd.s32 $0x40, s4  }
0x123: {  	_ = 	snop  }
0x124: {  	v3 =	vld [tilespmem:s0+$0x7780]  }
0x125: {  	v2 =	vmul.f32 v2, v0;
	_ =	sdelay $0x1  }
0x126: {  	v1 =	vmul.f32 v1, v2;
	_ =	sdelay $0x1  }
0x127: {  	[tilespmem:s31+$0x4E80] =	vst v1  }
0x128: {  	v1 =	vld [tilespmem:s0+$0x4E80];
	_ =	sdelay $0x1  }
0x129: {  	v62 =	vld.idx.msk [tilespmem:v3+s2+$0x0], $0xffff;
	_ =	sdelay $0x2  }
0x12a: {  	v63 =	vmul.f32 v1, v0;
	_ =	sdelay $0x1  }
0x12b: {  	v0 =	vmul.f32 v62, v63;
	_ =	sdelay $0x1  }
0x12c: {  	s4 =	rddreg [dreg:$0x1];
	[tilespmem:s0+$0x4E80] =	vst v0  }
0x12d: {  	[hbm4b:s4+s2] =	stream.linear.scatter [tilespmem:s26], [sflag:$0x2], $0x2700, $0x38;
	[tilespmem:$0x7A00] =	vst v63  }
0x12e: {  	_ =	swait.ge [sflag:s1], $0x2700  }
0x12f: {  	s31 =	sld [smem:$0x7FD]  }
0x130: {  	[sflag:s1] =	ssyncset.done $0x0  }
.Ltmp5:
0x131: {  	s4 =	simm.s32 $0x4E80;
	[sflag:s1] =	ssyncadd.s32 $0xFFFFD900;
	(pc) =	sbr.rel .LBB2_8-.Ltmp5, $4  }
0x132: {  	[hbm4b:s31+s2] =	stream.linear.scatter [tilespmem:s4], [sflag:$0x2], $0x200, $0x38;
	[tilespmem:$0x7A00] =	vst v63  }
0x133: {  	_ =	swait.ge [sflag:s1], $0x200  }
0x134: {  	[sflag:s1] =	ssyncset.done $0x0  }
0x135: {  	[sflag:s1] =	ssyncadd.s32 $0xFFFFFE00  }
.LBB2_9:
0x136: {  	_ =	sfence.sel $0x180000  }
0x137: {  	[bflag:$0x0] =	sbarrier.arrive $0xFFFF  }
0x138: {  	_ =	strace $0x9000004A  }
0x139: {  	s0 =	stileid.u32;
	[bflag:$0x2] =	sbarrier.arrive $0xFFFF  }
0x13a: {  	p0 =	sne.s32 s0, $0x0;
	s0 =	rddreg [dreg:$0x2]  }
0x13b: {  	s0 =	sadd.s32 @!p0 $0x100000, s0  }
0x13c: {  	[sflag:s0] =	ssyncadd.tile.s32 @!p0 $0x1;
	_ =	shalt  }
.Lfunc_end2:
_tile_overlayer_lowered:
.L_overlay_start_2:
0x13d: {  	(tag) =	ssettag $0x2  }
0x13e: {  	s0 =	rddreg [dreg:$0x0];
	s2 =	stileid.u32  }
0x13f: {  	s1 =	rddreg [dreg:$0x1];
	p0 =	sne.s32 s2, $0x0  }
0x140: {  	s3 =	rddreg [dreg:$0x2];
	[bflag:$0x3] =	sbarrier.arrive $0xFFFF;
	s2 =	simm.s32 @!p0 $0x1C02  }
0x141: {  	[timem:s3], [sflag:s2] =	dma.local @!p0 [hbm:s0], s1  }
0x142: {  	s0 =	simm.s32 @!p0 $0x2  }
0x143: {  	_ =	swait.ge @!p0 [sflag:s0], s1  }
0x144: {  	s1 =	ssub.s32 @!p0 $0x0, s1;
	[sflag:s0] =	ssyncset.done @!p0 $0x0  }
0x145: {  	[sflag:s0] =	ssyncadd.s32 @!p0 s1  }
0x146: {  	[bflag:$0x3] =	sbarrier.arrive $0xFFFF  }
0x147: {  	_ =	shalt  }

</sc_bundles>
